<compile_context>
chip_gen: v7x
topology: tpu7x:2x2x1
jax: 0.10.2.dev20260603
libtpu: 0.0.44.dev20260713+nightly
codegen_flags: <defaults>
</compile_context>

<pallas_src>
import functools

import jax
import jax.numpy as jnp
from jax import lax
from jax.experimental import pallas as pl
from jax.experimental.pallas import tpu as pltpu
from jax.experimental.pallas import tpu_sc as plsc

N = 100000
E = 3200000
IN_F = 3
H = 16

NC = 2
NS = 16
NW = NC * NS

N_ACC = 100352
R_T = N_ACC // NS
ZR = 392

CH = 128
SUP = 40
NSUP = 20
CH_PER_TILE = SUP * NSUP
NCHUNK = NW * CH_PER_TILE
E_PAD = NCHUNK * CH

NP8 = N_ACC // 8
GQ = N_ACC // 128
NB = 16
BP = NP8 // NB
BG = GQ // NB

_mesh = plsc.VectorSubcoreMesh(core_axis_name="c", subcore_axis_name="s",
                               num_cores=NC, num_subcores=NS)
_sc_params = pltpu.CompilerParams(use_tc_tiling_on_sc=False)


@functools.partial(
    pl.kernel,
    out_type=[jax.ShapeDtypeStruct((NC, N_ACC), jnp.float32),
              jax.ShapeDtypeStruct((NC, N_ACC), jnp.float32)],
    mesh=_mesh,
    compiler_params=_sc_params,
    scratch_types=[
        pltpu.VMEM((SUP, CH), jnp.int32),
        pltpu.VMEM((SUP, CH), jnp.int32),
        pltpu.VMEM((CH,), jnp.float32),
        pltpu.VMEM((R_T,), jnp.float32),
        pltpu.VMEM_SHARED((N_ACC,), jnp.float32),
        pltpu.VMEM_SHARED((N_ACC,), jnp.float32),
        pltpu.SemaphoreType.DMA,
    ],
)
def _deg_call(src_m, dst_m, src_pd, dst_pd, out_o, out_i, sbuf, dbuf,
              ones_v, zb, acc_o, acc_i, dsem):
    cid = lax.axis_index("c")
    sid = lax.axis_index("s")

    def init_ones(i, _):
        ones_v[pl.ds(i * 16, 16)] = jnp.ones((16,), jnp.float32)
        return 0
    lax.fori_loop(0, CH // 16, init_ones, 0)

    def init_z(i, _):
        zb[pl.ds(i * 16, 16)] = jnp.zeros((16,), jnp.float32)
        return 0
    lax.fori_loop(0, R_T // 16, init_z, 0)

    pltpu.sync_copy(zb, acc_o.at[pl.ds(sid * R_T, R_T)])
    pltpu.sync_copy(zb, acc_i.at[pl.ds(sid * R_T, R_T)])
    plsc.subcore_barrier()

    base_sup = (cid * NS + sid) * NSUP
    SUPM = E // (SUP * CH)

    def super_body(s, _):
        g = base_sup + s

        @pl.when(g < SUPM)
        def _():
            pltpu.sync_copy(src_m.at[pl.ds(g * SUP, SUP)], sbuf)
            pltpu.sync_copy(dst_m.at[pl.ds(g * SUP, SUP)], dbuf)

        @pl.when(g >= SUPM)
        def _():
            pltpu.sync_copy(src_pd.at[pl.ds((g - SUPM) * SUP, SUP)], sbuf)
            pltpu.sync_copy(dst_pd.at[pl.ds((g - SUPM) * SUP, SUP)], dbuf)

        def grp_body(t, _):
            descs = []
            for u in range(8):
                descs.append(pltpu.async_copy(
                    ones_v, acc_o.at[sbuf.at[8 * t + u]], dsem, add=True))
                descs.append(pltpu.async_copy(
                    ones_v, acc_i.at[dbuf.at[8 * t + u]], dsem, add=True))
            for d in descs:
                d.wait()
            return 0
        lax.fori_loop(0, SUP // 8, grp_body, 0)
        return 0
    lax.fori_loop(0, NSUP, super_body, 0)

    plsc.subcore_barrier()
    pltpu.sync_copy(acc_o.at[pl.ds(sid * R_T, R_T)],
                    out_o.at[cid, pl.ds(sid * R_T, R_T)])
    pltpu.sync_copy(acc_i.at[pl.ds(sid * R_T, R_T)],
                    out_i.at[cid, pl.ds(sid * R_T, R_T)])


@functools.partial(
    pl.kernel,
    out_type=jax.ShapeDtypeStruct((NC, N_ACC, H), jnp.float32),
    mesh=_mesh,
    compiler_params=_sc_params,
    scratch_types=[
        pltpu.VMEM((SUP, CH), jnp.int32),
        pltpu.VMEM((SUP, CH), jnp.int32),
        pltpu.VMEM((5 * CH, H), jnp.float32),
        pltpu.VMEM((5 * CH, H), jnp.float32),
        pltpu.VMEM_SHARED((N_ACC, H), jnp.float32),
        pltpu.SemaphoreType.DMA,
        pltpu.SemaphoreType.DMA,
    ],
)
def _agg_call(src_hbm, dst_hbm, tab_hbm, out, sbuf, dbuf, rows_a, rows_b,
              acc, gsa, gsb):
    cid = lax.axis_index("c")
    sid = lax.axis_index("s")

    def init_z(i, _):
        rows_a[i] = jnp.zeros((H,), jnp.float32)
        return 0
    lax.fori_loop(0, 5 * CH, init_z, 0)

    def zero_acc(k, _):
        pltpu.sync_copy(rows_a, acc.at[pl.ds(sid * R_T + k * 5 * CH, 5 * CH)])
        return 0
    lax.fori_loop(0, R_T // (5 * CH), zero_acc, 0)
    pltpu.sync_copy(rows_a.at[pl.ds(0, 4 * CH)],
                    acc.at[pl.ds(sid * R_T + (R_T // (5 * CH)) * 5 * CH,
                                 4 * CH)])
    plsc.subcore_barrier()

    base_chunk = (cid * NS + sid) * CH_PER_TILE

    def super_body(s, _):
        pltpu.sync_copy(src_hbm.at[pl.ds(base_chunk + s * SUP, SUP)], sbuf)
        pltpu.sync_copy(dst_hbm.at[pl.ds(base_chunk + s * SUP, SUP)], dbuf)

        G = 5
        for u in range(G):
            pltpu.async_copy(tab_hbm.at[sbuf.at[u]],
                             rows_a.at[pl.ds(CH * u, CH)], gsa)

        def grp_pair(t, _):
            b0 = 2 * G * t
            for u in range(G):
                pltpu.async_copy(tab_hbm.at[sbuf.at[b0 + G + u]],
                                 rows_b.at[pl.ds(CH * u, CH)], gsb)
            for u in range(G):
                pltpu.make_async_copy(tab_hbm.at[sbuf.at[b0 + u]],
                                      rows_a.at[pl.ds(CH * u, CH)],
                                      gsa).wait()
            for u in range(G):
                pltpu.sync_copy(rows_a.at[pl.ds(CH * u, CH)],
                                acc.at[dbuf.at[b0 + u]], add=True)

            @pl.when(t < SUP // (2 * G) - 1)
            def _():
                for u in range(G):
                    pltpu.async_copy(tab_hbm.at[sbuf.at[b0 + 2 * G + u]],
                                     rows_a.at[pl.ds(CH * u, CH)], gsa)
            for u in range(G):
                pltpu.make_async_copy(tab_hbm.at[sbuf.at[b0 + G + u]],
                                      rows_b.at[pl.ds(CH * u, CH)],
                                      gsb).wait()
            for u in range(G):
                pltpu.sync_copy(rows_b.at[pl.ds(CH * u, CH)],
                                acc.at[dbuf.at[b0 + G + u]], add=True)
            return 0
        lax.fori_loop(0, SUP // (2 * G), grp_pair, 0)
        return 0
    lax.fori_loop(0, NSUP, super_body, 0)

    plsc.subcore_barrier()
    pltpu.sync_copy(acc.at[pl.ds(sid * R_T, R_T)],
                    out.at[cid, pl.ds(sid * R_T, R_T)])


def _norm_body(dego, degi, e8, doutx, dinx):
    dn_o = lax.rsqrt(jnp.maximum(dego[0] + dego[1], 1.0))
    dn_i = lax.rsqrt(jnp.maximum(degi[0] + degi[1], 1.0))
    for s in range(16):
        doutx[:, s, :] = jnp.dot(dn_o[:, 8 * s:8 * s + 8], e8[...],
                                 preferred_element_type=jnp.float32,
                       precision=lax.Precision.HIGHEST)
        dinx[:, s, :] = jnp.dot(dn_i[:, 8 * s:8 * s + 8], e8[...],
                                preferred_element_type=jnp.float32,
                       precision=lax.Precision.HIGHEST)


def _norm_call(dego, degi, e8):
    return pl.pallas_call(
        _norm_body,
        grid=(1,),
        in_specs=[
            pl.BlockSpec((NC, GQ, 128), lambda i: (0, 0, 0)),
            pl.BlockSpec((NC, GQ, 128), lambda i: (0, 0, 0)),
            pl.BlockSpec((8, 128), lambda i: (0, 0)),
        ],
        out_specs=[
            pl.BlockSpec((GQ, 16, 128), lambda i: (0, 0, 0)),
            pl.BlockSpec((GQ, 16, 128), lambda i: (0, 0, 0)),
        ],
        out_shape=[
            jax.ShapeDtypeStruct((GQ, 16, 128), jnp.float32),
            jax.ShapeDtypeStruct((GQ, 16, 128), jnp.float32),
        ],
    )(dego, degi, e8)


def _prep_body(feat, doutx, tab):
    tab[...] = feat[...] * doutx[...]


def _prep_call(featp, doutx):
    return pl.pallas_call(
        _prep_body,
        grid=(NB,),
        in_specs=[
            pl.BlockSpec((BP, 128), lambda i: (i, 0)),
            pl.BlockSpec((BP, 128), lambda i: (i, 0)),
        ],
        out_specs=pl.BlockSpec((BP, 128), lambda i: (i, 0)),
        out_shape=jax.ShapeDtypeStruct((NP8, 128), jnp.float32),
    )(featp, doutx)


def _bdot(x, w_bf):
    return jnp.dot(x.astype(jnp.bfloat16), w_bf,
                   preferred_element_type=jnp.float32)


def _mid_body(agg, dinx, doutx, bdw1, b1t, tab2):
    t = (agg[0] + agg[1]) * dinx[...]
    h1 = jnp.maximum(_bdot(t, bdw1[...]) + b1t[...], 0.0)
    tab2[...] = h1 * doutx[...]


def _mid_call(agg1, dinx, doutx, bdw1, b1t):
    return pl.pallas_call(
        _mid_body,
        grid=(NB,),
        in_specs=[
            pl.BlockSpec((NC, BP, 128), lambda i: (0, i, 0)),
            pl.BlockSpec((BP, 128), lambda i: (i, 0)),
            pl.BlockSpec((BP, 128), lambda i: (i, 0)),
            pl.BlockSpec((128, 128), lambda i: (0, 0)),
            pl.BlockSpec((1, 128), lambda i: (0, 0)),
        ],
        out_specs=pl.BlockSpec((BP, 128), lambda i: (i, 0)),
        out_shape=jax.ShapeDtypeStruct((NP8, 128), jnp.float32),
    )(agg1, dinx, doutx, bdw1, b1t)


def _fin_body(agg, dinx, bdw2, b2t, bdwr, bdwz, bdwn, brt, bzt, bn1t, bhnt,
              bdwfc, bfct, out):
    t = (agg[0] + agg[1]) * dinx[...]
    h2 = jnp.maximum(_bdot(t, bdw2[...]) + b2t[...], 0.0)
    h2b = h2.astype(jnp.bfloat16)
    r = jax.nn.sigmoid(jnp.dot(h2b, bdwr[...],
                               preferred_element_type=jnp.float32) + brt[...])
    z = jax.nn.sigmoid(jnp.dot(h2b, bdwz[...],
                               preferred_element_type=jnp.float32) + bzt[...])
    n = jnp.tanh(jnp.dot(h2b, bdwn[...], preferred_element_type=jnp.float32)
                 + bn1t[...] + r * bhnt[...])
    hy = (1.0 - z) * n
    out[...] = _bdot(hy, bdwfc[...]) + bfct[...]


def _fin_call(agg2, dinx, bdw2, b2t, bdwr, bdwz, bdwn, brt, bzt, bn1t, bhnt,
              bdwfc, bfct):
    small = lambda r, c: pl.BlockSpec((r, c), lambda i: (0, 0))
    return pl.pallas_call(
        _fin_body,
        grid=(NB,),
        in_specs=[
            pl.BlockSpec((NC, BP, 128), lambda i: (0, i, 0)),
            pl.BlockSpec((BP, 128), lambda i: (i, 0)),
            small(128, 128), small(1, 128),
            small(128, 128), small(128, 128), small(128, 128),
            small(1, 128), small(1, 128), small(1, 128), small(1, 128),
            small(128, 128), small(1, 128),
        ],
        out_specs=pl.BlockSpec((BP, 128), lambda i: (i, 0)),
        out_shape=jax.ShapeDtypeStruct((NP8, 128), jnp.float32),
    )(agg2, dinx, bdw2, b2t, bdwr, bdwz, bdwn, brt, bzt, bn1t, bhnt,
      bdwfc, bfct)


def kernel(features, edge_index, W1, b1, W2, b2, W_ih, b_ih, W_hh, b_hh,
           W_fc, b_fc):
    src = edge_index[0]
    dst = edge_index[1]
    npad = E_PAD - E
    i = jnp.arange(npad, dtype=jnp.int32)
    pad_src = (N + (i % (N_ACC - N))).reshape(npad // CH, CH)
    pad_dst = (N + ((i * 7 + 3) % (N_ACC - N))).reshape(npad // CH, CH)
    src_p = jnp.concatenate([src.reshape(E // CH, CH), pad_src], axis=0)
    dst_p = jnp.concatenate([dst.reshape(E // CH, CH), pad_dst], axis=0)

    dego, degi = _deg_call(src.reshape(E // CH, CH), dst.reshape(E // CH, CH),
                           pad_src, pad_dst)

    eye8 = jnp.eye(8, dtype=jnp.float32)
    e8 = jnp.kron(eye8, jnp.ones((1, 16), jnp.float32))
    doutx3, dinx3 = _norm_call(dego.reshape(NC, GQ, 128),
                               degi.reshape(NC, GQ, 128), e8)
    doutx = doutx3.reshape(NP8, 128)
    dinx = dinx3.reshape(NP8, 128)

    featp = jnp.pad(features, ((0, N_ACC - N), (0, H - IN_F))) \
        .reshape(NP8, 128)
    tab1 = _prep_call(featp, doutx)

    agg1 = _agg_call(src_p, dst_p, tab1.reshape(N_ACC, H))

    bf = jnp.bfloat16
    w1p = jnp.zeros((H, H), jnp.float32).at[:IN_F].set(W1)
    tab2 = _mid_call(agg1.reshape(NC, NP8, 128), dinx, doutx,
                     jnp.kron(eye8, w1p).astype(bf),
                     jnp.tile(b1, 8).reshape(1, 128))

    agg2 = _agg_call(src_p, dst_p, tab2.reshape(N_ACC, H))

    wfcp = jnp.zeros((H, H), jnp.float32).at[:, :1].set(W_fc.T)
    outp = _fin_call(
        agg2.reshape(NC, NP8, 128), dinx,
        jnp.kron(eye8, W2).astype(bf),
        jnp.tile(b2, 8).reshape(1, 128),
        jnp.kron(eye8, W_ih[:H].T).astype(bf),
        jnp.kron(eye8, W_ih[H:2 * H].T).astype(bf),
        jnp.kron(eye8, W_ih[2 * H:].T).astype(bf),
        jnp.tile(b_ih[:H] + b_hh[:H], 8).reshape(1, 128),
        jnp.tile(b_ih[H:2 * H] + b_hh[H:2 * H], 8).reshape(1, 128),
        jnp.tile(b_ih[2 * H:], 8).reshape(1, 128),
        jnp.tile(b_hh[2 * H:], 8).reshape(1, 128),
        jnp.kron(eye8, wfcp).astype(bf),
        jnp.tile(jnp.concatenate([b_fc, jnp.zeros((15,), jnp.float32)]),
                 8).reshape(1, 128),
    )
    return outp.reshape(N_ACC, H)[:N, :1]

# --- scband reference (transcript-rebuilt; emitter-appended) ---
"""Pipeline reference for scband-temporal-gnn-52578989638197 (READ-ONLY COPY).

The authoritative reference and input builder live on the scoring server;
editing this copy changes nothing except your own understanding.
"""

import jax, jax.numpy as jnp
import numpy as np

N = 100000
E = 3200000
IN_F = 3
H = 16
OUT_F = 1


def setup_inputs(seed: int = 0) -> dict:
    key = jax.random.key(seed)
    ks = jax.random.split(key, 12)
    features = jax.random.normal(ks[0], (N, IN_F), dtype=jnp.float32)
    edge_index = jax.random.randint(ks[1], (2, E), 0, N, dtype=jnp.int32)
    # GraphConv layer 1 (in_feats -> hidden)
    W1 = jax.random.normal(ks[2], (IN_F, H), dtype=jnp.float32) * 0.1
    b1 = jnp.zeros((H,), dtype=jnp.float32)
    # GraphConv layer 2 (hidden -> hidden)
    W2 = jax.random.normal(ks[3], (H, H), dtype=jnp.float32) * 0.1
    b2 = jnp.zeros((H,), dtype=jnp.float32)
    # GRU (single layer, input=hidden, hidden=hidden)
    W_ih = jax.random.normal(ks[4], (3 * H, H), dtype=jnp.float32) * 0.1
    b_ih = jnp.zeros((3 * H,), dtype=jnp.float32)
    W_hh = jax.random.normal(ks[5], (3 * H, H), dtype=jnp.float32) * 0.1
    b_hh = jnp.zeros((3 * H,), dtype=jnp.float32)
    # Final linear
    W_fc = jax.random.normal(ks[6], (OUT_F, H), dtype=jnp.float32) * 0.1
    b_fc = jnp.zeros((OUT_F,), dtype=jnp.float32)
    return {"features": features, "edge_index": edge_index, "W1": W1, "b1": b1,
            "W2": W2, "b2": b2, "W_ih": W_ih, "b_ih": b_ih, "W_hh": W_hh,
            "b_hh": b_hh, "W_fc": W_fc, "b_fc": b_fc}


def _graph_conv(x, src, dst, W, b):
    # DGL GraphConv with norm='both': D_out^{-1/2} applied to src feats,
    # sum-aggregate over edges, D_in^{-1/2} on dst, then linear.
    ones = jnp.ones((src.shape[0],), dtype=x.dtype)
    deg_out = jnp.maximum(jax.ops.segment_sum(ones, src, num_segments=N), 1.0)
    deg_in = jnp.maximum(jax.ops.segment_sum(ones, dst, num_segments=N), 1.0)
    h = x * (deg_out ** -0.5)[:, None]
    msg = jnp.take(h, src, axis=0)
    agg = jax.ops.segment_sum(msg, dst, num_segments=N)
    agg = agg * (deg_in ** -0.5)[:, None]
    return agg @ W + b


def reference(features, edge_index, W1, b1, W2, b2, W_ih, b_ih, W_hh, b_hh, W_fc, b_fc):
    src = edge_index[0]
    dst = edge_index[1]
    h = jax.nn.relu(_graph_conv(features, src, dst, W1, b1))
    h = jax.nn.relu(_graph_conv(h, src, dst, W2, b2))
    # GRU over a length-1 sequence (h.unsqueeze(1)), initial hidden state = 0.
    gi = h @ W_ih.T + b_ih
    r = jax.nn.sigmoid(gi[:, :H] + b_hh[:H])
    z = jax.nn.sigmoid(gi[:, H:2 * H] + b_hh[H:2 * H])
    n = jnp.tanh(gi[:, 2 * H:] + r * b_hh[2 * H:])
    hy = (1.0 - z) * n  # h_prev = 0, so z * h_prev term vanishes
    out = hy @ W_fc.T + b_fc
    return out

if __name__ == "__main__":
    import jax
    _d = setup_inputs()
    print(jax.jit(kernel)(*tuple(_d.values())))

</pallas_src>

<mosaic_0001>
#map = affine_map<(d0, d1) -> (0, 0)>
#map1 = affine_map<(d0, d1) -> (0, 0, 0)>
module attributes {stable_mosaic.version = 14 : i64} {
  func.func @_agg_call(%arg0: i32, %arg1: i32, %arg2: memref<25600x128xi32, #tpu.memory_space<hbm>>, %arg3: memref<25600x128xi32, #tpu.memory_space<hbm>>, %arg4: memref<100352x16xf32, #tpu.memory_space<hbm>>, %arg5: memref<2x100352x16xf32, #tpu.memory_space<hbm>>, %arg6: memref<40x128xi32, #tpu.memory_space<vmem>>, %arg7: memref<40x128xi32, #tpu.memory_space<vmem>>, %arg8: memref<640x16xf32, #tpu.memory_space<vmem>>, %arg9: memref<640x16xf32, #tpu.memory_space<vmem>>, %arg10: memref<100352x16xf32, #tpu.memory_space<vmem_shared>>, %arg11: memref<!tpu.dma_semaphore, #tpu.memory_space<semaphore_mem>>, %arg12: memref<!tpu.dma_semaphore, #tpu.memory_space<semaphore_mem>>) attributes {dimension_semantics = [#tpu.dimension_semantics<core_parallel>, #tpu.dimension_semantics<subcore_parallel>], iteration_bounds = array<i64: 2, 16>, scalar_prefetch = 0 : i64, scratch_operands = 7 : i64, tpu.core_type = #tpu.core_type<sc_vector_subcore>, window_params = [{transform_indices = #map}, {transform_indices = #map}, {transform_indices = #map}, {transform_indices = #map1}]} {
    %scan3A = arith.constant 0 : i32
    %scan3A_0 = arith.constant 0 : i32
    %scan3A_1 = arith.constant 640 : i32
    %scan3A_2 = arith.addi %scan3A_0, %scan3A_1 : i32
    %scan3A_3 = arith.constant 1 : i32
    %scan3A_4 = scf.for %scan3A_32 = %scan3A_0 to %scan3A_2 step %scan3A_3 iter_args(%scan3A_33 = %scan3A) -> (i32)  : i32 {
      %broadcast_in_dim3A = arith.constant 0.000000e+00 : f32
      %broadcast_in_dim3A_34 = vector.broadcast %broadcast_in_dim3A : f32 to vector<16xf32>
      %swap3A = arith.index_cast %scan3A_32 : i32 to index
      %swap3A_35 = arith.constant 0 : index
      %swap3A_36 = tpu.vector_load %arg8[%swap3A, %swap3A_35] {strides = array<i32>} : memref<640x16xf32, #tpu.memory_space<vmem>>, vector<1x16xf32>,
      %swap3A_37 = vector.shape_cast %swap3A_36 : vector<1x16xf32> to vector<16xf32>
      %swap3A_38 = vector.shape_cast %broadcast_in_dim3A_34 : vector<16xf32> to vector<1x16xf32>
      tpu.vector_store %arg8[%swap3A, %swap3A_35], %swap3A_38 {strides = array<i32>} : memref<640x16xf32, #tpu.memory_space<vmem>>, vector<1x16xf32>,
      %scan3A_39 = arith.constant 0 : i32
      scf.yield %scan3A_39 : i32
    }
    %scan3A_5 = arith.constant 640 : i32
    %scan3A_6 = arith.constant 0 : i32
    %scan3A_7 = arith.constant 0 : i32
    %scan3A_8 = arith.constant 9 : i32
    %scan3A_9 = arith.addi %scan3A_7, %scan3A_8 : i32
    %scan3A_10 = arith.constant 1 : i32
    %scan3A_11 = scf.for %scan3A_32 = %scan3A_7 to %scan3A_9 step %scan3A_10 iter_args(%scan3A_33 = %scan3A_6) -> (i32)  : i32 {
      %mul3A_34 = arith.constant 6272 : i32
      %mul3A_35 = arith.muli %arg1, %mul3A_34 : i32
      %mul3A_36 = arith.constant 5 : i32
      %mul3A_37 = arith.muli %scan3A_32, %mul3A_36 : i32
      %mul3A_38 = arith.constant 128 : i32
      %mul3A_39 = arith.muli %mul3A_37, %mul3A_38 : i32
      %add3A_40 = arith.addi %mul3A_35, %mul3A_39 : i32
      "tpu.region"() ({
        %run_scoped3A = tpu.sem_alloc : memref<!tpu.dma_semaphore, #tpu.memory_space<semaphore_mem>>
        %dma_start3A = arith.constant 0 : i32
        %dma_start3A_42 = tpu.memref_slice %arg10[%add3A_40, %dma_start3A] : memref<100352x16xf32, #tpu.memory_space<vmem_shared>> -> memref<640x16xf32, #tpu.memory_space<vmem_shared>>
        %dma_start3A_43 = arith.constant 0 : i32
        %dma_start3A_44 = tpu.memref_slice %arg10[%add3A_40, %dma_start3A_43] : memref<100352x16xf32, #tpu.memory_space<vmem_shared>> -> memref<640x16xf32, #tpu.memory_space<vmem_shared>>
        tpu.enqueue_dma source(%arg8 : memref<640x16xf32, #tpu.memory_space<vmem>>) target(%dma_start3A_44 : memref<640x16xf32, #tpu.memory_space<vmem_shared>>) target_semaphore(%run_scoped3A : memref<!tpu.dma_semaphore, #tpu.memory_space<semaphore_mem>>)
        %dma_wait3A = arith.constant 0 : i32
        %dma_wait3A_45 = tpu.memref_slice %arg10[%add3A_40, %dma_wait3A] : memref<100352x16xf32, #tpu.memory_space<vmem_shared>> -> memref<640x16xf32, #tpu.memory_space<vmem_shared>>
        %dma_wait3A_46 = arith.constant 0 : i32
        %dma_wait3A_47 = tpu.memref_slice %arg10[%add3A_40, %dma_wait3A_46] : memref<100352x16xf32, #tpu.memory_space<vmem_shared>> -> memref<640x16xf32, #tpu.memory_space<vmem_shared>>
        tpu.wait_dma2 semaphore(%run_scoped3A : memref<!tpu.dma_semaphore, #tpu.memory_space<semaphore_mem>>) src(%arg8 : memref<640x16xf32, #tpu.memory_space<vmem>>) dst(%dma_wait3A_47 : memref<640x16xf32, #tpu.memory_space<vmem_shared>>)
        tpu.yield
      }) : () -> ()
      %scan3A_41 = arith.constant 0 : i32
      scf.yield %scan3A_41 : i32
    }
    %scan3A_12 = arith.constant 9 : i32
    %mul3A = arith.constant 6272 : i32
    %mul3A_13 = arith.muli %arg1, %mul3A : i32
    %add3A = arith.constant 5760 : i32
    %add3A_14 = arith.addi %mul3A_13, %add3A : i32
    "tpu.region"() ({
      %run_scoped3A = tpu.sem_alloc : memref<!tpu.dma_semaphore, #tpu.memory_space<semaphore_mem>>
      %dma_start3A = arith.constant 0 : i32
      %dma_start3A_32 = arith.constant 0 : i32
      %dma_start3A_33 = tpu.memref_slice %arg8[%dma_start3A, %dma_start3A_32] : memref<640x16xf32, #tpu.memory_space<vmem>> -> memref<512x16xf32, #tpu.memory_space<vmem>>
      %dma_start3A_34 = arith.constant 0 : i32
      %dma_start3A_35 = tpu.memref_slice %arg10[%add3A_14, %dma_start3A_34] : memref<100352x16xf32, #tpu.memory_space<vmem_shared>> -> memref<512x16xf32, #tpu.memory_space<vmem_shared>>
      %dma_start3A_36 = arith.constant 0 : i32
      %dma_start3A_37 = tpu.memref_slice %arg10[%add3A_14, %dma_start3A_36] : memref<100352x16xf32, #tpu.memory_space<vmem_shared>> -> memref<512x16xf32, #tpu.memory_space<vmem_shared>>
      %dma_start3A_38 = arith.constant 0 : i32
      %dma_start3A_39 = arith.constant 0 : i32
      %dma_start3A_40 = tpu.memref_slice %arg8[%dma_start3A_38, %dma_start3A_39] : memref<640x16xf32, #tpu.memory_space<vmem>> -> memref<512x16xf32, #tpu.memory_space<vmem>>
      tpu.enqueue_dma source(%dma_start3A_40 : memref<512x16xf32, #tpu.memory_space<vmem>>) target(%dma_start3A_37 : memref<512x16xf32, #tpu.memory_space<vmem_shared>>) target_semaphore(%run_scoped3A : memref<!tpu.dma_semaphore, #tpu.memory_space<semaphore_mem>>)
      %dma_wait3A = arith.constant 0 : i32
      %dma_wait3A_41 = arith.constant 0 : i32
      %dma_wait3A_42 = tpu.memref_slice %arg8[%dma_wait3A, %dma_wait3A_41] : memref<640x16xf32, #tpu.memory_space<vmem>> -> memref<512x16xf32, #tpu.memory_space<vmem>>
      %dma_wait3A_43 = arith.constant 0 : i32
      %dma_wait3A_44 = tpu.memref_slice %arg10[%add3A_14, %dma_wait3A_43] : memref<100352x16xf32, #tpu.memory_space<vmem_shared>> -> memref<512x16xf32, #tpu.memory_space<vmem_shared>>
      %dma_wait3A_45 = arith.constant 0 : i32
      %dma_wait3A_46 = tpu.memref_slice %arg10[%add3A_14, %dma_wait3A_45] : memref<100352x16xf32, #tpu.memory_space<vmem_shared>> -> memref<512x16xf32, #tpu.memory_space<vmem_shared>>
      %dma_wait3A_47 = arith.constant 0 : i32
      %dma_wait3A_48 = arith.constant 0 : i32
      %dma_wait3A_49 = tpu.memref_slice %arg8[%dma_wait3A_47, %dma_wait3A_48] : memref<640x16xf32, #tpu.memory_space<vmem>> -> memref<512x16xf32, #tpu.memory_space<vmem>>
      tpu.wait_dma2 semaphore(%run_scoped3A : memref<!tpu.dma_semaphore, #tpu.memory_space<semaphore_mem>>) src(%dma_wait3A_49 : memref<512x16xf32, #tpu.memory_space<vmem>>) dst(%dma_wait3A_46 : memref<512x16xf32, #tpu.memory_space<vmem_shared>>)
      tpu.yield
    }) : () -> ()
    %barrier3A = arith.constant 0 : index
    tpu.barrier barrier_id(%barrier3A)
    %mul3A_15 = arith.constant 16 : i32
    %mul3A_16 = arith.muli %arg0, %mul3A_15 : i32
    %add3A_17 = arith.addi %mul3A_16, %arg1 : i32
    %mul3A_18 = arith.constant 800 : i32
    %mul3A_19 = arith.muli %add3A_17, %mul3A_18 : i32
    %scan3A_20 = arith.constant 0 : i32
    %scan3A_21 = arith.constant 0 : i32
    %scan3A_22 = arith.constant 20 : i32
    %scan3A_23 = arith.addi %scan3A_21, %scan3A_22 : i32
    %scan3A_24 = arith.constant 1 : i32
    %scan3A_25 = scf.for %scan3A_32 = %scan3A_21 to %scan3A_23 step %scan3A_24 iter_args(%scan3A_33 = %scan3A_20) -> (i32)  : i32 {
      %mul3A_34 = arith.constant 40 : i32
      %mul3A_35 = arith.muli %scan3A_32, %mul3A_34 : i32
      %add3A_36 = arith.addi %mul3A_19, %mul3A_35 : i32
      "tpu.region"() ({
        %run_scoped3A = tpu.sem_alloc : memref<!tpu.dma_semaphore, #tpu.memory_space<semaphore_mem>>
        %dma_start3A_97 = arith.constant 0 : i32
        %dma_start3A_98 = tpu.memref_slice %arg2[%add3A_36, %dma_start3A_97] : memref<25600x128xi32, #tpu.memory_space<hbm>> -> memref<40x128xi32, #tpu.memory_space<hbm>>
        %dma_start3A_99 = arith.constant 0 : i32
        %dma_start3A_100 = tpu.memref_slice %arg2[%add3A_36, %dma_start3A_99] : memref<25600x128xi32, #tpu.memory_space<hbm>> -> memref<40x128xi32, #tpu.memory_space<hbm>>
        tpu.enqueue_dma source(%dma_start3A_100 : memref<40x128xi32, #tpu.memory_space<hbm>>) target(%arg6 : memref<40x128xi32, #tpu.memory_space<vmem>>) target_semaphore(%run_scoped3A : memref<!tpu.dma_semaphore, #tpu.memory_space<semaphore_mem>>)
        %dma_wait3A = arith.constant 0 : i32
        %dma_wait3A_101 = tpu.memref_slice %arg2[%add3A_36, %dma_wait3A] : memref<25600x128xi32, #tpu.memory_space<hbm>> -> memref<40x128xi32, #tpu.memory_space<hbm>>
        %dma_wait3A_102 = arith.constant 0 : i32
        %dma_wait3A_103 = tpu.memref_slice %arg2[%add3A_36, %dma_wait3A_102] : memref<25600x128xi32, #tpu.memory_space<hbm>> -> memref<40x128xi32, #tpu.memory_space<hbm>>
        tpu.wait_dma2 semaphore(%run_scoped3A : memref<!tpu.dma_semaphore, #tpu.memory_space<semaphore_mem>>) src(%dma_wait3A_103 : memref<40x128xi32, #tpu.memory_space<hbm>>) dst(%arg6 : memref<40x128xi32, #tpu.memory_space<vmem>>)
        tpu.yield
      }) : () -> ()
      %mul3A_37 = arith.constant 40 : i32
      %mul3A_38 = arith.muli %scan3A_32, %mul3A_37 : i32
      %add3A_39 = arith.addi %mul3A_19, %mul3A_38 : i32
      "tpu.region"() ({
        %run_scoped3A = tpu.sem_alloc : memref<!tpu.dma_semaphore, #tpu.memory_space<semaphore_mem>>
        %dma_start3A_97 = arith.constant 0 : i32
        %dma_start3A_98 = tpu.memref_slice %arg3[%add3A_39, %dma_start3A_97] : memref<25600x128xi32, #tpu.memory_space<hbm>> -> memref<40x128xi32, #tpu.memory_space<hbm>>
        %dma_start3A_99 = arith.constant 0 : i32
        %dma_start3A_100 = tpu.memref_slice %arg3[%add3A_39, %dma_start3A_99] : memref<25600x128xi32, #tpu.memory_space<hbm>> -> memref<40x128xi32, #tpu.memory_space<hbm>>
        tpu.enqueue_dma source(%dma_start3A_100 : memref<40x128xi32, #tpu.memory_space<hbm>>) target(%arg7 : memref<40x128xi32, #tpu.memory_space<vmem>>) target_semaphore(%run_scoped3A : memref<!tpu.dma_semaphore, #tpu.memory_space<semaphore_mem>>)
        %dma_wait3A = arith.constant 0 : i32
        %dma_wait3A_101 = tpu.memref_slice %arg3[%add3A_39, %dma_wait3A] : memref<25600x128xi32, #tpu.memory_space<hbm>> -> memref<40x128xi32, #tpu.memory_space<hbm>>
        %dma_wait3A_102 = arith.constant 0 : i32
        %dma_wait3A_103 = tpu.memref_slice %arg3[%add3A_39, %dma_wait3A_102] : memref<25600x128xi32, #tpu.memory_space<hbm>> -> memref<40x128xi32, #tpu.memory_space<hbm>>
        tpu.wait_dma2 semaphore(%run_scoped3A : memref<!tpu.dma_semaphore, #tpu.memory_space<semaphore_mem>>) src(%dma_wait3A_103 : memref<40x128xi32, #tpu.memory_space<hbm>>) dst(%arg7 : memref<40x128xi32, #tpu.memory_space<vmem>>)
        tpu.yield
      }) : () -> ()
      %dma_start3A = arith.constant 0 : i32
      %dma_start3A_40 = arith.constant 0 : i32
      %dma_start3A_41 = arith.constant 0 : i32
      %dma_start3A_42 = tpu.memref_slice %arg8[%dma_start3A_40, %dma_start3A_41] : memref<640x16xf32, #tpu.memory_space<vmem>> -> memref<128x16xf32, #tpu.memory_space<vmem>>
      %dma_start3A_43 = arith.constant 0 : i32
      %dma_start3A_44 = tpu.memref_slice %arg6[%dma_start3A, %dma_start3A_43] : memref<40x128xi32, #tpu.memory_space<vmem>> -> memref<1x128xi32, #tpu.memory_space<vmem>>
      %dma_start3A_45 = tpu.memref_squeeze %dma_start3A_44 : memref<1x128xi32, #tpu.memory_space<vmem>> -> memref<128xi32, #tpu.memory_space<vmem>>
      %dma_start3A_46 = arith.constant 0 : i32
      %dma_start3A_47 = arith.constant 0 : i32
      %dma_start3A_48 = tpu.memref_slice %arg4[%dma_start3A_46, %dma_start3A_47] : memref<100352x16xf32, #tpu.memory_space<hbm>> -> memref<100352x16xf32, #tpu.memory_space<hbm>>
      tpu.enqueue_indirect_dma source(%dma_start3A_48 : memref<100352x16xf32, #tpu.memory_space<hbm>>) target(%dma_start3A_42 : memref<128x16xf32, #tpu.memory_space<vmem>>) offsets(%dma_start3A_45 : memref<128xi32, #tpu.memory_space<vmem>>) semaphore(%arg11 : memref<!tpu.dma_semaphore, #tpu.memory_space<semaphore_mem>>)
      %dma_start3A_49 = arith.constant 1 : i32
      %dma_start3A_50 = arith.constant 128 : i32
      %dma_start3A_51 = arith.constant 0 : i32
      %dma_start3A_52 = tpu.memref_slice %arg8[%dma_start3A_50, %dma_start3A_51] : memref<640x16xf32, #tpu.memory_space<vmem>> -> memref<128x16xf32, #tpu.memory_space<vmem>>
      %dma_start3A_53 = arith.constant 0 : i32
      %dma_start3A_54 = tpu.memref_slice %arg6[%dma_start3A_49, %dma_start3A_53] : memref<40x128xi32, #tpu.memory_space<vmem>> -> memref<1x128xi32, #tpu.memory_space<vmem>>
      %dma_start3A_55 = tpu.memref_squeeze %dma_start3A_54 : memref<1x128xi32, #tpu.memory_space<vmem>> -> memref<128xi32, #tpu.memory_space<vmem>>
      %dma_start3A_56 = arith.constant 0 : i32
      %dma_start3A_57 = arith.constant 0 : i32
      %dma_start3A_58 = tpu.memref_slice %arg4[%dma_start3A_56, %dma_start3A_57] : memref<100352x16xf32, #tpu.memory_space<hbm>> -> memref<100352x16xf32, #tpu.memory_space<hbm>>
      tpu.enqueue_indirect_dma source(%dma_start3A_58 : memref<100352x16xf32, #tpu.memory_space<hbm>>) target(%dma_start3A_52 : memref<128x16xf32, #tpu.memory_space<vmem>>) offsets(%dma_start3A_55 : memref<128xi32, #tpu.memory_space<vmem>>) semaphore(%arg11 : memref<!tpu.dma_semaphore, #tpu.memory_space<semaphore_mem>>)
      %dma_start3A_59 = arith.constant 2 : i32
      %dma_start3A_60 = arith.constant 256 : i32
      %dma_start3A_61 = arith.constant 0 : i32
      %dma_start3A_62 = tpu.memref_slice %arg8[%dma_start3A_60, %dma_start3A_61] : memref<640x16xf32, #tpu.memory_space<vmem>> -> memref<128x16xf32, #tpu.memory_space<vmem>>
      %dma_start3A_63 = arith.constant 0 : i32
      %dma_start3A_64 = tpu.memref_slice %arg6[%dma_start3A_59, %dma_start3A_63] : memref<40x128xi32, #tpu.memory_space<vmem>> -> memref<1x128xi32, #tpu.memory_space<vmem>>
      %dma_start3A_65 = tpu.memref_squeeze %dma_start3A_64 : memref<1x128xi32, #tpu.memory_space<vmem>> -> memref<128xi32, #tpu.memory_space<vmem>>
      %dma_start3A_66 = arith.constant 0 : i32
      %dma_start3A_67 = arith.constant 0 : i32
      %dma_start3A_68 = tpu.memref_slice %arg4[%dma_start3A_66, %dma_start3A_67] : memref<100352x16xf32, #tpu.memory_space<hbm>> -> memref<100352x16xf32, #tpu.memory_space<hbm>>
      tpu.enqueue_indirect_dma source(%dma_start3A_68 : memref<100352x16xf32, #tpu.memory_space<hbm>>) target(%dma_start3A_62 : memref<128x16xf32, #tpu.memory_space<vmem>>) offsets(%dma_start3A_65 : memref<128xi32, #tpu.memory_space<vmem>>) semaphore(%arg11 : memref<!tpu.dma_semaphore, #tpu.memory_space<semaphore_mem>>)
      %dma_start3A_69 = arith.constant 3 : i32
      %dma_start3A_70 = arith.constant 384 : i32
      %dma_start3A_71 = arith.constant 0 : i32
      %dma_start3A_72 = tpu.memref_slice %arg8[%dma_start3A_70, %dma_start3A_71] : memref<640x16xf32, #tpu.memory_space<vmem>> -> memref<128x16xf32, #tpu.memory_space<vmem>>
      %dma_start3A_73 = arith.constant 0 : i32
      %dma_start3A_74 = tpu.memref_slice %arg6[%dma_start3A_69, %dma_start3A_73] : memref<40x128xi32, #tpu.memory_space<vmem>> -> memref<1x128xi32, #tpu.memory_space<vmem>>
      %dma_start3A_75 = tpu.memref_squeeze %dma_start3A_74 : memref<1x128xi32, #tpu.memory_space<vmem>> -> memref<128xi32, #tpu.memory_space<vmem>>
      %dma_start3A_76 = arith.constant 0 : i32
      %dma_start3A_77 = arith.constant 0 : i32
      %dma_start3A_78 = tpu.memref_slice %arg4[%dma_start3A_76, %dma_start3A_77] : memref<100352x16xf32, #tpu.memory_space<hbm>> -> memref<100352x16xf32, #tpu.memory_space<hbm>>
      tpu.enqueue_indirect_dma source(%dma_start3A_78 : memref<100352x16xf32, #tpu.memory_space<hbm>>) target(%dma_start3A_72 : memref<128x16xf32, #tpu.memory_space<vmem>>) offsets(%dma_start3A_75 : memref<128xi32, #tpu.memory_space<vmem>>) semaphore(%arg11 : memref<!tpu.dma_semaphore, #tpu.memory_space<semaphore_mem>>)
      %dma_start3A_79 = arith.constant 4 : i32
      %dma_start3A_80 = arith.constant 512 : i32
      %dma_start3A_81 = arith.constant 0 : i32
      %dma_start3A_82 = tpu.memref_slice %arg8[%dma_start3A_80, %dma_start3A_81] : memref<640x16xf32, #tpu.memory_space<vmem>> -> memref<128x16xf32, #tpu.memory_space<vmem>>
      %dma_start3A_83 = arith.constant 0 : i32
      %dma_start3A_84 = tpu.memref_slice %arg6[%dma_start3A_79, %dma_start3A_83] : memref<40x128xi32, #tpu.memory_space<vmem>> -> memref<1x128xi32, #tpu.memory_space<vmem>>
      %dma_start3A_85 = tpu.memref_squeeze %dma_start3A_84 : memref<1x128xi32, #tpu.memory_space<vmem>> -> memref<128xi32, #tpu.memory_space<vmem>>
      %dma_start3A_86 = arith.constant 0 : i32
      %dma_start3A_87 = arith.constant 0 : i32
      %dma_start3A_88 = tpu.memref_slice %arg4[%dma_start3A_86, %dma_start3A_87] : memref<100352x16xf32, #tpu.memory_space<hbm>> -> memref<100352x16xf32, #tpu.memory_space<hbm>>
      tpu.enqueue_indirect_dma source(%dma_start3A_88 : memref<100352x16xf32, #tpu.memory_space<hbm>>) target(%dma_start3A_82 : memref<128x16xf32, #tpu.memory_space<vmem>>) offsets(%dma_start3A_85 : memref<128xi32, #tpu.memory_space<vmem>>) semaphore(%arg11 : memref<!tpu.dma_semaphore, #tpu.memory_space<semaphore_mem>>)
      %scan3A_89 = arith.constant 0 : i32
      %scan3A_90 = arith.constant 0 : i32
      %scan3A_91 = arith.constant 4 : i32
      %scan3A_92 = arith.addi %scan3A_90, %scan3A_91 : i32
      %scan3A_93 = arith.constant 1 : i32
      %scan3A_94 = scf.for %scan3A_97 = %scan3A_90 to %scan3A_92 step %scan3A_93 iter_args(%scan3A_98 = %scan3A_89) -> (i32)  : i32 {
        %mul3A_99 = arith.constant 10 : i32
        %mul3A_100 = arith.muli %mul3A_99, %scan3A_97 : i32
        %add3A_101 = arith.constant 5 : i32
        %add3A_102 = arith.addi %mul3A_100, %add3A_101 : i32
        %add3A_103 = arith.constant 0 : i32
        %add3A_104 = arith.addi %add3A_102, %add3A_103 : i32
        %dma_start3A_105 = arith.constant 0 : i32
        %dma_start3A_106 = arith.constant 0 : i32
        %dma_start3A_107 = tpu.memref_slice %arg9[%dma_start3A_105, %dma_start3A_106] : memref<640x16xf32, #tpu.memory_space<vmem>> -> memref<128x16xf32, #tpu.memory_space<vmem>>
        %dma_start3A_108 = arith.constant 0 : i32
        %dma_start3A_109 = tpu.memref_slice %arg6[%add3A_104, %dma_start3A_108] : memref<40x128xi32, #tpu.memory_space<vmem>> -> memref<1x128xi32, #tpu.memory_space<vmem>>
        %dma_start3A_110 = tpu.memref_squeeze %dma_start3A_109 : memref<1x128xi32, #tpu.memory_space<vmem>> -> memref<128xi32, #tpu.memory_space<vmem>>
        %dma_start3A_111 = arith.constant 0 : i32
        %dma_start3A_112 = arith.constant 0 : i32
        %dma_start3A_113 = tpu.memref_slice %arg4[%dma_start3A_111, %dma_start3A_112] : memref<100352x16xf32, #tpu.memory_space<hbm>> -> memref<100352x16xf32, #tpu.memory_space<hbm>>
        tpu.enqueue_indirect_dma source(%dma_start3A_113 : memref<100352x16xf32, #tpu.memory_space<hbm>>) target(%dma_start3A_107 : memref<128x16xf32, #tpu.memory_space<vmem>>) offsets(%dma_start3A_110 : memref<128xi32, #tpu.memory_space<vmem>>) semaphore(%arg12 : memref<!tpu.dma_semaphore, #tpu.memory_space<semaphore_mem>>)
        %add3A_114 = arith.constant 5 : i32
        %add3A_115 = arith.addi %mul3A_100, %add3A_114 : i32
        %add3A_116 = arith.constant 1 : i32
        %add3A_117 = arith.addi %add3A_115, %add3A_116 : i32
        %dma_start3A_118 = arith.constant 128 : i32
        %dma_start3A_119 = arith.constant 0 : i32
        %dma_start3A_120 = tpu.memref_slice %arg9[%dma_start3A_118, %dma_start3A_119] : memref<640x16xf32, #tpu.memory_space<vmem>> -> memref<128x16xf32, #tpu.memory_space<vmem>>
        %dma_start3A_121 = arith.constant 0 : i32
        %dma_start3A_122 = tpu.memref_slice %arg6[%add3A_117, %dma_start3A_121] : memref<40x128xi32, #tpu.memory_space<vmem>> -> memref<1x128xi32, #tpu.memory_space<vmem>>
        %dma_start3A_123 = tpu.memref_squeeze %dma_start3A_122 : memref<1x128xi32, #tpu.memory_space<vmem>> -> memref<128xi32, #tpu.memory_space<vmem>>
        %dma_start3A_124 = arith.constant 0 : i32
        %dma_start3A_125 = arith.constant 0 : i32
        %dma_start3A_126 = tpu.memref_slice %arg4[%dma_start3A_124, %dma_start3A_125] : memref<100352x16xf32, #tpu.memory_space<hbm>> -> memref<100352x16xf32, #tpu.memory_space<hbm>>
        tpu.enqueue_indirect_dma source(%dma_start3A_126 : memref<100352x16xf32, #tpu.memory_space<hbm>>) target(%dma_start3A_120 : memref<128x16xf32, #tpu.memory_space<vmem>>) offsets(%dma_start3A_123 : memref<128xi32, #tpu.memory_space<vmem>>) semaphore(%arg12 : memref<!tpu.dma_semaphore, #tpu.memory_space<semaphore_mem>>)
        %add3A_127 = arith.constant 5 : i32
        %add3A_128 = arith.addi %mul3A_100, %add3A_127 : i32
        %add3A_129 = arith.constant 2 : i32
        %add3A_130 = arith.addi %add3A_128, %add3A_129 : i32
        %dma_start3A_131 = arith.constant 256 : i32
        %dma_start3A_132 = arith.constant 0 : i32
        %dma_start3A_133 = tpu.memref_slice %arg9[%dma_start3A_131, %dma_start3A_132] : memref<640x16xf32, #tpu.memory_space<vmem>> -> memref<128x16xf32, #tpu.memory_space<vmem>>
        %dma_start3A_134 = arith.constant 0 : i32
        %dma_start3A_135 = tpu.memref_slice %arg6[%add3A_130, %dma_start3A_134] : memref<40x128xi32, #tpu.memory_space<vmem>> -> memref<1x128xi32, #tpu.memory_space<vmem>>
        %dma_start3A_136 = tpu.memref_squeeze %dma_start3A_135 : memref<1x128xi32, #tpu.memory_space<vmem>> -> memref<128xi32, #tpu.memory_space<vmem>>
        %dma_start3A_137 = arith.constant 0 : i32
        %dma_start3A_138 = arith.constant 0 : i32
        %dma_start3A_139 = tpu.memref_slice %arg4[%dma_start3A_137, %dma_start3A_138] : memref<100352x16xf32, #tpu.memory_space<hbm>> -> memref<100352x16xf32, #tpu.memory_space<hbm>>
        tpu.enqueue_indirect_dma source(%dma_start3A_139 : memref<100352x16xf32, #tpu.memory_space<hbm>>) target(%dma_start3A_133 : memref<128x16xf32, #tpu.memory_space<vmem>>) offsets(%dma_start3A_136 : memref<128xi32, #tpu.memory_space<vmem>>) semaphore(%arg12 : memref<!tpu.dma_semaphore, #tpu.memory_space<semaphore_mem>>)
        %add3A_140 = arith.constant 5 : i32
        %add3A_141 = arith.addi %mul3A_100, %add3A_140 : i32
        %add3A_142 = arith.constant 3 : i32
        %add3A_143 = arith.addi %add3A_141, %add3A_142 : i32
        %dma_start3A_144 = arith.constant 384 : i32
        %dma_start3A_145 = arith.constant 0 : i32
        %dma_start3A_146 = tpu.memref_slice %arg9[%dma_start3A_144, %dma_start3A_145] : memref<640x16xf32, #tpu.memory_space<vmem>> -> memref<128x16xf32, #tpu.memory_space<vmem>>
        %dma_start3A_147 = arith.constant 0 : i32
        %dma_start3A_148 = tpu.memref_slice %arg6[%add3A_143, %dma_start3A_147] : memref<40x128xi32, #tpu.memory_space<vmem>> -> memref<1x128xi32, #tpu.memory_space<vmem>>
        %dma_start3A_149 = tpu.memref_squeeze %dma_start3A_148 : memref<1x128xi32, #tpu.memory_space<vmem>> -> memref<128xi32, #tpu.memory_space<vmem>>
        %dma_start3A_150 = arith.constant 0 : i32
        %dma_start3A_151 = arith.constant 0 : i32
        %dma_start3A_152 = tpu.memref_slice %arg4[%dma_start3A_150, %dma_start3A_151] : memref<100352x16xf32, #tpu.memory_space<hbm>> -> memref<100352x16xf32, #tpu.memory_space<hbm>>
        tpu.enqueue_indirect_dma source(%dma_start3A_152 : memref<100352x16xf32, #tpu.memory_space<hbm>>) target(%dma_start3A_146 : memref<128x16xf32, #tpu.memory_space<vmem>>) offsets(%dma_start3A_149 : memref<128xi32, #tpu.memory_space<vmem>>) semaphore(%arg12 : memref<!tpu.dma_semaphore, #tpu.memory_space<semaphore_mem>>)
        %add3A_153 = arith.constant 5 : i32
        %add3A_154 = arith.addi %mul3A_100, %add3A_153 : i32
        %add3A_155 = arith.constant 4 : i32
        %add3A_156 = arith.addi %add3A_154, %add3A_155 : i32
        %dma_start3A_157 = arith.constant 512 : i32
        %dma_start3A_158 = arith.constant 0 : i32
        %dma_start3A_159 = tpu.memref_slice %arg9[%dma_start3A_157, %dma_start3A_158] : memref<640x16xf32, #tpu.memory_space<vmem>> -> memref<128x16xf32, #tpu.memory_space<vmem>>
        %dma_start3A_160 = arith.constant 0 : i32
        %dma_start3A_161 = tpu.memref_slice %arg6[%add3A_156, %dma_start3A_160] : memref<40x128xi32, #tpu.memory_space<vmem>> -> memref<1x128xi32, #tpu.memory_space<vmem>>
        %dma_start3A_162 = tpu.memref_squeeze %dma_start3A_161 : memref<1x128xi32, #tpu.memory_space<vmem>> -> memref<128xi32, #tpu.memory_space<vmem>>
        %dma_start3A_163 = arith.constant 0 : i32
        %dma_start3A_164 = arith.constant 0 : i32
        %dma_start3A_165 = tpu.memref_slice %arg4[%dma_start3A_163, %dma_start3A_164] : memref<100352x16xf32, #tpu.memory_space<hbm>> -> memref<100352x16xf32, #tpu.memory_space<hbm>>
        tpu.enqueue_indirect_dma source(%dma_start3A_165 : memref<100352x16xf32, #tpu.memory_space<hbm>>) target(%dma_start3A_159 : memref<128x16xf32, #tpu.memory_space<vmem>>) offsets(%dma_start3A_162 : memref<128xi32, #tpu.memory_space<vmem>>) semaphore(%arg12 : memref<!tpu.dma_semaphore, #tpu.memory_space<semaphore_mem>>)
        %add3A_166 = arith.constant 0 : i32
        %add3A_167 = arith.addi %mul3A_100, %add3A_166 : i32
        %dma_wait3A = arith.constant 0 : i32
        %dma_wait3A_168 = arith.constant 0 : i32
        %dma_wait3A_169 = tpu.memref_slice %arg8[%dma_wait3A, %dma_wait3A_168] : memref<640x16xf32, #tpu.memory_space<vmem>> -> memref<128x16xf32, #tpu.memory_space<vmem>>
        %dma_wait3A_170 = arith.constant 0 : i32
        %dma_wait3A_171 = tpu.memref_slice %arg6[%add3A_167, %dma_wait3A_170] : memref<40x128xi32, #tpu.memory_space<vmem>> -> memref<1x128xi32, #tpu.memory_space<vmem>>
        %dma_wait3A_172 = tpu.memref_squeeze %dma_wait3A_171 : memref<1x128xi32, #tpu.memory_space<vmem>> -> memref<128xi32, #tpu.memory_space<vmem>>
        %dma_wait3A_173 = arith.constant 0 : i32
        %dma_wait3A_174 = arith.constant 0 : i32
        %dma_wait3A_175 = tpu.memref_slice %arg4[%dma_wait3A_173, %dma_wait3A_174] : memref<100352x16xf32, #tpu.memory_space<hbm>> -> memref<100352x16xf32, #tpu.memory_space<hbm>>
        tpu.wait_indirect_dma semaphore(%arg11 : memref<!tpu.dma_semaphore, #tpu.memory_space<semaphore_mem>>) src(%dma_wait3A_175 : memref<100352x16xf32, #tpu.memory_space<hbm>>) dst(%dma_wait3A_169 : memref<128x16xf32, #tpu.memory_space<vmem>>)
        %add3A_176 = arith.constant 1 : i32
        %add3A_177 = arith.addi %mul3A_100, %add3A_176 : i32
        %dma_wait3A_178 = arith.constant 128 : i32
        %dma_wait3A_179 = arith.constant 0 : i32
        %dma_wait3A_180 = tpu.memref_slice %arg8[%dma_wait3A_178, %dma_wait3A_179] : memref<640x16xf32, #tpu.memory_space<vmem>> -> memref<128x16xf32, #tpu.memory_space<vmem>>
        %dma_wait3A_181 = arith.constant 0 : i32
        %dma_wait3A_182 = tpu.memref_slice %arg6[%add3A_177, %dma_wait3A_181] : memref<40x128xi32, #tpu.memory_space<vmem>> -> memref<1x128xi32, #tpu.memory_space<vmem>>
        %dma_wait3A_183 = tpu.memref_squeeze %dma_wait3A_182 : memref<1x128xi32, #tpu.memory_space<vmem>> -> memref<128xi32, #tpu.memory_space<vmem>>
        %dma_wait3A_184 = arith.constant 0 : i32
        %dma_wait3A_185 = arith.constant 0 : i32
        %dma_wait3A_186 = tpu.memref_slice %arg4[%dma_wait3A_184, %dma_wait3A_185] : memref<100352x16xf32, #tpu.memory_space<hbm>> -> memref<100352x16xf32, #tpu.memory_space<hbm>>
        tpu.wait_indirect_dma semaphore(%arg11 : memref<!tpu.dma_semaphore, #tpu.memory_space<semaphore_mem>>) src(%dma_wait3A_186 : memref<100352x16xf32, #tpu.memory_space<hbm>>) dst(%dma_wait3A_180 : memref<128x16xf32, #tpu.memory_space<vmem>>)
        %add3A_187 = arith.constant 2 : i32
        %add3A_188 = arith.addi %mul3A_100, %add3A_187 : i32
        %dma_wait3A_189 = arith.constant 256 : i32
        %dma_wait3A_190 = arith.constant 0 : i32
        %dma_wait3A_191 = tpu.memref_slice %arg8[%dma_wait3A_189, %dma_wait3A_190] : memref<640x16xf32, #tpu.memory_space<vmem>> -> memref<128x16xf32, #tpu.memory_space<vmem>>
        %dma_wait3A_192 = arith.constant 0 : i32
        %dma_wait3A_193 = tpu.memref_slice %arg6[%add3A_188, %dma_wait3A_192] : memref<40x128xi32, #tpu.memory_space<vmem>> -> memref<1x128xi32, #tpu.memory_space<vmem>>
        %dma_wait3A_194 = tpu.memref_squeeze %dma_wait3A_193 : memref<1x128xi32, #tpu.memory_space<vmem>> -> memref<128xi32, #tpu.memory_space<vmem>>
        %dma_wait3A_195 = arith.constant 0 : i32
        %dma_wait3A_196 = arith.constant 0 : i32
        %dma_wait3A_197 = tpu.memref_slice %arg4[%dma_wait3A_195, %dma_wait3A_196] : memref<100352x16xf32, #tpu.memory_space<hbm>> -> memref<100352x16xf32, #tpu.memory_space<hbm>>
        tpu.wait_indirect_dma semaphore(%arg11 : memref<!tpu.dma_semaphore, #tpu.memory_space<semaphore_mem>>) src(%dma_wait3A_197 : memref<100352x16xf32, #tpu.memory_space<hbm>>) dst(%dma_wait3A_191 : memref<128x16xf32, #tpu.memory_space<vmem>>)
        %add3A_198 = arith.constant 3 : i32
        %add3A_199 = arith.addi %mul3A_100, %add3A_198 : i32
        %dma_wait3A_200 = arith.constant 384 : i32
        %dma_wait3A_201 = arith.constant 0 : i32
        %dma_wait3A_202 = tpu.memref_slice %arg8[%dma_wait3A_200, %dma_wait3A_201] : memref<640x16xf32, #tpu.memory_space<vmem>> -> memref<128x16xf32, #tpu.memory_space<vmem>>
        %dma_wait3A_203 = arith.constant 0 : i32
        %dma_wait3A_204 = tpu.memref_slice %arg6[%add3A_199, %dma_wait3A_203] : memref<40x128xi32, #tpu.memory_space<vmem>> -> memref<1x128xi32, #tpu.memory_space<vmem>>
        %dma_wait3A_205 = tpu.memref_squeeze %dma_wait3A_204 : memref<1x128xi32, #tpu.memory_space<vmem>> -> memref<128xi32, #tpu.memory_space<vmem>>
        %dma_wait3A_206 = arith.constant 0 : i32
        %dma_wait3A_207 = arith.constant 0 : i32
        %dma_wait3A_208 = tpu.memref_slice %arg4[%dma_wait3A_206, %dma_wait3A_207] : memref<100352x16xf32, #tpu.memory_space<hbm>> -> memref<100352x16xf32, #tpu.memory_space<hbm>>
        tpu.wait_indirect_dma semaphore(%arg11 : memref<!tpu.dma_semaphore, #tpu.memory_space<semaphore_mem>>) src(%dma_wait3A_208 : memref<100352x16xf32, #tpu.memory_space<hbm>>) dst(%dma_wait3A_202 : memref<128x16xf32, #tpu.memory_space<vmem>>)
        %add3A_209 = arith.constant 4 : i32
        %add3A_210 = arith.addi %mul3A_100, %add3A_209 : i32
        %dma_wait3A_211 = arith.constant 512 : i32
        %dma_wait3A_212 = arith.constant 0 : i32
        %dma_wait3A_213 = tpu.memref_slice %arg8[%dma_wait3A_211, %dma_wait3A_212] : memref<640x16xf32, #tpu.memory_space<vmem>> -> memref<128x16xf32, #tpu.memory_space<vmem>>
        %dma_wait3A_214 = arith.constant 0 : i32
        %dma_wait3A_215 = tpu.memref_slice %arg6[%add3A_210, %dma_wait3A_214] : memref<40x128xi32, #tpu.memory_space<vmem>> -> memref<1x128xi32, #tpu.memory_space<vmem>>
        %dma_wait3A_216 = tpu.memref_squeeze %dma_wait3A_215 : memref<1x128xi32, #tpu.memory_space<vmem>> -> memref<128xi32, #tpu.memory_space<vmem>>
        %dma_wait3A_217 = arith.constant 0 : i32
        %dma_wait3A_218 = arith.constant 0 : i32
        %dma_wait3A_219 = tpu.memref_slice %arg4[%dma_wait3A_217, %dma_wait3A_218] : memref<100352x16xf32, #tpu.memory_space<hbm>> -> memref<100352x16xf32, #tpu.memory_space<hbm>>
        tpu.wait_indirect_dma semaphore(%arg11 : memref<!tpu.dma_semaphore, #tpu.memory_space<semaphore_mem>>) src(%dma_wait3A_219 : memref<100352x16xf32, #tpu.memory_space<hbm>>) dst(%dma_wait3A_213 : memref<128x16xf32, #tpu.memory_space<vmem>>)
        %add3A_220 = arith.constant 0 : i32
        %add3A_221 = arith.addi %mul3A_100, %add3A_220 : i32
        "tpu.region"() ({
          %run_scoped3A = tpu.sem_alloc : memref<!tpu.dma_semaphore, #tpu.memory_space<semaphore_mem>>
          %dma_start3A_318 = arith.constant 0 : i32
          %dma_start3A_319 = arith.constant 0 : i32
          %dma_start3A_320 = tpu.memref_slice %arg8[%dma_start3A_318, %dma_start3A_319] : memref<640x16xf32, #tpu.memory_space<vmem>> -> memref<128x16xf32, #tpu.memory_space<vmem>>
          %dma_start3A_321 = arith.constant 0 : i32
          %dma_start3A_322 = tpu.memref_slice %arg7[%add3A_221, %dma_start3A_321] : memref<40x128xi32, #tpu.memory_space<vmem>> -> memref<1x128xi32, #tpu.memory_space<vmem>>
          %dma_start3A_323 = tpu.memref_squeeze %dma_start3A_322 : memref<1x128xi32, #tpu.memory_space<vmem>> -> memref<128xi32, #tpu.memory_space<vmem>>
          %dma_start3A_324 = arith.constant 0 : i32
          %dma_start3A_325 = arith.constant 0 : i32
          %dma_start3A_326 = tpu.memref_slice %arg10[%dma_start3A_324, %dma_start3A_325] : memref<100352x16xf32, #tpu.memory_space<vmem_shared>> -> memref<100352x16xf32, #tpu.memory_space<vmem_shared>>
          tpu.enqueue_indirect_dma source(%dma_start3A_320 : memref<128x16xf32, #tpu.memory_space<vmem>>) target(%dma_start3A_326 : memref<100352x16xf32, #tpu.memory_space<vmem_shared>>) offsets(%dma_start3A_323 : memref<128xi32, #tpu.memory_space<vmem>>) semaphore(%run_scoped3A : memref<!tpu.dma_semaphore, #tpu.memory_space<semaphore_mem>>) {add = true}
          %dma_wait3A_327 = arith.constant 0 : i32
          %dma_wait3A_328 = arith.constant 0 : i32
          %dma_wait3A_329 = tpu.memref_slice %arg8[%dma_wait3A_327, %dma_wait3A_328] : memref<640x16xf32, #tpu.memory_space<vmem>> -> memref<128x16xf32, #tpu.memory_space<vmem>>
          %dma_wait3A_330 = arith.constant 0 : i32
          %dma_wait3A_331 = tpu.memref_slice %arg7[%add3A_221, %dma_wait3A_330] : memref<40x128xi32, #tpu.memory_space<vmem>> -> memref<1x128xi32, #tpu.memory_space<vmem>>
          %dma_wait3A_332 = tpu.memref_squeeze %dma_wait3A_331 : memref<1x128xi32, #tpu.memory_space<vmem>> -> memref<128xi32, #tpu.memory_space<vmem>>
          %dma_wait3A_333 = arith.constant 0 : i32
          %dma_wait3A_334 = arith.constant 0 : i32
          %dma_wait3A_335 = tpu.memref_slice %arg10[%dma_wait3A_333, %dma_wait3A_334] : memref<100352x16xf32, #tpu.memory_space<vmem_shared>> -> memref<100352x16xf32, #tpu.memory_space<vmem_shared>>
          tpu.wait_indirect_dma semaphore(%run_scoped3A : memref<!tpu.dma_semaphore, #tpu.memory_space<semaphore_mem>>) src(%dma_wait3A_329 : memref<128x16xf32, #tpu.memory_space<vmem>>) dst(%dma_wait3A_335 : memref<100352x16xf32, #tpu.memory_space<vmem_shared>>)
          tpu.yield
        }) : () -> ()
        %add3A_222 = arith.constant 1 : i32
        %add3A_223 = arith.addi %mul3A_100, %add3A_222 : i32
        "tpu.region"() ({
          %run_scoped3A = tpu.sem_alloc : memref<!tpu.dma_semaphore, #tpu.memory_space<semaphore_mem>>
          %dma_start3A_318 = arith.constant 128 : i32
          %dma_start3A_319 = arith.constant 0 : i32
          %dma_start3A_320 = tpu.memref_slice %arg8[%dma_start3A_318, %dma_start3A_319] : memref<640x16xf32, #tpu.memory_space<vmem>> -> memref<128x16xf32, #tpu.memory_space<vmem>>
          %dma_start3A_321 = arith.constant 0 : i32
          %dma_start3A_322 = tpu.memref_slice %arg7[%add3A_223, %dma_start3A_321] : memref<40x128xi32, #tpu.memory_space<vmem>> -> memref<1x128xi32, #tpu.memory_space<vmem>>
          %dma_start3A_323 = tpu.memref_squeeze %dma_start3A_322 : memref<1x128xi32, #tpu.memory_space<vmem>> -> memref<128xi32, #tpu.memory_space<vmem>>
          %dma_start3A_324 = arith.constant 0 : i32
          %dma_start3A_325 = arith.constant 0 : i32
          %dma_start3A_326 = tpu.memref_slice %arg10[%dma_start3A_324, %dma_start3A_325] : memref<100352x16xf32, #tpu.memory_space<vmem_shared>> -> memref<100352x16xf32, #tpu.memory_space<vmem_shared>>
          tpu.enqueue_indirect_dma source(%dma_start3A_320 : memref<128x16xf32, #tpu.memory_space<vmem>>) target(%dma_start3A_326 : memref<100352x16xf32, #tpu.memory_space<vmem_shared>>) offsets(%dma_start3A_323 : memref<128xi32, #tpu.memory_space<vmem>>) semaphore(%run_scoped3A : memref<!tpu.dma_semaphore, #tpu.memory_space<semaphore_mem>>) {add = true}
          %dma_wait3A_327 = arith.constant 128 : i32
          %dma_wait3A_328 = arith.constant 0 : i32
          %dma_wait3A_329 = tpu.memref_slice %arg8[%dma_wait3A_327, %dma_wait3A_328] : memref<640x16xf32, #tpu.memory_space<vmem>> -> memref<128x16xf32, #tpu.memory_space<vmem>>
          %dma_wait3A_330 = arith.constant 0 : i32
          %dma_wait3A_331 = tpu.memref_slice %arg7[%add3A_223, %dma_wait3A_330] : memref<40x128xi32, #tpu.memory_space<vmem>> -> memref<1x128xi32, #tpu.memory_space<vmem>>
          %dma_wait3A_332 = tpu.memref_squeeze %dma_wait3A_331 : memref<1x128xi32, #tpu.memory_space<vmem>> -> memref<128xi32, #tpu.memory_space<vmem>>
          %dma_wait3A_333 = arith.constant 0 : i32
          %dma_wait3A_334 = arith.constant 0 : i32
          %dma_wait3A_335 = tpu.memref_slice %arg10[%dma_wait3A_333, %dma_wait3A_334] : memref<100352x16xf32, #tpu.memory_space<vmem_shared>> -> memref<100352x16xf32, #tpu.memory_space<vmem_shared>>
          tpu.wait_indirect_dma semaphore(%run_scoped3A : memref<!tpu.dma_semaphore, #tpu.memory_space<semaphore_mem>>) src(%dma_wait3A_329 : memref<128x16xf32, #tpu.memory_space<vmem>>) dst(%dma_wait3A_335 : memref<100352x16xf32, #tpu.memory_space<vmem_shared>>)
          tpu.yield
        }) : () -> ()
        %add3A_224 = arith.constant 2 : i32
        %add3A_225 = arith.addi %mul3A_100, %add3A_224 : i32
        "tpu.region"() ({
          %run_scoped3A = tpu.sem_alloc : memref<!tpu.dma_semaphore, #tpu.memory_space<semaphore_mem>>
          %dma_start3A_318 = arith.constant 256 : i32
          %dma_start3A_319 = arith.constant 0 : i32
          %dma_start3A_320 = tpu.memref_slice %arg8[%dma_start3A_318, %dma_start3A_319] : memref<640x16xf32, #tpu.memory_space<vmem>> -> memref<128x16xf32, #tpu.memory_space<vmem>>
          %dma_start3A_321 = arith.constant 0 : i32
          %dma_start3A_322 = tpu.memref_slice %arg7[%add3A_225, %dma_start3A_321] : memref<40x128xi32, #tpu.memory_space<vmem>> -> memref<1x128xi32, #tpu.memory_space<vmem>>
          %dma_start3A_323 = tpu.memref_squeeze %dma_start3A_322 : memref<1x128xi32, #tpu.memory_space<vmem>> -> memref<128xi32, #tpu.memory_space<vmem>>
          %dma_start3A_324 = arith.constant 0 : i32
          %dma_start3A_325 = arith.constant 0 : i32
          %dma_start3A_326 = tpu.memref_slice %arg10[%dma_start3A_324, %dma_start3A_325] : memref<100352x16xf32, #tpu.memory_space<vmem_shared>> -> memref<100352x16xf32, #tpu.memory_space<vmem_shared>>
          tpu.enqueue_indirect_dma source(%dma_start3A_320 : memref<128x16xf32, #tpu.memory_space<vmem>>) target(%dma_start3A_326 : memref<100352x16xf32, #tpu.memory_space<vmem_shared>>) offsets(%dma_start3A_323 : memref<128xi32, #tpu.memory_space<vmem>>) semaphore(%run_scoped3A : memref<!tpu.dma_semaphore, #tpu.memory_space<semaphore_mem>>) {add = true}
          %dma_wait3A_327 = arith.constant 256 : i32
          %dma_wait3A_328 = arith.constant 0 : i32
          %dma_wait3A_329 = tpu.memref_slice %arg8[%dma_wait3A_327, %dma_wait3A_328] : memref<640x16xf32, #tpu.memory_space<vmem>> -> memref<128x16xf32, #tpu.memory_space<vmem>>
          %dma_wait3A_330 = arith.constant 0 : i32
          %dma_wait3A_331 = tpu.memref_slice %arg7[%add3A_225, %dma_wait3A_330] : memref<40x128xi32, #tpu.memory_space<vmem>> -> memref<1x128xi32, #tpu.memory_space<vmem>>
          %dma_wait3A_332 = tpu.memref_squeeze %dma_wait3A_331 : memref<1x128xi32, #tpu.memory_space<vmem>> -> memref<128xi32, #tpu.memory_space<vmem>>
          %dma_wait3A_333 = arith.constant 0 : i32
          %dma_wait3A_334 = arith.constant 0 : i32
          %dma_wait3A_335 = tpu.memref_slice %arg10[%dma_wait3A_333, %dma_wait3A_334] : memref<100352x16xf32, #tpu.memory_space<vmem_shared>> -> memref<100352x16xf32, #tpu.memory_space<vmem_shared>>
          tpu.wait_indirect_dma semaphore(%run_scoped3A : memref<!tpu.dma_semaphore, #tpu.memory_space<semaphore_mem>>) src(%dma_wait3A_329 : memref<128x16xf32, #tpu.memory_space<vmem>>) dst(%dma_wait3A_335 : memref<100352x16xf32, #tpu.memory_space<vmem_shared>>)
          tpu.yield
        }) : () -> ()
        %add3A_226 = arith.constant 3 : i32
        %add3A_227 = arith.addi %mul3A_100, %add3A_226 : i32
        "tpu.region"() ({
          %run_scoped3A = tpu.sem_alloc : memref<!tpu.dma_semaphore, #tpu.memory_space<semaphore_mem>>
          %dma_start3A_318 = arith.constant 384 : i32
          %dma_start3A_319 = arith.constant 0 : i32
          %dma_start3A_320 = tpu.memref_slice %arg8[%dma_start3A_318, %dma_start3A_319] : memref<640x16xf32, #tpu.memory_space<vmem>> -> memref<128x16xf32, #tpu.memory_space<vmem>>
          %dma_start3A_321 = arith.constant 0 : i32
          %dma_start3A_322 = tpu.memref_slice %arg7[%add3A_227, %dma_start3A_321] : memref<40x128xi32, #tpu.memory_space<vmem>> -> memref<1x128xi32, #tpu.memory_space<vmem>>
          %dma_start3A_323 = tpu.memref_squeeze %dma_start3A_322 : memref<1x128xi32, #tpu.memory_space<vmem>> -> memref<128xi32, #tpu.memory_space<vmem>>
          %dma_start3A_324 = arith.constant 0 : i32
          %dma_start3A_325 = arith.constant 0 : i32
          %dma_start3A_326 = tpu.memref_slice %arg10[%dma_start3A_324, %dma_start3A_325] : memref<100352x16xf32, #tpu.memory_space<vmem_shared>> -> memref<100352x16xf32, #tpu.memory_space<vmem_shared>>
          tpu.enqueue_indirect_dma source(%dma_start3A_320 : memref<128x16xf32, #tpu.memory_space<vmem>>) target(%dma_start3A_326 : memref<100352x16xf32, #tpu.memory_space<vmem_shared>>) offsets(%dma_start3A_323 : memref<128xi32, #tpu.memory_space<vmem>>) semaphore(%run_scoped3A : memref<!tpu.dma_semaphore, #tpu.memory_space<semaphore_mem>>) {add = true}
          %dma_wait3A_327 = arith.constant 384 : i32
          %dma_wait3A_328 = arith.constant 0 : i32
          %dma_wait3A_329 = tpu.memref_slice %arg8[%dma_wait3A_327, %dma_wait3A_328] : memref<640x16xf32, #tpu.memory_space<vmem>> -> memref<128x16xf32, #tpu.memory_space<vmem>>
          %dma_wait3A_330 = arith.constant 0 : i32
          %dma_wait3A_331 = tpu.memref_slice %arg7[%add3A_227, %dma_wait3A_330] : memref<40x128xi32, #tpu.memory_space<vmem>> -> memref<1x128xi32, #tpu.memory_space<vmem>>
          %dma_wait3A_332 = tpu.memref_squeeze %dma_wait3A_331 : memref<1x128xi32, #tpu.memory_space<vmem>> -> memref<128xi32, #tpu.memory_space<vmem>>
          %dma_wait3A_333 = arith.constant 0 : i32
          %dma_wait3A_334 = arith.constant 0 : i32
          %dma_wait3A_335 = tpu.memref_slice %arg10[%dma_wait3A_333, %dma_wait3A_334] : memref<100352x16xf32, #tpu.memory_space<vmem_shared>> -> memref<100352x16xf32, #tpu.memory_space<vmem_shared>>
          tpu.wait_indirect_dma semaphore(%run_scoped3A : memref<!tpu.dma_semaphore, #tpu.memory_space<semaphore_mem>>) src(%dma_wait3A_329 : memref<128x16xf32, #tpu.memory_space<vmem>>) dst(%dma_wait3A_335 : memref<100352x16xf32, #tpu.memory_space<vmem_shared>>)
          tpu.yield
        }) : () -> ()
        %add3A_228 = arith.constant 4 : i32
        %add3A_229 = arith.addi %mul3A_100, %add3A_228 : i32
        "tpu.region"() ({
          %run_scoped3A = tpu.sem_alloc : memref<!tpu.dma_semaphore, #tpu.memory_space<semaphore_mem>>
          %dma_start3A_318 = arith.constant 512 : i32
          %dma_start3A_319 = arith.constant 0 : i32
          %dma_start3A_320 = tpu.memref_slice %arg8[%dma_start3A_318, %dma_start3A_319] : memref<640x16xf32, #tpu.memory_space<vmem>> -> memref<128x16xf32, #tpu.memory_space<vmem>>
          %dma_start3A_321 = arith.constant 0 : i32
          %dma_start3A_322 = tpu.memref_slice %arg7[%add3A_229, %dma_start3A_321] : memref<40x128xi32, #tpu.memory_space<vmem>> -> memref<1x128xi32, #tpu.memory_space<vmem>>
          %dma_start3A_323 = tpu.memref_squeeze %dma_start3A_322 : memref<1x128xi32, #tpu.memory_space<vmem>> -> memref<128xi32, #tpu.memory_space<vmem>>
          %dma_start3A_324 = arith.constant 0 : i32
          %dma_start3A_325 = arith.constant 0 : i32
          %dma_start3A_326 = tpu.memref_slice %arg10[%dma_start3A_324, %dma_start3A_325] : memref<100352x16xf32, #tpu.memory_space<vmem_shared>> -> memref<100352x16xf32, #tpu.memory_space<vmem_shared>>
          tpu.enqueue_indirect_dma source(%dma_start3A_320 : memref<128x16xf32, #tpu.memory_space<vmem>>) target(%dma_start3A_326 : memref<100352x16xf32, #tpu.memory_space<vmem_shared>>) offsets(%dma_start3A_323 : memref<128xi32, #tpu.memory_space<vmem>>) semaphore(%run_scoped3A : memref<!tpu.dma_semaphore, #tpu.memory_space<semaphore_mem>>) {add = true}
          %dma_wait3A_327 = arith.constant 512 : i32
          %dma_wait3A_328 = arith.constant 0 : i32
          %dma_wait3A_329 = tpu.memref_slice %arg8[%dma_wait3A_327, %dma_wait3A_328] : memref<640x16xf32, #tpu.memory_space<vmem>> -> memref<128x16xf32, #tpu.memory_space<vmem>>
          %dma_wait3A_330 = arith.constant 0 : i32
          %dma_wait3A_331 = tpu.memref_slice %arg7[%add3A_229, %dma_wait3A_330] : memref<40x128xi32, #tpu.memory_space<vmem>> -> memref<1x128xi32, #tpu.memory_space<vmem>>
          %dma_wait3A_332 = tpu.memref_squeeze %dma_wait3A_331 : memref<1x128xi32, #tpu.memory_space<vmem>> -> memref<128xi32, #tpu.memory_space<vmem>>
          %dma_wait3A_333 = arith.constant 0 : i32
          %dma_wait3A_334 = arith.constant 0 : i32
          %dma_wait3A_335 = tpu.memref_slice %arg10[%dma_wait3A_333, %dma_wait3A_334] : memref<100352x16xf32, #tpu.memory_space<vmem_shared>> -> memref<100352x16xf32, #tpu.memory_space<vmem_shared>>
          tpu.wait_indirect_dma semaphore(%run_scoped3A : memref<!tpu.dma_semaphore, #tpu.memory_space<semaphore_mem>>) src(%dma_wait3A_329 : memref<128x16xf32, #tpu.memory_space<vmem>>) dst(%dma_wait3A_335 : memref<100352x16xf32, #tpu.memory_space<vmem_shared>>)
          tpu.yield
        }) : () -> ()
        %lt3A = arith.constant 3 : i32
        %lt3A_230 = arith.cmpi slt, %scan3A_97, %lt3A : i32
        %convert_element_type3A = arith.extui %lt3A_230 : i1 to i32
        %cond3A = arith.constant 0 : i32
        %cond3A_231 = arith.cmpi ne, %convert_element_type3A, %cond3A : i32
        scf.if %cond3A_231 {
          %add3A_318 = arith.constant 10 : i32
          %add3A_319 = arith.addi %mul3A_100, %add3A_318 : i32
          %add3A_320 = arith.constant 0 : i32
          %add3A_321 = arith.addi %add3A_319, %add3A_320 : i32
          %dma_start3A_322 = arith.constant 0 : i32
          %dma_start3A_323 = arith.constant 0 : i32
          %dma_start3A_324 = tpu.memref_slice %arg8[%dma_start3A_322, %dma_start3A_323] : memref<640x16xf32, #tpu.memory_space<vmem>> -> memref<128x16xf32, #tpu.memory_space<vmem>>
          %dma_start3A_325 = arith.constant 0 : i32
          %dma_start3A_326 = tpu.memref_slice %arg6[%add3A_321, %dma_start3A_325] : memref<40x128xi32, #tpu.memory_space<vmem>> -> memref<1x128xi32, #tpu.memory_space<vmem>>
          %dma_start3A_327 = tpu.memref_squeeze %dma_start3A_326 : memref<1x128xi32, #tpu.memory_space<vmem>> -> memref<128xi32, #tpu.memory_space<vmem>>
          %dma_start3A_328 = arith.constant 0 : i32
          %dma_start3A_329 = arith.constant 0 : i32
          %dma_start3A_330 = tpu.memref_slice %arg4[%dma_start3A_328, %dma_start3A_329] : memref<100352x16xf32, #tpu.memory_space<hbm>> -> memref<100352x16xf32, #tpu.memory_space<hbm>>
          tpu.enqueue_indirect_dma source(%dma_start3A_330 : memref<100352x16xf32, #tpu.memory_space<hbm>>) target(%dma_start3A_324 : memref<128x16xf32, #tpu.memory_space<vmem>>) offsets(%dma_start3A_327 : memref<128xi32, #tpu.memory_space<vmem>>) semaphore(%arg11 : memref<!tpu.dma_semaphore, #tpu.memory_space<semaphore_mem>>)
          %add3A_331 = arith.constant 10 : i32
          %add3A_332 = arith.addi %mul3A_100, %add3A_331 : i32
          %add3A_333 = arith.constant 1 : i32
          %add3A_334 = arith.addi %add3A_332, %add3A_333 : i32
          %dma_start3A_335 = arith.constant 128 : i32
          %dma_start3A_336 = arith.constant 0 : i32
          %dma_start3A_337 = tpu.memref_slice %arg8[%dma_start3A_335, %dma_start3A_336] : memref<640x16xf32, #tpu.memory_space<vmem>> -> memref<128x16xf32, #tpu.memory_space<vmem>>
          %dma_start3A_338 = arith.constant 0 : i32
          %dma_start3A_339 = tpu.memref_slice %arg6[%add3A_334, %dma_start3A_338] : memref<40x128xi32, #tpu.memory_space<vmem>> -> memref<1x128xi32, #tpu.memory_space<vmem>>
          %dma_start3A_340 = tpu.memref_squeeze %dma_start3A_339 : memref<1x128xi32, #tpu.memory_space<vmem>> -> memref<128xi32, #tpu.memory_space<vmem>>
          %dma_start3A_341 = arith.constant 0 : i32
          %dma_start3A_342 = arith.constant 0 : i32
          %dma_start3A_343 = tpu.memref_slice %arg4[%dma_start3A_341, %dma_start3A_342] : memref<100352x16xf32, #tpu.memory_space<hbm>> -> memref<100352x16xf32, #tpu.memory_space<hbm>>
          tpu.enqueue_indirect_dma source(%dma_start3A_343 : memref<100352x16xf32, #tpu.memory_space<hbm>>) target(%dma_start3A_337 : memref<128x16xf32, #tpu.memory_space<vmem>>) offsets(%dma_start3A_340 : memref<128xi32, #tpu.memory_space<vmem>>) semaphore(%arg11 : memref<!tpu.dma_semaphore, #tpu.memory_space<semaphore_mem>>)
          %add3A_344 = arith.constant 10 : i32
          %add3A_345 = arith.addi %mul3A_100, %add3A_344 : i32
          %add3A_346 = arith.constant 2 : i32
          %add3A_347 = arith.addi %add3A_345, %add3A_346 : i32
          %dma_start3A_348 = arith.constant 256 : i32
          %dma_start3A_349 = arith.constant 0 : i32
          %dma_start3A_350 = tpu.memref_slice %arg8[%dma_start3A_348, %dma_start3A_349] : memref<640x16xf32, #tpu.memory_space<vmem>> -> memref<128x16xf32, #tpu.memory_space<vmem>>
          %dma_start3A_351 = arith.constant 0 : i32
          %dma_start3A_352 = tpu.memref_slice %arg6[%add3A_347, %dma_start3A_351] : memref<40x128xi32, #tpu.memory_space<vmem>> -> memref<1x128xi32, #tpu.memory_space<vmem>>
          %dma_start3A_353 = tpu.memref_squeeze %dma_start3A_352 : memref<1x128xi32, #tpu.memory_space<vmem>> -> memref<128xi32, #tpu.memory_space<vmem>>
          %dma_start3A_354 = arith.constant 0 : i32
          %dma_start3A_355 = arith.constant 0 : i32
          %dma_start3A_356 = tpu.memref_slice %arg4[%dma_start3A_354, %dma_start3A_355] : memref<100352x16xf32, #tpu.memory_space<hbm>> -> memref<100352x16xf32, #tpu.memory_space<hbm>>
          tpu.enqueue_indirect_dma source(%dma_start3A_356 : memref<100352x16xf32, #tpu.memory_space<hbm>>) target(%dma_start3A_350 : memref<128x16xf32, #tpu.memory_space<vmem>>) offsets(%dma_start3A_353 : memref<128xi32, #tpu.memory_space<vmem>>) semaphore(%arg11 : memref<!tpu.dma_semaphore, #tpu.memory_space<semaphore_mem>>)
          %add3A_357 = arith.constant 10 : i32
          %add3A_358 = arith.addi %mul3A_100, %add3A_357 : i32
          %add3A_359 = arith.constant 3 : i32
          %add3A_360 = arith.addi %add3A_358, %add3A_359 : i32
          %dma_start3A_361 = arith.constant 384 : i32
          %dma_start3A_362 = arith.constant 0 : i32
          %dma_start3A_363 = tpu.memref_slice %arg8[%dma_start3A_361, %dma_start3A_362] : memref<640x16xf32, #tpu.memory_space<vmem>> -> memref<128x16xf32, #tpu.memory_space<vmem>>
          %dma_start3A_364 = arith.constant 0 : i32
          %dma_start3A_365 = tpu.memref_slice %arg6[%add3A_360, %dma_start3A_364] : memref<40x128xi32, #tpu.memory_space<vmem>> -> memref<1x128xi32, #tpu.memory_space<vmem>>
          %dma_start3A_366 = tpu.memref_squeeze %dma_start3A_365 : memref<1x128xi32, #tpu.memory_space<vmem>> -> memref<128xi32, #tpu.memory_space<vmem>>
          %dma_start3A_367 = arith.constant 0 : i32
          %dma_start3A_368 = arith.constant 0 : i32
          %dma_start3A_369 = tpu.memref_slice %arg4[%dma_start3A_367, %dma_start3A_368] : memref<100352x16xf32, #tpu.memory_space<hbm>> -> memref<100352x16xf32, #tpu.memory_space<hbm>>
          tpu.enqueue_indirect_dma source(%dma_start3A_369 : memref<100352x16xf32, #tpu.memory_space<hbm>>) target(%dma_start3A_363 : memref<128x16xf32, #tpu.memory_space<vmem>>) offsets(%dma_start3A_366 : memref<128xi32, #tpu.memory_space<vmem>>) semaphore(%arg11 : memref<!tpu.dma_semaphore, #tpu.memory_space<semaphore_mem>>)
          %add3A_370 = arith.constant 10 : i32
          %add3A_371 = arith.addi %mul3A_100, %add3A_370 : i32
          %add3A_372 = arith.constant 4 : i32
          %add3A_373 = arith.addi %add3A_371, %add3A_372 : i32
          %dma_start3A_374 = arith.constant 512 : i32
          %dma_start3A_375 = arith.constant 0 : i32
          %dma_start3A_376 = tpu.memref_slice %arg8[%dma_start3A_374, %dma_start3A_375] : memref<640x16xf32, #tpu.memory_space<vmem>> -> memref<128x16xf32, #tpu.memory_space<vmem>>
          %dma_start3A_377 = arith.constant 0 : i32
          %dma_start3A_378 = tpu.memref_slice %arg6[%add3A_373, %dma_start3A_377] : memref<40x128xi32, #tpu.memory_space<vmem>> -> memref<1x128xi32, #tpu.memory_space<vmem>>
          %dma_start3A_379 = tpu.memref_squeeze %dma_start3A_378 : memref<1x128xi32, #tpu.memory_space<vmem>> -> memref<128xi32, #tpu.memory_space<vmem>>
          %dma_start3A_380 = arith.constant 0 : i32
          %dma_start3A_381 = arith.constant 0 : i32
          %dma_start3A_382 = tpu.memref_slice %arg4[%dma_start3A_380, %dma_start3A_381] : memref<100352x16xf32, #tpu.memory_space<hbm>> -> memref<100352x16xf32, #tpu.memory_space<hbm>>
          tpu.enqueue_indirect_dma source(%dma_start3A_382 : memref<100352x16xf32, #tpu.memory_space<hbm>>) target(%dma_start3A_376 : memref<128x16xf32, #tpu.memory_space<vmem>>) offsets(%dma_start3A_379 : memref<128xi32, #tpu.memory_space<vmem>>) semaphore(%arg11 : memref<!tpu.dma_semaphore, #tpu.memory_space<semaphore_mem>>)
        } else {
        }
        %add3A_232 = arith.constant 5 : i32
        %add3A_233 = arith.addi %mul3A_100, %add3A_232 : i32
        %add3A_234 = arith.constant 0 : i32
        %add3A_235 = arith.addi %add3A_233, %add3A_234 : i32
        %dma_wait3A_236 = arith.constant 0 : i32
        %dma_wait3A_237 = arith.constant 0 : i32
        %dma_wait3A_238 = tpu.memref_slice %arg9[%dma_wait3A_236, %dma_wait3A_237] : memref<640x16xf32, #tpu.memory_space<vmem>> -> memref<128x16xf32, #tpu.memory_space<vmem>>
        %dma_wait3A_239 = arith.constant 0 : i32
        %dma_wait3A_240 = tpu.memref_slice %arg6[%add3A_235, %dma_wait3A_239] : memref<40x128xi32, #tpu.memory_space<vmem>> -> memref<1x128xi32, #tpu.memory_space<vmem>>
        %dma_wait3A_241 = tpu.memref_squeeze %dma_wait3A_240 : memref<1x128xi32, #tpu.memory_space<vmem>> -> memref<128xi32, #tpu.memory_space<vmem>>
        %dma_wait3A_242 = arith.constant 0 : i32
        %dma_wait3A_243 = arith.constant 0 : i32
        %dma_wait3A_244 = tpu.memref_slice %arg4[%dma_wait3A_242, %dma_wait3A_243] : memref<100352x16xf32, #tpu.memory_space<hbm>> -> memref<100352x16xf32, #tpu.memory_space<hbm>>
        tpu.wait_indirect_dma semaphore(%arg12 : memref<!tpu.dma_semaphore, #tpu.memory_space<semaphore_mem>>) src(%dma_wait3A_244 : memref<100352x16xf32, #tpu.memory_space<hbm>>) dst(%dma_wait3A_238 : memref<128x16xf32, #tpu.memory_space<vmem>>)
        %add3A_245 = arith.constant 5 : i32
        %add3A_246 = arith.addi %mul3A_100, %add3A_245 : i32
        %add3A_247 = arith.constant 1 : i32
        %add3A_248 = arith.addi %add3A_246, %add3A_247 : i32
        %dma_wait3A_249 = arith.constant 128 : i32
        %dma_wait3A_250 = arith.constant 0 : i32
        %dma_wait3A_251 = tpu.memref_slice %arg9[%dma_wait3A_249, %dma_wait3A_250] : memref<640x16xf32, #tpu.memory_space<vmem>> -> memref<128x16xf32, #tpu.memory_space<vmem>>
        %dma_wait3A_252 = arith.constant 0 : i32
        %dma_wait3A_253 = tpu.memref_slice %arg6[%add3A_248, %dma_wait3A_252] : memref<40x128xi32, #tpu.memory_space<vmem>> -> memref<1x128xi32, #tpu.memory_space<vmem>>
        %dma_wait3A_254 = tpu.memref_squeeze %dma_wait3A_253 : memref<1x128xi32, #tpu.memory_space<vmem>> -> memref<128xi32, #tpu.memory_space<vmem>>
        %dma_wait3A_255 = arith.constant 0 : i32
        %dma_wait3A_256 = arith.constant 0 : i32
        %dma_wait3A_257 = tpu.memref_slice %arg4[%dma_wait3A_255, %dma_wait3A_256] : memref<100352x16xf32, #tpu.memory_space<hbm>> -> memref<100352x16xf32, #tpu.memory_space<hbm>>
        tpu.wait_indirect_dma semaphore(%arg12 : memref<!tpu.dma_semaphore, #tpu.memory_space<semaphore_mem>>) src(%dma_wait3A_257 : memref<100352x16xf32, #tpu.memory_space<hbm>>) dst(%dma_wait3A_251 : memref<128x16xf32, #tpu.memory_space<vmem>>)
        %add3A_258 = arith.constant 5 : i32
        %add3A_259 = arith.addi %mul3A_100, %add3A_258 : i32
        %add3A_260 = arith.constant 2 : i32
        %add3A_261 = arith.addi %add3A_259, %add3A_260 : i32
        %dma_wait3A_262 = arith.constant 256 : i32
        %dma_wait3A_263 = arith.constant 0 : i32
        %dma_wait3A_264 = tpu.memref_slice %arg9[%dma_wait3A_262, %dma_wait3A_263] : memref<640x16xf32, #tpu.memory_space<vmem>> -> memref<128x16xf32, #tpu.memory_space<vmem>>
        %dma_wait3A_265 = arith.constant 0 : i32
        %dma_wait3A_266 = tpu.memref_slice %arg6[%add3A_261, %dma_wait3A_265] : memref<40x128xi32, #tpu.memory_space<vmem>> -> memref<1x128xi32, #tpu.memory_space<vmem>>
        %dma_wait3A_267 = tpu.memref_squeeze %dma_wait3A_266 : memref<1x128xi32, #tpu.memory_space<vmem>> -> memref<128xi32, #tpu.memory_space<vmem>>
        %dma_wait3A_268 = arith.constant 0 : i32
        %dma_wait3A_269 = arith.constant 0 : i32
        %dma_wait3A_270 = tpu.memref_slice %arg4[%dma_wait3A_268, %dma_wait3A_269] : memref<100352x16xf32, #tpu.memory_space<hbm>> -> memref<100352x16xf32, #tpu.memory_space<hbm>>
        tpu.wait_indirect_dma semaphore(%arg12 : memref<!tpu.dma_semaphore, #tpu.memory_space<semaphore_mem>>) src(%dma_wait3A_270 : memref<100352x16xf32, #tpu.memory_space<hbm>>) dst(%dma_wait3A_264 : memref<128x16xf32, #tpu.memory_space<vmem>>)
        %add3A_271 = arith.constant 5 : i32
        %add3A_272 = arith.addi %mul3A_100, %add3A_271 : i32
        %add3A_273 = arith.constant 3 : i32
        %add3A_274 = arith.addi %add3A_272, %add3A_273 : i32
        %dma_wait3A_275 = arith.constant 384 : i32
        %dma_wait3A_276 = arith.constant 0 : i32
        %dma_wait3A_277 = tpu.memref_slice %arg9[%dma_wait3A_275, %dma_wait3A_276] : memref<640x16xf32, #tpu.memory_space<vmem>> -> memref<128x16xf32, #tpu.memory_space<vmem>>
        %dma_wait3A_278 = arith.constant 0 : i32
        %dma_wait3A_279 = tpu.memref_slice %arg6[%add3A_274, %dma_wait3A_278] : memref<40x128xi32, #tpu.memory_space<vmem>> -> memref<1x128xi32, #tpu.memory_space<vmem>>
        %dma_wait3A_280 = tpu.memref_squeeze %dma_wait3A_279 : memref<1x128xi32, #tpu.memory_space<vmem>> -> memref<128xi32, #tpu.memory_space<vmem>>
        %dma_wait3A_281 = arith.constant 0 : i32
        %dma_wait3A_282 = arith.constant 0 : i32
        %dma_wait3A_283 = tpu.memref_slice %arg4[%dma_wait3A_281, %dma_wait3A_282] : memref<100352x16xf32, #tpu.memory_space<hbm>> -> memref<100352x16xf32, #tpu.memory_space<hbm>>
        tpu.wait_indirect_dma semaphore(%arg12 : memref<!tpu.dma_semaphore, #tpu.memory_space<semaphore_mem>>) src(%dma_wait3A_283 : memref<100352x16xf32, #tpu.memory_space<hbm>>) dst(%dma_wait3A_277 : memref<128x16xf32, #tpu.memory_space<vmem>>)
        %add3A_284 = arith.constant 5 : i32
        %add3A_285 = arith.addi %mul3A_100, %add3A_284 : i32
        %add3A_286 = arith.constant 4 : i32
        %add3A_287 = arith.addi %add3A_285, %add3A_286 : i32
        %dma_wait3A_288 = arith.constant 512 : i32
        %dma_wait3A_289 = arith.constant 0 : i32
        %dma_wait3A_290 = tpu.memref_slice %arg9[%dma_wait3A_288, %dma_wait3A_289] : memref<640x16xf32, #tpu.memory_space<vmem>> -> memref<128x16xf32, #tpu.memory_space<vmem>>
        %dma_wait3A_291 = arith.constant 0 : i32
        %dma_wait3A_292 = tpu.memref_slice %arg6[%add3A_287, %dma_wait3A_291] : memref<40x128xi32, #tpu.memory_space<vmem>> -> memref<1x128xi32, #tpu.memory_space<vmem>>
        %dma_wait3A_293 = tpu.memref_squeeze %dma_wait3A_292 : memref<1x128xi32, #tpu.memory_space<vmem>> -> memref<128xi32, #tpu.memory_space<vmem>>
        %dma_wait3A_294 = arith.constant 0 : i32
        %dma_wait3A_295 = arith.constant 0 : i32
        %dma_wait3A_296 = tpu.memref_slice %arg4[%dma_wait3A_294, %dma_wait3A_295] : memref<100352x16xf32, #tpu.memory_space<hbm>> -> memref<100352x16xf32, #tpu.memory_space<hbm>>
        tpu.wait_indirect_dma semaphore(%arg12 : memref<!tpu.dma_semaphore, #tpu.memory_space<semaphore_mem>>) src(%dma_wait3A_296 : memref<100352x16xf32, #tpu.memory_space<hbm>>) dst(%dma_wait3A_290 : memref<128x16xf32, #tpu.memory_space<vmem>>)
        %add3A_297 = arith.constant 5 : i32
        %add3A_298 = arith.addi %mul3A_100, %add3A_297 : i32
        %add3A_299 = arith.constant 0 : i32
        %add3A_300 = arith.addi %add3A_298, %add3A_299 : i32
        "tpu.region"() ({
          %run_scoped3A = tpu.sem_alloc : memref<!tpu.dma_semaphore, #tpu.memory_space<semaphore_mem>>
          %dma_start3A_318 = arith.constant 0 : i32
          %dma_start3A_319 = arith.constant 0 : i32
          %dma_start3A_320 = tpu.memref_slice %arg9[%dma_start3A_318, %dma_start3A_319] : memref<640x16xf32, #tpu.memory_space<vmem>> -> memref<128x16xf32, #tpu.memory_space<vmem>>
          %dma_start3A_321 = arith.constant 0 : i32
          %dma_start3A_322 = tpu.memref_slice %arg7[%add3A_300, %dma_start3A_321] : memref<40x128xi32, #tpu.memory_space<vmem>> -> memref<1x128xi32, #tpu.memory_space<vmem>>
          %dma_start3A_323 = tpu.memref_squeeze %dma_start3A_322 : memref<1x128xi32, #tpu.memory_space<vmem>> -> memref<128xi32, #tpu.memory_space<vmem>>
          %dma_start3A_324 = arith.constant 0 : i32
          %dma_start3A_325 = arith.constant 0 : i32
          %dma_start3A_326 = tpu.memref_slice %arg10[%dma_start3A_324, %dma_start3A_325] : memref<100352x16xf32, #tpu.memory_space<vmem_shared>> -> memref<100352x16xf32, #tpu.memory_space<vmem_shared>>
          tpu.enqueue_indirect_dma source(%dma_start3A_320 : memref<128x16xf32, #tpu.memory_space<vmem>>) target(%dma_start3A_326 : memref<100352x16xf32, #tpu.memory_space<vmem_shared>>) offsets(%dma_start3A_323 : memref<128xi32, #tpu.memory_space<vmem>>) semaphore(%run_scoped3A : memref<!tpu.dma_semaphore, #tpu.memory_space<semaphore_mem>>) {add = true}
          %dma_wait3A_327 = arith.constant 0 : i32
          %dma_wait3A_328 = arith.constant 0 : i32
          %dma_wait3A_329 = tpu.memref_slice %arg9[%dma_wait3A_327, %dma_wait3A_328] : memref<640x16xf32, #tpu.memory_space<vmem>> -> memref<128x16xf32, #tpu.memory_space<vmem>>
          %dma_wait3A_330 = arith.constant 0 : i32
          %dma_wait3A_331 = tpu.memref_slice %arg7[%add3A_300, %dma_wait3A_330] : memref<40x128xi32, #tpu.memory_space<vmem>> -> memref<1x128xi32, #tpu.memory_space<vmem>>
          %dma_wait3A_332 = tpu.memref_squeeze %dma_wait3A_331 : memref<1x128xi32, #tpu.memory_space<vmem>> -> memref<128xi32, #tpu.memory_space<vmem>>
          %dma_wait3A_333 = arith.constant 0 : i32
          %dma_wait3A_334 = arith.constant 0 : i32
          %dma_wait3A_335 = tpu.memref_slice %arg10[%dma_wait3A_333, %dma_wait3A_334] : memref<100352x16xf32, #tpu.memory_space<vmem_shared>> -> memref<100352x16xf32, #tpu.memory_space<vmem_shared>>
          tpu.wait_indirect_dma semaphore(%run_scoped3A : memref<!tpu.dma_semaphore, #tpu.memory_space<semaphore_mem>>) src(%dma_wait3A_329 : memref<128x16xf32, #tpu.memory_space<vmem>>) dst(%dma_wait3A_335 : memref<100352x16xf32, #tpu.memory_space<vmem_shared>>)
          tpu.yield
        }) : () -> ()
        %add3A_301 = arith.constant 5 : i32
        %add3A_302 = arith.addi %mul3A_100, %add3A_301 : i32
        %add3A_303 = arith.constant 1 : i32
        %add3A_304 = arith.addi %add3A_302, %add3A_303 : i32
        "tpu.region"() ({
          %run_scoped3A = tpu.sem_alloc : memref<!tpu.dma_semaphore, #tpu.memory_space<semaphore_mem>>
          %dma_start3A_318 = arith.constant 128 : i32
          %dma_start3A_319 = arith.constant 0 : i32
          %dma_start3A_320 = tpu.memref_slice %arg9[%dma_start3A_318, %dma_start3A_319] : memref<640x16xf32, #tpu.memory_space<vmem>> -> memref<128x16xf32, #tpu.memory_space<vmem>>
          %dma_start3A_321 = arith.constant 0 : i32
          %dma_start3A_322 = tpu.memref_slice %arg7[%add3A_304, %dma_start3A_321] : memref<40x128xi32, #tpu.memory_space<vmem>> -> memref<1x128xi32, #tpu.memory_space<vmem>>
          %dma_start3A_323 = tpu.memref_squeeze %dma_start3A_322 : memref<1x128xi32, #tpu.memory_space<vmem>> -> memref<128xi32, #tpu.memory_space<vmem>>
          %dma_start3A_324 = arith.constant 0 : i32
          %dma_start3A_325 = arith.constant 0 : i32
          %dma_start3A_326 = tpu.memref_slice %arg10[%dma_start3A_324, %dma_start3A_325] : memref<100352x16xf32, #tpu.memory_space<vmem_shared>> -> memref<100352x16xf32, #tpu.memory_space<vmem_shared>>
          tpu.enqueue_indirect_dma source(%dma_start3A_320 : memref<128x16xf32, #tpu.memory_space<vmem>>) target(%dma_start3A_326 : memref<100352x16xf32, #tpu.memory_space<vmem_shared>>) offsets(%dma_start3A_323 : memref<128xi32, #tpu.memory_space<vmem>>) semaphore(%run_scoped3A : memref<!tpu.dma_semaphore, #tpu.memory_space<semaphore_mem>>) {add = true}
          %dma_wait3A_327 = arith.constant 128 : i32
          %dma_wait3A_328 = arith.constant 0 : i32
          %dma_wait3A_329 = tpu.memref_slice %arg9[%dma_wait3A_327, %dma_wait3A_328] : memref<640x16xf32, #tpu.memory_space<vmem>> -> memref<128x16xf32, #tpu.memory_space<vmem>>
          %dma_wait3A_330 = arith.constant 0 : i32
          %dma_wait3A_331 = tpu.memref_slice %arg7[%add3A_304, %dma_wait3A_330] : memref<40x128xi32, #tpu.memory_space<vmem>> -> memref<1x128xi32, #tpu.memory_space<vmem>>
          %dma_wait3A_332 = tpu.memref_squeeze %dma_wait3A_331 : memref<1x128xi32, #tpu.memory_space<vmem>> -> memref<128xi32, #tpu.memory_space<vmem>>
          %dma_wait3A_333 = arith.constant 0 : i32
          %dma_wait3A_334 = arith.constant 0 : i32
          %dma_wait3A_335 = tpu.memref_slice %arg10[%dma_wait3A_333, %dma_wait3A_334] : memref<100352x16xf32, #tpu.memory_space<vmem_shared>> -> memref<100352x16xf32, #tpu.memory_space<vmem_shared>>
          tpu.wait_indirect_dma semaphore(%run_scoped3A : memref<!tpu.dma_semaphore, #tpu.memory_space<semaphore_mem>>) src(%dma_wait3A_329 : memref<128x16xf32, #tpu.memory_space<vmem>>) dst(%dma_wait3A_335 : memref<100352x16xf32, #tpu.memory_space<vmem_shared>>)
          tpu.yield
        }) : () -> ()
        %add3A_305 = arith.constant 5 : i32
        %add3A_306 = arith.addi %mul3A_100, %add3A_305 : i32
        %add3A_307 = arith.constant 2 : i32
        %add3A_308 = arith.addi %add3A_306, %add3A_307 : i32
        "tpu.region"() ({
          %run_scoped3A = tpu.sem_alloc : memref<!tpu.dma_semaphore, #tpu.memory_space<semaphore_mem>>
          %dma_start3A_318 = arith.constant 256 : i32
          %dma_start3A_319 = arith.constant 0 : i32
          %dma_start3A_320 = tpu.memref_slice %arg9[%dma_start3A_318, %dma_start3A_319] : memref<640x16xf32, #tpu.memory_space<vmem>> -> memref<128x16xf32, #tpu.memory_space<vmem>>
          %dma_start3A_321 = arith.constant 0 : i32
          %dma_start3A_322 = tpu.memref_slice %arg7[%add3A_308, %dma_start3A_321] : memref<40x128xi32, #tpu.memory_space<vmem>> -> memref<1x128xi32, #tpu.memory_space<vmem>>
          %dma_start3A_323 = tpu.memref_squeeze %dma_start3A_322 : memref<1x128xi32, #tpu.memory_space<vmem>> -> memref<128xi32, #tpu.memory_space<vmem>>
          %dma_start3A_324 = arith.constant 0 : i32
          %dma_start3A_325 = arith.constant 0 : i32
          %dma_start3A_326 = tpu.memref_slice %arg10[%dma_start3A_324, %dma_start3A_325] : memref<100352x16xf32, #tpu.memory_space<vmem_shared>> -> memref<100352x16xf32, #tpu.memory_space<vmem_shared>>
          tpu.enqueue_indirect_dma source(%dma_start3A_320 : memref<128x16xf32, #tpu.memory_space<vmem>>) target(%dma_start3A_326 : memref<100352x16xf32, #tpu.memory_space<vmem_shared>>) offsets(%dma_start3A_323 : memref<128xi32, #tpu.memory_space<vmem>>) semaphore(%run_scoped3A : memref<!tpu.dma_semaphore, #tpu.memory_space<semaphore_mem>>) {add = true}
          %dma_wait3A_327 = arith.constant 256 : i32
          %dma_wait3A_328 = arith.constant 0 : i32
          %dma_wait3A_329 = tpu.memref_slice %arg9[%dma_wait3A_327, %dma_wait3A_328] : memref<640x16xf32, #tpu.memory_space<vmem>> -> memref<128x16xf32, #tpu.memory_space<vmem>>
          %dma_wait3A_330 = arith.constant 0 : i32
          %dma_wait3A_331 = tpu.memref_slice %arg7[%add3A_308, %dma_wait3A_330] : memref<40x128xi32, #tpu.memory_space<vmem>> -> memref<1x128xi32, #tpu.memory_space<vmem>>
          %dma_wait3A_332 = tpu.memref_squeeze %dma_wait3A_331 : memref<1x128xi32, #tpu.memory_space<vmem>> -> memref<128xi32, #tpu.memory_space<vmem>>
          %dma_wait3A_333 = arith.constant 0 : i32
          %dma_wait3A_334 = arith.constant 0 : i32
          %dma_wait3A_335 = tpu.memref_slice %arg10[%dma_wait3A_333, %dma_wait3A_334] : memref<100352x16xf32, #tpu.memory_space<vmem_shared>> -> memref<100352x16xf32, #tpu.memory_space<vmem_shared>>
          tpu.wait_indirect_dma semaphore(%run_scoped3A : memref<!tpu.dma_semaphore, #tpu.memory_space<semaphore_mem>>) src(%dma_wait3A_329 : memref<128x16xf32, #tpu.memory_space<vmem>>) dst(%dma_wait3A_335 : memref<100352x16xf32, #tpu.memory_space<vmem_shared>>)
          tpu.yield
        }) : () -> ()
        %add3A_309 = arith.constant 5 : i32
        %add3A_310 = arith.addi %mul3A_100, %add3A_309 : i32
        %add3A_311 = arith.constant 3 : i32
        %add3A_312 = arith.addi %add3A_310, %add3A_311 : i32
        "tpu.region"() ({
          %run_scoped3A = tpu.sem_alloc : memref<!tpu.dma_semaphore, #tpu.memory_space<semaphore_mem>>
          %dma_start3A_318 = arith.constant 384 : i32
          %dma_start3A_319 = arith.constant 0 : i32
          %dma_start3A_320 = tpu.memref_slice %arg9[%dma_start3A_318, %dma_start3A_319] : memref<640x16xf32, #tpu.memory_space<vmem>> -> memref<128x16xf32, #tpu.memory_space<vmem>>
          %dma_start3A_321 = arith.constant 0 : i32
          %dma_start3A_322 = tpu.memref_slice %arg7[%add3A_312, %dma_start3A_321] : memref<40x128xi32, #tpu.memory_space<vmem>> -> memref<1x128xi32, #tpu.memory_space<vmem>>
          %dma_start3A_323 = tpu.memref_squeeze %dma_start3A_322 : memref<1x128xi32, #tpu.memory_space<vmem>> -> memref<128xi32, #tpu.memory_space<vmem>>
          %dma_start3A_324 = arith.constant 0 : i32
          %dma_start3A_325 = arith.constant 0 : i32
          %dma_start3A_326 = tpu.memref_slice %arg10[%dma_start3A_324, %dma_start3A_325] : memref<100352x16xf32, #tpu.memory_space<vmem_shared>> -> memref<100352x16xf32, #tpu.memory_space<vmem_shared>>
          tpu.enqueue_indirect_dma source(%dma_start3A_320 : memref<128x16xf32, #tpu.memory_space<vmem>>) target(%dma_start3A_326 : memref<100352x16xf32, #tpu.memory_space<vmem_shared>>) offsets(%dma_start3A_323 : memref<128xi32, #tpu.memory_space<vmem>>) semaphore(%run_scoped3A : memref<!tpu.dma_semaphore, #tpu.memory_space<semaphore_mem>>) {add = true}
          %dma_wait3A_327 = arith.constant 384 : i32
          %dma_wait3A_328 = arith.constant 0 : i32
          %dma_wait3A_329 = tpu.memref_slice %arg9[%dma_wait3A_327, %dma_wait3A_328] : memref<640x16xf32, #tpu.memory_space<vmem>> -> memref<128x16xf32, #tpu.memory_space<vmem>>
          %dma_wait3A_330 = arith.constant 0 : i32
          %dma_wait3A_331 = tpu.memref_slice %arg7[%add3A_312, %dma_wait3A_330] : memref<40x128xi32, #tpu.memory_space<vmem>> -> memref<1x128xi32, #tpu.memory_space<vmem>>
          %dma_wait3A_332 = tpu.memref_squeeze %dma_wait3A_331 : memref<1x128xi32, #tpu.memory_space<vmem>> -> memref<128xi32, #tpu.memory_space<vmem>>
          %dma_wait3A_333 = arith.constant 0 : i32
          %dma_wait3A_334 = arith.constant 0 : i32
          %dma_wait3A_335 = tpu.memref_slice %arg10[%dma_wait3A_333, %dma_wait3A_334] : memref<100352x16xf32, #tpu.memory_space<vmem_shared>> -> memref<100352x16xf32, #tpu.memory_space<vmem_shared>>
          tpu.wait_indirect_dma semaphore(%run_scoped3A : memref<!tpu.dma_semaphore, #tpu.memory_space<semaphore_mem>>) src(%dma_wait3A_329 : memref<128x16xf32, #tpu.memory_space<vmem>>) dst(%dma_wait3A_335 : memref<100352x16xf32, #tpu.memory_space<vmem_shared>>)
          tpu.yield
        }) : () -> ()
        %add3A_313 = arith.constant 5 : i32
        %add3A_314 = arith.addi %mul3A_100, %add3A_313 : i32
        %add3A_315 = arith.constant 4 : i32
        %add3A_316 = arith.addi %add3A_314, %add3A_315 : i32
        "tpu.region"() ({
          %run_scoped3A = tpu.sem_alloc : memref<!tpu.dma_semaphore, #tpu.memory_space<semaphore_mem>>
          %dma_start3A_318 = arith.constant 512 : i32
          %dma_start3A_319 = arith.constant 0 : i32
          %dma_start3A_320 = tpu.memref_slice %arg9[%dma_start3A_318, %dma_start3A_319] : memref<640x16xf32, #tpu.memory_space<vmem>> -> memref<128x16xf32, #tpu.memory_space<vmem>>
          %dma_start3A_321 = arith.constant 0 : i32
          %dma_start3A_322 = tpu.memref_slice %arg7[%add3A_316, %dma_start3A_321] : memref<40x128xi32, #tpu.memory_space<vmem>> -> memref<1x128xi32, #tpu.memory_space<vmem>>
          %dma_start3A_323 = tpu.memref_squeeze %dma_start3A_322 : memref<1x128xi32, #tpu.memory_space<vmem>> -> memref<128xi32, #tpu.memory_space<vmem>>
          %dma_start3A_324 = arith.constant 0 : i32
          %dma_start3A_325 = arith.constant 0 : i32
          %dma_start3A_326 = tpu.memref_slice %arg10[%dma_start3A_324, %dma_start3A_325] : memref<100352x16xf32, #tpu.memory_space<vmem_shared>> -> memref<100352x16xf32, #tpu.memory_space<vmem_shared>>
          tpu.enqueue_indirect_dma source(%dma_start3A_320 : memref<128x16xf32, #tpu.memory_space<vmem>>) target(%dma_start3A_326 : memref<100352x16xf32, #tpu.memory_space<vmem_shared>>) offsets(%dma_start3A_323 : memref<128xi32, #tpu.memory_space<vmem>>) semaphore(%run_scoped3A : memref<!tpu.dma_semaphore, #tpu.memory_space<semaphore_mem>>) {add = true}
          %dma_wait3A_327 = arith.constant 512 : i32
          %dma_wait3A_328 = arith.constant 0 : i32
          %dma_wait3A_329 = tpu.memref_slice %arg9[%dma_wait3A_327, %dma_wait3A_328] : memref<640x16xf32, #tpu.memory_space<vmem>> -> memref<128x16xf32, #tpu.memory_space<vmem>>
          %dma_wait3A_330 = arith.constant 0 : i32
          %dma_wait3A_331 = tpu.memref_slice %arg7[%add3A_316, %dma_wait3A_330] : memref<40x128xi32, #tpu.memory_space<vmem>> -> memref<1x128xi32, #tpu.memory_space<vmem>>
          %dma_wait3A_332 = tpu.memref_squeeze %dma_wait3A_331 : memref<1x128xi32, #tpu.memory_space<vmem>> -> memref<128xi32, #tpu.memory_space<vmem>>
          %dma_wait3A_333 = arith.constant 0 : i32
          %dma_wait3A_334 = arith.constant 0 : i32
          %dma_wait3A_335 = tpu.memref_slice %arg10[%dma_wait3A_333, %dma_wait3A_334] : memref<100352x16xf32, #tpu.memory_space<vmem_shared>> -> memref<100352x16xf32, #tpu.memory_space<vmem_shared>>
          tpu.wait_indirect_dma semaphore(%run_scoped3A : memref<!tpu.dma_semaphore, #tpu.memory_space<semaphore_mem>>) src(%dma_wait3A_329 : memref<128x16xf32, #tpu.memory_space<vmem>>) dst(%dma_wait3A_335 : memref<100352x16xf32, #tpu.memory_space<vmem_shared>>)
          tpu.yield
        }) : () -> ()
        %scan3A_317 = arith.constant 0 : i32
        scf.yield %scan3A_317 : i32
      }
      %scan3A_95 = arith.constant 4 : i32
      %scan3A_96 = arith.constant 0 : i32
      scf.yield %scan3A_96 : i32
    }
    %scan3A_26 = arith.constant 20 : i32
    %barrier3A_27 = arith.constant 0 : index
    tpu.barrier barrier_id(%barrier3A_27)
    %mul3A_28 = arith.constant 6272 : i32
    %mul3A_29 = arith.muli %arg1, %mul3A_28 : i32
    %mul3A_30 = arith.constant 6272 : i32
    %mul3A_31 = arith.muli %arg1, %mul3A_30 : i32
    "tpu.region"() ({
      %run_scoped3A = tpu.sem_alloc : memref<!tpu.dma_semaphore, #tpu.memory_space<semaphore_mem>>
      %dma_start3A = arith.constant 0 : i32
      %dma_start3A_32 = tpu.memref_slice %arg5[%arg0, %mul3A_31, %dma_start3A] : memref<2x100352x16xf32, #tpu.memory_space<hbm>> -> memref<1x6272x16xf32, #tpu.memory_space<hbm>>
      %dma_start3A_33 = tpu.memref_squeeze %dma_start3A_32 : memref<1x6272x16xf32, #tpu.memory_space<hbm>> -> memref<6272x16xf32, #tpu.memory_space<hbm>>
      %dma_start3A_34 = arith.constant 0 : i32
      %dma_start3A_35 = tpu.memref_slice %arg10[%mul3A_29, %dma_start3A_34] : memref<100352x16xf32, #tpu.memory_space<vmem_shared>> -> memref<6272x16xf32, #tpu.memory_space<vmem_shared>>
      tpu.enqueue_dma source(%dma_start3A_35 : memref<6272x16xf32, #tpu.memory_space<vmem_shared>>) target(%dma_start3A_33 : memref<6272x16xf32, #tpu.memory_space<hbm>>) target_semaphore(%run_scoped3A : memref<!tpu.dma_semaphore, #tpu.memory_space<semaphore_mem>>)
      %dma_wait3A = arith.constant 0 : i32
      %dma_wait3A_36 = tpu.memref_slice %arg5[%arg0, %mul3A_31, %dma_wait3A] : memref<2x100352x16xf32, #tpu.memory_space<hbm>> -> memref<1x6272x16xf32, #tpu.memory_space<hbm>>
      %dma_wait3A_37 = tpu.memref_squeeze %dma_wait3A_36 : memref<1x6272x16xf32, #tpu.memory_space<hbm>> -> memref<6272x16xf32, #tpu.memory_space<hbm>>
      %dma_wait3A_38 = arith.constant 0 : i32
      %dma_wait3A_39 = tpu.memref_slice %arg10[%mul3A_29, %dma_wait3A_38] : memref<100352x16xf32, #tpu.memory_space<vmem_shared>> -> memref<6272x16xf32, #tpu.memory_space<vmem_shared>>
      tpu.wait_dma2 semaphore(%run_scoped3A : memref<!tpu.dma_semaphore, #tpu.memory_space<semaphore_mem>>) src(%dma_wait3A_39 : memref<6272x16xf32, #tpu.memory_space<vmem_shared>>) dst(%dma_wait3A_37 : memref<6272x16xf32, #tpu.memory_space<hbm>>)
      tpu.yield
    }) : () -> ()
    return
  }
}

#map = affine_map<(d0, d1) -> (0, 0)>
module attributes {stable_mosaic.version = 14 : i64} {
  func.func @_deg_call(%arg0: i32, %arg1: i32, %arg2: memref<25000x128xi32, #tpu.memory_space<hbm>>, %arg3: memref<25000x128xi32, #tpu.memory_space<hbm>>, %arg4: memref<600x128xi32, #tpu.memory_space<hbm>>, %arg5: memref<600x128xi32, #tpu.memory_space<hbm>>, %arg6: memref<2x100352xf32, #tpu.memory_space<hbm>>, %arg7: memref<2x100352xf32, #tpu.memory_space<hbm>>, %arg8: memref<40x128xi32, #tpu.memory_space<vmem>>, %arg9: memref<40x128xi32, #tpu.memory_space<vmem>>, %arg10: memref<128xf32, #tpu.memory_space<vmem>>, %arg11: memref<6272xf32, #tpu.memory_space<vmem>>, %arg12: memref<100352xf32, #tpu.memory_space<vmem_shared>>, %arg13: memref<100352xf32, #tpu.memory_space<vmem_shared>>, %arg14: memref<!tpu.dma_semaphore, #tpu.memory_space<semaphore_mem>>) attributes {dimension_semantics = [#tpu.dimension_semantics<core_parallel>, #tpu.dimension_semantics<subcore_parallel>], iteration_bounds = array<i64: 2, 16>, scalar_prefetch = 0 : i64, scratch_operands = 7 : i64, tpu.core_type = #tpu.core_type<sc_vector_subcore>, window_params = [{transform_indices = #map}, {transform_indices = #map}, {transform_indices = #map}, {transform_indices = #map}, {transform_indices = #map}, {transform_indices = #map}]} {
    %scan3A = arith.constant 0 : i32
    %scan3A_0 = arith.constant 0 : i32
    %scan3A_1 = arith.constant 8 : i32
    %scan3A_2 = arith.addi %scan3A_0, %scan3A_1 : i32
    %scan3A_3 = arith.constant 1 : i32
    %scan3A_4 = scf.for %scan3A_36 = %scan3A_0 to %scan3A_2 step %scan3A_3 iter_args(%scan3A_37 = %scan3A) -> (i32)  : i32 {
      %broadcast_in_dim3A = arith.constant 1.000000e+00 : f32
      %broadcast_in_dim3A_38 = vector.broadcast %broadcast_in_dim3A : f32 to vector<16xf32>
      %mul3A_39 = arith.constant 16 : i32
      %mul3A_40 = arith.muli %scan3A_36, %mul3A_39 : i32
      %swap3A = arith.index_cast %mul3A_40 : i32 to index
      %swap3A_41 = tpu.vector_load %arg10[%swap3A] {strides = array<i32>} : memref<128xf32, #tpu.memory_space<vmem>>, vector<16xf32>,
      %swap3A_42 = vector.shape_cast %swap3A_41 : vector<16xf32> to vector<16xf32>
      %swap3A_43 = vector.shape_cast %broadcast_in_dim3A_38 : vector<16xf32> to vector<16xf32>
      tpu.vector_store %arg10[%swap3A], %swap3A_43 {strides = array<i32>} : memref<128xf32, #tpu.memory_space<vmem>>, vector<16xf32>,
      %scan3A_44 = arith.constant 0 : i32
      scf.yield %scan3A_44 : i32
    }
    %scan3A_5 = arith.constant 8 : i32
    %scan3A_6 = arith.constant 0 : i32
    %scan3A_7 = arith.constant 0 : i32
    %scan3A_8 = arith.constant 392 : i32
    %scan3A_9 = arith.addi %scan3A_7, %scan3A_8 : i32
    %scan3A_10 = arith.constant 1 : i32
    %scan3A_11 = scf.for %scan3A_36 = %scan3A_7 to %scan3A_9 step %scan3A_10 iter_args(%scan3A_37 = %scan3A_6) -> (i32)  : i32 {
      %broadcast_in_dim3A = arith.constant 0.000000e+00 : f32
      %broadcast_in_dim3A_38 = vector.broadcast %broadcast_in_dim3A : f32 to vector<16xf32>
      %mul3A_39 = arith.constant 16 : i32
      %mul3A_40 = arith.muli %scan3A_36, %mul3A_39 : i32
      %swap3A = arith.index_cast %mul3A_40 : i32 to index
      %swap3A_41 = tpu.vector_load %arg11[%swap3A] {strides = array<i32>} : memref<6272xf32, #tpu.memory_space<vmem>>, vector<16xf32>,
      %swap3A_42 = vector.shape_cast %swap3A_41 : vector<16xf32> to vector<16xf32>
      %swap3A_43 = vector.shape_cast %broadcast_in_dim3A_38 : vector<16xf32> to vector<16xf32>
      tpu.vector_store %arg11[%swap3A], %swap3A_43 {strides = array<i32>} : memref<6272xf32, #tpu.memory_space<vmem>>, vector<16xf32>,
      %scan3A_44 = arith.constant 0 : i32
      scf.yield %scan3A_44 : i32
    }
    %scan3A_12 = arith.constant 392 : i32
    %mul3A = arith.constant 6272 : i32
    %mul3A_13 = arith.muli %arg1, %mul3A : i32
    "tpu.region"() ({
      %run_scoped3A = tpu.sem_alloc : memref<!tpu.dma_semaphore, #tpu.memory_space<semaphore_mem>>
      %dma_start3A = tpu.memref_slice %arg12[%mul3A_13] : memref<100352xf32, #tpu.memory_space<vmem_shared>> -> memref<6272xf32, #tpu.memory_space<vmem_shared>>
      %dma_start3A_36 = tpu.memref_slice %arg12[%mul3A_13] : memref<100352xf32, #tpu.memory_space<vmem_shared>> -> memref<6272xf32, #tpu.memory_space<vmem_shared>>
      tpu.enqueue_dma source(%arg11 : memref<6272xf32, #tpu.memory_space<vmem>>) target(%dma_start3A_36 : memref<6272xf32, #tpu.memory_space<vmem_shared>>) target_semaphore(%run_scoped3A : memref<!tpu.dma_semaphore, #tpu.memory_space<semaphore_mem>>)
      %dma_wait3A = tpu.memref_slice %arg12[%mul3A_13] : memref<100352xf32, #tpu.memory_space<vmem_shared>> -> memref<6272xf32, #tpu.memory_space<vmem_shared>>
      %dma_wait3A_37 = tpu.memref_slice %arg12[%mul3A_13] : memref<100352xf32, #tpu.memory_space<vmem_shared>> -> memref<6272xf32, #tpu.memory_space<vmem_shared>>
      tpu.wait_dma2 semaphore(%run_scoped3A : memref<!tpu.dma_semaphore, #tpu.memory_space<semaphore_mem>>) src(%arg11 : memref<6272xf32, #tpu.memory_space<vmem>>) dst(%dma_wait3A_37 : memref<6272xf32, #tpu.memory_space<vmem_shared>>)
      tpu.yield
    }) : () -> ()
    %mul3A_14 = arith.constant 6272 : i32
    %mul3A_15 = arith.muli %arg1, %mul3A_14 : i32
    "tpu.region"() ({
      %run_scoped3A = tpu.sem_alloc : memref<!tpu.dma_semaphore, #tpu.memory_space<semaphore_mem>>
      %dma_start3A = tpu.memref_slice %arg13[%mul3A_15] : memref<100352xf32, #tpu.memory_space<vmem_shared>> -> memref<6272xf32, #tpu.memory_space<vmem_shared>>
      %dma_start3A_36 = tpu.memref_slice %arg13[%mul3A_15] : memref<100352xf32, #tpu.memory_space<vmem_shared>> -> memref<6272xf32, #tpu.memory_space<vmem_shared>>
      tpu.enqueue_dma source(%arg11 : memref<6272xf32, #tpu.memory_space<vmem>>) target(%dma_start3A_36 : memref<6272xf32, #tpu.memory_space<vmem_shared>>) target_semaphore(%run_scoped3A : memref<!tpu.dma_semaphore, #tpu.memory_space<semaphore_mem>>)
      %dma_wait3A = tpu.memref_slice %arg13[%mul3A_15] : memref<100352xf32, #tpu.memory_space<vmem_shared>> -> memref<6272xf32, #tpu.memory_space<vmem_shared>>
      %dma_wait3A_37 = tpu.memref_slice %arg13[%mul3A_15] : memref<100352xf32, #tpu.memory_space<vmem_shared>> -> memref<6272xf32, #tpu.memory_space<vmem_shared>>
      tpu.wait_dma2 semaphore(%run_scoped3A : memref<!tpu.dma_semaphore, #tpu.memory_space<semaphore_mem>>) src(%arg11 : memref<6272xf32, #tpu.memory_space<vmem>>) dst(%dma_wait3A_37 : memref<6272xf32, #tpu.memory_space<vmem_shared>>)
      tpu.yield
    }) : () -> ()
    %barrier3A = arith.constant 0 : index
    tpu.barrier barrier_id(%barrier3A)
    %mul3A_16 = arith.constant 16 : i32
    %mul3A_17 = arith.muli %arg0, %mul3A_16 : i32
    %add3A = arith.addi %mul3A_17, %arg1 : i32
    %mul3A_18 = arith.constant 20 : i32
    %mul3A_19 = arith.muli %add3A, %mul3A_18 : i32
    %scan3A_20 = arith.constant 0 : i32
    %scan3A_21 = arith.constant 0 : i32
    %scan3A_22 = arith.constant 20 : i32
    %scan3A_23 = arith.addi %scan3A_21, %scan3A_22 : i32
    %scan3A_24 = arith.constant 1 : i32
    %scan3A_25 = scf.for %scan3A_36 = %scan3A_21 to %scan3A_23 step %scan3A_24 iter_args(%scan3A_37 = %scan3A_20) -> (i32)  : i32 {
      %add3A_38 = arith.addi %mul3A_19, %scan3A_36 : i32
      %lt3A = arith.constant 625 : i32
      %lt3A_39 = arith.cmpi slt, %add3A_38, %lt3A : i32
      %convert_element_type3A = arith.extui %lt3A_39 : i1 to i32
      %cond3A = arith.constant 0 : i32
      %cond3A_40 = arith.cmpi ne, %convert_element_type3A, %cond3A : i32
      scf.if %cond3A_40 {
        %mul3A_53 = arith.constant 40 : i32
        %mul3A_54 = arith.muli %add3A_38, %mul3A_53 : i32
        "tpu.region"() ({
          %run_scoped3A = tpu.sem_alloc : memref<!tpu.dma_semaphore, #tpu.memory_space<semaphore_mem>>
          %dma_start3A = arith.constant 0 : i32
          %dma_start3A_57 = tpu.memref_slice %arg2[%mul3A_54, %dma_start3A] : memref<25000x128xi32, #tpu.memory_space<hbm>> -> memref<40x128xi32, #tpu.memory_space<hbm>>
          %dma_start3A_58 = arith.constant 0 : i32
          %dma_start3A_59 = tpu.memref_slice %arg2[%mul3A_54, %dma_start3A_58] : memref<25000x128xi32, #tpu.memory_space<hbm>> -> memref<40x128xi32, #tpu.memory_space<hbm>>
          tpu.enqueue_dma source(%dma_start3A_59 : memref<40x128xi32, #tpu.memory_space<hbm>>) target(%arg8 : memref<40x128xi32, #tpu.memory_space<vmem>>) target_semaphore(%run_scoped3A : memref<!tpu.dma_semaphore, #tpu.memory_space<semaphore_mem>>)
          %dma_wait3A = arith.constant 0 : i32
          %dma_wait3A_60 = tpu.memref_slice %arg2[%mul3A_54, %dma_wait3A] : memref<25000x128xi32, #tpu.memory_space<hbm>> -> memref<40x128xi32, #tpu.memory_space<hbm>>
          %dma_wait3A_61 = arith.constant 0 : i32
          %dma_wait3A_62 = tpu.memref_slice %arg2[%mul3A_54, %dma_wait3A_61] : memref<25000x128xi32, #tpu.memory_space<hbm>> -> memref<40x128xi32, #tpu.memory_space<hbm>>
          tpu.wait_dma2 semaphore(%run_scoped3A : memref<!tpu.dma_semaphore, #tpu.memory_space<semaphore_mem>>) src(%dma_wait3A_62 : memref<40x128xi32, #tpu.memory_space<hbm>>) dst(%arg8 : memref<40x128xi32, #tpu.memory_space<vmem>>)
          tpu.yield
        }) : () -> ()
        %mul3A_55 = arith.constant 40 : i32
        %mul3A_56 = arith.muli %add3A_38, %mul3A_55 : i32
        "tpu.region"() ({
          %run_scoped3A = tpu.sem_alloc : memref<!tpu.dma_semaphore, #tpu.memory_space<semaphore_mem>>
          %dma_start3A = arith.constant 0 : i32
          %dma_start3A_57 = tpu.memref_slice %arg3[%mul3A_56, %dma_start3A] : memref<25000x128xi32, #tpu.memory_space<hbm>> -> memref<40x128xi32, #tpu.memory_space<hbm>>
          %dma_start3A_58 = arith.constant 0 : i32
          %dma_start3A_59 = tpu.memref_slice %arg3[%mul3A_56, %dma_start3A_58] : memref<25000x128xi32, #tpu.memory_space<hbm>> -> memref<40x128xi32, #tpu.memory_space<hbm>>
          tpu.enqueue_dma source(%dma_start3A_59 : memref<40x128xi32, #tpu.memory_space<hbm>>) target(%arg9 : memref<40x128xi32, #tpu.memory_space<vmem>>) target_semaphore(%run_scoped3A : memref<!tpu.dma_semaphore, #tpu.memory_space<semaphore_mem>>)
          %dma_wait3A = arith.constant 0 : i32
          %dma_wait3A_60 = tpu.memref_slice %arg3[%mul3A_56, %dma_wait3A] : memref<25000x128xi32, #tpu.memory_space<hbm>> -> memref<40x128xi32, #tpu.memory_space<hbm>>
          %dma_wait3A_61 = arith.constant 0 : i32
          %dma_wait3A_62 = tpu.memref_slice %arg3[%mul3A_56, %dma_wait3A_61] : memref<25000x128xi32, #tpu.memory_space<hbm>> -> memref<40x128xi32, #tpu.memory_space<hbm>>
          tpu.wait_dma2 semaphore(%run_scoped3A : memref<!tpu.dma_semaphore, #tpu.memory_space<semaphore_mem>>) src(%dma_wait3A_62 : memref<40x128xi32, #tpu.memory_space<hbm>>) dst(%arg9 : memref<40x128xi32, #tpu.memory_space<vmem>>)
          tpu.yield
        }) : () -> ()
      } else {
      }
      %ge3A = arith.constant 625 : i32
      %ge3A_41 = arith.cmpi sge, %add3A_38, %ge3A : i32
      %convert_element_type3A_42 = arith.extui %ge3A_41 : i1 to i32
      %cond3A_43 = arith.constant 0 : i32
      %cond3A_44 = arith.cmpi ne, %convert_element_type3A_42, %cond3A_43 : i32
      scf.if %cond3A_44 {
        %sub3A = arith.constant 625 : i32
        %sub3A_53 = arith.subi %add3A_38, %sub3A : i32
        %mul3A_54 = arith.constant 40 : i32
        %mul3A_55 = arith.muli %sub3A_53, %mul3A_54 : i32
        "tpu.region"() ({
          %run_scoped3A = tpu.sem_alloc : memref<!tpu.dma_semaphore, #tpu.memory_space<semaphore_mem>>
          %dma_start3A = arith.constant 0 : i32
          %dma_start3A_60 = tpu.memref_slice %arg4[%mul3A_55, %dma_start3A] : memref<600x128xi32, #tpu.memory_space<hbm>> -> memref<40x128xi32, #tpu.memory_space<hbm>>
          %dma_start3A_61 = arith.constant 0 : i32
          %dma_start3A_62 = tpu.memref_slice %arg4[%mul3A_55, %dma_start3A_61] : memref<600x128xi32, #tpu.memory_space<hbm>> -> memref<40x128xi32, #tpu.memory_space<hbm>>
          tpu.enqueue_dma source(%dma_start3A_62 : memref<40x128xi32, #tpu.memory_space<hbm>>) target(%arg8 : memref<40x128xi32, #tpu.memory_space<vmem>>) target_semaphore(%run_scoped3A : memref<!tpu.dma_semaphore, #tpu.memory_space<semaphore_mem>>)
          %dma_wait3A = arith.constant 0 : i32
          %dma_wait3A_63 = tpu.memref_slice %arg4[%mul3A_55, %dma_wait3A] : memref<600x128xi32, #tpu.memory_space<hbm>> -> memref<40x128xi32, #tpu.memory_space<hbm>>
          %dma_wait3A_64 = arith.constant 0 : i32
          %dma_wait3A_65 = tpu.memref_slice %arg4[%mul3A_55, %dma_wait3A_64] : memref<600x128xi32, #tpu.memory_space<hbm>> -> memref<40x128xi32, #tpu.memory_space<hbm>>
          tpu.wait_dma2 semaphore(%run_scoped3A : memref<!tpu.dma_semaphore, #tpu.memory_space<semaphore_mem>>) src(%dma_wait3A_65 : memref<40x128xi32, #tpu.memory_space<hbm>>) dst(%arg8 : memref<40x128xi32, #tpu.memory_space<vmem>>)
          tpu.yield
        }) : () -> ()
        %sub3A_56 = arith.constant 625 : i32
        %sub3A_57 = arith.subi %add3A_38, %sub3A_56 : i32
        %mul3A_58 = arith.constant 40 : i32
        %mul3A_59 = arith.muli %sub3A_57, %mul3A_58 : i32
        "tpu.region"() ({
          %run_scoped3A = tpu.sem_alloc : memref<!tpu.dma_semaphore, #tpu.memory_space<semaphore_mem>>
          %dma_start3A = arith.constant 0 : i32
          %dma_start3A_60 = tpu.memref_slice %arg5[%mul3A_59, %dma_start3A] : memref<600x128xi32, #tpu.memory_space<hbm>> -> memref<40x128xi32, #tpu.memory_space<hbm>>
          %dma_start3A_61 = arith.constant 0 : i32
          %dma_start3A_62 = tpu.memref_slice %arg5[%mul3A_59, %dma_start3A_61] : memref<600x128xi32, #tpu.memory_space<hbm>> -> memref<40x128xi32, #tpu.memory_space<hbm>>
          tpu.enqueue_dma source(%dma_start3A_62 : memref<40x128xi32, #tpu.memory_space<hbm>>) target(%arg9 : memref<40x128xi32, #tpu.memory_space<vmem>>) target_semaphore(%run_scoped3A : memref<!tpu.dma_semaphore, #tpu.memory_space<semaphore_mem>>)
          %dma_wait3A = arith.constant 0 : i32
          %dma_wait3A_63 = tpu.memref_slice %arg5[%mul3A_59, %dma_wait3A] : memref<600x128xi32, #tpu.memory_space<hbm>> -> memref<40x128xi32, #tpu.memory_space<hbm>>
          %dma_wait3A_64 = arith.constant 0 : i32
          %dma_wait3A_65 = tpu.memref_slice %arg5[%mul3A_59, %dma_wait3A_64] : memref<600x128xi32, #tpu.memory_space<hbm>> -> memref<40x128xi32, #tpu.memory_space<hbm>>
          tpu.wait_dma2 semaphore(%run_scoped3A : memref<!tpu.dma_semaphore, #tpu.memory_space<semaphore_mem>>) src(%dma_wait3A_65 : memref<40x128xi32, #tpu.memory_space<hbm>>) dst(%arg9 : memref<40x128xi32, #tpu.memory_space<vmem>>)
          tpu.yield
        }) : () -> ()
      } else {
      }
      %scan3A_45 = arith.constant 0 : i32
      %scan3A_46 = arith.constant 0 : i32
      %scan3A_47 = arith.constant 5 : i32
      %scan3A_48 = arith.addi %scan3A_46, %scan3A_47 : i32
      %scan3A_49 = arith.constant 1 : i32
      %scan3A_50 = scf.for %scan3A_53 = %scan3A_46 to %scan3A_48 step %scan3A_49 iter_args(%scan3A_54 = %scan3A_45) -> (i32)  : i32 {
        %mul3A_55 = arith.constant 8 : i32
        %mul3A_56 = arith.muli %mul3A_55, %scan3A_53 : i32
        %add3A_57 = arith.constant 0 : i32
        %add3A_58 = arith.addi %mul3A_56, %add3A_57 : i32
        %dma_start3A = arith.constant 0 : i32
        %dma_start3A_59 = tpu.memref_slice %arg8[%add3A_58, %dma_start3A] : memref<40x128xi32, #tpu.memory_space<vmem>> -> memref<1x128xi32, #tpu.memory_space<vmem>>
        %dma_start3A_60 = tpu.memref_squeeze %dma_start3A_59 : memref<1x128xi32, #tpu.memory_space<vmem>> -> memref<128xi32, #tpu.memory_space<vmem>>
        %dma_start3A_61 = arith.constant 0 : i32
        %dma_start3A_62 = tpu.memref_slice %arg12[%dma_start3A_61] : memref<100352xf32, #tpu.memory_space<vmem_shared>> -> memref<100352xf32, #tpu.memory_space<vmem_shared>>
        tpu.enqueue_indirect_dma source(%arg10 : memref<128xf32, #tpu.memory_space<vmem>>) target(%dma_start3A_62 : memref<100352xf32, #tpu.memory_space<vmem_shared>>) offsets(%dma_start3A_60 : memref<128xi32, #tpu.memory_space<vmem>>) semaphore(%arg14 : memref<!tpu.dma_semaphore, #tpu.memory_space<semaphore_mem>>) {add = true}
        %mul3A_63 = arith.constant 8 : i32
        %mul3A_64 = arith.muli %mul3A_63, %scan3A_53 : i32
        %add3A_65 = arith.constant 0 : i32
        %add3A_66 = arith.addi %mul3A_64, %add3A_65 : i32
        %dma_start3A_67 = arith.constant 0 : i32
        %dma_start3A_68 = tpu.memref_slice %arg9[%add3A_66, %dma_start3A_67] : memref<40x128xi32, #tpu.memory_space<vmem>> -> memref<1x128xi32, #tpu.memory_space<vmem>>
        %dma_start3A_69 = tpu.memref_squeeze %dma_start3A_68 : memref<1x128xi32, #tpu.memory_space<vmem>> -> memref<128xi32, #tpu.memory_space<vmem>>
        %dma_start3A_70 = arith.constant 0 : i32
        %dma_start3A_71 = tpu.memref_slice %arg13[%dma_start3A_70] : memref<100352xf32, #tpu.memory_space<vmem_shared>> -> memref<100352xf32, #tpu.memory_space<vmem_shared>>
        tpu.enqueue_indirect_dma source(%arg10 : memref<128xf32, #tpu.memory_space<vmem>>) target(%dma_start3A_71 : memref<100352xf32, #tpu.memory_space<vmem_shared>>) offsets(%dma_start3A_69 : memref<128xi32, #tpu.memory_space<vmem>>) semaphore(%arg14 : memref<!tpu.dma_semaphore, #tpu.memory_space<semaphore_mem>>) {add = true}
        %mul3A_72 = arith.constant 8 : i32
        %mul3A_73 = arith.muli %mul3A_72, %scan3A_53 : i32
        %add3A_74 = arith.constant 1 : i32
        %add3A_75 = arith.addi %mul3A_73, %add3A_74 : i32
        %dma_start3A_76 = arith.constant 0 : i32
        %dma_start3A_77 = tpu.memref_slice %arg8[%add3A_75, %dma_start3A_76] : memref<40x128xi32, #tpu.memory_space<vmem>> -> memref<1x128xi32, #tpu.memory_space<vmem>>
        %dma_start3A_78 = tpu.memref_squeeze %dma_start3A_77 : memref<1x128xi32, #tpu.memory_space<vmem>> -> memref<128xi32, #tpu.memory_space<vmem>>
        %dma_start3A_79 = arith.constant 0 : i32
        %dma_start3A_80 = tpu.memref_slice %arg12[%dma_start3A_79] : memref<100352xf32, #tpu.memory_space<vmem_shared>> -> memref<100352xf32, #tpu.memory_space<vmem_shared>>
        tpu.enqueue_indirect_dma source(%arg10 : memref<128xf32, #tpu.memory_space<vmem>>) target(%dma_start3A_80 : memref<100352xf32, #tpu.memory_space<vmem_shared>>) offsets(%dma_start3A_78 : memref<128xi32, #tpu.memory_space<vmem>>) semaphore(%arg14 : memref<!tpu.dma_semaphore, #tpu.memory_space<semaphore_mem>>) {add = true}
        %mul3A_81 = arith.constant 8 : i32
        %mul3A_82 = arith.muli %mul3A_81, %scan3A_53 : i32
        %add3A_83 = arith.constant 1 : i32
        %add3A_84 = arith.addi %mul3A_82, %add3A_83 : i32
        %dma_start3A_85 = arith.constant 0 : i32
        %dma_start3A_86 = tpu.memref_slice %arg9[%add3A_84, %dma_start3A_85] : memref<40x128xi32, #tpu.memory_space<vmem>> -> memref<1x128xi32, #tpu.memory_space<vmem>>
        %dma_start3A_87 = tpu.memref_squeeze %dma_start3A_86 : memref<1x128xi32, #tpu.memory_space<vmem>> -> memref<128xi32, #tpu.memory_space<vmem>>
        %dma_start3A_88 = arith.constant 0 : i32
        %dma_start3A_89 = tpu.memref_slice %arg13[%dma_start3A_88] : memref<100352xf32, #tpu.memory_space<vmem_shared>> -> memref<100352xf32, #tpu.memory_space<vmem_shared>>
        tpu.enqueue_indirect_dma source(%arg10 : memref<128xf32, #tpu.memory_space<vmem>>) target(%dma_start3A_89 : memref<100352xf32, #tpu.memory_space<vmem_shared>>) offsets(%dma_start3A_87 : memref<128xi32, #tpu.memory_space<vmem>>) semaphore(%arg14 : memref<!tpu.dma_semaphore, #tpu.memory_space<semaphore_mem>>) {add = true}
        %mul3A_90 = arith.constant 8 : i32
        %mul3A_91 = arith.muli %mul3A_90, %scan3A_53 : i32
        %add3A_92 = arith.constant 2 : i32
        %add3A_93 = arith.addi %mul3A_91, %add3A_92 : i32
        %dma_start3A_94 = arith.constant 0 : i32
        %dma_start3A_95 = tpu.memref_slice %arg8[%add3A_93, %dma_start3A_94] : memref<40x128xi32, #tpu.memory_space<vmem>> -> memref<1x128xi32, #tpu.memory_space<vmem>>
        %dma_start3A_96 = tpu.memref_squeeze %dma_start3A_95 : memref<1x128xi32, #tpu.memory_space<vmem>> -> memref<128xi32, #tpu.memory_space<vmem>>
        %dma_start3A_97 = arith.constant 0 : i32
        %dma_start3A_98 = tpu.memref_slice %arg12[%dma_start3A_97] : memref<100352xf32, #tpu.memory_space<vmem_shared>> -> memref<100352xf32, #tpu.memory_space<vmem_shared>>
        tpu.enqueue_indirect_dma source(%arg10 : memref<128xf32, #tpu.memory_space<vmem>>) target(%dma_start3A_98 : memref<100352xf32, #tpu.memory_space<vmem_shared>>) offsets(%dma_start3A_96 : memref<128xi32, #tpu.memory_space<vmem>>) semaphore(%arg14 : memref<!tpu.dma_semaphore, #tpu.memory_space<semaphore_mem>>) {add = true}
        %mul3A_99 = arith.constant 8 : i32
        %mul3A_100 = arith.muli %mul3A_99, %scan3A_53 : i32
        %add3A_101 = arith.constant 2 : i32
        %add3A_102 = arith.addi %mul3A_100, %add3A_101 : i32
        %dma_start3A_103 = arith.constant 0 : i32
        %dma_start3A_104 = tpu.memref_slice %arg9[%add3A_102, %dma_start3A_103] : memref<40x128xi32, #tpu.memory_space<vmem>> -> memref<1x128xi32, #tpu.memory_space<vmem>>
        %dma_start3A_105 = tpu.memref_squeeze %dma_start3A_104 : memref<1x128xi32, #tpu.memory_space<vmem>> -> memref<128xi32, #tpu.memory_space<vmem>>
        %dma_start3A_106 = arith.constant 0 : i32
        %dma_start3A_107 = tpu.memref_slice %arg13[%dma_start3A_106] : memref<100352xf32, #tpu.memory_space<vmem_shared>> -> memref<100352xf32, #tpu.memory_space<vmem_shared>>
        tpu.enqueue_indirect_dma source(%arg10 : memref<128xf32, #tpu.memory_space<vmem>>) target(%dma_start3A_107 : memref<100352xf32, #tpu.memory_space<vmem_shared>>) offsets(%dma_start3A_105 : memref<128xi32, #tpu.memory_space<vmem>>) semaphore(%arg14 : memref<!tpu.dma_semaphore, #tpu.memory_space<semaphore_mem>>) {add = true}
        %mul3A_108 = arith.constant 8 : i32
        %mul3A_109 = arith.muli %mul3A_108, %scan3A_53 : i32
        %add3A_110 = arith.constant 3 : i32
        %add3A_111 = arith.addi %mul3A_109, %add3A_110 : i32
        %dma_start3A_112 = arith.constant 0 : i32
        %dma_start3A_113 = tpu.memref_slice %arg8[%add3A_111, %dma_start3A_112] : memref<40x128xi32, #tpu.memory_space<vmem>> -> memref<1x128xi32, #tpu.memory_space<vmem>>
        %dma_start3A_114 = tpu.memref_squeeze %dma_start3A_113 : memref<1x128xi32, #tpu.memory_space<vmem>> -> memref<128xi32, #tpu.memory_space<vmem>>
        %dma_start3A_115 = arith.constant 0 : i32
        %dma_start3A_116 = tpu.memref_slice %arg12[%dma_start3A_115] : memref<100352xf32, #tpu.memory_space<vmem_shared>> -> memref<100352xf32, #tpu.memory_space<vmem_shared>>
        tpu.enqueue_indirect_dma source(%arg10 : memref<128xf32, #tpu.memory_space<vmem>>) target(%dma_start3A_116 : memref<100352xf32, #tpu.memory_space<vmem_shared>>) offsets(%dma_start3A_114 : memref<128xi32, #tpu.memory_space<vmem>>) semaphore(%arg14 : memref<!tpu.dma_semaphore, #tpu.memory_space<semaphore_mem>>) {add = true}
        %mul3A_117 = arith.constant 8 : i32
        %mul3A_118 = arith.muli %mul3A_117, %scan3A_53 : i32
        %add3A_119 = arith.constant 3 : i32
        %add3A_120 = arith.addi %mul3A_118, %add3A_119 : i32
        %dma_start3A_121 = arith.constant 0 : i32
        %dma_start3A_122 = tpu.memref_slice %arg9[%add3A_120, %dma_start3A_121] : memref<40x128xi32, #tpu.memory_space<vmem>> -> memref<1x128xi32, #tpu.memory_space<vmem>>
        %dma_start3A_123 = tpu.memref_squeeze %dma_start3A_122 : memref<1x128xi32, #tpu.memory_space<vmem>> -> memref<128xi32, #tpu.memory_space<vmem>>
        %dma_start3A_124 = arith.constant 0 : i32
        %dma_start3A_125 = tpu.memref_slice %arg13[%dma_start3A_124] : memref<100352xf32, #tpu.memory_space<vmem_shared>> -> memref<100352xf32, #tpu.memory_space<vmem_shared>>
        tpu.enqueue_indirect_dma source(%arg10 : memref<128xf32, #tpu.memory_space<vmem>>) target(%dma_start3A_125 : memref<100352xf32, #tpu.memory_space<vmem_shared>>) offsets(%dma_start3A_123 : memref<128xi32, #tpu.memory_space<vmem>>) semaphore(%arg14 : memref<!tpu.dma_semaphore, #tpu.memory_space<semaphore_mem>>) {add = true}
        %mul3A_126 = arith.constant 8 : i32
        %mul3A_127 = arith.muli %mul3A_126, %scan3A_53 : i32
        %add3A_128 = arith.constant 4 : i32
        %add3A_129 = arith.addi %mul3A_127, %add3A_128 : i32
        %dma_start3A_130 = arith.constant 0 : i32
        %dma_start3A_131 = tpu.memref_slice %arg8[%add3A_129, %dma_start3A_130] : memref<40x128xi32, #tpu.memory_space<vmem>> -> memref<1x128xi32, #tpu.memory_space<vmem>>
        %dma_start3A_132 = tpu.memref_squeeze %dma_start3A_131 : memref<1x128xi32, #tpu.memory_space<vmem>> -> memref<128xi32, #tpu.memory_space<vmem>>
        %dma_start3A_133 = arith.constant 0 : i32
        %dma_start3A_134 = tpu.memref_slice %arg12[%dma_start3A_133] : memref<100352xf32, #tpu.memory_space<vmem_shared>> -> memref<100352xf32, #tpu.memory_space<vmem_shared>>
        tpu.enqueue_indirect_dma source(%arg10 : memref<128xf32, #tpu.memory_space<vmem>>) target(%dma_start3A_134 : memref<100352xf32, #tpu.memory_space<vmem_shared>>) offsets(%dma_start3A_132 : memref<128xi32, #tpu.memory_space<vmem>>) semaphore(%arg14 : memref<!tpu.dma_semaphore, #tpu.memory_space<semaphore_mem>>) {add = true}
        %mul3A_135 = arith.constant 8 : i32
        %mul3A_136 = arith.muli %mul3A_135, %scan3A_53 : i32
        %add3A_137 = arith.constant 4 : i32
        %add3A_138 = arith.addi %mul3A_136, %add3A_137 : i32
        %dma_start3A_139 = arith.constant 0 : i32
        %dma_start3A_140 = tpu.memref_slice %arg9[%add3A_138, %dma_start3A_139] : memref<40x128xi32, #tpu.memory_space<vmem>> -> memref<1x128xi32, #tpu.memory_space<vmem>>
        %dma_start3A_141 = tpu.memref_squeeze %dma_start3A_140 : memref<1x128xi32, #tpu.memory_space<vmem>> -> memref<128xi32, #tpu.memory_space<vmem>>
        %dma_start3A_142 = arith.constant 0 : i32
        %dma_start3A_143 = tpu.memref_slice %arg13[%dma_start3A_142] : memref<100352xf32, #tpu.memory_space<vmem_shared>> -> memref<100352xf32, #tpu.memory_space<vmem_shared>>
        tpu.enqueue_indirect_dma source(%arg10 : memref<128xf32, #tpu.memory_space<vmem>>) target(%dma_start3A_143 : memref<100352xf32, #tpu.memory_space<vmem_shared>>) offsets(%dma_start3A_141 : memref<128xi32, #tpu.memory_space<vmem>>) semaphore(%arg14 : memref<!tpu.dma_semaphore, #tpu.memory_space<semaphore_mem>>) {add = true}
        %mul3A_144 = arith.constant 8 : i32
        %mul3A_145 = arith.muli %mul3A_144, %scan3A_53 : i32
        %add3A_146 = arith.constant 5 : i32
        %add3A_147 = arith.addi %mul3A_145, %add3A_146 : i32
        %dma_start3A_148 = arith.constant 0 : i32
        %dma_start3A_149 = tpu.memref_slice %arg8[%add3A_147, %dma_start3A_148] : memref<40x128xi32, #tpu.memory_space<vmem>> -> memref<1x128xi32, #tpu.memory_space<vmem>>
        %dma_start3A_150 = tpu.memref_squeeze %dma_start3A_149 : memref<1x128xi32, #tpu.memory_space<vmem>> -> memref<128xi32, #tpu.memory_space<vmem>>
        %dma_start3A_151 = arith.constant 0 : i32
        %dma_start3A_152 = tpu.memref_slice %arg12[%dma_start3A_151] : memref<100352xf32, #tpu.memory_space<vmem_shared>> -> memref<100352xf32, #tpu.memory_space<vmem_shared>>
        tpu.enqueue_indirect_dma source(%arg10 : memref<128xf32, #tpu.memory_space<vmem>>) target(%dma_start3A_152 : memref<100352xf32, #tpu.memory_space<vmem_shared>>) offsets(%dma_start3A_150 : memref<128xi32, #tpu.memory_space<vmem>>) semaphore(%arg14 : memref<!tpu.dma_semaphore, #tpu.memory_space<semaphore_mem>>) {add = true}
        %mul3A_153 = arith.constant 8 : i32
        %mul3A_154 = arith.muli %mul3A_153, %scan3A_53 : i32
        %add3A_155 = arith.constant 5 : i32
        %add3A_156 = arith.addi %mul3A_154, %add3A_155 : i32
        %dma_start3A_157 = arith.constant 0 : i32
        %dma_start3A_158 = tpu.memref_slice %arg9[%add3A_156, %dma_start3A_157] : memref<40x128xi32, #tpu.memory_space<vmem>> -> memref<1x128xi32, #tpu.memory_space<vmem>>
        %dma_start3A_159 = tpu.memref_squeeze %dma_start3A_158 : memref<1x128xi32, #tpu.memory_space<vmem>> -> memref<128xi32, #tpu.memory_space<vmem>>
        %dma_start3A_160 = arith.constant 0 : i32
        %dma_start3A_161 = tpu.memref_slice %arg13[%dma_start3A_160] : memref<100352xf32, #tpu.memory_space<vmem_shared>> -> memref<100352xf32, #tpu.memory_space<vmem_shared>>
        tpu.enqueue_indirect_dma source(%arg10 : memref<128xf32, #tpu.memory_space<vmem>>) target(%dma_start3A_161 : memref<100352xf32, #tpu.memory_space<vmem_shared>>) offsets(%dma_start3A_159 : memref<128xi32, #tpu.memory_space<vmem>>) semaphore(%arg14 : memref<!tpu.dma_semaphore, #tpu.memory_space<semaphore_mem>>) {add = true}
        %mul3A_162 = arith.constant 8 : i32
        %mul3A_163 = arith.muli %mul3A_162, %scan3A_53 : i32
        %add3A_164 = arith.constant 6 : i32
        %add3A_165 = arith.addi %mul3A_163, %add3A_164 : i32
        %dma_start3A_166 = arith.constant 0 : i32
        %dma_start3A_167 = tpu.memref_slice %arg8[%add3A_165, %dma_start3A_166] : memref<40x128xi32, #tpu.memory_space<vmem>> -> memref<1x128xi32, #tpu.memory_space<vmem>>
        %dma_start3A_168 = tpu.memref_squeeze %dma_start3A_167 : memref<1x128xi32, #tpu.memory_space<vmem>> -> memref<128xi32, #tpu.memory_space<vmem>>
        %dma_start3A_169 = arith.constant 0 : i32
        %dma_start3A_170 = tpu.memref_slice %arg12[%dma_start3A_169] : memref<100352xf32, #tpu.memory_space<vmem_shared>> -> memref<100352xf32, #tpu.memory_space<vmem_shared>>
        tpu.enqueue_indirect_dma source(%arg10 : memref<128xf32, #tpu.memory_space<vmem>>) target(%dma_start3A_170 : memref<100352xf32, #tpu.memory_space<vmem_shared>>) offsets(%dma_start3A_168 : memref<128xi32, #tpu.memory_space<vmem>>) semaphore(%arg14 : memref<!tpu.dma_semaphore, #tpu.memory_space<semaphore_mem>>) {add = true}
        %mul3A_171 = arith.constant 8 : i32
        %mul3A_172 = arith.muli %mul3A_171, %scan3A_53 : i32
        %add3A_173 = arith.constant 6 : i32
        %add3A_174 = arith.addi %mul3A_172, %add3A_173 : i32
        %dma_start3A_175 = arith.constant 0 : i32
        %dma_start3A_176 = tpu.memref_slice %arg9[%add3A_174, %dma_start3A_175] : memref<40x128xi32, #tpu.memory_space<vmem>> -> memref<1x128xi32, #tpu.memory_space<vmem>>
        %dma_start3A_177 = tpu.memref_squeeze %dma_start3A_176 : memref<1x128xi32, #tpu.memory_space<vmem>> -> memref<128xi32, #tpu.memory_space<vmem>>
        %dma_start3A_178 = arith.constant 0 : i32
        %dma_start3A_179 = tpu.memref_slice %arg13[%dma_start3A_178] : memref<100352xf32, #tpu.memory_space<vmem_shared>> -> memref<100352xf32, #tpu.memory_space<vmem_shared>>
        tpu.enqueue_indirect_dma source(%arg10 : memref<128xf32, #tpu.memory_space<vmem>>) target(%dma_start3A_179 : memref<100352xf32, #tpu.memory_space<vmem_shared>>) offsets(%dma_start3A_177 : memref<128xi32, #tpu.memory_space<vmem>>) semaphore(%arg14 : memref<!tpu.dma_semaphore, #tpu.memory_space<semaphore_mem>>) {add = true}
        %mul3A_180 = arith.constant 8 : i32
        %mul3A_181 = arith.muli %mul3A_180, %scan3A_53 : i32
        %add3A_182 = arith.constant 7 : i32
        %add3A_183 = arith.addi %mul3A_181, %add3A_182 : i32
        %dma_start3A_184 = arith.constant 0 : i32
        %dma_start3A_185 = tpu.memref_slice %arg8[%add3A_183, %dma_start3A_184] : memref<40x128xi32, #tpu.memory_space<vmem>> -> memref<1x128xi32, #tpu.memory_space<vmem>>
        %dma_start3A_186 = tpu.memref_squeeze %dma_start3A_185 : memref<1x128xi32, #tpu.memory_space<vmem>> -> memref<128xi32, #tpu.memory_space<vmem>>
        %dma_start3A_187 = arith.constant 0 : i32
        %dma_start3A_188 = tpu.memref_slice %arg12[%dma_start3A_187] : memref<100352xf32, #tpu.memory_space<vmem_shared>> -> memref<100352xf32, #tpu.memory_space<vmem_shared>>
        tpu.enqueue_indirect_dma source(%arg10 : memref<128xf32, #tpu.memory_space<vmem>>) target(%dma_start3A_188 : memref<100352xf32, #tpu.memory_space<vmem_shared>>) offsets(%dma_start3A_186 : memref<128xi32, #tpu.memory_space<vmem>>) semaphore(%arg14 : memref<!tpu.dma_semaphore, #tpu.memory_space<semaphore_mem>>) {add = true}
        %mul3A_189 = arith.constant 8 : i32
        %mul3A_190 = arith.muli %mul3A_189, %scan3A_53 : i32
        %add3A_191 = arith.constant 7 : i32
        %add3A_192 = arith.addi %mul3A_190, %add3A_191 : i32
        %dma_start3A_193 = arith.constant 0 : i32
        %dma_start3A_194 = tpu.memref_slice %arg9[%add3A_192, %dma_start3A_193] : memref<40x128xi32, #tpu.memory_space<vmem>> -> memref<1x128xi32, #tpu.memory_space<vmem>>
        %dma_start3A_195 = tpu.memref_squeeze %dma_start3A_194 : memref<1x128xi32, #tpu.memory_space<vmem>> -> memref<128xi32, #tpu.memory_space<vmem>>
        %dma_start3A_196 = arith.constant 0 : i32
        %dma_start3A_197 = tpu.memref_slice %arg13[%dma_start3A_196] : memref<100352xf32, #tpu.memory_space<vmem_shared>> -> memref<100352xf32, #tpu.memory_space<vmem_shared>>
        tpu.enqueue_indirect_dma source(%arg10 : memref<128xf32, #tpu.memory_space<vmem>>) target(%dma_start3A_197 : memref<100352xf32, #tpu.memory_space<vmem_shared>>) offsets(%dma_start3A_195 : memref<128xi32, #tpu.memory_space<vmem>>) semaphore(%arg14 : memref<!tpu.dma_semaphore, #tpu.memory_space<semaphore_mem>>) {add = true}
        %dma_wait3A = arith.constant 0 : i32
        %dma_wait3A_198 = tpu.memref_slice %arg8[%add3A_58, %dma_wait3A] : memref<40x128xi32, #tpu.memory_space<vmem>> -> memref<1x128xi32, #tpu.memory_space<vmem>>
        %dma_wait3A_199 = tpu.memref_squeeze %dma_wait3A_198 : memref<1x128xi32, #tpu.memory_space<vmem>> -> memref<128xi32, #tpu.memory_space<vmem>>
        %dma_wait3A_200 = arith.constant 0 : i32
        %dma_wait3A_201 = tpu.memref_slice %arg12[%dma_wait3A_200] : memref<100352xf32, #tpu.memory_space<vmem_shared>> -> memref<100352xf32, #tpu.memory_space<vmem_shared>>
        tpu.wait_indirect_dma semaphore(%arg14 : memref<!tpu.dma_semaphore, #tpu.memory_space<semaphore_mem>>) src(%arg10 : memref<128xf32, #tpu.memory_space<vmem>>) dst(%dma_wait3A_201 : memref<100352xf32, #tpu.memory_space<vmem_shared>>)
        %dma_wait3A_202 = arith.constant 0 : i32
        %dma_wait3A_203 = tpu.memref_slice %arg9[%add3A_66, %dma_wait3A_202] : memref<40x128xi32, #tpu.memory_space<vmem>> -> memref<1x128xi32, #tpu.memory_space<vmem>>
        %dma_wait3A_204 = tpu.memref_squeeze %dma_wait3A_203 : memref<1x128xi32, #tpu.memory_space<vmem>> -> memref<128xi32, #tpu.memory_space<vmem>>
        %dma_wait3A_205 = arith.constant 0 : i32
        %dma_wait3A_206 = tpu.memref_slice %arg13[%dma_wait3A_205] : memref<100352xf32, #tpu.memory_space<vmem_shared>> -> memref<100352xf32, #tpu.memory_space<vmem_shared>>
        tpu.wait_indirect_dma semaphore(%arg14 : memref<!tpu.dma_semaphore, #tpu.memory_space<semaphore_mem>>) src(%arg10 : memref<128xf32, #tpu.memory_space<vmem>>) dst(%dma_wait3A_206 : memref<100352xf32, #tpu.memory_space<vmem_shared>>)
        %dma_wait3A_207 = arith.constant 0 : i32
        %dma_wait3A_208 = tpu.memref_slice %arg8[%add3A_75, %dma_wait3A_207] : memref<40x128xi32, #tpu.memory_space<vmem>> -> memref<1x128xi32, #tpu.memory_space<vmem>>
        %dma_wait3A_209 = tpu.memref_squeeze %dma_wait3A_208 : memref<1x128xi32, #tpu.memory_space<vmem>> -> memref<128xi32, #tpu.memory_space<vmem>>
        %dma_wait3A_210 = arith.constant 0 : i32
        %dma_wait3A_211 = tpu.memref_slice %arg12[%dma_wait3A_210] : memref<100352xf32, #tpu.memory_space<vmem_shared>> -> memref<100352xf32, #tpu.memory_space<vmem_shared>>
        tpu.wait_indirect_dma semaphore(%arg14 : memref<!tpu.dma_semaphore, #tpu.memory_space<semaphore_mem>>) src(%arg10 : memref<128xf32, #tpu.memory_space<vmem>>) dst(%dma_wait3A_211 : memref<100352xf32, #tpu.memory_space<vmem_shared>>)
        %dma_wait3A_212 = arith.constant 0 : i32
        %dma_wait3A_213 = tpu.memref_slice %arg9[%add3A_84, %dma_wait3A_212] : memref<40x128xi32, #tpu.memory_space<vmem>> -> memref<1x128xi32, #tpu.memory_space<vmem>>
        %dma_wait3A_214 = tpu.memref_squeeze %dma_wait3A_213 : memref<1x128xi32, #tpu.memory_space<vmem>> -> memref<128xi32, #tpu.memory_space<vmem>>
        %dma_wait3A_215 = arith.constant 0 : i32
        %dma_wait3A_216 = tpu.memref_slice %arg13[%dma_wait3A_215] : memref<100352xf32, #tpu.memory_space<vmem_shared>> -> memref<100352xf32, #tpu.memory_space<vmem_shared>>
        tpu.wait_indirect_dma semaphore(%arg14 : memref<!tpu.dma_semaphore, #tpu.memory_space<semaphore_mem>>) src(%arg10 : memref<128xf32, #tpu.memory_space<vmem>>) dst(%dma_wait3A_216 : memref<100352xf32, #tpu.memory_space<vmem_shared>>)
        %dma_wait3A_217 = arith.constant 0 : i32
        %dma_wait3A_218 = tpu.memref_slice %arg8[%add3A_93, %dma_wait3A_217] : memref<40x128xi32, #tpu.memory_space<vmem>> -> memref<1x128xi32, #tpu.memory_space<vmem>>
        %dma_wait3A_219 = tpu.memref_squeeze %dma_wait3A_218 : memref<1x128xi32, #tpu.memory_space<vmem>> -> memref<128xi32, #tpu.memory_space<vmem>>
        %dma_wait3A_220 = arith.constant 0 : i32
        %dma_wait3A_221 = tpu.memref_slice %arg12[%dma_wait3A_220] : memref<100352xf32, #tpu.memory_space<vmem_shared>> -> memref<100352xf32, #tpu.memory_space<vmem_shared>>
        tpu.wait_indirect_dma semaphore(%arg14 : memref<!tpu.dma_semaphore, #tpu.memory_space<semaphore_mem>>) src(%arg10 : memref<128xf32, #tpu.memory_space<vmem>>) dst(%dma_wait3A_221 : memref<100352xf32, #tpu.memory_space<vmem_shared>>)
        %dma_wait3A_222 = arith.constant 0 : i32
        %dma_wait3A_223 = tpu.memref_slice %arg9[%add3A_102, %dma_wait3A_222] : memref<40x128xi32, #tpu.memory_space<vmem>> -> memref<1x128xi32, #tpu.memory_space<vmem>>
        %dma_wait3A_224 = tpu.memref_squeeze %dma_wait3A_223 : memref<1x128xi32, #tpu.memory_space<vmem>> -> memref<128xi32, #tpu.memory_space<vmem>>
        %dma_wait3A_225 = arith.constant 0 : i32
        %dma_wait3A_226 = tpu.memref_slice %arg13[%dma_wait3A_225] : memref<100352xf32, #tpu.memory_space<vmem_shared>> -> memref<100352xf32, #tpu.memory_space<vmem_shared>>
        tpu.wait_indirect_dma semaphore(%arg14 : memref<!tpu.dma_semaphore, #tpu.memory_space<semaphore_mem>>) src(%arg10 : memref<128xf32, #tpu.memory_space<vmem>>) dst(%dma_wait3A_226 : memref<100352xf32, #tpu.memory_space<vmem_shared>>)
        %dma_wait3A_227 = arith.constant 0 : i32
        %dma_wait3A_228 = tpu.memref_slice %arg8[%add3A_111, %dma_wait3A_227] : memref<40x128xi32, #tpu.memory_space<vmem>> -> memref<1x128xi32, #tpu.memory_space<vmem>>
        %dma_wait3A_229 = tpu.memref_squeeze %dma_wait3A_228 : memref<1x128xi32, #tpu.memory_space<vmem>> -> memref<128xi32, #tpu.memory_space<vmem>>
        %dma_wait3A_230 = arith.constant 0 : i32
        %dma_wait3A_231 = tpu.memref_slice %arg12[%dma_wait3A_230] : memref<100352xf32, #tpu.memory_space<vmem_shared>> -> memref<100352xf32, #tpu.memory_space<vmem_shared>>
        tpu.wait_indirect_dma semaphore(%arg14 : memref<!tpu.dma_semaphore, #tpu.memory_space<semaphore_mem>>) src(%arg10 : memref<128xf32, #tpu.memory_space<vmem>>) dst(%dma_wait3A_231 : memref<100352xf32, #tpu.memory_space<vmem_shared>>)
        %dma_wait3A_232 = arith.constant 0 : i32
        %dma_wait3A_233 = tpu.memref_slice %arg9[%add3A_120, %dma_wait3A_232] : memref<40x128xi32, #tpu.memory_space<vmem>> -> memref<1x128xi32, #tpu.memory_space<vmem>>
        %dma_wait3A_234 = tpu.memref_squeeze %dma_wait3A_233 : memref<1x128xi32, #tpu.memory_space<vmem>> -> memref<128xi32, #tpu.memory_space<vmem>>
        %dma_wait3A_235 = arith.constant 0 : i32
        %dma_wait3A_236 = tpu.memref_slice %arg13[%dma_wait3A_235] : memref<100352xf32, #tpu.memory_space<vmem_shared>> -> memref<100352xf32, #tpu.memory_space<vmem_shared>>
        tpu.wait_indirect_dma semaphore(%arg14 : memref<!tpu.dma_semaphore, #tpu.memory_space<semaphore_mem>>) src(%arg10 : memref<128xf32, #tpu.memory_space<vmem>>) dst(%dma_wait3A_236 : memref<100352xf32, #tpu.memory_space<vmem_shared>>)
        %dma_wait3A_237 = arith.constant 0 : i32
        %dma_wait3A_238 = tpu.memref_slice %arg8[%add3A_129, %dma_wait3A_237] : memref<40x128xi32, #tpu.memory_space<vmem>> -> memref<1x128xi32, #tpu.memory_space<vmem>>
        %dma_wait3A_239 = tpu.memref_squeeze %dma_wait3A_238 : memref<1x128xi32, #tpu.memory_space<vmem>> -> memref<128xi32, #tpu.memory_space<vmem>>
        %dma_wait3A_240 = arith.constant 0 : i32
        %dma_wait3A_241 = tpu.memref_slice %arg12[%dma_wait3A_240] : memref<100352xf32, #tpu.memory_space<vmem_shared>> -> memref<100352xf32, #tpu.memory_space<vmem_shared>>
        tpu.wait_indirect_dma semaphore(%arg14 : memref<!tpu.dma_semaphore, #tpu.memory_space<semaphore_mem>>) src(%arg10 : memref<128xf32, #tpu.memory_space<vmem>>) dst(%dma_wait3A_241 : memref<100352xf32, #tpu.memory_space<vmem_shared>>)
        %dma_wait3A_242 = arith.constant 0 : i32
        %dma_wait3A_243 = tpu.memref_slice %arg9[%add3A_138, %dma_wait3A_242] : memref<40x128xi32, #tpu.memory_space<vmem>> -> memref<1x128xi32, #tpu.memory_space<vmem>>
        %dma_wait3A_244 = tpu.memref_squeeze %dma_wait3A_243 : memref<1x128xi32, #tpu.memory_space<vmem>> -> memref<128xi32, #tpu.memory_space<vmem>>
        %dma_wait3A_245 = arith.constant 0 : i32
        %dma_wait3A_246 = tpu.memref_slice %arg13[%dma_wait3A_245] : memref<100352xf32, #tpu.memory_space<vmem_shared>> -> memref<100352xf32, #tpu.memory_space<vmem_shared>>
        tpu.wait_indirect_dma semaphore(%arg14 : memref<!tpu.dma_semaphore, #tpu.memory_space<semaphore_mem>>) src(%arg10 : memref<128xf32, #tpu.memory_space<vmem>>) dst(%dma_wait3A_246 : memref<100352xf32, #tpu.memory_space<vmem_shared>>)
        %dma_wait3A_247 = arith.constant 0 : i32
        %dma_wait3A_248 = tpu.memref_slice %arg8[%add3A_147, %dma_wait3A_247] : memref<40x128xi32, #tpu.memory_space<vmem>> -> memref<1x128xi32, #tpu.memory_space<vmem>>
        %dma_wait3A_249 = tpu.memref_squeeze %dma_wait3A_248 : memref<1x128xi32, #tpu.memory_space<vmem>> -> memref<128xi32, #tpu.memory_space<vmem>>
        %dma_wait3A_250 = arith.constant 0 : i32
        %dma_wait3A_251 = tpu.memref_slice %arg12[%dma_wait3A_250] : memref<100352xf32, #tpu.memory_space<vmem_shared>> -> memref<100352xf32, #tpu.memory_space<vmem_shared>>
        tpu.wait_indirect_dma semaphore(%arg14 : memref<!tpu.dma_semaphore, #tpu.memory_space<semaphore_mem>>) src(%arg10 : memref<128xf32, #tpu.memory_space<vmem>>) dst(%dma_wait3A_251 : memref<100352xf32, #tpu.memory_space<vmem_shared>>)
        %dma_wait3A_252 = arith.constant 0 : i32
        %dma_wait3A_253 = tpu.memref_slice %arg9[%add3A_156, %dma_wait3A_252] : memref<40x128xi32, #tpu.memory_space<vmem>> -> memref<1x128xi32, #tpu.memory_space<vmem>>
        %dma_wait3A_254 = tpu.memref_squeeze %dma_wait3A_253 : memref<1x128xi32, #tpu.memory_space<vmem>> -> memref<128xi32, #tpu.memory_space<vmem>>
        %dma_wait3A_255 = arith.constant 0 : i32
        %dma_wait3A_256 = tpu.memref_slice %arg13[%dma_wait3A_255] : memref<100352xf32, #tpu.memory_space<vmem_shared>> -> memref<100352xf32, #tpu.memory_space<vmem_shared>>
        tpu.wait_indirect_dma semaphore(%arg14 : memref<!tpu.dma_semaphore, #tpu.memory_space<semaphore_mem>>) src(%arg10 : memref<128xf32, #tpu.memory_space<vmem>>) dst(%dma_wait3A_256 : memref<100352xf32, #tpu.memory_space<vmem_shared>>)
        %dma_wait3A_257 = arith.constant 0 : i32
        %dma_wait3A_258 = tpu.memref_slice %arg8[%add3A_165, %dma_wait3A_257] : memref<40x128xi32, #tpu.memory_space<vmem>> -> memref<1x128xi32, #tpu.memory_space<vmem>>
        %dma_wait3A_259 = tpu.memref_squeeze %dma_wait3A_258 : memref<1x128xi32, #tpu.memory_space<vmem>> -> memref<128xi32, #tpu.memory_space<vmem>>
        %dma_wait3A_260 = arith.constant 0 : i32
        %dma_wait3A_261 = tpu.memref_slice %arg12[%dma_wait3A_260] : memref<100352xf32, #tpu.memory_space<vmem_shared>> -> memref<100352xf32, #tpu.memory_space<vmem_shared>>
        tpu.wait_indirect_dma semaphore(%arg14 : memref<!tpu.dma_semaphore, #tpu.memory_space<semaphore_mem>>) src(%arg10 : memref<128xf32, #tpu.memory_space<vmem>>) dst(%dma_wait3A_261 : memref<100352xf32, #tpu.memory_space<vmem_shared>>)
        %dma_wait3A_262 = arith.constant 0 : i32
        %dma_wait3A_263 = tpu.memref_slice %arg9[%add3A_174, %dma_wait3A_262] : memref<40x128xi32, #tpu.memory_space<vmem>> -> memref<1x128xi32, #tpu.memory_space<vmem>>
        %dma_wait3A_264 = tpu.memref_squeeze %dma_wait3A_263 : memref<1x128xi32, #tpu.memory_space<vmem>> -> memref<128xi32, #tpu.memory_space<vmem>>
        %dma_wait3A_265 = arith.constant 0 : i32
        %dma_wait3A_266 = tpu.memref_slice %arg13[%dma_wait3A_265] : memref<100352xf32, #tpu.memory_space<vmem_shared>> -> memref<100352xf32, #tpu.memory_space<vmem_shared>>
        tpu.wait_indirect_dma semaphore(%arg14 : memref<!tpu.dma_semaphore, #tpu.memory_space<semaphore_mem>>) src(%arg10 : memref<128xf32, #tpu.memory_space<vmem>>) dst(%dma_wait3A_266 : memref<100352xf32, #tpu.memory_space<vmem_shared>>)
        %dma_wait3A_267 = arith.constant 0 : i32
        %dma_wait3A_268 = tpu.memref_slice %arg8[%add3A_183, %dma_wait3A_267] : memref<40x128xi32, #tpu.memory_space<vmem>> -> memref<1x128xi32, #tpu.memory_space<vmem>>
        %dma_wait3A_269 = tpu.memref_squeeze %dma_wait3A_268 : memref<1x128xi32, #tpu.memory_space<vmem>> -> memref<128xi32, #tpu.memory_space<vmem>>
        %dma_wait3A_270 = arith.constant 0 : i32
        %dma_wait3A_271 = tpu.memref_slice %arg12[%dma_wait3A_270] : memref<100352xf32, #tpu.memory_space<vmem_shared>> -> memref<100352xf32, #tpu.memory_space<vmem_shared>>
        tpu.wait_indirect_dma semaphore(%arg14 : memref<!tpu.dma_semaphore, #tpu.memory_space<semaphore_mem>>) src(%arg10 : memref<128xf32, #tpu.memory_space<vmem>>) dst(%dma_wait3A_271 : memref<100352xf32, #tpu.memory_space<vmem_shared>>)
        %dma_wait3A_272 = arith.constant 0 : i32
        %dma_wait3A_273 = tpu.memref_slice %arg9[%add3A_192, %dma_wait3A_272] : memref<40x128xi32, #tpu.memory_space<vmem>> -> memref<1x128xi32, #tpu.memory_space<vmem>>
        %dma_wait3A_274 = tpu.memref_squeeze %dma_wait3A_273 : memref<1x128xi32, #tpu.memory_space<vmem>> -> memref<128xi32, #tpu.memory_space<vmem>>
        %dma_wait3A_275 = arith.constant 0 : i32
        %dma_wait3A_276 = tpu.memref_slice %arg13[%dma_wait3A_275] : memref<100352xf32, #tpu.memory_space<vmem_shared>> -> memref<100352xf32, #tpu.memory_space<vmem_shared>>
        tpu.wait_indirect_dma semaphore(%arg14 : memref<!tpu.dma_semaphore, #tpu.memory_space<semaphore_mem>>) src(%arg10 : memref<128xf32, #tpu.memory_space<vmem>>) dst(%dma_wait3A_276 : memref<100352xf32, #tpu.memory_space<vmem_shared>>)
        %scan3A_277 = arith.constant 0 : i32
        scf.yield %scan3A_277 : i32
      }
      %scan3A_51 = arith.constant 5 : i32
      %scan3A_52 = arith.constant 0 : i32
      scf.yield %scan3A_52 : i32
    }
    %scan3A_26 = arith.constant 20 : i32
    %barrier3A_27 = arith.constant 0 : index
    tpu.barrier barrier_id(%barrier3A_27)
    %mul3A_28 = arith.constant 6272 : i32
    %mul3A_29 = arith.muli %arg1, %mul3A_28 : i32
    %mul3A_30 = arith.constant 6272 : i32
    %mul3A_31 = arith.muli %arg1, %mul3A_30 : i32
    "tpu.region"() ({
      %run_scoped3A = tpu.sem_alloc : memref<!tpu.dma_semaphore, #tpu.memory_space<semaphore_mem>>
      %dma_start3A = tpu.memref_slice %arg6[%arg0, %mul3A_31] : memref<2x100352xf32, #tpu.memory_space<hbm>> -> memref<1x6272xf32, #tpu.memory_space<hbm>>
      %dma_start3A_36 = tpu.memref_squeeze %dma_start3A : memref<1x6272xf32, #tpu.memory_space<hbm>> -> memref<6272xf32, #tpu.memory_space<hbm>>
      %dma_start3A_37 = tpu.memref_slice %arg12[%mul3A_29] : memref<100352xf32, #tpu.memory_space<vmem_shared>> -> memref<6272xf32, #tpu.memory_space<vmem_shared>>
      tpu.enqueue_dma source(%dma_start3A_37 : memref<6272xf32, #tpu.memory_space<vmem_shared>>) target(%dma_start3A_36 : memref<6272xf32, #tpu.memory_space<hbm>>) target_semaphore(%run_scoped3A : memref<!tpu.dma_semaphore, #tpu.memory_space<semaphore_mem>>)
      %dma_wait3A = tpu.memref_slice %arg6[%arg0, %mul3A_31] : memref<2x100352xf32, #tpu.memory_space<hbm>> -> memref<1x6272xf32, #tpu.memory_space<hbm>>
      %dma_wait3A_38 = tpu.memref_squeeze %dma_wait3A : memref<1x6272xf32, #tpu.memory_space<hbm>> -> memref<6272xf32, #tpu.memory_space<hbm>>
      %dma_wait3A_39 = tpu.memref_slice %arg12[%mul3A_29] : memref<100352xf32, #tpu.memory_space<vmem_shared>> -> memref<6272xf32, #tpu.memory_space<vmem_shared>>
      tpu.wait_dma2 semaphore(%run_scoped3A : memref<!tpu.dma_semaphore, #tpu.memory_space<semaphore_mem>>) src(%dma_wait3A_39 : memref<6272xf32, #tpu.memory_space<vmem_shared>>) dst(%dma_wait3A_38 : memref<6272xf32, #tpu.memory_space<hbm>>)
      tpu.yield
    }) : () -> ()
    %mul3A_32 = arith.constant 6272 : i32
    %mul3A_33 = arith.muli %arg1, %mul3A_32 : i32
    %mul3A_34 = arith.constant 6272 : i32
    %mul3A_35 = arith.muli %arg1, %mul3A_34 : i32
    "tpu.region"() ({
      %run_scoped3A = tpu.sem_alloc : memref<!tpu.dma_semaphore, #tpu.memory_space<semaphore_mem>>
      %dma_start3A = tpu.memref_slice %arg7[%arg0, %mul3A_35] : memref<2x100352xf32, #tpu.memory_space<hbm>> -> memref<1x6272xf32, #tpu.memory_space<hbm>>
      %dma_start3A_36 = tpu.memref_squeeze %dma_start3A : memref<1x6272xf32, #tpu.memory_space<hbm>> -> memref<6272xf32, #tpu.memory_space<hbm>>
      %dma_start3A_37 = tpu.memref_slice %arg13[%mul3A_33] : memref<100352xf32, #tpu.memory_space<vmem_shared>> -> memref<6272xf32, #tpu.memory_space<vmem_shared>>
      tpu.enqueue_dma source(%dma_start3A_37 : memref<6272xf32, #tpu.memory_space<vmem_shared>>) target(%dma_start3A_36 : memref<6272xf32, #tpu.memory_space<hbm>>) target_semaphore(%run_scoped3A : memref<!tpu.dma_semaphore, #tpu.memory_space<semaphore_mem>>)
      %dma_wait3A = tpu.memref_slice %arg7[%arg0, %mul3A_35] : memref<2x100352xf32, #tpu.memory_space<hbm>> -> memref<1x6272xf32, #tpu.memory_space<hbm>>
      %dma_wait3A_38 = tpu.memref_squeeze %dma_wait3A : memref<1x6272xf32, #tpu.memory_space<hbm>> -> memref<6272xf32, #tpu.memory_space<hbm>>
      %dma_wait3A_39 = tpu.memref_slice %arg13[%mul3A_33] : memref<100352xf32, #tpu.memory_space<vmem_shared>> -> memref<6272xf32, #tpu.memory_space<vmem_shared>>
      tpu.wait_dma2 semaphore(%run_scoped3A : memref<!tpu.dma_semaphore, #tpu.memory_space<semaphore_mem>>) src(%dma_wait3A_39 : memref<6272xf32, #tpu.memory_space<vmem_shared>>) dst(%dma_wait3A_38 : memref<6272xf32, #tpu.memory_space<hbm>>)
      tpu.yield
    }) : () -> ()
    return
  }
}

#map = affine_map<(d0, d1) -> (0, 0)>
#map1 = affine_map<(d0, d1) -> (0, 0, 0)>
module attributes {stable_mosaic.version = 14 : i64} {
  func.func @_agg_call(%arg0: i32, %arg1: i32, %arg2: memref<25600x128xi32, #tpu.memory_space<hbm>>, %arg3: memref<25600x128xi32, #tpu.memory_space<hbm>>, %arg4: memref<100352x16xf32, #tpu.memory_space<hbm>>, %arg5: memref<2x100352x16xf32, #tpu.memory_space<hbm>>, %arg6: memref<40x128xi32, #tpu.memory_space<vmem>>, %arg7: memref<40x128xi32, #tpu.memory_space<vmem>>, %arg8: memref<640x16xf32, #tpu.memory_space<vmem>>, %arg9: memref<640x16xf32, #tpu.memory_space<vmem>>, %arg10: memref<100352x16xf32, #tpu.memory_space<vmem_shared>>, %arg11: memref<!tpu.dma_semaphore, #tpu.memory_space<semaphore_mem>>, %arg12: memref<!tpu.dma_semaphore, #tpu.memory_space<semaphore_mem>>) attributes {dimension_semantics = [#tpu.dimension_semantics<core_parallel>, #tpu.dimension_semantics<subcore_parallel>], iteration_bounds = array<i64: 2, 16>, scalar_prefetch = 0 : i64, scratch_operands = 7 : i64, tpu.core_type = #tpu.core_type<sc_vector_subcore>, window_params = [{transform_indices = #map}, {transform_indices = #map}, {transform_indices = #map}, {transform_indices = #map1}]} {
    %scan3A = arith.constant 0 : i32
    %scan3A_0 = arith.constant 0 : i32
    %scan3A_1 = arith.constant 640 : i32
    %scan3A_2 = arith.addi %scan3A_0, %scan3A_1 : i32
    %scan3A_3 = arith.constant 1 : i32
    %scan3A_4 = scf.for %scan3A_32 = %scan3A_0 to %scan3A_2 step %scan3A_3 iter_args(%scan3A_33 = %scan3A) -> (i32)  : i32 {
      %broadcast_in_dim3A = arith.constant 0.000000e+00 : f32
      %broadcast_in_dim3A_34 = vector.broadcast %broadcast_in_dim3A : f32 to vector<16xf32>
      %swap3A = arith.index_cast %scan3A_32 : i32 to index
      %swap3A_35 = arith.constant 0 : index
      %swap3A_36 = tpu.vector_load %arg8[%swap3A, %swap3A_35] {strides = array<i32>} : memref<640x16xf32, #tpu.memory_space<vmem>>, vector<1x16xf32>,
      %swap3A_37 = vector.shape_cast %swap3A_36 : vector<1x16xf32> to vector<16xf32>
      %swap3A_38 = vector.shape_cast %broadcast_in_dim3A_34 : vector<16xf32> to vector<1x16xf32>
      tpu.vector_store %arg8[%swap3A, %swap3A_35], %swap3A_38 {strides = array<i32>} : memref<640x16xf32, #tpu.memory_space<vmem>>, vector<1x16xf32>,
      %scan3A_39 = arith.constant 0 : i32
      scf.yield %scan3A_39 : i32
    }
    %scan3A_5 = arith.constant 640 : i32
    %scan3A_6 = arith.constant 0 : i32
    %scan3A_7 = arith.constant 0 : i32
    %scan3A_8 = arith.constant 9 : i32
    %scan3A_9 = arith.addi %scan3A_7, %scan3A_8 : i32
    %scan3A_10 = arith.constant 1 : i32
    %scan3A_11 = scf.for %scan3A_32 = %scan3A_7 to %scan3A_9 step %scan3A_10 iter_args(%scan3A_33 = %scan3A_6) -> (i32)  : i32 {
      %mul3A_34 = arith.constant 6272 : i32
      %mul3A_35 = arith.muli %arg1, %mul3A_34 : i32
      %mul3A_36 = arith.constant 5 : i32
      %mul3A_37 = arith.muli %scan3A_32, %mul3A_36 : i32
      %mul3A_38 = arith.constant 128 : i32
      %mul3A_39 = arith.muli %mul3A_37, %mul3A_38 : i32
      %add3A_40 = arith.addi %mul3A_35, %mul3A_39 : i32
      "tpu.region"() ({
        %run_scoped3A = tpu.sem_alloc : memref<!tpu.dma_semaphore, #tpu.memory_space<semaphore_mem>>
        %dma_start3A = arith.constant 0 : i32
        %dma_start3A_42 = tpu.memref_slice %arg10[%add3A_40, %dma_start3A] : memref<100352x16xf32, #tpu.memory_space<vmem_shared>> -> memref<640x16xf32, #tpu.memory_space<vmem_shared>>
        %dma_start3A_43 = arith.constant 0 : i32
        %dma_start3A_44 = tpu.memref_slice %arg10[%add3A_40, %dma_start3A_43] : memref<100352x16xf32, #tpu.memory_space<vmem_shared>> -> memref<640x16xf32, #tpu.memory_space<vmem_shared>>
        tpu.enqueue_dma source(%arg8 : memref<640x16xf32, #tpu.memory_space<vmem>>) target(%dma_start3A_44 : memref<640x16xf32, #tpu.memory_space<vmem_shared>>) target_semaphore(%run_scoped3A : memref<!tpu.dma_semaphore, #tpu.memory_space<semaphore_mem>>)
        %dma_wait3A = arith.constant 0 : i32
        %dma_wait3A_45 = tpu.memref_slice %arg10[%add3A_40, %dma_wait3A] : memref<100352x16xf32, #tpu.memory_space<vmem_shared>> -> memref<640x16xf32, #tpu.memory_space<vmem_shared>>
        %dma_wait3A_46 = arith.constant 0 : i32
        %dma_wait3A_47 = tpu.memref_slice %arg10[%add3A_40, %dma_wait3A_46] : memref<100352x16xf32, #tpu.memory_space<vmem_shared>> -> memref<640x16xf32, #tpu.memory_space<vmem_shared>>
        tpu.wait_dma2 semaphore(%run_scoped3A : memref<!tpu.dma_semaphore, #tpu.memory_space<semaphore_mem>>) src(%arg8 : memref<640x16xf32, #tpu.memory_space<vmem>>) dst(%dma_wait3A_47 : memref<640x16xf32, #tpu.memory_space<vmem_shared>>)
        tpu.yield
      }) : () -> ()
      %scan3A_41 = arith.constant 0 : i32
      scf.yield %scan3A_41 : i32
    }
    %scan3A_12 = arith.constant 9 : i32
    %mul3A = arith.constant 6272 : i32
    %mul3A_13 = arith.muli %arg1, %mul3A : i32
    %add3A = arith.constant 5760 : i32
    %add3A_14 = arith.addi %mul3A_13, %add3A : i32
    "tpu.region"() ({
      %run_scoped3A = tpu.sem_alloc : memref<!tpu.dma_semaphore, #tpu.memory_space<semaphore_mem>>
      %dma_start3A = arith.constant 0 : i32
      %dma_start3A_32 = arith.constant 0 : i32
      %dma_start3A_33 = tpu.memref_slice %arg8[%dma_start3A, %dma_start3A_32] : memref<640x16xf32, #tpu.memory_space<vmem>> -> memref<512x16xf32, #tpu.memory_space<vmem>>
      %dma_start3A_34 = arith.constant 0 : i32
      %dma_start3A_35 = tpu.memref_slice %arg10[%add3A_14, %dma_start3A_34] : memref<100352x16xf32, #tpu.memory_space<vmem_shared>> -> memref<512x16xf32, #tpu.memory_space<vmem_shared>>
      %dma_start3A_36 = arith.constant 0 : i32
      %dma_start3A_37 = tpu.memref_slice %arg10[%add3A_14, %dma_start3A_36] : memref<100352x16xf32, #tpu.memory_space<vmem_shared>> -> memref<512x16xf32, #tpu.memory_space<vmem_shared>>
      %dma_start3A_38 = arith.constant 0 : i32
      %dma_start3A_39 = arith.constant 0 : i32
      %dma_start3A_40 = tpu.memref_slice %arg8[%dma_start3A_38, %dma_start3A_39] : memref<640x16xf32, #tpu.memory_space<vmem>> -> memref<512x16xf32, #tpu.memory_space<vmem>>
      tpu.enqueue_dma source(%dma_start3A_40 : memref<512x16xf32, #tpu.memory_space<vmem>>) target(%dma_start3A_37 : memref<512x16xf32, #tpu.memory_space<vmem_shared>>) target_semaphore(%run_scoped3A : memref<!tpu.dma_semaphore, #tpu.memory_space<semaphore_mem>>)
      %dma_wait3A = arith.constant 0 : i32
      %dma_wait3A_41 = arith.constant 0 : i32
      %dma_wait3A_42 = tpu.memref_slice %arg8[%dma_wait3A, %dma_wait3A_41] : memref<640x16xf32, #tpu.memory_space<vmem>> -> memref<512x16xf32, #tpu.memory_space<vmem>>
      %dma_wait3A_43 = arith.constant 0 : i32
      %dma_wait3A_44 = tpu.memref_slice %arg10[%add3A_14, %dma_wait3A_43] : memref<100352x16xf32, #tpu.memory_space<vmem_shared>> -> memref<512x16xf32, #tpu.memory_space<vmem_shared>>
      %dma_wait3A_45 = arith.constant 0 : i32
      %dma_wait3A_46 = tpu.memref_slice %arg10[%add3A_14, %dma_wait3A_45] : memref<100352x16xf32, #tpu.memory_space<vmem_shared>> -> memref<512x16xf32, #tpu.memory_space<vmem_shared>>
      %dma_wait3A_47 = arith.constant 0 : i32
      %dma_wait3A_48 = arith.constant 0 : i32
      %dma_wait3A_49 = tpu.memref_slice %arg8[%dma_wait3A_47, %dma_wait3A_48] : memref<640x16xf32, #tpu.memory_space<vmem>> -> memref<512x16xf32, #tpu.memory_space<vmem>>
      tpu.wait_dma2 semaphore(%run_scoped3A : memref<!tpu.dma_semaphore, #tpu.memory_space<semaphore_mem>>) src(%dma_wait3A_49 : memref<512x16xf32, #tpu.memory_space<vmem>>) dst(%dma_wait3A_46 : memref<512x16xf32, #tpu.memory_space<vmem_shared>>)
      tpu.yield
    }) : () -> ()
    %barrier3A = arith.constant 0 : index
    tpu.barrier barrier_id(%barrier3A)
    %mul3A_15 = arith.constant 16 : i32
    %mul3A_16 = arith.muli %arg0, %mul3A_15 : i32
    %add3A_17 = arith.addi %mul3A_16, %arg1 : i32
    %mul3A_18 = arith.constant 800 : i32
    %mul3A_19 = arith.muli %add3A_17, %mul3A_18 : i32
    %scan3A_20 = arith.constant 0 : i32
    %scan3A_21 = arith.constant 0 : i32
    %scan3A_22 = arith.constant 20 : i32
    %scan3A_23 = arith.addi %scan3A_21, %scan3A_22 : i32
    %scan3A_24 = arith.constant 1 : i32
    %scan3A_25 = scf.for %scan3A_32 = %scan3A_21 to %scan3A_23 step %scan3A_24 iter_args(%scan3A_33 = %scan3A_20) -> (i32)  : i32 {
      %mul3A_34 = arith.constant 40 : i32
      %mul3A_35 = arith.muli %scan3A_32, %mul3A_34 : i32
      %add3A_36 = arith.addi %mul3A_19, %mul3A_35 : i32
      "tpu.region"() ({
        %run_scoped3A = tpu.sem_alloc : memref<!tpu.dma_semaphore, #tpu.memory_space<semaphore_mem>>
        %dma_start3A_97 = arith.constant 0 : i32
        %dma_start3A_98 = tpu.memref_slice %arg2[%add3A_36, %dma_start3A_97] : memref<25600x128xi32, #tpu.memory_space<hbm>> -> memref<40x128xi32, #tpu.memory_space<hbm>>
        %dma_start3A_99 = arith.constant 0 : i32
        %dma_start3A_100 = tpu.memref_slice %arg2[%add3A_36, %dma_start3A_99] : memref<25600x128xi32, #tpu.memory_space<hbm>> -> memref<40x128xi32, #tpu.memory_space<hbm>>
        tpu.enqueue_dma source(%dma_start3A_100 : memref<40x128xi32, #tpu.memory_space<hbm>>) target(%arg6 : memref<40x128xi32, #tpu.memory_space<vmem>>) target_semaphore(%run_scoped3A : memref<!tpu.dma_semaphore, #tpu.memory_space<semaphore_mem>>)
        %dma_wait3A = arith.constant 0 : i32
        %dma_wait3A_101 = tpu.memref_slice %arg2[%add3A_36, %dma_wait3A] : memref<25600x128xi32, #tpu.memory_space<hbm>> -> memref<40x128xi32, #tpu.memory_space<hbm>>
        %dma_wait3A_102 = arith.constant 0 : i32
        %dma_wait3A_103 = tpu.memref_slice %arg2[%add3A_36, %dma_wait3A_102] : memref<25600x128xi32, #tpu.memory_space<hbm>> -> memref<40x128xi32, #tpu.memory_space<hbm>>
        tpu.wait_dma2 semaphore(%run_scoped3A : memref<!tpu.dma_semaphore, #tpu.memory_space<semaphore_mem>>) src(%dma_wait3A_103 : memref<40x128xi32, #tpu.memory_space<hbm>>) dst(%arg6 : memref<40x128xi32, #tpu.memory_space<vmem>>)
        tpu.yield
      }) : () -> ()
      %mul3A_37 = arith.constant 40 : i32
      %mul3A_38 = arith.muli %scan3A_32, %mul3A_37 : i32
      %add3A_39 = arith.addi %mul3A_19, %mul3A_38 : i32
      "tpu.region"() ({
        %run_scoped3A = tpu.sem_alloc : memref<!tpu.dma_semaphore, #tpu.memory_space<semaphore_mem>>
        %dma_start3A_97 = arith.constant 0 : i32
        %dma_start3A_98 = tpu.memref_slice %arg3[%add3A_39, %dma_start3A_97] : memref<25600x128xi32, #tpu.memory_space<hbm>> -> memref<40x128xi32, #tpu.memory_space<hbm>>
        %dma_start3A_99 = arith.constant 0 : i32
        %dma_start3A_100 = tpu.memref_slice %arg3[%add3A_39, %dma_start3A_99] : memref<25600x128xi32, #tpu.memory_space<hbm>> -> memref<40x128xi32, #tpu.memory_space<hbm>>
        tpu.enqueue_dma source(%dma_start3A_100 : memref<40x128xi32, #tpu.memory_space<hbm>>) target(%arg7 : memref<40x128xi32, #tpu.memory_space<vmem>>) target_semaphore(%run_scoped3A : memref<!tpu.dma_semaphore, #tpu.memory_space<semaphore_mem>>)
        %dma_wait3A = arith.constant 0 : i32
        %dma_wait3A_101 = tpu.memref_slice %arg3[%add3A_39, %dma_wait3A] : memref<25600x128xi32, #tpu.memory_space<hbm>> -> memref<40x128xi32, #tpu.memory_space<hbm>>
        %dma_wait3A_102 = arith.constant 0 : i32
        %dma_wait3A_103 = tpu.memref_slice %arg3[%add3A_39, %dma_wait3A_102] : memref<25600x128xi32, #tpu.memory_space<hbm>> -> memref<40x128xi32, #tpu.memory_space<hbm>>
        tpu.wait_dma2 semaphore(%run_scoped3A : memref<!tpu.dma_semaphore, #tpu.memory_space<semaphore_mem>>) src(%dma_wait3A_103 : memref<40x128xi32, #tpu.memory_space<hbm>>) dst(%arg7 : memref<40x128xi32, #tpu.memory_space<vmem>>)
        tpu.yield
      }) : () -> ()
      %dma_start3A = arith.constant 0 : i32
      %dma_start3A_40 = arith.constant 0 : i32
      %dma_start3A_41 = arith.constant 0 : i32
      %dma_start3A_42 = tpu.memref_slice %arg8[%dma_start3A_40, %dma_start3A_41] : memref<640x16xf32, #tpu.memory_space<vmem>> -> memref<128x16xf32, #tpu.memory_space<vmem>>
      %dma_start3A_43 = arith.constant 0 : i32
      %dma_start3A_44 = tpu.memref_slice %arg6[%dma_start3A, %dma_start3A_43] : memref<40x128xi32, #tpu.memory_space<vmem>> -> memref<1x128xi32, #tpu.memory_space<vmem>>
      %dma_start3A_45 = tpu.memref_squeeze %dma_start3A_44 : memref<1x128xi32, #tpu.memory_space<vmem>> -> memref<128xi32, #tpu.memory_space<vmem>>
      %dma_start3A_46 = arith.constant 0 : i32
      %dma_start3A_47 = arith.constant 0 : i32
      %dma_start3A_48 = tpu.memref_slice %arg4[%dma_start3A_46, %dma_start3A_47] : memref<100352x16xf32, #tpu.memory_space<hbm>> -> memref<100352x16xf32, #tpu.memory_space<hbm>>
      tpu.enqueue_indirect_dma source(%dma_start3A_48 : memref<100352x16xf32, #tpu.memory_space<hbm>>) target(%dma_start3A_42 : memref<128x16xf32, #tpu.memory_space<vmem>>) offsets(%dma_start3A_45 : memref<128xi32, #tpu.memory_space<vmem>>) semaphore(%arg11 : memref<!tpu.dma_semaphore, #tpu.memory_space<semaphore_mem>>)
      %dma_start3A_49 = arith.constant 1 : i32
      %dma_start3A_50 = arith.constant 128 : i32
      %dma_start3A_51 = arith.constant 0 : i32
      %dma_start3A_52 = tpu.memref_slice %arg8[%dma_start3A_50, %dma_start3A_51] : memref<640x16xf32, #tpu.memory_space<vmem>> -> memref<128x16xf32, #tpu.memory_space<vmem>>
      %dma_start3A_53 = arith.constant 0 : i32
      %dma_start3A_54 = tpu.memref_slice %arg6[%dma_start3A_49, %dma_start3A_53] : memref<40x128xi32, #tpu.memory_space<vmem>> -> memref<1x128xi32, #tpu.memory_space<vmem>>
      %dma_start3A_55 = tpu.memref_squeeze %dma_start3A_54 : memref<1x128xi32, #tpu.memory_space<vmem>> -> memref<128xi32, #tpu.memory_space<vmem>>
      %dma_start3A_56 = arith.constant 0 : i32
      %dma_start3A_57 = arith.constant 0 : i32
      %dma_start3A_58 = tpu.memref_slice %arg4[%dma_start3A_56, %dma_start3A_57] : memref<100352x16xf32, #tpu.memory_space<hbm>> -> memref<100352x16xf32, #tpu.memory_space<hbm>>
      tpu.enqueue_indirect_dma source(%dma_start3A_58 : memref<100352x16xf32, #tpu.memory_space<hbm>>) target(%dma_start3A_52 : memref<128x16xf32, #tpu.memory_space<vmem>>) offsets(%dma_start3A_55 : memref<128xi32, #tpu.memory_space<vmem>>) semaphore(%arg11 : memref<!tpu.dma_semaphore, #tpu.memory_space<semaphore_mem>>)
      %dma_start3A_59 = arith.constant 2 : i32
      %dma_start3A_60 = arith.constant 256 : i32
      %dma_start3A_61 = arith.constant 0 : i32
      %dma_start3A_62 = tpu.memref_slice %arg8[%dma_start3A_60, %dma_start3A_61] : memref<640x16xf32, #tpu.memory_space<vmem>> -> memref<128x16xf32, #tpu.memory_space<vmem>>
      %dma_start3A_63 = arith.constant 0 : i32
      %dma_start3A_64 = tpu.memref_slice %arg6[%dma_start3A_59, %dma_start3A_63] : memref<40x128xi32, #tpu.memory_space<vmem>> -> memref<1x128xi32, #tpu.memory_space<vmem>>
      %dma_start3A_65 = tpu.memref_squeeze %dma_start3A_64 : memref<1x128xi32, #tpu.memory_space<vmem>> -> memref<128xi32, #tpu.memory_space<vmem>>
      %dma_start3A_66 = arith.constant 0 : i32
      %dma_start3A_67 = arith.constant 0 : i32
      %dma_start3A_68 = tpu.memref_slice %arg4[%dma_start3A_66, %dma_start3A_67] : memref<100352x16xf32, #tpu.memory_space<hbm>> -> memref<100352x16xf32, #tpu.memory_space<hbm>>
      tpu.enqueue_indirect_dma source(%dma_start3A_68 : memref<100352x16xf32, #tpu.memory_space<hbm>>) target(%dma_start3A_62 : memref<128x16xf32, #tpu.memory_space<vmem>>) offsets(%dma_start3A_65 : memref<128xi32, #tpu.memory_space<vmem>>) semaphore(%arg11 : memref<!tpu.dma_semaphore, #tpu.memory_space<semaphore_mem>>)
      %dma_start3A_69 = arith.constant 3 : i32
      %dma_start3A_70 = arith.constant 384 : i32
      %dma_start3A_71 = arith.constant 0 : i32
      %dma_start3A_72 = tpu.memref_slice %arg8[%dma_start3A_70, %dma_start3A_71] : memref<640x16xf32, #tpu.memory_space<vmem>> -> memref<128x16xf32, #tpu.memory_space<vmem>>
      %dma_start3A_73 = arith.constant 0 : i32
      %dma_start3A_74 = tpu.memref_slice %arg6[%dma_start3A_69, %dma_start3A_73] : memref<40x128xi32, #tpu.memory_space<vmem>> -> memref<1x128xi32, #tpu.memory_space<vmem>>
      %dma_start3A_75 = tpu.memref_squeeze %dma_start3A_74 : memref<1x128xi32, #tpu.memory_space<vmem>> -> memref<128xi32, #tpu.memory_space<vmem>>
      %dma_start3A_76 = arith.constant 0 : i32
      %dma_start3A_77 = arith.constant 0 : i32
      %dma_start3A_78 = tpu.memref_slice %arg4[%dma_start3A_76, %dma_start3A_77] : memref<100352x16xf32, #tpu.memory_space<hbm>> -> memref<100352x16xf32, #tpu.memory_space<hbm>>
      tpu.enqueue_indirect_dma source(%dma_start3A_78 : memref<100352x16xf32, #tpu.memory_space<hbm>>) target(%dma_start3A_72 : memref<128x16xf32, #tpu.memory_space<vmem>>) offsets(%dma_start3A_75 : memref<128xi32, #tpu.memory_space<vmem>>) semaphore(%arg11 : memref<!tpu.dma_semaphore, #tpu.memory_space<semaphore_mem>>)
      %dma_start3A_79 = arith.constant 4 : i32
      %dma_start3A_80 = arith.constant 512 : i32
      %dma_start3A_81 = arith.constant 0 : i32
      %dma_start3A_82 = tpu.memref_slice %arg8[%dma_start3A_80, %dma_start3A_81] : memref<640x16xf32, #tpu.memory_space<vmem>> -> memref<128x16xf32, #tpu.memory_space<vmem>>
      %dma_start3A_83 = arith.constant 0 : i32
      %dma_start3A_84 = tpu.memref_slice %arg6[%dma_start3A_79, %dma_start3A_83] : memref<40x128xi32, #tpu.memory_space<vmem>> -> memref<1x128xi32, #tpu.memory_space<vmem>>
      %dma_start3A_85 = tpu.memref_squeeze %dma_start3A_84 : memref<1x128xi32, #tpu.memory_space<vmem>> -> memref<128xi32, #tpu.memory_space<vmem>>
      %dma_start3A_86 = arith.constant 0 : i32
      %dma_start3A_87 = arith.constant 0 : i32
      %dma_start3A_88 = tpu.memref_slice %arg4[%dma_start3A_86, %dma_start3A_87] : memref<100352x16xf32, #tpu.memory_space<hbm>> -> memref<100352x16xf32, #tpu.memory_space<hbm>>
      tpu.enqueue_indirect_dma source(%dma_start3A_88 : memref<100352x16xf32, #tpu.memory_space<hbm>>) target(%dma_start3A_82 : memref<128x16xf32, #tpu.memory_space<vmem>>) offsets(%dma_start3A_85 : memref<128xi32, #tpu.memory_space<vmem>>) semaphore(%arg11 : memref<!tpu.dma_semaphore, #tpu.memory_space<semaphore_mem>>)
      %scan3A_89 = arith.constant 0 : i32
      %scan3A_90 = arith.constant 0 : i32
      %scan3A_91 = arith.constant 4 : i32
      %scan3A_92 = arith.addi %scan3A_90, %scan3A_91 : i32
      %scan3A_93 = arith.constant 1 : i32
      %scan3A_94 = scf.for %scan3A_97 = %scan3A_90 to %scan3A_92 step %scan3A_93 iter_args(%scan3A_98 = %scan3A_89) -> (i32)  : i32 {
        %mul3A_99 = arith.constant 10 : i32
        %mul3A_100 = arith.muli %mul3A_99, %scan3A_97 : i32
        %add3A_101 = arith.constant 5 : i32
        %add3A_102 = arith.addi %mul3A_100, %add3A_101 : i32
        %add3A_103 = arith.constant 0 : i32
        %add3A_104 = arith.addi %add3A_102, %add3A_103 : i32
        %dma_start3A_105 = arith.constant 0 : i32
        %dma_start3A_106 = arith.constant 0 : i32
        %dma_start3A_107 = tpu.memref_slice %arg9[%dma_start3A_105, %dma_start3A_106] : memref<640x16xf32, #tpu.memory_space<vmem>> -> memref<128x16xf32, #tpu.memory_space<vmem>>
        %dma_start3A_108 = arith.constant 0 : i32
        %dma_start3A_109 = tpu.memref_slice %arg6[%add3A_104, %dma_start3A_108] : memref<40x128xi32, #tpu.memory_space<vmem>> -> memref<1x128xi32, #tpu.memory_space<vmem>>
        %dma_start3A_110 = tpu.memref_squeeze %dma_start3A_109 : memref<1x128xi32, #tpu.memory_space<vmem>> -> memref<128xi32, #tpu.memory_space<vmem>>
        %dma_start3A_111 = arith.constant 0 : i32
        %dma_start3A_112 = arith.constant 0 : i32
        %dma_start3A_113 = tpu.memref_slice %arg4[%dma_start3A_111, %dma_start3A_112] : memref<100352x16xf32, #tpu.memory_space<hbm>> -> memref<100352x16xf32, #tpu.memory_space<hbm>>
        tpu.enqueue_indirect_dma source(%dma_start3A_113 : memref<100352x16xf32, #tpu.memory_space<hbm>>) target(%dma_start3A_107 : memref<128x16xf32, #tpu.memory_space<vmem>>) offsets(%dma_start3A_110 : memref<128xi32, #tpu.memory_space<vmem>>) semaphore(%arg12 : memref<!tpu.dma_semaphore, #tpu.memory_space<semaphore_mem>>)
        %add3A_114 = arith.constant 5 : i32
        %add3A_115 = arith.addi %mul3A_100, %add3A_114 : i32
        %add3A_116 = arith.constant 1 : i32
        %add3A_117 = arith.addi %add3A_115, %add3A_116 : i32
        %dma_start3A_118 = arith.constant 128 : i32
        %dma_start3A_119 = arith.constant 0 : i32
        %dma_start3A_120 = tpu.memref_slice %arg9[%dma_start3A_118, %dma_start3A_119] : memref<640x16xf32, #tpu.memory_space<vmem>> -> memref<128x16xf32, #tpu.memory_space<vmem>>
        %dma_start3A_121 = arith.constant 0 : i32
        %dma_start3A_122 = tpu.memref_slice %arg6[%add3A_117, %dma_start3A_121] : memref<40x128xi32, #tpu.memory_space<vmem>> -> memref<1x128xi32, #tpu.memory_space<vmem>>
        %dma_start3A_123 = tpu.memref_squeeze %dma_start3A_122 : memref<1x128xi32, #tpu.memory_space<vmem>> -> memref<128xi32, #tpu.memory_space<vmem>>
        %dma_start3A_124 = arith.constant 0 : i32
        %dma_start3A_125 = arith.constant 0 : i32
        %dma_start3A_126 = tpu.memref_slice %arg4[%dma_start3A_124, %dma_start3A_125] : memref<100352x16xf32, #tpu.memory_space<hbm>> -> memref<100352x16xf32, #tpu.memory_space<hbm>>
        tpu.enqueue_indirect_dma source(%dma_start3A_126 : memref<100352x16xf32, #tpu.memory_space<hbm>>) target(%dma_start3A_120 : memref<128x16xf32, #tpu.memory_space<vmem>>) offsets(%dma_start3A_123 : memref<128xi32, #tpu.memory_space<vmem>>) semaphore(%arg12 : memref<!tpu.dma_semaphore, #tpu.memory_space<semaphore_mem>>)
        %add3A_127 = arith.constant 5 : i32
        %add3A_128 = arith.addi %mul3A_100, %add3A_127 : i32
        %add3A_129 = arith.constant 2 : i32
        %add3A_130 = arith.addi %add3A_128, %add3A_129 : i32
        %dma_start3A_131 = arith.constant 256 : i32
        %dma_start3A_132 = arith.constant 0 : i32
        %dma_start3A_133 = tpu.memref_slice %arg9[%dma_start3A_131, %dma_start3A_132] : memref<640x16xf32, #tpu.memory_space<vmem>> -> memref<128x16xf32, #tpu.memory_space<vmem>>
        %dma_start3A_134 = arith.constant 0 : i32
        %dma_start3A_135 = tpu.memref_slice %arg6[%add3A_130, %dma_start3A_134] : memref<40x128xi32, #tpu.memory_space<vmem>> -> memref<1x128xi32, #tpu.memory_space<vmem>>
        %dma_start3A_136 = tpu.memref_squeeze %dma_start3A_135 : memref<1x128xi32, #tpu.memory_space<vmem>> -> memref<128xi32, #tpu.memory_space<vmem>>
        %dma_start3A_137 = arith.constant 0 : i32
        %dma_start3A_138 = arith.constant 0 : i32
        %dma_start3A_139 = tpu.memref_slice %arg4[%dma_start3A_137, %dma_start3A_138] : memref<100352x16xf32, #tpu.memory_space<hbm>> -> memref<100352x16xf32, #tpu.memory_space<hbm>>
        tpu.enqueue_indirect_dma source(%dma_start3A_139 : memref<100352x16xf32, #tpu.memory_space<hbm>>) target(%dma_start3A_133 : memref<128x16xf32, #tpu.memory_space<vmem>>) offsets(%dma_start3A_136 : memref<128xi32, #tpu.memory_space<vmem>>) semaphore(%arg12 : memref<!tpu.dma_semaphore, #tpu.memory_space<semaphore_mem>>)
        %add3A_140 = arith.constant 5 : i32
        %add3A_141 = arith.addi %mul3A_100, %add3A_140 : i32
        %add3A_142 = arith.constant 3 : i32
        %add3A_143 = arith.addi %add3A_141, %add3A_142 : i32
        %dma_start3A_144 = arith.constant 384 : i32
        %dma_start3A_145 = arith.constant 0 : i32
        %dma_start3A_146 = tpu.memref_slice %arg9[%dma_start3A_144, %dma_start3A_145] : memref<640x16xf32, #tpu.memory_space<vmem>> -> memref<128x16xf32, #tpu.memory_space<vmem>>
        %dma_start3A_147 = arith.constant 0 : i32
        %dma_start3A_148 = tpu.memref_slice %arg6[%add3A_143, %dma_start3A_147] : memref<40x128xi32, #tpu.memory_space<vmem>> -> memref<1x128xi32, #tpu.memory_space<vmem>>
        %dma_start3A_149 = tpu.memref_squeeze %dma_start3A_148 : memref<1x128xi32, #tpu.memory_space<vmem>> -> memref<128xi32, #tpu.memory_space<vmem>>
        %dma_start3A_150 = arith.constant 0 : i32
        %dma_start3A_151 = arith.constant 0 : i32
        %dma_start3A_152 = tpu.memref_slice %arg4[%dma_start3A_150, %dma_start3A_151] : memref<100352x16xf32, #tpu.memory_space<hbm>> -> memref<100352x16xf32, #tpu.memory_space<hbm>>
        tpu.enqueue_indirect_dma source(%dma_start3A_152 : memref<100352x16xf32, #tpu.memory_space<hbm>>) target(%dma_start3A_146 : memref<128x16xf32, #tpu.memory_space<vmem>>) offsets(%dma_start3A_149 : memref<128xi32, #tpu.memory_space<vmem>>) semaphore(%arg12 : memref<!tpu.dma_semaphore, #tpu.memory_space<semaphore_mem>>)
        %add3A_153 = arith.constant 5 : i32
        %add3A_154 = arith.addi %mul3A_100, %add3A_153 : i32
        %add3A_155 = arith.constant 4 : i32
        %add3A_156 = arith.addi %add3A_154, %add3A_155 : i32
        %dma_start3A_157 = arith.constant 512 : i32
        %dma_start3A_158 = arith.constant 0 : i32
        %dma_start3A_159 = tpu.memref_slice %arg9[%dma_start3A_157, %dma_start3A_158] : memref<640x16xf32, #tpu.memory_space<vmem>> -> memref<128x16xf32, #tpu.memory_space<vmem>>
        %dma_start3A_160 = arith.constant 0 : i32
        %dma_start3A_161 = tpu.memref_slice %arg6[%add3A_156, %dma_start3A_160] : memref<40x128xi32, #tpu.memory_space<vmem>> -> memref<1x128xi32, #tpu.memory_space<vmem>>
        %dma_start3A_162 = tpu.memref_squeeze %dma_start3A_161 : memref<1x128xi32, #tpu.memory_space<vmem>> -> memref<128xi32, #tpu.memory_space<vmem>>
        %dma_start3A_163 = arith.constant 0 : i32
        %dma_start3A_164 = arith.constant 0 : i32
        %dma_start3A_165 = tpu.memref_slice %arg4[%dma_start3A_163, %dma_start3A_164] : memref<100352x16xf32, #tpu.memory_space<hbm>> -> memref<100352x16xf32, #tpu.memory_space<hbm>>
        tpu.enqueue_indirect_dma source(%dma_start3A_165 : memref<100352x16xf32, #tpu.memory_space<hbm>>) target(%dma_start3A_159 : memref<128x16xf32, #tpu.memory_space<vmem>>) offsets(%dma_start3A_162 : memref<128xi32, #tpu.memory_space<vmem>>) semaphore(%arg12 : memref<!tpu.dma_semaphore, #tpu.memory_space<semaphore_mem>>)
        %add3A_166 = arith.constant 0 : i32
        %add3A_167 = arith.addi %mul3A_100, %add3A_166 : i32
        %dma_wait3A = arith.constant 0 : i32
        %dma_wait3A_168 = arith.constant 0 : i32
        %dma_wait3A_169 = tpu.memref_slice %arg8[%dma_wait3A, %dma_wait3A_168] : memref<640x16xf32, #tpu.memory_space<vmem>> -> memref<128x16xf32, #tpu.memory_space<vmem>>
        %dma_wait3A_170 = arith.constant 0 : i32
        %dma_wait3A_171 = tpu.memref_slice %arg6[%add3A_167, %dma_wait3A_170] : memref<40x128xi32, #tpu.memory_space<vmem>> -> memref<1x128xi32, #tpu.memory_space<vmem>>
        %dma_wait3A_172 = tpu.memref_squeeze %dma_wait3A_171 : memref<1x128xi32, #tpu.memory_space<vmem>> -> memref<128xi32, #tpu.memory_space<vmem>>
        %dma_wait3A_173 = arith.constant 0 : i32
        %dma_wait3A_174 = arith.constant 0 : i32
        %dma_wait3A_175 = tpu.memref_slice %arg4[%dma_wait3A_173, %dma_wait3A_174] : memref<100352x16xf32, #tpu.memory_space<hbm>> -> memref<100352x16xf32, #tpu.memory_space<hbm>>
        tpu.wait_indirect_dma semaphore(%arg11 : memref<!tpu.dma_semaphore, #tpu.memory_space<semaphore_mem>>) src(%dma_wait3A_175 : memref<100352x16xf32, #tpu.memory_space<hbm>>) dst(%dma_wait3A_169 : memref<128x16xf32, #tpu.memory_space<vmem>>)
        %add3A_176 = arith.constant 1 : i32
        %add3A_177 = arith.addi %mul3A_100, %add3A_176 : i32
        %dma_wait3A_178 = arith.constant 128 : i32
        %dma_wait3A_179 = arith.constant 0 : i32
        %dma_wait3A_180 = tpu.memref_slice %arg8[%dma_wait3A_178, %dma_wait3A_179] : memref<640x16xf32, #tpu.memory_space<vmem>> -> memref<128x16xf32, #tpu.memory_space<vmem>>
        %dma_wait3A_181 = arith.constant 0 : i32
        %dma_wait3A_182 = tpu.memref_slice %arg6[%add3A_177, %dma_wait3A_181] : memref<40x128xi32, #tpu.memory_space<vmem>> -> memref<1x128xi32, #tpu.memory_space<vmem>>
        %dma_wait3A_183 = tpu.memref_squeeze %dma_wait3A_182 : memref<1x128xi32, #tpu.memory_space<vmem>> -> memref<128xi32, #tpu.memory_space<vmem>>
        %dma_wait3A_184 = arith.constant 0 : i32
        %dma_wait3A_185 = arith.constant 0 : i32
        %dma_wait3A_186 = tpu.memref_slice %arg4[%dma_wait3A_184, %dma_wait3A_185] : memref<100352x16xf32, #tpu.memory_space<hbm>> -> memref<100352x16xf32, #tpu.memory_space<hbm>>
        tpu.wait_indirect_dma semaphore(%arg11 : memref<!tpu.dma_semaphore, #tpu.memory_space<semaphore_mem>>) src(%dma_wait3A_186 : memref<100352x16xf32, #tpu.memory_space<hbm>>) dst(%dma_wait3A_180 : memref<128x16xf32, #tpu.memory_space<vmem>>)
        %add3A_187 = arith.constant 2 : i32
        %add3A_188 = arith.addi %mul3A_100, %add3A_187 : i32
        %dma_wait3A_189 = arith.constant 256 : i32
        %dma_wait3A_190 = arith.constant 0 : i32
        %dma_wait3A_191 = tpu.memref_slice %arg8[%dma_wait3A_189, %dma_wait3A_190] : memref<640x16xf32, #tpu.memory_space<vmem>> -> memref<128x16xf32, #tpu.memory_space<vmem>>
        %dma_wait3A_192 = arith.constant 0 : i32
        %dma_wait3A_193 = tpu.memref_slice %arg6[%add3A_188, %dma_wait3A_192] : memref<40x128xi32, #tpu.memory_space<vmem>> -> memref<1x128xi32, #tpu.memory_space<vmem>>
        %dma_wait3A_194 = tpu.memref_squeeze %dma_wait3A_193 : memref<1x128xi32, #tpu.memory_space<vmem>> -> memref<128xi32, #tpu.memory_space<vmem>>
        %dma_wait3A_195 = arith.constant 0 : i32
        %dma_wait3A_196 = arith.constant 0 : i32
        %dma_wait3A_197 = tpu.memref_slice %arg4[%dma_wait3A_195, %dma_wait3A_196] : memref<100352x16xf32, #tpu.memory_space<hbm>> -> memref<100352x16xf32, #tpu.memory_space<hbm>>
        tpu.wait_indirect_dma semaphore(%arg11 : memref<!tpu.dma_semaphore, #tpu.memory_space<semaphore_mem>>) src(%dma_wait3A_197 : memref<100352x16xf32, #tpu.memory_space<hbm>>) dst(%dma_wait3A_191 : memref<128x16xf32, #tpu.memory_space<vmem>>)
        %add3A_198 = arith.constant 3 : i32
        %add3A_199 = arith.addi %mul3A_100, %add3A_198 : i32
        %dma_wait3A_200 = arith.constant 384 : i32
        %dma_wait3A_201 = arith.constant 0 : i32
        %dma_wait3A_202 = tpu.memref_slice %arg8[%dma_wait3A_200, %dma_wait3A_201] : memref<640x16xf32, #tpu.memory_space<vmem>> -> memref<128x16xf32, #tpu.memory_space<vmem>>
        %dma_wait3A_203 = arith.constant 0 : i32
        %dma_wait3A_204 = tpu.memref_slice %arg6[%add3A_199, %dma_wait3A_203] : memref<40x128xi32, #tpu.memory_space<vmem>> -> memref<1x128xi32, #tpu.memory_space<vmem>>
        %dma_wait3A_205 = tpu.memref_squeeze %dma_wait3A_204 : memref<1x128xi32, #tpu.memory_space<vmem>> -> memref<128xi32, #tpu.memory_space<vmem>>
        %dma_wait3A_206 = arith.constant 0 : i32
        %dma_wait3A_207 = arith.constant 0 : i32
        %dma_wait3A_208 = tpu.memref_slice %arg4[%dma_wait3A_206, %dma_wait3A_207] : memref<100352x16xf32, #tpu.memory_space<hbm>> -> memref<100352x16xf32, #tpu.memory_space<hbm>>
        tpu.wait_indirect_dma semaphore(%arg11 : memref<!tpu.dma_semaphore, #tpu.memory_space<semaphore_mem>>) src(%dma_wait3A_208 : memref<100352x16xf32, #tpu.memory_space<hbm>>) dst(%dma_wait3A_202 : memref<128x16xf32, #tpu.memory_space<vmem>>)
        %add3A_209 = arith.constant 4 : i32
        %add3A_210 = arith.addi %mul3A_100, %add3A_209 : i32
        %dma_wait3A_211 = arith.constant 512 : i32
        %dma_wait3A_212 = arith.constant 0 : i32
        %dma_wait3A_213 = tpu.memref_slice %arg8[%dma_wait3A_211, %dma_wait3A_212] : memref<640x16xf32, #tpu.memory_space<vmem>> -> memref<128x16xf32, #tpu.memory_space<vmem>>
        %dma_wait3A_214 = arith.constant 0 : i32
        %dma_wait3A_215 = tpu.memref_slice %arg6[%add3A_210, %dma_wait3A_214] : memref<40x128xi32, #tpu.memory_space<vmem>> -> memref<1x128xi32, #tpu.memory_space<vmem>>
        %dma_wait3A_216 = tpu.memref_squeeze %dma_wait3A_215 : memref<1x128xi32, #tpu.memory_space<vmem>> -> memref<128xi32, #tpu.memory_space<vmem>>
        %dma_wait3A_217 = arith.constant 0 : i32
        %dma_wait3A_218 = arith.constant 0 : i32
        %dma_wait3A_219 = tpu.memref_slice %arg4[%dma_wait3A_217, %dma_wait3A_218] : memref<100352x16xf32, #tpu.memory_space<hbm>> -> memref<100352x16xf32, #tpu.memory_space<hbm>>
        tpu.wait_indirect_dma semaphore(%arg11 : memref<!tpu.dma_semaphore, #tpu.memory_space<semaphore_mem>>) src(%dma_wait3A_219 : memref<100352x16xf32, #tpu.memory_space<hbm>>) dst(%dma_wait3A_213 : memref<128x16xf32, #tpu.memory_space<vmem>>)
        %add3A_220 = arith.constant 0 : i32
        %add3A_221 = arith.addi %mul3A_100, %add3A_220 : i32
        "tpu.region"() ({
          %run_scoped3A = tpu.sem_alloc : memref<!tpu.dma_semaphore, #tpu.memory_space<semaphore_mem>>
          %dma_start3A_318 = arith.constant 0 : i32
          %dma_start3A_319 = arith.constant 0 : i32
          %dma_start3A_320 = tpu.memref_slice %arg8[%dma_start3A_318, %dma_start3A_319] : memref<640x16xf32, #tpu.memory_space<vmem>> -> memref<128x16xf32, #tpu.memory_space<vmem>>
          %dma_start3A_321 = arith.constant 0 : i32
          %dma_start3A_322 = tpu.memref_slice %arg7[%add3A_221, %dma_start3A_321] : memref<40x128xi32, #tpu.memory_space<vmem>> -> memref<1x128xi32, #tpu.memory_space<vmem>>
          %dma_start3A_323 = tpu.memref_squeeze %dma_start3A_322 : memref<1x128xi32, #tpu.memory_space<vmem>> -> memref<128xi32, #tpu.memory_space<vmem>>
          %dma_start3A_324 = arith.constant 0 : i32
          %dma_start3A_325 = arith.constant 0 : i32
          %dma_start3A_326 = tpu.memref_slice %arg10[%dma_start3A_324, %dma_start3A_325] : memref<100352x16xf32, #tpu.memory_space<vmem_shared>> -> memref<100352x16xf32, #tpu.memory_space<vmem_shared>>
          tpu.enqueue_indirect_dma source(%dma_start3A_320 : memref<128x16xf32, #tpu.memory_space<vmem>>) target(%dma_start3A_326 : memref<100352x16xf32, #tpu.memory_space<vmem_shared>>) offsets(%dma_start3A_323 : memref<128xi32, #tpu.memory_space<vmem>>) semaphore(%run_scoped3A : memref<!tpu.dma_semaphore, #tpu.memory_space<semaphore_mem>>) {add = true}
          %dma_wait3A_327 = arith.constant 0 : i32
          %dma_wait3A_328 = arith.constant 0 : i32
          %dma_wait3A_329 = tpu.memref_slice %arg8[%dma_wait3A_327, %dma_wait3A_328] : memref<640x16xf32, #tpu.memory_space<vmem>> -> memref<128x16xf32, #tpu.memory_space<vmem>>
          %dma_wait3A_330 = arith.constant 0 : i32
          %dma_wait3A_331 = tpu.memref_slice %arg7[%add3A_221, %dma_wait3A_330] : memref<40x128xi32, #tpu.memory_space<vmem>> -> memref<1x128xi32, #tpu.memory_space<vmem>>
          %dma_wait3A_332 = tpu.memref_squeeze %dma_wait3A_331 : memref<1x128xi32, #tpu.memory_space<vmem>> -> memref<128xi32, #tpu.memory_space<vmem>>
          %dma_wait3A_333 = arith.constant 0 : i32
          %dma_wait3A_334 = arith.constant 0 : i32
          %dma_wait3A_335 = tpu.memref_slice %arg10[%dma_wait3A_333, %dma_wait3A_334] : memref<100352x16xf32, #tpu.memory_space<vmem_shared>> -> memref<100352x16xf32, #tpu.memory_space<vmem_shared>>
          tpu.wait_indirect_dma semaphore(%run_scoped3A : memref<!tpu.dma_semaphore, #tpu.memory_space<semaphore_mem>>) src(%dma_wait3A_329 : memref<128x16xf32, #tpu.memory_space<vmem>>) dst(%dma_wait3A_335 : memref<100352x16xf32, #tpu.memory_space<vmem_shared>>)
          tpu.yield
        }) : () -> ()
        %add3A_222 = arith.constant 1 : i32
        %add3A_223 = arith.addi %mul3A_100, %add3A_222 : i32
        "tpu.region"() ({
          %run_scoped3A = tpu.sem_alloc : memref<!tpu.dma_semaphore, #tpu.memory_space<semaphore_mem>>
          %dma_start3A_318 = arith.constant 128 : i32
          %dma_start3A_319 = arith.constant 0 : i32
          %dma_start3A_320 = tpu.memref_slice %arg8[%dma_start3A_318, %dma_start3A_319] : memref<640x16xf32, #tpu.memory_space<vmem>> -> memref<128x16xf32, #tpu.memory_space<vmem>>
          %dma_start3A_321 = arith.constant 0 : i32
          %dma_start3A_322 = tpu.memref_slice %arg7[%add3A_223, %dma_start3A_321] : memref<40x128xi32, #tpu.memory_space<vmem>> -> memref<1x128xi32, #tpu.memory_space<vmem>>
          %dma_start3A_323 = tpu.memref_squeeze %dma_start3A_322 : memref<1x128xi32, #tpu.memory_space<vmem>> -> memref<128xi32, #tpu.memory_space<vmem>>
          %dma_start3A_324 = arith.constant 0 : i32
          %dma_start3A_325 = arith.constant 0 : i32
          %dma_start3A_326 = tpu.memref_slice %arg10[%dma_start3A_324, %dma_start3A_325] : memref<100352x16xf32, #tpu.memory_space<vmem_shared>> -> memref<100352x16xf32, #tpu.memory_space<vmem_shared>>
          tpu.enqueue_indirect_dma source(%dma_start3A_320 : memref<128x16xf32, #tpu.memory_space<vmem>>) target(%dma_start3A_326 : memref<100352x16xf32, #tpu.memory_space<vmem_shared>>) offsets(%dma_start3A_323 : memref<128xi32, #tpu.memory_space<vmem>>) semaphore(%run_scoped3A : memref<!tpu.dma_semaphore, #tpu.memory_space<semaphore_mem>>) {add = true}
          %dma_wait3A_327 = arith.constant 128 : i32
          %dma_wait3A_328 = arith.constant 0 : i32
          %dma_wait3A_329 = tpu.memref_slice %arg8[%dma_wait3A_327, %dma_wait3A_328] : memref<640x16xf32, #tpu.memory_space<vmem>> -> memref<128x16xf32, #tpu.memory_space<vmem>>
          %dma_wait3A_330 = arith.constant 0 : i32
          %dma_wait3A_331 = tpu.memref_slice %arg7[%add3A_223, %dma_wait3A_330] : memref<40x128xi32, #tpu.memory_space<vmem>> -> memref<1x128xi32, #tpu.memory_space<vmem>>
          %dma_wait3A_332 = tpu.memref_squeeze %dma_wait3A_331 : memref<1x128xi32, #tpu.memory_space<vmem>> -> memref<128xi32, #tpu.memory_space<vmem>>
          %dma_wait3A_333 = arith.constant 0 : i32
          %dma_wait3A_334 = arith.constant 0 : i32
          %dma_wait3A_335 = tpu.memref_slice %arg10[%dma_wait3A_333, %dma_wait3A_334] : memref<100352x16xf32, #tpu.memory_space<vmem_shared>> -> memref<100352x16xf32, #tpu.memory_space<vmem_shared>>
          tpu.wait_indirect_dma semaphore(%run_scoped3A : memref<!tpu.dma_semaphore, #tpu.memory_space<semaphore_mem>>) src(%dma_wait3A_329 : memref<128x16xf32, #tpu.memory_space<vmem>>) dst(%dma_wait3A_335 : memref<100352x16xf32, #tpu.memory_space<vmem_shared>>)
          tpu.yield
        }) : () -> ()
        %add3A_224 = arith.constant 2 : i32
        %add3A_225 = arith.addi %mul3A_100, %add3A_224 : i32
        "tpu.region"() ({
          %run_scoped3A = tpu.sem_alloc : memref<!tpu.dma_semaphore, #tpu.memory_space<semaphore_mem>>
          %dma_start3A_318 = arith.constant 256 : i32
          %dma_start3A_319 = arith.constant 0 : i32
          %dma_start3A_320 = tpu.memref_slice %arg8[%dma_start3A_318, %dma_start3A_319] : memref<640x16xf32, #tpu.memory_space<vmem>> -> memref<128x16xf32, #tpu.memory_space<vmem>>
          %dma_start3A_321 = arith.constant 0 : i32
          %dma_start3A_322 = tpu.memref_slice %arg7[%add3A_225, %dma_start3A_321] : memref<40x128xi32, #tpu.memory_space<vmem>> -> memref<1x128xi32, #tpu.memory_space<vmem>>
          %dma_start3A_323 = tpu.memref_squeeze %dma_start3A_322 : memref<1x128xi32, #tpu.memory_space<vmem>> -> memref<128xi32, #tpu.memory_space<vmem>>
          %dma_start3A_324 = arith.constant 0 : i32
          %dma_start3A_325 = arith.constant 0 : i32
          %dma_start3A_326 = tpu.memref_slice %arg10[%dma_start3A_324, %dma_start3A_325] : memref<100352x16xf32, #tpu.memory_space<vmem_shared>> -> memref<100352x16xf32, #tpu.memory_space<vmem_shared>>
          tpu.enqueue_indirect_dma source(%dma_start3A_320 : memref<128x16xf32, #tpu.memory_space<vmem>>) target(%dma_start3A_326 : memref<100352x16xf32, #tpu.memory_space<vmem_shared>>) offsets(%dma_start3A_323 : memref<128xi32, #tpu.memory_space<vmem>>) semaphore(%run_scoped3A : memref<!tpu.dma_semaphore, #tpu.memory_space<semaphore_mem>>) {add = true}
          %dma_wait3A_327 = arith.constant 256 : i32
          %dma_wait3A_328 = arith.constant 0 : i32
          %dma_wait3A_329 = tpu.memref_slice %arg8[%dma_wait3A_327, %dma_wait3A_328] : memref<640x16xf32, #tpu.memory_space<vmem>> -> memref<128x16xf32, #tpu.memory_space<vmem>>
          %dma_wait3A_330 = arith.constant 0 : i32
          %dma_wait3A_331 = tpu.memref_slice %arg7[%add3A_225, %dma_wait3A_330] : memref<40x128xi32, #tpu.memory_space<vmem>> -> memref<1x128xi32, #tpu.memory_space<vmem>>
          %dma_wait3A_332 = tpu.memref_squeeze %dma_wait3A_331 : memref<1x128xi32, #tpu.memory_space<vmem>> -> memref<128xi32, #tpu.memory_space<vmem>>
          %dma_wait3A_333 = arith.constant 0 : i32
          %dma_wait3A_334 = arith.constant 0 : i32
          %dma_wait3A_335 = tpu.memref_slice %arg10[%dma_wait3A_333, %dma_wait3A_334] : memref<100352x16xf32, #tpu.memory_space<vmem_shared>> -> memref<100352x16xf32, #tpu.memory_space<vmem_shared>>
          tpu.wait_indirect_dma semaphore(%run_scoped3A : memref<!tpu.dma_semaphore, #tpu.memory_space<semaphore_mem>>) src(%dma_wait3A_329 : memref<128x16xf32, #tpu.memory_space<vmem>>) dst(%dma_wait3A_335 : memref<100352x16xf32, #tpu.memory_space<vmem_shared>>)
          tpu.yield
        }) : () -> ()
        %add3A_226 = arith.constant 3 : i32
        %add3A_227 = arith.addi %mul3A_100, %add3A_226 : i32
        "tpu.region"() ({
          %run_scoped3A = tpu.sem_alloc : memref<!tpu.dma_semaphore, #tpu.memory_space<semaphore_mem>>
          %dma_start3A_318 = arith.constant 384 : i32
          %dma_start3A_319 = arith.constant 0 : i32
          %dma_start3A_320 = tpu.memref_slice %arg8[%dma_start3A_318, %dma_start3A_319] : memref<640x16xf32, #tpu.memory_space<vmem>> -> memref<128x16xf32, #tpu.memory_space<vmem>>
          %dma_start3A_321 = arith.constant 0 : i32
          %dma_start3A_322 = tpu.memref_slice %arg7[%add3A_227, %dma_start3A_321] : memref<40x128xi32, #tpu.memory_space<vmem>> -> memref<1x128xi32, #tpu.memory_space<vmem>>
          %dma_start3A_323 = tpu.memref_squeeze %dma_start3A_322 : memref<1x128xi32, #tpu.memory_space<vmem>> -> memref<128xi32, #tpu.memory_space<vmem>>
          %dma_start3A_324 = arith.constant 0 : i32
          %dma_start3A_325 = arith.constant 0 : i32
          %dma_start3A_326 = tpu.memref_slice %arg10[%dma_start3A_324, %dma_start3A_325] : memref<100352x16xf32, #tpu.memory_space<vmem_shared>> -> memref<100352x16xf32, #tpu.memory_space<vmem_shared>>
          tpu.enqueue_indirect_dma source(%dma_start3A_320 : memref<128x16xf32, #tpu.memory_space<vmem>>) target(%dma_start3A_326 : memref<100352x16xf32, #tpu.memory_space<vmem_shared>>) offsets(%dma_start3A_323 : memref<128xi32, #tpu.memory_space<vmem>>) semaphore(%run_scoped3A : memref<!tpu.dma_semaphore, #tpu.memory_space<semaphore_mem>>) {add = true}
          %dma_wait3A_327 = arith.constant 384 : i32
          %dma_wait3A_328 = arith.constant 0 : i32
          %dma_wait3A_329 = tpu.memref_slice %arg8[%dma_wait3A_327, %dma_wait3A_328] : memref<640x16xf32, #tpu.memory_space<vmem>> -> memref<128x16xf32, #tpu.memory_space<vmem>>
          %dma_wait3A_330 = arith.constant 0 : i32
          %dma_wait3A_331 = tpu.memref_slice %arg7[%add3A_227, %dma_wait3A_330] : memref<40x128xi32, #tpu.memory_space<vmem>> -> memref<1x128xi32, #tpu.memory_space<vmem>>
          %dma_wait3A_332 = tpu.memref_squeeze %dma_wait3A_331 : memref<1x128xi32, #tpu.memory_space<vmem>> -> memref<128xi32, #tpu.memory_space<vmem>>
          %dma_wait3A_333 = arith.constant 0 : i32
          %dma_wait3A_334 = arith.constant 0 : i32
          %dma_wait3A_335 = tpu.memref_slice %arg10[%dma_wait3A_333, %dma_wait3A_334] : memref<100352x16xf32, #tpu.memory_space<vmem_shared>> -> memref<100352x16xf32, #tpu.memory_space<vmem_shared>>
          tpu.wait_indirect_dma semaphore(%run_scoped3A : memref<!tpu.dma_semaphore, #tpu.memory_space<semaphore_mem>>) src(%dma_wait3A_329 : memref<128x16xf32, #tpu.memory_space<vmem>>) dst(%dma_wait3A_335 : memref<100352x16xf32, #tpu.memory_space<vmem_shared>>)
          tpu.yield
        }) : () -> ()
        %add3A_228 = arith.constant 4 : i32
        %add3A_229 = arith.addi %mul3A_100, %add3A_228 : i32
        "tpu.region"() ({
          %run_scoped3A = tpu.sem_alloc : memref<!tpu.dma_semaphore, #tpu.memory_space<semaphore_mem>>
          %dma_start3A_318 = arith.constant 512 : i32
          %dma_start3A_319 = arith.constant 0 : i32
          %dma_start3A_320 = tpu.memref_slice %arg8[%dma_start3A_318, %dma_start3A_319] : memref<640x16xf32, #tpu.memory_space<vmem>> -> memref<128x16xf32, #tpu.memory_space<vmem>>
          %dma_start3A_321 = arith.constant 0 : i32
          %dma_start3A_322 = tpu.memref_slice %arg7[%add3A_229, %dma_start3A_321] : memref<40x128xi32, #tpu.memory_space<vmem>> -> memref<1x128xi32, #tpu.memory_space<vmem>>
          %dma_start3A_323 = tpu.memref_squeeze %dma_start3A_322 : memref<1x128xi32, #tpu.memory_space<vmem>> -> memref<128xi32, #tpu.memory_space<vmem>>
          %dma_start3A_324 = arith.constant 0 : i32
          %dma_start3A_325 = arith.constant 0 : i32
          %dma_start3A_326 = tpu.memref_slice %arg10[%dma_start3A_324, %dma_start3A_325] : memref<100352x16xf32, #tpu.memory_space<vmem_shared>> -> memref<100352x16xf32, #tpu.memory_space<vmem_shared>>
          tpu.enqueue_indirect_dma source(%dma_start3A_320 : memref<128x16xf32, #tpu.memory_space<vmem>>) target(%dma_start3A_326 : memref<100352x16xf32, #tpu.memory_space<vmem_shared>>) offsets(%dma_start3A_323 : memref<128xi32, #tpu.memory_space<vmem>>) semaphore(%run_scoped3A : memref<!tpu.dma_semaphore, #tpu.memory_space<semaphore_mem>>) {add = true}
          %dma_wait3A_327 = arith.constant 512 : i32
          %dma_wait3A_328 = arith.constant 0 : i32
          %dma_wait3A_329 = tpu.memref_slice %arg8[%dma_wait3A_327, %dma_wait3A_328] : memref<640x16xf32, #tpu.memory_space<vmem>> -> memref<128x16xf32, #tpu.memory_space<vmem>>
          %dma_wait3A_330 = arith.constant 0 : i32
          %dma_wait3A_331 = tpu.memref_slice %arg7[%add3A_229, %dma_wait3A_330] : memref<40x128xi32, #tpu.memory_space<vmem>> -> memref<1x128xi32, #tpu.memory_space<vmem>>
          %dma_wait3A_332 = tpu.memref_squeeze %dma_wait3A_331 : memref<1x128xi32, #tpu.memory_space<vmem>> -> memref<128xi32, #tpu.memory_space<vmem>>
          %dma_wait3A_333 = arith.constant 0 : i32
          %dma_wait3A_334 = arith.constant 0 : i32
          %dma_wait3A_335 = tpu.memref_slice %arg10[%dma_wait3A_333, %dma_wait3A_334] : memref<100352x16xf32, #tpu.memory_space<vmem_shared>> -> memref<100352x16xf32, #tpu.memory_space<vmem_shared>>
          tpu.wait_indirect_dma semaphore(%run_scoped3A : memref<!tpu.dma_semaphore, #tpu.memory_space<semaphore_mem>>) src(%dma_wait3A_329 : memref<128x16xf32, #tpu.memory_space<vmem>>) dst(%dma_wait3A_335 : memref<100352x16xf32, #tpu.memory_space<vmem_shared>>)
          tpu.yield
        }) : () -> ()
        %lt3A = arith.constant 3 : i32
        %lt3A_230 = arith.cmpi slt, %scan3A_97, %lt3A : i32
        %convert_element_type3A = arith.extui %lt3A_230 : i1 to i32
        %cond3A = arith.constant 0 : i32
        %cond3A_231 = arith.cmpi ne, %convert_element_type3A, %cond3A : i32
        scf.if %cond3A_231 {
          %add3A_318 = arith.constant 10 : i32
          %add3A_319 = arith.addi %mul3A_100, %add3A_318 : i32
          %add3A_320 = arith.constant 0 : i32
          %add3A_321 = arith.addi %add3A_319, %add3A_320 : i32
          %dma_start3A_322 = arith.constant 0 : i32
          %dma_start3A_323 = arith.constant 0 : i32
          %dma_start3A_324 = tpu.memref_slice %arg8[%dma_start3A_322, %dma_start3A_323] : memref<640x16xf32, #tpu.memory_space<vmem>> -> memref<128x16xf32, #tpu.memory_space<vmem>>
          %dma_start3A_325 = arith.constant 0 : i32
          %dma_start3A_326 = tpu.memref_slice %arg6[%add3A_321, %dma_start3A_325] : memref<40x128xi32, #tpu.memory_space<vmem>> -> memref<1x128xi32, #tpu.memory_space<vmem>>
          %dma_start3A_327 = tpu.memref_squeeze %dma_start3A_326 : memref<1x128xi32, #tpu.memory_space<vmem>> -> memref<128xi32, #tpu.memory_space<vmem>>
          %dma_start3A_328 = arith.constant 0 : i32
          %dma_start3A_329 = arith.constant 0 : i32
          %dma_start3A_330 = tpu.memref_slice %arg4[%dma_start3A_328, %dma_start3A_329] : memref<100352x16xf32, #tpu.memory_space<hbm>> -> memref<100352x16xf32, #tpu.memory_space<hbm>>
          tpu.enqueue_indirect_dma source(%dma_start3A_330 : memref<100352x16xf32, #tpu.memory_space<hbm>>) target(%dma_start3A_324 : memref<128x16xf32, #tpu.memory_space<vmem>>) offsets(%dma_start3A_327 : memref<128xi32, #tpu.memory_space<vmem>>) semaphore(%arg11 : memref<!tpu.dma_semaphore, #tpu.memory_space<semaphore_mem>>)
          %add3A_331 = arith.constant 10 : i32
          %add3A_332 = arith.addi %mul3A_100, %add3A_331 : i32
          %add3A_333 = arith.constant 1 : i32
          %add3A_334 = arith.addi %add3A_332, %add3A_333 : i32
          %dma_start3A_335 = arith.constant 128 : i32
          %dma_start3A_336 = arith.constant 0 : i32
          %dma_start3A_337 = tpu.memref_slice %arg8[%dma_start3A_335, %dma_start3A_336] : memref<640x16xf32, #tpu.memory_space<vmem>> -> memref<128x16xf32, #tpu.memory_space<vmem>>
          %dma_start3A_338 = arith.constant 0 : i32
          %dma_start3A_339 = tpu.memref_slice %arg6[%add3A_334, %dma_start3A_338] : memref<40x128xi32, #tpu.memory_space<vmem>> -> memref<1x128xi32, #tpu.memory_space<vmem>>
          %dma_start3A_340 = tpu.memref_squeeze %dma_start3A_339 : memref<1x128xi32, #tpu.memory_space<vmem>> -> memref<128xi32, #tpu.memory_space<vmem>>
          %dma_start3A_341 = arith.constant 0 : i32
          %dma_start3A_342 = arith.constant 0 : i32
          %dma_start3A_343 = tpu.memref_slice %arg4[%dma_start3A_341, %dma_start3A_342] : memref<100352x16xf32, #tpu.memory_space<hbm>> -> memref<100352x16xf32, #tpu.memory_space<hbm>>
          tpu.enqueue_indirect_dma source(%dma_start3A_343 : memref<100352x16xf32, #tpu.memory_space<hbm>>) target(%dma_start3A_337 : memref<128x16xf32, #tpu.memory_space<vmem>>) offsets(%dma_start3A_340 : memref<128xi32, #tpu.memory_space<vmem>>) semaphore(%arg11 : memref<!tpu.dma_semaphore, #tpu.memory_space<semaphore_mem>>)
          %add3A_344 = arith.constant 10 : i32
          %add3A_345 = arith.addi %mul3A_100, %add3A_344 : i32
          %add3A_346 = arith.constant 2 : i32
          %add3A_347 = arith.addi %add3A_345, %add3A_346 : i32
          %dma_start3A_348 = arith.constant 256 : i32
          %dma_start3A_349 = arith.constant 0 : i32
          %dma_start3A_350 = tpu.memref_slice %arg8[%dma_start3A_348, %dma_start3A_349] : memref<640x16xf32, #tpu.memory_space<vmem>> -> memref<128x16xf32, #tpu.memory_space<vmem>>
          %dma_start3A_351 = arith.constant 0 : i32
          %dma_start3A_352 = tpu.memref_slice %arg6[%add3A_347, %dma_start3A_351] : memref<40x128xi32, #tpu.memory_space<vmem>> -> memref<1x128xi32, #tpu.memory_space<vmem>>
          %dma_start3A_353 = tpu.memref_squeeze %dma_start3A_352 : memref<1x128xi32, #tpu.memory_space<vmem>> -> memref<128xi32, #tpu.memory_space<vmem>>
          %dma_start3A_354 = arith.constant 0 : i32
          %dma_start3A_355 = arith.constant 0 : i32
          %dma_start3A_356 = tpu.memref_slice %arg4[%dma_start3A_354, %dma_start3A_355] : memref<100352x16xf32, #tpu.memory_space<hbm>> -> memref<100352x16xf32, #tpu.memory_space<hbm>>
          tpu.enqueue_indirect_dma source(%dma_start3A_356 : memref<100352x16xf32, #tpu.memory_space<hbm>>) target(%dma_start3A_350 : memref<128x16xf32, #tpu.memory_space<vmem>>) offsets(%dma_start3A_353 : memref<128xi32, #tpu.memory_space<vmem>>) semaphore(%arg11 : memref<!tpu.dma_semaphore, #tpu.memory_space<semaphore_mem>>)
          %add3A_357 = arith.constant 10 : i32
          %add3A_358 = arith.addi %mul3A_100, %add3A_357 : i32
          %add3A_359 = arith.constant 3 : i32
          %add3A_360 = arith.addi %add3A_358, %add3A_359 : i32
          %dma_start3A_361 = arith.constant 384 : i32
          %dma_start3A_362 = arith.constant 0 : i32
          %dma_start3A_363 = tpu.memref_slice %arg8[%dma_start3A_361, %dma_start3A_362] : memref<640x16xf32, #tpu.memory_space<vmem>> -> memref<128x16xf32, #tpu.memory_space<vmem>>
          %dma_start3A_364 = arith.constant 0 : i32
          %dma_start3A_365 = tpu.memref_slice %arg6[%add3A_360, %dma_start3A_364] : memref<40x128xi32, #tpu.memory_space<vmem>> -> memref<1x128xi32, #tpu.memory_space<vmem>>
          %dma_start3A_366 = tpu.memref_squeeze %dma_start3A_365 : memref<1x128xi32, #tpu.memory_space<vmem>> -> memref<128xi32, #tpu.memory_space<vmem>>
          %dma_start3A_367 = arith.constant 0 : i32
          %dma_start3A_368 = arith.constant 0 : i32
          %dma_start3A_369 = tpu.memref_slice %arg4[%dma_start3A_367, %dma_start3A_368] : memref<100352x16xf32, #tpu.memory_space<hbm>> -> memref<100352x16xf32, #tpu.memory_space<hbm>>
          tpu.enqueue_indirect_dma source(%dma_start3A_369 : memref<100352x16xf32, #tpu.memory_space<hbm>>) target(%dma_start3A_363 : memref<128x16xf32, #tpu.memory_space<vmem>>) offsets(%dma_start3A_366 : memref<128xi32, #tpu.memory_space<vmem>>) semaphore(%arg11 : memref<!tpu.dma_semaphore, #tpu.memory_space<semaphore_mem>>)
          %add3A_370 = arith.constant 10 : i32
          %add3A_371 = arith.addi %mul3A_100, %add3A_370 : i32
          %add3A_372 = arith.constant 4 : i32
          %add3A_373 = arith.addi %add3A_371, %add3A_372 : i32
          %dma_start3A_374 = arith.constant 512 : i32
          %dma_start3A_375 = arith.constant 0 : i32
          %dma_start3A_376 = tpu.memref_slice %arg8[%dma_start3A_374, %dma_start3A_375] : memref<640x16xf32, #tpu.memory_space<vmem>> -> memref<128x16xf32, #tpu.memory_space<vmem>>
          %dma_start3A_377 = arith.constant 0 : i32
          %dma_start3A_378 = tpu.memref_slice %arg6[%add3A_373, %dma_start3A_377] : memref<40x128xi32, #tpu.memory_space<vmem>> -> memref<1x128xi32, #tpu.memory_space<vmem>>
          %dma_start3A_379 = tpu.memref_squeeze %dma_start3A_378 : memref<1x128xi32, #tpu.memory_space<vmem>> -> memref<128xi32, #tpu.memory_space<vmem>>
          %dma_start3A_380 = arith.constant 0 : i32
          %dma_start3A_381 = arith.constant 0 : i32
          %dma_start3A_382 = tpu.memref_slice %arg4[%dma_start3A_380, %dma_start3A_381] : memref<100352x16xf32, #tpu.memory_space<hbm>> -> memref<100352x16xf32, #tpu.memory_space<hbm>>
          tpu.enqueue_indirect_dma source(%dma_start3A_382 : memref<100352x16xf32, #tpu.memory_space<hbm>>) target(%dma_start3A_376 : memref<128x16xf32, #tpu.memory_space<vmem>>) offsets(%dma_start3A_379 : memref<128xi32, #tpu.memory_space<vmem>>) semaphore(%arg11 : memref<!tpu.dma_semaphore, #tpu.memory_space<semaphore_mem>>)
        } else {
        }
        %add3A_232 = arith.constant 5 : i32
        %add3A_233 = arith.addi %mul3A_100, %add3A_232 : i32
        %add3A_234 = arith.constant 0 : i32
        %add3A_235 = arith.addi %add3A_233, %add3A_234 : i32
        %dma_wait3A_236 = arith.constant 0 : i32
        %dma_wait3A_237 = arith.constant 0 : i32
        %dma_wait3A_238 = tpu.memref_slice %arg9[%dma_wait3A_236, %dma_wait3A_237] : memref<640x16xf32, #tpu.memory_space<vmem>> -> memref<128x16xf32, #tpu.memory_space<vmem>>
        %dma_wait3A_239 = arith.constant 0 : i32
        %dma_wait3A_240 = tpu.memref_slice %arg6[%add3A_235, %dma_wait3A_239] : memref<40x128xi32, #tpu.memory_space<vmem>> -> memref<1x128xi32, #tpu.memory_space<vmem>>
        %dma_wait3A_241 = tpu.memref_squeeze %dma_wait3A_240 : memref<1x128xi32, #tpu.memory_space<vmem>> -> memref<128xi32, #tpu.memory_space<vmem>>
        %dma_wait3A_242 = arith.constant 0 : i32
        %dma_wait3A_243 = arith.constant 0 : i32
        %dma_wait3A_244 = tpu.memref_slice %arg4[%dma_wait3A_242, %dma_wait3A_243] : memref<100352x16xf32, #tpu.memory_space<hbm>> -> memref<100352x16xf32, #tpu.memory_space<hbm>>
        tpu.wait_indirect_dma semaphore(%arg12 : memref<!tpu.dma_semaphore, #tpu.memory_space<semaphore_mem>>) src(%dma_wait3A_244 : memref<100352x16xf32, #tpu.memory_space<hbm>>) dst(%dma_wait3A_238 : memref<128x16xf32, #tpu.memory_space<vmem>>)
        %add3A_245 = arith.constant 5 : i32
        %add3A_246 = arith.addi %mul3A_100, %add3A_245 : i32
        %add3A_247 = arith.constant 1 : i32
        %add3A_248 = arith.addi %add3A_246, %add3A_247 : i32
        %dma_wait3A_249 = arith.constant 128 : i32
        %dma_wait3A_250 = arith.constant 0 : i32
        %dma_wait3A_251 = tpu.memref_slice %arg9[%dma_wait3A_249, %dma_wait3A_250] : memref<640x16xf32, #tpu.memory_space<vmem>> -> memref<128x16xf32, #tpu.memory_space<vmem>>
        %dma_wait3A_252 = arith.constant 0 : i32
        %dma_wait3A_253 = tpu.memref_slice %arg6[%add3A_248, %dma_wait3A_252] : memref<40x128xi32, #tpu.memory_space<vmem>> -> memref<1x128xi32, #tpu.memory_space<vmem>>
        %dma_wait3A_254 = tpu.memref_squeeze %dma_wait3A_253 : memref<1x128xi32, #tpu.memory_space<vmem>> -> memref<128xi32, #tpu.memory_space<vmem>>
        %dma_wait3A_255 = arith.constant 0 : i32
        %dma_wait3A_256 = arith.constant 0 : i32
        %dma_wait3A_257 = tpu.memref_slice %arg4[%dma_wait3A_255, %dma_wait3A_256] : memref<100352x16xf32, #tpu.memory_space<hbm>> -> memref<100352x16xf32, #tpu.memory_space<hbm>>
        tpu.wait_indirect_dma semaphore(%arg12 : memref<!tpu.dma_semaphore, #tpu.memory_space<semaphore_mem>>) src(%dma_wait3A_257 : memref<100352x16xf32, #tpu.memory_space<hbm>>) dst(%dma_wait3A_251 : memref<128x16xf32, #tpu.memory_space<vmem>>)
        %add3A_258 = arith.constant 5 : i32
        %add3A_259 = arith.addi %mul3A_100, %add3A_258 : i32
        %add3A_260 = arith.constant 2 : i32
        %add3A_261 = arith.addi %add3A_259, %add3A_260 : i32
        %dma_wait3A_262 = arith.constant 256 : i32
        %dma_wait3A_263 = arith.constant 0 : i32
        %dma_wait3A_264 = tpu.memref_slice %arg9[%dma_wait3A_262, %dma_wait3A_263] : memref<640x16xf32, #tpu.memory_space<vmem>> -> memref<128x16xf32, #tpu.memory_space<vmem>>
        %dma_wait3A_265 = arith.constant 0 : i32
        %dma_wait3A_266 = tpu.memref_slice %arg6[%add3A_261, %dma_wait3A_265] : memref<40x128xi32, #tpu.memory_space<vmem>> -> memref<1x128xi32, #tpu.memory_space<vmem>>
        %dma_wait3A_267 = tpu.memref_squeeze %dma_wait3A_266 : memref<1x128xi32, #tpu.memory_space<vmem>> -> memref<128xi32, #tpu.memory_space<vmem>>
        %dma_wait3A_268 = arith.constant 0 : i32
        %dma_wait3A_269 = arith.constant 0 : i32
        %dma_wait3A_270 = tpu.memref_slice %arg4[%dma_wait3A_268, %dma_wait3A_269] : memref<100352x16xf32, #tpu.memory_space<hbm>> -> memref<100352x16xf32, #tpu.memory_space<hbm>>
        tpu.wait_indirect_dma semaphore(%arg12 : memref<!tpu.dma_semaphore, #tpu.memory_space<semaphore_mem>>) src(%dma_wait3A_270 : memref<100352x16xf32, #tpu.memory_space<hbm>>) dst(%dma_wait3A_264 : memref<128x16xf32, #tpu.memory_space<vmem>>)
        %add3A_271 = arith.constant 5 : i32
        %add3A_272 = arith.addi %mul3A_100, %add3A_271 : i32
        %add3A_273 = arith.constant 3 : i32
        %add3A_274 = arith.addi %add3A_272, %add3A_273 : i32
        %dma_wait3A_275 = arith.constant 384 : i32
        %dma_wait3A_276 = arith.constant 0 : i32
        %dma_wait3A_277 = tpu.memref_slice %arg9[%dma_wait3A_275, %dma_wait3A_276] : memref<640x16xf32, #tpu.memory_space<vmem>> -> memref<128x16xf32, #tpu.memory_space<vmem>>
        %dma_wait3A_278 = arith.constant 0 : i32
        %dma_wait3A_279 = tpu.memref_slice %arg6[%add3A_274, %dma_wait3A_278] : memref<40x128xi32, #tpu.memory_space<vmem>> -> memref<1x128xi32, #tpu.memory_space<vmem>>
        %dma_wait3A_280 = tpu.memref_squeeze %dma_wait3A_279 : memref<1x128xi32, #tpu.memory_space<vmem>> -> memref<128xi32, #tpu.memory_space<vmem>>
        %dma_wait3A_281 = arith.constant 0 : i32
        %dma_wait3A_282 = arith.constant 0 : i32
        %dma_wait3A_283 = tpu.memref_slice %arg4[%dma_wait3A_281, %dma_wait3A_282] : memref<100352x16xf32, #tpu.memory_space<hbm>> -> memref<100352x16xf32, #tpu.memory_space<hbm>>
        tpu.wait_indirect_dma semaphore(%arg12 : memref<!tpu.dma_semaphore, #tpu.memory_space<semaphore_mem>>) src(%dma_wait3A_283 : memref<100352x16xf32, #tpu.memory_space<hbm>>) dst(%dma_wait3A_277 : memref<128x16xf32, #tpu.memory_space<vmem>>)
        %add3A_284 = arith.constant 5 : i32
        %add3A_285 = arith.addi %mul3A_100, %add3A_284 : i32
        %add3A_286 = arith.constant 4 : i32
        %add3A_287 = arith.addi %add3A_285, %add3A_286 : i32
        %dma_wait3A_288 = arith.constant 512 : i32
        %dma_wait3A_289 = arith.constant 0 : i32
        %dma_wait3A_290 = tpu.memref_slice %arg9[%dma_wait3A_288, %dma_wait3A_289] : memref<640x16xf32, #tpu.memory_space<vmem>> -> memref<128x16xf32, #tpu.memory_space<vmem>>
        %dma_wait3A_291 = arith.constant 0 : i32
        %dma_wait3A_292 = tpu.memref_slice %arg6[%add3A_287, %dma_wait3A_291] : memref<40x128xi32, #tpu.memory_space<vmem>> -> memref<1x128xi32, #tpu.memory_space<vmem>>
        %dma_wait3A_293 = tpu.memref_squeeze %dma_wait3A_292 : memref<1x128xi32, #tpu.memory_space<vmem>> -> memref<128xi32, #tpu.memory_space<vmem>>
        %dma_wait3A_294 = arith.constant 0 : i32
        %dma_wait3A_295 = arith.constant 0 : i32
        %dma_wait3A_296 = tpu.memref_slice %arg4[%dma_wait3A_294, %dma_wait3A_295] : memref<100352x16xf32, #tpu.memory_space<hbm>> -> memref<100352x16xf32, #tpu.memory_space<hbm>>
        tpu.wait_indirect_dma semaphore(%arg12 : memref<!tpu.dma_semaphore, #tpu.memory_space<semaphore_mem>>) src(%dma_wait3A_296 : memref<100352x16xf32, #tpu.memory_space<hbm>>) dst(%dma_wait3A_290 : memref<128x16xf32, #tpu.memory_space<vmem>>)
        %add3A_297 = arith.constant 5 : i32
        %add3A_298 = arith.addi %mul3A_100, %add3A_297 : i32
        %add3A_299 = arith.constant 0 : i32
        %add3A_300 = arith.addi %add3A_298, %add3A_299 : i32
        "tpu.region"() ({
          %run_scoped3A = tpu.sem_alloc : memref<!tpu.dma_semaphore, #tpu.memory_space<semaphore_mem>>
          %dma_start3A_318 = arith.constant 0 : i32
          %dma_start3A_319 = arith.constant 0 : i32
          %dma_start3A_320 = tpu.memref_slice %arg9[%dma_start3A_318, %dma_start3A_319] : memref<640x16xf32, #tpu.memory_space<vmem>> -> memref<128x16xf32, #tpu.memory_space<vmem>>
          %dma_start3A_321 = arith.constant 0 : i32
          %dma_start3A_322 = tpu.memref_slice %arg7[%add3A_300, %dma_start3A_321] : memref<40x128xi32, #tpu.memory_space<vmem>> -> memref<1x128xi32, #tpu.memory_space<vmem>>
          %dma_start3A_323 = tpu.memref_squeeze %dma_start3A_322 : memref<1x128xi32, #tpu.memory_space<vmem>> -> memref<128xi32, #tpu.memory_space<vmem>>
          %dma_start3A_324 = arith.constant 0 : i32
          %dma_start3A_325 = arith.constant 0 : i32
          %dma_start3A_326 = tpu.memref_slice %arg10[%dma_start3A_324, %dma_start3A_325] : memref<100352x16xf32, #tpu.memory_space<vmem_shared>> -> memref<100352x16xf32, #tpu.memory_space<vmem_shared>>
          tpu.enqueue_indirect_dma source(%dma_start3A_320 : memref<128x16xf32, #tpu.memory_space<vmem>>) target(%dma_start3A_326 : memref<100352x16xf32, #tpu.memory_space<vmem_shared>>) offsets(%dma_start3A_323 : memref<128xi32, #tpu.memory_space<vmem>>) semaphore(%run_scoped3A : memref<!tpu.dma_semaphore, #tpu.memory_space<semaphore_mem>>) {add = true}
          %dma_wait3A_327 = arith.constant 0 : i32
          %dma_wait3A_328 = arith.constant 0 : i32
          %dma_wait3A_329 = tpu.memref_slice %arg9[%dma_wait3A_327, %dma_wait3A_328] : memref<640x16xf32, #tpu.memory_space<vmem>> -> memref<128x16xf32, #tpu.memory_space<vmem>>
          %dma_wait3A_330 = arith.constant 0 : i32
          %dma_wait3A_331 = tpu.memref_slice %arg7[%add3A_300, %dma_wait3A_330] : memref<40x128xi32, #tpu.memory_space<vmem>> -> memref<1x128xi32, #tpu.memory_space<vmem>>
          %dma_wait3A_332 = tpu.memref_squeeze %dma_wait3A_331 : memref<1x128xi32, #tpu.memory_space<vmem>> -> memref<128xi32, #tpu.memory_space<vmem>>
          %dma_wait3A_333 = arith.constant 0 : i32
          %dma_wait3A_334 = arith.constant 0 : i32
          %dma_wait3A_335 = tpu.memref_slice %arg10[%dma_wait3A_333, %dma_wait3A_334] : memref<100352x16xf32, #tpu.memory_space<vmem_shared>> -> memref<100352x16xf32, #tpu.memory_space<vmem_shared>>
          tpu.wait_indirect_dma semaphore(%run_scoped3A : memref<!tpu.dma_semaphore, #tpu.memory_space<semaphore_mem>>) src(%dma_wait3A_329 : memref<128x16xf32, #tpu.memory_space<vmem>>) dst(%dma_wait3A_335 : memref<100352x16xf32, #tpu.memory_space<vmem_shared>>)
          tpu.yield
        }) : () -> ()
        %add3A_301 = arith.constant 5 : i32
        %add3A_302 = arith.addi %mul3A_100, %add3A_301 : i32
        %add3A_303 = arith.constant 1 : i32
        %add3A_304 = arith.addi %add3A_302, %add3A_303 : i32
        "tpu.region"() ({
          %run_scoped3A = tpu.sem_alloc : memref<!tpu.dma_semaphore, #tpu.memory_space<semaphore_mem>>
          %dma_start3A_318 = arith.constant 128 : i32
          %dma_start3A_319 = arith.constant 0 : i32
          %dma_start3A_320 = tpu.memref_slice %arg9[%dma_start3A_318, %dma_start3A_319] : memref<640x16xf32, #tpu.memory_space<vmem>> -> memref<128x16xf32, #tpu.memory_space<vmem>>
          %dma_start3A_321 = arith.constant 0 : i32
          %dma_start3A_322 = tpu.memref_slice %arg7[%add3A_304, %dma_start3A_321] : memref<40x128xi32, #tpu.memory_space<vmem>> -> memref<1x128xi32, #tpu.memory_space<vmem>>
          %dma_start3A_323 = tpu.memref_squeeze %dma_start3A_322 : memref<1x128xi32, #tpu.memory_space<vmem>> -> memref<128xi32, #tpu.memory_space<vmem>>
          %dma_start3A_324 = arith.constant 0 : i32
          %dma_start3A_325 = arith.constant 0 : i32
          %dma_start3A_326 = tpu.memref_slice %arg10[%dma_start3A_324, %dma_start3A_325] : memref<100352x16xf32, #tpu.memory_space<vmem_shared>> -> memref<100352x16xf32, #tpu.memory_space<vmem_shared>>
          tpu.enqueue_indirect_dma source(%dma_start3A_320 : memref<128x16xf32, #tpu.memory_space<vmem>>) target(%dma_start3A_326 : memref<100352x16xf32, #tpu.memory_space<vmem_shared>>) offsets(%dma_start3A_323 : memref<128xi32, #tpu.memory_space<vmem>>) semaphore(%run_scoped3A : memref<!tpu.dma_semaphore, #tpu.memory_space<semaphore_mem>>) {add = true}
          %dma_wait3A_327 = arith.constant 128 : i32
          %dma_wait3A_328 = arith.constant 0 : i32
          %dma_wait3A_329 = tpu.memref_slice %arg9[%dma_wait3A_327, %dma_wait3A_328] : memref<640x16xf32, #tpu.memory_space<vmem>> -> memref<128x16xf32, #tpu.memory_space<vmem>>
          %dma_wait3A_330 = arith.constant 0 : i32
          %dma_wait3A_331 = tpu.memref_slice %arg7[%add3A_304, %dma_wait3A_330] : memref<40x128xi32, #tpu.memory_space<vmem>> -> memref<1x128xi32, #tpu.memory_space<vmem>>
          %dma_wait3A_332 = tpu.memref_squeeze %dma_wait3A_331 : memref<1x128xi32, #tpu.memory_space<vmem>> -> memref<128xi32, #tpu.memory_space<vmem>>
          %dma_wait3A_333 = arith.constant 0 : i32
          %dma_wait3A_334 = arith.constant 0 : i32
          %dma_wait3A_335 = tpu.memref_slice %arg10[%dma_wait3A_333, %dma_wait3A_334] : memref<100352x16xf32, #tpu.memory_space<vmem_shared>> -> memref<100352x16xf32, #tpu.memory_space<vmem_shared>>
          tpu.wait_indirect_dma semaphore(%run_scoped3A : memref<!tpu.dma_semaphore, #tpu.memory_space<semaphore_mem>>) src(%dma_wait3A_329 : memref<128x16xf32, #tpu.memory_space<vmem>>) dst(%dma_wait3A_335 : memref<100352x16xf32, #tpu.memory_space<vmem_shared>>)
          tpu.yield
        }) : () -> ()
        %add3A_305 = arith.constant 5 : i32
        %add3A_306 = arith.addi %mul3A_100, %add3A_305 : i32
        %add3A_307 = arith.constant 2 : i32
        %add3A_308 = arith.addi %add3A_306, %add3A_307 : i32
        "tpu.region"() ({
          %run_scoped3A = tpu.sem_alloc : memref<!tpu.dma_semaphore, #tpu.memory_space<semaphore_mem>>
          %dma_start3A_318 = arith.constant 256 : i32
          %dma_start3A_319 = arith.constant 0 : i32
          %dma_start3A_320 = tpu.memref_slice %arg9[%dma_start3A_318, %dma_start3A_319] : memref<640x16xf32, #tpu.memory_space<vmem>> -> memref<128x16xf32, #tpu.memory_space<vmem>>
          %dma_start3A_321 = arith.constant 0 : i32
          %dma_start3A_322 = tpu.memref_slice %arg7[%add3A_308, %dma_start3A_321] : memref<40x128xi32, #tpu.memory_space<vmem>> -> memref<1x128xi32, #tpu.memory_space<vmem>>
          %dma_start3A_323 = tpu.memref_squeeze %dma_start3A_322 : memref<1x128xi32, #tpu.memory_space<vmem>> -> memref<128xi32, #tpu.memory_space<vmem>>
          %dma_start3A_324 = arith.constant 0 : i32
          %dma_start3A_325 = arith.constant 0 : i32
          %dma_start3A_326 = tpu.memref_slice %arg10[%dma_start3A_324, %dma_start3A_325] : memref<100352x16xf32, #tpu.memory_space<vmem_shared>> -> memref<100352x16xf32, #tpu.memory_space<vmem_shared>>
          tpu.enqueue_indirect_dma source(%dma_start3A_320 : memref<128x16xf32, #tpu.memory_space<vmem>>) target(%dma_start3A_326 : memref<100352x16xf32, #tpu.memory_space<vmem_shared>>) offsets(%dma_start3A_323 : memref<128xi32, #tpu.memory_space<vmem>>) semaphore(%run_scoped3A : memref<!tpu.dma_semaphore, #tpu.memory_space<semaphore_mem>>) {add = true}
          %dma_wait3A_327 = arith.constant 256 : i32
          %dma_wait3A_328 = arith.constant 0 : i32
          %dma_wait3A_329 = tpu.memref_slice %arg9[%dma_wait3A_327, %dma_wait3A_328] : memref<640x16xf32, #tpu.memory_space<vmem>> -> memref<128x16xf32, #tpu.memory_space<vmem>>
          %dma_wait3A_330 = arith.constant 0 : i32
          %dma_wait3A_331 = tpu.memref_slice %arg7[%add3A_308, %dma_wait3A_330] : memref<40x128xi32, #tpu.memory_space<vmem>> -> memref<1x128xi32, #tpu.memory_space<vmem>>
          %dma_wait3A_332 = tpu.memref_squeeze %dma_wait3A_331 : memref<1x128xi32, #tpu.memory_space<vmem>> -> memref<128xi32, #tpu.memory_space<vmem>>
          %dma_wait3A_333 = arith.constant 0 : i32
          %dma_wait3A_334 = arith.constant 0 : i32
          %dma_wait3A_335 = tpu.memref_slice %arg10[%dma_wait3A_333, %dma_wait3A_334] : memref<100352x16xf32, #tpu.memory_space<vmem_shared>> -> memref<100352x16xf32, #tpu.memory_space<vmem_shared>>
          tpu.wait_indirect_dma semaphore(%run_scoped3A : memref<!tpu.dma_semaphore, #tpu.memory_space<semaphore_mem>>) src(%dma_wait3A_329 : memref<128x16xf32, #tpu.memory_space<vmem>>) dst(%dma_wait3A_335 : memref<100352x16xf32, #tpu.memory_space<vmem_shared>>)
          tpu.yield
        }) : () -> ()
        %add3A_309 = arith.constant 5 : i32
        %add3A_310 = arith.addi %mul3A_100, %add3A_309 : i32
        %add3A_311 = arith.constant 3 : i32
        %add3A_312 = arith.addi %add3A_310, %add3A_311 : i32
        "tpu.region"() ({
          %run_scoped3A = tpu.sem_alloc : memref<!tpu.dma_semaphore, #tpu.memory_space<semaphore_mem>>
          %dma_start3A_318 = arith.constant 384 : i32
          %dma_start3A_319 = arith.constant 0 : i32
          %dma_start3A_320 = tpu.memref_slice %arg9[%dma_start3A_318, %dma_start3A_319] : memref<640x16xf32, #tpu.memory_space<vmem>> -> memref<128x16xf32, #tpu.memory_space<vmem>>
          %dma_start3A_321 = arith.constant 0 : i32
          %dma_start3A_322 = tpu.memref_slice %arg7[%add3A_312, %dma_start3A_321] : memref<40x128xi32, #tpu.memory_space<vmem>> -> memref<1x128xi32, #tpu.memory_space<vmem>>
          %dma_start3A_323 = tpu.memref_squeeze %dma_start3A_322 : memref<1x128xi32, #tpu.memory_space<vmem>> -> memref<128xi32, #tpu.memory_space<vmem>>
          %dma_start3A_324 = arith.constant 0 : i32
          %dma_start3A_325 = arith.constant 0 : i32
          %dma_start3A_326 = tpu.memref_slice %arg10[%dma_start3A_324, %dma_start3A_325] : memref<100352x16xf32, #tpu.memory_space<vmem_shared>> -> memref<100352x16xf32, #tpu.memory_space<vmem_shared>>
          tpu.enqueue_indirect_dma source(%dma_start3A_320 : memref<128x16xf32, #tpu.memory_space<vmem>>) target(%dma_start3A_326 : memref<100352x16xf32, #tpu.memory_space<vmem_shared>>) offsets(%dma_start3A_323 : memref<128xi32, #tpu.memory_space<vmem>>) semaphore(%run_scoped3A : memref<!tpu.dma_semaphore, #tpu.memory_space<semaphore_mem>>) {add = true}
          %dma_wait3A_327 = arith.constant 384 : i32
          %dma_wait3A_328 = arith.constant 0 : i32
          %dma_wait3A_329 = tpu.memref_slice %arg9[%dma_wait3A_327, %dma_wait3A_328] : memref<640x16xf32, #tpu.memory_space<vmem>> -> memref<128x16xf32, #tpu.memory_space<vmem>>
          %dma_wait3A_330 = arith.constant 0 : i32
          %dma_wait3A_331 = tpu.memref_slice %arg7[%add3A_312, %dma_wait3A_330] : memref<40x128xi32, #tpu.memory_space<vmem>> -> memref<1x128xi32, #tpu.memory_space<vmem>>
          %dma_wait3A_332 = tpu.memref_squeeze %dma_wait3A_331 : memref<1x128xi32, #tpu.memory_space<vmem>> -> memref<128xi32, #tpu.memory_space<vmem>>
          %dma_wait3A_333 = arith.constant 0 : i32
          %dma_wait3A_334 = arith.constant 0 : i32
          %dma_wait3A_335 = tpu.memref_slice %arg10[%dma_wait3A_333, %dma_wait3A_334] : memref<100352x16xf32, #tpu.memory_space<vmem_shared>> -> memref<100352x16xf32, #tpu.memory_space<vmem_shared>>
          tpu.wait_indirect_dma semaphore(%run_scoped3A : memref<!tpu.dma_semaphore, #tpu.memory_space<semaphore_mem>>) src(%dma_wait3A_329 : memref<128x16xf32, #tpu.memory_space<vmem>>) dst(%dma_wait3A_335 : memref<100352x16xf32, #tpu.memory_space<vmem_shared>>)
          tpu.yield
        }) : () -> ()
        %add3A_313 = arith.constant 5 : i32
        %add3A_314 = arith.addi %mul3A_100, %add3A_313 : i32
        %add3A_315 = arith.constant 4 : i32
        %add3A_316 = arith.addi %add3A_314, %add3A_315 : i32
        "tpu.region"() ({
          %run_scoped3A = tpu.sem_alloc : memref<!tpu.dma_semaphore, #tpu.memory_space<semaphore_mem>>
          %dma_start3A_318 = arith.constant 512 : i32
          %dma_start3A_319 = arith.constant 0 : i32
          %dma_start3A_320 = tpu.memref_slice %arg9[%dma_start3A_318, %dma_start3A_319] : memref<640x16xf32, #tpu.memory_space<vmem>> -> memref<128x16xf32, #tpu.memory_space<vmem>>
          %dma_start3A_321 = arith.constant 0 : i32
          %dma_start3A_322 = tpu.memref_slice %arg7[%add3A_316, %dma_start3A_321] : memref<40x128xi32, #tpu.memory_space<vmem>> -> memref<1x128xi32, #tpu.memory_space<vmem>>
          %dma_start3A_323 = tpu.memref_squeeze %dma_start3A_322 : memref<1x128xi32, #tpu.memory_space<vmem>> -> memref<128xi32, #tpu.memory_space<vmem>>
          %dma_start3A_324 = arith.constant 0 : i32
          %dma_start3A_325 = arith.constant 0 : i32
          %dma_start3A_326 = tpu.memref_slice %arg10[%dma_start3A_324, %dma_start3A_325] : memref<100352x16xf32, #tpu.memory_space<vmem_shared>> -> memref<100352x16xf32, #tpu.memory_space<vmem_shared>>
          tpu.enqueue_indirect_dma source(%dma_start3A_320 : memref<128x16xf32, #tpu.memory_space<vmem>>) target(%dma_start3A_326 : memref<100352x16xf32, #tpu.memory_space<vmem_shared>>) offsets(%dma_start3A_323 : memref<128xi32, #tpu.memory_space<vmem>>) semaphore(%run_scoped3A : memref<!tpu.dma_semaphore, #tpu.memory_space<semaphore_mem>>) {add = true}
          %dma_wait3A_327 = arith.constant 512 : i32
          %dma_wait3A_328 = arith.constant 0 : i32
          %dma_wait3A_329 = tpu.memref_slice %arg9[%dma_wait3A_327, %dma_wait3A_328] : memref<640x16xf32, #tpu.memory_space<vmem>> -> memref<128x16xf32, #tpu.memory_space<vmem>>
          %dma_wait3A_330 = arith.constant 0 : i32
          %dma_wait3A_331 = tpu.memref_slice %arg7[%add3A_316, %dma_wait3A_330] : memref<40x128xi32, #tpu.memory_space<vmem>> -> memref<1x128xi32, #tpu.memory_space<vmem>>
          %dma_wait3A_332 = tpu.memref_squeeze %dma_wait3A_331 : memref<1x128xi32, #tpu.memory_space<vmem>> -> memref<128xi32, #tpu.memory_space<vmem>>
          %dma_wait3A_333 = arith.constant 0 : i32
          %dma_wait3A_334 = arith.constant 0 : i32
          %dma_wait3A_335 = tpu.memref_slice %arg10[%dma_wait3A_333, %dma_wait3A_334] : memref<100352x16xf32, #tpu.memory_space<vmem_shared>> -> memref<100352x16xf32, #tpu.memory_space<vmem_shared>>
          tpu.wait_indirect_dma semaphore(%run_scoped3A : memref<!tpu.dma_semaphore, #tpu.memory_space<semaphore_mem>>) src(%dma_wait3A_329 : memref<128x16xf32, #tpu.memory_space<vmem>>) dst(%dma_wait3A_335 : memref<100352x16xf32, #tpu.memory_space<vmem_shared>>)
          tpu.yield
        }) : () -> ()
        %scan3A_317 = arith.constant 0 : i32
        scf.yield %scan3A_317 : i32
      }
      %scan3A_95 = arith.constant 4 : i32
      %scan3A_96 = arith.constant 0 : i32
      scf.yield %scan3A_96 : i32
    }
    %scan3A_26 = arith.constant 20 : i32
    %barrier3A_27 = arith.constant 0 : index
    tpu.barrier barrier_id(%barrier3A_27)
    %mul3A_28 = arith.constant 6272 : i32
    %mul3A_29 = arith.muli %arg1, %mul3A_28 : i32
    %mul3A_30 = arith.constant 6272 : i32
    %mul3A_31 = arith.muli %arg1, %mul3A_30 : i32
    "tpu.region"() ({
      %run_scoped3A = tpu.sem_alloc : memref<!tpu.dma_semaphore, #tpu.memory_space<semaphore_mem>>
      %dma_start3A = arith.constant 0 : i32
      %dma_start3A_32 = tpu.memref_slice %arg5[%arg0, %mul3A_31, %dma_start3A] : memref<2x100352x16xf32, #tpu.memory_space<hbm>> -> memref<1x6272x16xf32, #tpu.memory_space<hbm>>
      %dma_start3A_33 = tpu.memref_squeeze %dma_start3A_32 : memref<1x6272x16xf32, #tpu.memory_space<hbm>> -> memref<6272x16xf32, #tpu.memory_space<hbm>>
      %dma_start3A_34 = arith.constant 0 : i32
      %dma_start3A_35 = tpu.memref_slice %arg10[%mul3A_29, %dma_start3A_34] : memref<100352x16xf32, #tpu.memory_space<vmem_shared>> -> memref<6272x16xf32, #tpu.memory_space<vmem_shared>>
      tpu.enqueue_dma source(%dma_start3A_35 : memref<6272x16xf32, #tpu.memory_space<vmem_shared>>) target(%dma_start3A_33 : memref<6272x16xf32, #tpu.memory_space<hbm>>) target_semaphore(%run_scoped3A : memref<!tpu.dma_semaphore, #tpu.memory_space<semaphore_mem>>)
      %dma_wait3A = arith.constant 0 : i32
      %dma_wait3A_36 = tpu.memref_slice %arg5[%arg0, %mul3A_31, %dma_wait3A] : memref<2x100352x16xf32, #tpu.memory_space<hbm>> -> memref<1x6272x16xf32, #tpu.memory_space<hbm>>
      %dma_wait3A_37 = tpu.memref_squeeze %dma_wait3A_36 : memref<1x6272x16xf32, #tpu.memory_space<hbm>> -> memref<6272x16xf32, #tpu.memory_space<hbm>>
      %dma_wait3A_38 = arith.constant 0 : i32
      %dma_wait3A_39 = tpu.memref_slice %arg10[%mul3A_29, %dma_wait3A_38] : memref<100352x16xf32, #tpu.memory_space<vmem_shared>> -> memref<6272x16xf32, #tpu.memory_space<vmem_shared>>
      tpu.wait_dma2 semaphore(%run_scoped3A : memref<!tpu.dma_semaphore, #tpu.memory_space<semaphore_mem>>) src(%dma_wait3A_39 : memref<6272x16xf32, #tpu.memory_space<vmem_shared>>) dst(%dma_wait3A_37 : memref<6272x16xf32, #tpu.memory_space<hbm>>)
      tpu.yield
    }) : () -> ()
    return
  }
}

module attributes {stable_mosaic.version = 14 : i64} {
  func.func @_norm_body(%arg0: i32, %arg1: memref<2x784x128xf32, #tpu.memory_space<vmem>>, %arg2: memref<2x784x128xf32, #tpu.memory_space<vmem>>, %arg3: memref<8x128xf32, #tpu.memory_space<vmem>>, %arg4: memref<784x16x128xf32, #tpu.memory_space<vmem>>, %arg5: memref<784x16x128xf32, #tpu.memory_space<vmem>>) attributes {dimension_semantics = [#tpu.dimension_semantics<arbitrary>], iteration_bounds = array<i64: 1>, scalar_prefetch = 0 : i64, scratch_operands = 0 : i64, tpu.core_type = #tpu.core_type<tc>, window_params = [{pipeline_mode = #tpu.pipeline_mode<synchronous>, transform_indices = @transform_0, window_bounds = array<i64: 2, 784, 128>}, {pipeline_mode = #tpu.pipeline_mode<synchronous>, transform_indices = @transform_1, window_bounds = array<i64: 2, 784, 128>}, {pipeline_mode = #tpu.pipeline_mode<synchronous>, transform_indices = @transform_2, window_bounds = array<i64: 8, 128>}, {pipeline_mode = #tpu.pipeline_mode<synchronous>, transform_indices = @transform_3, window_bounds = array<i64: 784, 16, 128>}, {pipeline_mode = #tpu.pipeline_mode<synchronous>, transform_indices = @transform_4, window_bounds = array<i64: 784, 16, 128>}]} {
    %get3A = arith.constant 0 : index
    %get3A_0 = arith.constant 0 : index
    %get3A_1 = arith.constant 0 : index
    %get3A_2 = vector.load %arg1[%get3A, %get3A_0, %get3A_1] : memref<2x784x128xf32, #tpu.memory_space<vmem>>, vector<1x784x128xf32>
    %get3A_3 = vector.shape_cast %get3A_2 : vector<1x784x128xf32> to vector<784x128xf32>
    %get3A_4 = arith.constant 1 : index
    %get3A_5 = arith.constant 0 : index
    %get3A_6 = arith.constant 0 : index
    %get3A_7 = vector.load %arg1[%get3A_4, %get3A_5, %get3A_6] : memref<2x784x128xf32, #tpu.memory_space<vmem>>, vector<1x784x128xf32>
    %get3A_8 = vector.shape_cast %get3A_7 : vector<1x784x128xf32> to vector<784x128xf32>
    %add3A = arith.addf %get3A_3, %get3A_8 : vector<784x128xf32>
    %max3A = arith.constant 1.000000e+00 : f32
    %max3A_9 = vector.broadcast %max3A : f32 to vector<784x128xf32>
    %max3A_10 = arith.maximumf %add3A, %max3A_9 : vector<784x128xf32>
    %rsqrt3A = math.rsqrt %max3A_10 : vector<784x128xf32>
    %get3A_11 = arith.constant 0 : index
    %get3A_12 = arith.constant 0 : index
    %get3A_13 = arith.constant 0 : index
    %get3A_14 = vector.load %arg2[%get3A_11, %get3A_12, %get3A_13] : memref<2x784x128xf32, #tpu.memory_space<vmem>>, vector<1x784x128xf32>
    %get3A_15 = vector.shape_cast %get3A_14 : vector<1x784x128xf32> to vector<784x128xf32>
    %get3A_16 = arith.constant 1 : index
    %get3A_17 = arith.constant 0 : index
    %get3A_18 = arith.constant 0 : index
    %get3A_19 = vector.load %arg2[%get3A_16, %get3A_17, %get3A_18] : memref<2x784x128xf32, #tpu.memory_space<vmem>>, vector<1x784x128xf32>
    %get3A_20 = vector.shape_cast %get3A_19 : vector<1x784x128xf32> to vector<784x128xf32>
    %add3A_21 = arith.addf %get3A_15, %get3A_20 : vector<784x128xf32>
    %max3A_22 = arith.constant 1.000000e+00 : f32
    %max3A_23 = vector.broadcast %max3A_22 : f32 to vector<784x128xf32>
    %max3A_24 = arith.maximumf %add3A_21, %max3A_23 : vector<784x128xf32>
    %rsqrt3A_25 = math.rsqrt %max3A_24 : vector<784x128xf32>
    %slice3A = vector.extract_strided_slice %rsqrt3A {offsets = [0, 0], sizes = [784, 8], strides = [1, 1]} : vector<784x128xf32> to vector<784x8xf32>
    %get3A_26 = arith.constant 0 : index
    %get3A_27 = arith.constant 0 : index
    %get3A_28 = vector.load %arg3[%get3A_26, %get3A_27] : memref<8x128xf32, #tpu.memory_space<vmem>>, vector<8x128xf32>
    %dot_general3A = arith.constant dense<0.000000e+00> : vector<784x128xf32>
    %dot_general3A_29 = tpu.matmul %slice3A, %get3A_28, %dot_general3A {dimension_numbers = #tpu.dot_dimension_numbers<[1], [0], [0], [1], [0, 0, 1, 1], [], []>, precision = #tpu.contract_precision<fp32>, transpose_lhs_hint = false} : vector<784x8xf32>, vector<8x128xf32>, vector<784x128xf32> -> vector<784x128xf32>
    %swap3A = arith.constant 0 : index
    %swap3A_30 = arith.constant 0 : index
    %swap3A_31 = arith.constant 0 : index
    %swap3A_32 = vector.load %arg4[%swap3A, %swap3A_30, %swap3A_31] : memref<784x16x128xf32, #tpu.memory_space<vmem>>, vector<784x1x128xf32>
    %swap3A_33 = vector.shape_cast %swap3A_32 : vector<784x1x128xf32> to vector<784x128xf32>
    %swap3A_34 = vector.shape_cast %dot_general3A_29 : vector<784x128xf32> to vector<784x1x128xf32>
    tpu.vector_store %arg4[%swap3A, %swap3A_30, %swap3A_31], %swap3A_34 {strides = array<i32>} : memref<784x16x128xf32, #tpu.memory_space<vmem>>, vector<784x1x128xf32>,
    %slice3A_35 = vector.extract_strided_slice %rsqrt3A_25 {offsets = [0, 0], sizes = [784, 8], strides = [1, 1]} : vector<784x128xf32> to vector<784x8xf32>
    %get3A_36 = arith.constant 0 : index
    %get3A_37 = arith.constant 0 : index
    %get3A_38 = vector.load %arg3[%get3A_36, %get3A_37] : memref<8x128xf32, #tpu.memory_space<vmem>>, vector<8x128xf32>
    %dot_general3A_39 = arith.constant dense<0.000000e+00> : vector<784x128xf32>
    %dot_general3A_40 = tpu.matmul %slice3A_35, %get3A_38, %dot_general3A_39 {dimension_numbers = #tpu.dot_dimension_numbers<[1], [0], [0], [1], [0, 0, 1, 1], [], []>, precision = #tpu.contract_precision<fp32>, transpose_lhs_hint = false} : vector<784x8xf32>, vector<8x128xf32>, vector<784x128xf32> -> vector<784x128xf32>
    %swap3A_41 = arith.constant 0 : index
    %swap3A_42 = arith.constant 0 : index
    %swap3A_43 = arith.constant 0 : index
    %swap3A_44 = vector.load %arg5[%swap3A_41, %swap3A_42, %swap3A_43] : memref<784x16x128xf32, #tpu.memory_space<vmem>>, vector<784x1x128xf32>
    %swap3A_45 = vector.shape_cast %swap3A_44 : vector<784x1x128xf32> to vector<784x128xf32>
    %swap3A_46 = vector.shape_cast %dot_general3A_40 : vector<784x128xf32> to vector<784x1x128xf32>
    tpu.vector_store %arg5[%swap3A_41, %swap3A_42, %swap3A_43], %swap3A_46 {strides = array<i32>} : memref<784x16x128xf32, #tpu.memory_space<vmem>>, vector<784x1x128xf32>,
    %slice3A_47 = vector.extract_strided_slice %rsqrt3A {offsets = [0, 8], sizes = [784, 8], strides = [1, 1]} : vector<784x128xf32> to vector<784x8xf32>
    %get3A_48 = arith.constant 0 : index
    %get3A_49 = arith.constant 0 : index
    %get3A_50 = vector.load %arg3[%get3A_48, %get3A_49] : memref<8x128xf32, #tpu.memory_space<vmem>>, vector<8x128xf32>
    %dot_general3A_51 = arith.constant dense<0.000000e+00> : vector<784x128xf32>
    %dot_general3A_52 = tpu.matmul %slice3A_47, %get3A_50, %dot_general3A_51 {dimension_numbers = #tpu.dot_dimension_numbers<[1], [0], [0], [1], [0, 0, 1, 1], [], []>, precision = #tpu.contract_precision<fp32>, transpose_lhs_hint = false} : vector<784x8xf32>, vector<8x128xf32>, vector<784x128xf32> -> vector<784x128xf32>
    %swap3A_53 = arith.constant 0 : index
    %swap3A_54 = arith.constant 1 : index
    %swap3A_55 = arith.constant 0 : index
    %swap3A_56 = vector.load %arg4[%swap3A_53, %swap3A_54, %swap3A_55] : memref<784x16x128xf32, #tpu.memory_space<vmem>>, vector<784x1x128xf32>
    %swap3A_57 = vector.shape_cast %swap3A_56 : vector<784x1x128xf32> to vector<784x128xf32>
    %swap3A_58 = vector.shape_cast %dot_general3A_52 : vector<784x128xf32> to vector<784x1x128xf32>
    tpu.vector_store %arg4[%swap3A_53, %swap3A_54, %swap3A_55], %swap3A_58 {strides = array<i32>} : memref<784x16x128xf32, #tpu.memory_space<vmem>>, vector<784x1x128xf32>,
    %slice3A_59 = vector.extract_strided_slice %rsqrt3A_25 {offsets = [0, 8], sizes = [784, 8], strides = [1, 1]} : vector<784x128xf32> to vector<784x8xf32>
    %get3A_60 = arith.constant 0 : index
    %get3A_61 = arith.constant 0 : index
    %get3A_62 = vector.load %arg3[%get3A_60, %get3A_61] : memref<8x128xf32, #tpu.memory_space<vmem>>, vector<8x128xf32>
    %dot_general3A_63 = arith.constant dense<0.000000e+00> : vector<784x128xf32>
    %dot_general3A_64 = tpu.matmul %slice3A_59, %get3A_62, %dot_general3A_63 {dimension_numbers = #tpu.dot_dimension_numbers<[1], [0], [0], [1], [0, 0, 1, 1], [], []>, precision = #tpu.contract_precision<fp32>, transpose_lhs_hint = false} : vector<784x8xf32>, vector<8x128xf32>, vector<784x128xf32> -> vector<784x128xf32>
    %swap3A_65 = arith.constant 0 : index
    %swap3A_66 = arith.constant 1 : index
    %swap3A_67 = arith.constant 0 : index
    %swap3A_68 = vector.load %arg5[%swap3A_65, %swap3A_66, %swap3A_67] : memref<784x16x128xf32, #tpu.memory_space<vmem>>, vector<784x1x128xf32>
    %swap3A_69 = vector.shape_cast %swap3A_68 : vector<784x1x128xf32> to vector<784x128xf32>
    %swap3A_70 = vector.shape_cast %dot_general3A_64 : vector<784x128xf32> to vector<784x1x128xf32>
    tpu.vector_store %arg5[%swap3A_65, %swap3A_66, %swap3A_67], %swap3A_70 {strides = array<i32>} : memref<784x16x128xf32, #tpu.memory_space<vmem>>, vector<784x1x128xf32>,
    %slice3A_71 = vector.extract_strided_slice %rsqrt3A {offsets = [0, 16], sizes = [784, 8], strides = [1, 1]} : vector<784x128xf32> to vector<784x8xf32>
    %get3A_72 = arith.constant 0 : index
    %get3A_73 = arith.constant 0 : index
    %get3A_74 = vector.load %arg3[%get3A_72, %get3A_73] : memref<8x128xf32, #tpu.memory_space<vmem>>, vector<8x128xf32>
    %dot_general3A_75 = arith.constant dense<0.000000e+00> : vector<784x128xf32>
    %dot_general3A_76 = tpu.matmul %slice3A_71, %get3A_74, %dot_general3A_75 {dimension_numbers = #tpu.dot_dimension_numbers<[1], [0], [0], [1], [0, 0, 1, 1], [], []>, precision = #tpu.contract_precision<fp32>, transpose_lhs_hint = false} : vector<784x8xf32>, vector<8x128xf32>, vector<784x128xf32> -> vector<784x128xf32>
    %swap3A_77 = arith.constant 0 : index
    %swap3A_78 = arith.constant 2 : index
    %swap3A_79 = arith.constant 0 : index
    %swap3A_80 = vector.load %arg4[%swap3A_77, %swap3A_78, %swap3A_79] : memref<784x16x128xf32, #tpu.memory_space<vmem>>, vector<784x1x128xf32>
    %swap3A_81 = vector.shape_cast %swap3A_80 : vector<784x1x128xf32> to vector<784x128xf32>
    %swap3A_82 = vector.shape_cast %dot_general3A_76 : vector<784x128xf32> to vector<784x1x128xf32>
    tpu.vector_store %arg4[%swap3A_77, %swap3A_78, %swap3A_79], %swap3A_82 {strides = array<i32>} : memref<784x16x128xf32, #tpu.memory_space<vmem>>, vector<784x1x128xf32>,
    %slice3A_83 = vector.extract_strided_slice %rsqrt3A_25 {offsets = [0, 16], sizes = [784, 8], strides = [1, 1]} : vector<784x128xf32> to vector<784x8xf32>
    %get3A_84 = arith.constant 0 : index
    %get3A_85 = arith.constant 0 : index
    %get3A_86 = vector.load %arg3[%get3A_84, %get3A_85] : memref<8x128xf32, #tpu.memory_space<vmem>>, vector<8x128xf32>
    %dot_general3A_87 = arith.constant dense<0.000000e+00> : vector<784x128xf32>
    %dot_general3A_88 = tpu.matmul %slice3A_83, %get3A_86, %dot_general3A_87 {dimension_numbers = #tpu.dot_dimension_numbers<[1], [0], [0], [1], [0, 0, 1, 1], [], []>, precision = #tpu.contract_precision<fp32>, transpose_lhs_hint = false} : vector<784x8xf32>, vector<8x128xf32>, vector<784x128xf32> -> vector<784x128xf32>
    %swap3A_89 = arith.constant 0 : index
    %swap3A_90 = arith.constant 2 : index
    %swap3A_91 = arith.constant 0 : index
    %swap3A_92 = vector.load %arg5[%swap3A_89, %swap3A_90, %swap3A_91] : memref<784x16x128xf32, #tpu.memory_space<vmem>>, vector<784x1x128xf32>
    %swap3A_93 = vector.shape_cast %swap3A_92 : vector<784x1x128xf32> to vector<784x128xf32>
    %swap3A_94 = vector.shape_cast %dot_general3A_88 : vector<784x128xf32> to vector<784x1x128xf32>
    tpu.vector_store %arg5[%swap3A_89, %swap3A_90, %swap3A_91], %swap3A_94 {strides = array<i32>} : memref<784x16x128xf32, #tpu.memory_space<vmem>>, vector<784x1x128xf32>,
    %slice3A_95 = vector.extract_strided_slice %rsqrt3A {offsets = [0, 24], sizes = [784, 8], strides = [1, 1]} : vector<784x128xf32> to vector<784x8xf32>
    %get3A_96 = arith.constant 0 : index
    %get3A_97 = arith.constant 0 : index
    %get3A_98 = vector.load %arg3[%get3A_96, %get3A_97] : memref<8x128xf32, #tpu.memory_space<vmem>>, vector<8x128xf32>
    %dot_general3A_99 = arith.constant dense<0.000000e+00> : vector<784x128xf32>
    %dot_general3A_100 = tpu.matmul %slice3A_95, %get3A_98, %dot_general3A_99 {dimension_numbers = #tpu.dot_dimension_numbers<[1], [0], [0], [1], [0, 0, 1, 1], [], []>, precision = #tpu.contract_precision<fp32>, transpose_lhs_hint = false} : vector<784x8xf32>, vector<8x128xf32>, vector<784x128xf32> -> vector<784x128xf32>
    %swap3A_101 = arith.constant 0 : index
    %swap3A_102 = arith.constant 3 : index
    %swap3A_103 = arith.constant 0 : index
    %swap3A_104 = vector.load %arg4[%swap3A_101, %swap3A_102, %swap3A_103] : memref<784x16x128xf32, #tpu.memory_space<vmem>>, vector<784x1x128xf32>
    %swap3A_105 = vector.shape_cast %swap3A_104 : vector<784x1x128xf32> to vector<784x128xf32>
    %swap3A_106 = vector.shape_cast %dot_general3A_100 : vector<784x128xf32> to vector<784x1x128xf32>
    tpu.vector_store %arg4[%swap3A_101, %swap3A_102, %swap3A_103], %swap3A_106 {strides = array<i32>} : memref<784x16x128xf32, #tpu.memory_space<vmem>>, vector<784x1x128xf32>,
    %slice3A_107 = vector.extract_strided_slice %rsqrt3A_25 {offsets = [0, 24], sizes = [784, 8], strides = [1, 1]} : vector<784x128xf32> to vector<784x8xf32>
    %get3A_108 = arith.constant 0 : index
    %get3A_109 = arith.constant 0 : index
    %get3A_110 = vector.load %arg3[%get3A_108, %get3A_109] : memref<8x128xf32, #tpu.memory_space<vmem>>, vector<8x128xf32>
    %dot_general3A_111 = arith.constant dense<0.000000e+00> : vector<784x128xf32>
    %dot_general3A_112 = tpu.matmul %slice3A_107, %get3A_110, %dot_general3A_111 {dimension_numbers = #tpu.dot_dimension_numbers<[1], [0], [0], [1], [0, 0, 1, 1], [], []>, precision = #tpu.contract_precision<fp32>, transpose_lhs_hint = false} : vector<784x8xf32>, vector<8x128xf32>, vector<784x128xf32> -> vector<784x128xf32>
    %swap3A_113 = arith.constant 0 : index
    %swap3A_114 = arith.constant 3 : index
    %swap3A_115 = arith.constant 0 : index
    %swap3A_116 = vector.load %arg5[%swap3A_113, %swap3A_114, %swap3A_115] : memref<784x16x128xf32, #tpu.memory_space<vmem>>, vector<784x1x128xf32>
    %swap3A_117 = vector.shape_cast %swap3A_116 : vector<784x1x128xf32> to vector<784x128xf32>
    %swap3A_118 = vector.shape_cast %dot_general3A_112 : vector<784x128xf32> to vector<784x1x128xf32>
    tpu.vector_store %arg5[%swap3A_113, %swap3A_114, %swap3A_115], %swap3A_118 {strides = array<i32>} : memref<784x16x128xf32, #tpu.memory_space<vmem>>, vector<784x1x128xf32>,
    %slice3A_119 = vector.extract_strided_slice %rsqrt3A {offsets = [0, 32], sizes = [784, 8], strides = [1, 1]} : vector<784x128xf32> to vector<784x8xf32>
    %get3A_120 = arith.constant 0 : index
    %get3A_121 = arith.constant 0 : index
    %get3A_122 = vector.load %arg3[%get3A_120, %get3A_121] : memref<8x128xf32, #tpu.memory_space<vmem>>, vector<8x128xf32>
    %dot_general3A_123 = arith.constant dense<0.000000e+00> : vector<784x128xf32>
    %dot_general3A_124 = tpu.matmul %slice3A_119, %get3A_122, %dot_general3A_123 {dimension_numbers = #tpu.dot_dimension_numbers<[1], [0], [0], [1], [0, 0, 1, 1], [], []>, precision = #tpu.contract_precision<fp32>, transpose_lhs_hint = false} : vector<784x8xf32>, vector<8x128xf32>, vector<784x128xf32> -> vector<784x128xf32>
    %swap3A_125 = arith.constant 0 : index
    %swap3A_126 = arith.constant 4 : index
    %swap3A_127 = arith.constant 0 : index
    %swap3A_128 = vector.load %arg4[%swap3A_125, %swap3A_126, %swap3A_127] : memref<784x16x128xf32, #tpu.memory_space<vmem>>, vector<784x1x128xf32>
    %swap3A_129 = vector.shape_cast %swap3A_128 : vector<784x1x128xf32> to vector<784x128xf32>
    %swap3A_130 = vector.shape_cast %dot_general3A_124 : vector<784x128xf32> to vector<784x1x128xf32>
    tpu.vector_store %arg4[%swap3A_125, %swap3A_126, %swap3A_127], %swap3A_130 {strides = array<i32>} : memref<784x16x128xf32, #tpu.memory_space<vmem>>, vector<784x1x128xf32>,
    %slice3A_131 = vector.extract_strided_slice %rsqrt3A_25 {offsets = [0, 32], sizes = [784, 8], strides = [1, 1]} : vector<784x128xf32> to vector<784x8xf32>
    %get3A_132 = arith.constant 0 : index
    %get3A_133 = arith.constant 0 : index
    %get3A_134 = vector.load %arg3[%get3A_132, %get3A_133] : memref<8x128xf32, #tpu.memory_space<vmem>>, vector<8x128xf32>
    %dot_general3A_135 = arith.constant dense<0.000000e+00> : vector<784x128xf32>
    %dot_general3A_136 = tpu.matmul %slice3A_131, %get3A_134, %dot_general3A_135 {dimension_numbers = #tpu.dot_dimension_numbers<[1], [0], [0], [1], [0, 0, 1, 1], [], []>, precision = #tpu.contract_precision<fp32>, transpose_lhs_hint = false} : vector<784x8xf32>, vector<8x128xf32>, vector<784x128xf32> -> vector<784x128xf32>
    %swap3A_137 = arith.constant 0 : index
    %swap3A_138 = arith.constant 4 : index
    %swap3A_139 = arith.constant 0 : index
    %swap3A_140 = vector.load %arg5[%swap3A_137, %swap3A_138, %swap3A_139] : memref<784x16x128xf32, #tpu.memory_space<vmem>>, vector<784x1x128xf32>
    %swap3A_141 = vector.shape_cast %swap3A_140 : vector<784x1x128xf32> to vector<784x128xf32>
    %swap3A_142 = vector.shape_cast %dot_general3A_136 : vector<784x128xf32> to vector<784x1x128xf32>
    tpu.vector_store %arg5[%swap3A_137, %swap3A_138, %swap3A_139], %swap3A_142 {strides = array<i32>} : memref<784x16x128xf32, #tpu.memory_space<vmem>>, vector<784x1x128xf32>,
    %slice3A_143 = vector.extract_strided_slice %rsqrt3A {offsets = [0, 40], sizes = [784, 8], strides = [1, 1]} : vector<784x128xf32> to vector<784x8xf32>
    %get3A_144 = arith.constant 0 : index
    %get3A_145 = arith.constant 0 : index
    %get3A_146 = vector.load %arg3[%get3A_144, %get3A_145] : memref<8x128xf32, #tpu.memory_space<vmem>>, vector<8x128xf32>
    %dot_general3A_147 = arith.constant dense<0.000000e+00> : vector<784x128xf32>
    %dot_general3A_148 = tpu.matmul %slice3A_143, %get3A_146, %dot_general3A_147 {dimension_numbers = #tpu.dot_dimension_numbers<[1], [0], [0], [1], [0, 0, 1, 1], [], []>, precision = #tpu.contract_precision<fp32>, transpose_lhs_hint = false} : vector<784x8xf32>, vector<8x128xf32>, vector<784x128xf32> -> vector<784x128xf32>
    %swap3A_149 = arith.constant 0 : index
    %swap3A_150 = arith.constant 5 : index
    %swap3A_151 = arith.constant 0 : index
    %swap3A_152 = vector.load %arg4[%swap3A_149, %swap3A_150, %swap3A_151] : memref<784x16x128xf32, #tpu.memory_space<vmem>>, vector<784x1x128xf32>
    %swap3A_153 = vector.shape_cast %swap3A_152 : vector<784x1x128xf32> to vector<784x128xf32>
    %swap3A_154 = vector.shape_cast %dot_general3A_148 : vector<784x128xf32> to vector<784x1x128xf32>
    tpu.vector_store %arg4[%swap3A_149, %swap3A_150, %swap3A_151], %swap3A_154 {strides = array<i32>} : memref<784x16x128xf32, #tpu.memory_space<vmem>>, vector<784x1x128xf32>,
    %slice3A_155 = vector.extract_strided_slice %rsqrt3A_25 {offsets = [0, 40], sizes = [784, 8], strides = [1, 1]} : vector<784x128xf32> to vector<784x8xf32>
    %get3A_156 = arith.constant 0 : index
    %get3A_157 = arith.constant 0 : index
    %get3A_158 = vector.load %arg3[%get3A_156, %get3A_157] : memref<8x128xf32, #tpu.memory_space<vmem>>, vector<8x128xf32>
    %dot_general3A_159 = arith.constant dense<0.000000e+00> : vector<784x128xf32>
    %dot_general3A_160 = tpu.matmul %slice3A_155, %get3A_158, %dot_general3A_159 {dimension_numbers = #tpu.dot_dimension_numbers<[1], [0], [0], [1], [0, 0, 1, 1], [], []>, precision = #tpu.contract_precision<fp32>, transpose_lhs_hint = false} : vector<784x8xf32>, vector<8x128xf32>, vector<784x128xf32> -> vector<784x128xf32>
    %swap3A_161 = arith.constant 0 : index
    %swap3A_162 = arith.constant 5 : index
    %swap3A_163 = arith.constant 0 : index
    %swap3A_164 = vector.load %arg5[%swap3A_161, %swap3A_162, %swap3A_163] : memref<784x16x128xf32, #tpu.memory_space<vmem>>, vector<784x1x128xf32>
    %swap3A_165 = vector.shape_cast %swap3A_164 : vector<784x1x128xf32> to vector<784x128xf32>
    %swap3A_166 = vector.shape_cast %dot_general3A_160 : vector<784x128xf32> to vector<784x1x128xf32>
    tpu.vector_store %arg5[%swap3A_161, %swap3A_162, %swap3A_163], %swap3A_166 {strides = array<i32>} : memref<784x16x128xf32, #tpu.memory_space<vmem>>, vector<784x1x128xf32>,
    %slice3A_167 = vector.extract_strided_slice %rsqrt3A {offsets = [0, 48], sizes = [784, 8], strides = [1, 1]} : vector<784x128xf32> to vector<784x8xf32>
    %get3A_168 = arith.constant 0 : index
    %get3A_169 = arith.constant 0 : index
    %get3A_170 = vector.load %arg3[%get3A_168, %get3A_169] : memref<8x128xf32, #tpu.memory_space<vmem>>, vector<8x128xf32>
    %dot_general3A_171 = arith.constant dense<0.000000e+00> : vector<784x128xf32>
    %dot_general3A_172 = tpu.matmul %slice3A_167, %get3A_170, %dot_general3A_171 {dimension_numbers = #tpu.dot_dimension_numbers<[1], [0], [0], [1], [0, 0, 1, 1], [], []>, precision = #tpu.contract_precision<fp32>, transpose_lhs_hint = false} : vector<784x8xf32>, vector<8x128xf32>, vector<784x128xf32> -> vector<784x128xf32>
    %swap3A_173 = arith.constant 0 : index
    %swap3A_174 = arith.constant 6 : index
    %swap3A_175 = arith.constant 0 : index
    %swap3A_176 = vector.load %arg4[%swap3A_173, %swap3A_174, %swap3A_175] : memref<784x16x128xf32, #tpu.memory_space<vmem>>, vector<784x1x128xf32>
    %swap3A_177 = vector.shape_cast %swap3A_176 : vector<784x1x128xf32> to vector<784x128xf32>
    %swap3A_178 = vector.shape_cast %dot_general3A_172 : vector<784x128xf32> to vector<784x1x128xf32>
    tpu.vector_store %arg4[%swap3A_173, %swap3A_174, %swap3A_175], %swap3A_178 {strides = array<i32>} : memref<784x16x128xf32, #tpu.memory_space<vmem>>, vector<784x1x128xf32>,
    %slice3A_179 = vector.extract_strided_slice %rsqrt3A_25 {offsets = [0, 48], sizes = [784, 8], strides = [1, 1]} : vector<784x128xf32> to vector<784x8xf32>
    %get3A_180 = arith.constant 0 : index
    %get3A_181 = arith.constant 0 : index
    %get3A_182 = vector.load %arg3[%get3A_180, %get3A_181] : memref<8x128xf32, #tpu.memory_space<vmem>>, vector<8x128xf32>
    %dot_general3A_183 = arith.constant dense<0.000000e+00> : vector<784x128xf32>
    %dot_general3A_184 = tpu.matmul %slice3A_179, %get3A_182, %dot_general3A_183 {dimension_numbers = #tpu.dot_dimension_numbers<[1], [0], [0], [1], [0, 0, 1, 1], [], []>, precision = #tpu.contract_precision<fp32>, transpose_lhs_hint = false} : vector<784x8xf32>, vector<8x128xf32>, vector<784x128xf32> -> vector<784x128xf32>
    %swap3A_185 = arith.constant 0 : index
    %swap3A_186 = arith.constant 6 : index
    %swap3A_187 = arith.constant 0 : index
    %swap3A_188 = vector.load %arg5[%swap3A_185, %swap3A_186, %swap3A_187] : memref<784x16x128xf32, #tpu.memory_space<vmem>>, vector<784x1x128xf32>
    %swap3A_189 = vector.shape_cast %swap3A_188 : vector<784x1x128xf32> to vector<784x128xf32>
    %swap3A_190 = vector.shape_cast %dot_general3A_184 : vector<784x128xf32> to vector<784x1x128xf32>
    tpu.vector_store %arg5[%swap3A_185, %swap3A_186, %swap3A_187], %swap3A_190 {strides = array<i32>} : memref<784x16x128xf32, #tpu.memory_space<vmem>>, vector<784x1x128xf32>,
    %slice3A_191 = vector.extract_strided_slice %rsqrt3A {offsets = [0, 56], sizes = [784, 8], strides = [1, 1]} : vector<784x128xf32> to vector<784x8xf32>
    %get3A_192 = arith.constant 0 : index
    %get3A_193 = arith.constant 0 : index
    %get3A_194 = vector.load %arg3[%get3A_192, %get3A_193] : memref<8x128xf32, #tpu.memory_space<vmem>>, vector<8x128xf32>
    %dot_general3A_195 = arith.constant dense<0.000000e+00> : vector<784x128xf32>
    %dot_general3A_196 = tpu.matmul %slice3A_191, %get3A_194, %dot_general3A_195 {dimension_numbers = #tpu.dot_dimension_numbers<[1], [0], [0], [1], [0, 0, 1, 1], [], []>, precision = #tpu.contract_precision<fp32>, transpose_lhs_hint = false} : vector<784x8xf32>, vector<8x128xf32>, vector<784x128xf32> -> vector<784x128xf32>
    %swap3A_197 = arith.constant 0 : index
    %swap3A_198 = arith.constant 7 : index
    %swap3A_199 = arith.constant 0 : index
    %swap3A_200 = vector.load %arg4[%swap3A_197, %swap3A_198, %swap3A_199] : memref<784x16x128xf32, #tpu.memory_space<vmem>>, vector<784x1x128xf32>
    %swap3A_201 = vector.shape_cast %swap3A_200 : vector<784x1x128xf32> to vector<784x128xf32>
    %swap3A_202 = vector.shape_cast %dot_general3A_196 : vector<784x128xf32> to vector<784x1x128xf32>
    tpu.vector_store %arg4[%swap3A_197, %swap3A_198, %swap3A_199], %swap3A_202 {strides = array<i32>} : memref<784x16x128xf32, #tpu.memory_space<vmem>>, vector<784x1x128xf32>,
    %slice3A_203 = vector.extract_strided_slice %rsqrt3A_25 {offsets = [0, 56], sizes = [784, 8], strides = [1, 1]} : vector<784x128xf32> to vector<784x8xf32>
    %get3A_204 = arith.constant 0 : index
    %get3A_205 = arith.constant 0 : index
    %get3A_206 = vector.load %arg3[%get3A_204, %get3A_205] : memref<8x128xf32, #tpu.memory_space<vmem>>, vector<8x128xf32>
    %dot_general3A_207 = arith.constant dense<0.000000e+00> : vector<784x128xf32>
    %dot_general3A_208 = tpu.matmul %slice3A_203, %get3A_206, %dot_general3A_207 {dimension_numbers = #tpu.dot_dimension_numbers<[1], [0], [0], [1], [0, 0, 1, 1], [], []>, precision = #tpu.contract_precision<fp32>, transpose_lhs_hint = false} : vector<784x8xf32>, vector<8x128xf32>, vector<784x128xf32> -> vector<784x128xf32>
    %swap3A_209 = arith.constant 0 : index
    %swap3A_210 = arith.constant 7 : index
    %swap3A_211 = arith.constant 0 : index
    %swap3A_212 = vector.load %arg5[%swap3A_209, %swap3A_210, %swap3A_211] : memref<784x16x128xf32, #tpu.memory_space<vmem>>, vector<784x1x128xf32>
    %swap3A_213 = vector.shape_cast %swap3A_212 : vector<784x1x128xf32> to vector<784x128xf32>
    %swap3A_214 = vector.shape_cast %dot_general3A_208 : vector<784x128xf32> to vector<784x1x128xf32>
    tpu.vector_store %arg5[%swap3A_209, %swap3A_210, %swap3A_211], %swap3A_214 {strides = array<i32>} : memref<784x16x128xf32, #tpu.memory_space<vmem>>, vector<784x1x128xf32>,
    %slice3A_215 = vector.extract_strided_slice %rsqrt3A {offsets = [0, 64], sizes = [784, 8], strides = [1, 1]} : vector<784x128xf32> to vector<784x8xf32>
    %get3A_216 = arith.constant 0 : index
    %get3A_217 = arith.constant 0 : index
    %get3A_218 = vector.load %arg3[%get3A_216, %get3A_217] : memref<8x128xf32, #tpu.memory_space<vmem>>, vector<8x128xf32>
    %dot_general3A_219 = arith.constant dense<0.000000e+00> : vector<784x128xf32>
    %dot_general3A_220 = tpu.matmul %slice3A_215, %get3A_218, %dot_general3A_219 {dimension_numbers = #tpu.dot_dimension_numbers<[1], [0], [0], [1], [0, 0, 1, 1], [], []>, precision = #tpu.contract_precision<fp32>, transpose_lhs_hint = false} : vector<784x8xf32>, vector<8x128xf32>, vector<784x128xf32> -> vector<784x128xf32>
    %swap3A_221 = arith.constant 0 : index
    %swap3A_222 = arith.constant 8 : index
    %swap3A_223 = arith.constant 0 : index
    %swap3A_224 = vector.load %arg4[%swap3A_221, %swap3A_222, %swap3A_223] : memref<784x16x128xf32, #tpu.memory_space<vmem>>, vector<784x1x128xf32>
    %swap3A_225 = vector.shape_cast %swap3A_224 : vector<784x1x128xf32> to vector<784x128xf32>
    %swap3A_226 = vector.shape_cast %dot_general3A_220 : vector<784x128xf32> to vector<784x1x128xf32>
    tpu.vector_store %arg4[%swap3A_221, %swap3A_222, %swap3A_223], %swap3A_226 {strides = array<i32>} : memref<784x16x128xf32, #tpu.memory_space<vmem>>, vector<784x1x128xf32>,
    %slice3A_227 = vector.extract_strided_slice %rsqrt3A_25 {offsets = [0, 64], sizes = [784, 8], strides = [1, 1]} : vector<784x128xf32> to vector<784x8xf32>
    %get3A_228 = arith.constant 0 : index
    %get3A_229 = arith.constant 0 : index
    %get3A_230 = vector.load %arg3[%get3A_228, %get3A_229] : memref<8x128xf32, #tpu.memory_space<vmem>>, vector<8x128xf32>
    %dot_general3A_231 = arith.constant dense<0.000000e+00> : vector<784x128xf32>
    %dot_general3A_232 = tpu.matmul %slice3A_227, %get3A_230, %dot_general3A_231 {dimension_numbers = #tpu.dot_dimension_numbers<[1], [0], [0], [1], [0, 0, 1, 1], [], []>, precision = #tpu.contract_precision<fp32>, transpose_lhs_hint = false} : vector<784x8xf32>, vector<8x128xf32>, vector<784x128xf32> -> vector<784x128xf32>
    %swap3A_233 = arith.constant 0 : index
    %swap3A_234 = arith.constant 8 : index
    %swap3A_235 = arith.constant 0 : index
    %swap3A_236 = vector.load %arg5[%swap3A_233, %swap3A_234, %swap3A_235] : memref<784x16x128xf32, #tpu.memory_space<vmem>>, vector<784x1x128xf32>
    %swap3A_237 = vector.shape_cast %swap3A_236 : vector<784x1x128xf32> to vector<784x128xf32>
    %swap3A_238 = vector.shape_cast %dot_general3A_232 : vector<784x128xf32> to vector<784x1x128xf32>
    tpu.vector_store %arg5[%swap3A_233, %swap3A_234, %swap3A_235], %swap3A_238 {strides = array<i32>} : memref<784x16x128xf32, #tpu.memory_space<vmem>>, vector<784x1x128xf32>,
    %slice3A_239 = vector.extract_strided_slice %rsqrt3A {offsets = [0, 72], sizes = [784, 8], strides = [1, 1]} : vector<784x128xf32> to vector<784x8xf32>
    %get3A_240 = arith.constant 0 : index
    %get3A_241 = arith.constant 0 : index
    %get3A_242 = vector.load %arg3[%get3A_240, %get3A_241] : memref<8x128xf32, #tpu.memory_space<vmem>>, vector<8x128xf32>
    %dot_general3A_243 = arith.constant dense<0.000000e+00> : vector<784x128xf32>
    %dot_general3A_244 = tpu.matmul %slice3A_239, %get3A_242, %dot_general3A_243 {dimension_numbers = #tpu.dot_dimension_numbers<[1], [0], [0], [1], [0, 0, 1, 1], [], []>, precision = #tpu.contract_precision<fp32>, transpose_lhs_hint = false} : vector<784x8xf32>, vector<8x128xf32>, vector<784x128xf32> -> vector<784x128xf32>
    %swap3A_245 = arith.constant 0 : index
    %swap3A_246 = arith.constant 9 : index
    %swap3A_247 = arith.constant 0 : index
    %swap3A_248 = vector.load %arg4[%swap3A_245, %swap3A_246, %swap3A_247] : memref<784x16x128xf32, #tpu.memory_space<vmem>>, vector<784x1x128xf32>
    %swap3A_249 = vector.shape_cast %swap3A_248 : vector<784x1x128xf32> to vector<784x128xf32>
    %swap3A_250 = vector.shape_cast %dot_general3A_244 : vector<784x128xf32> to vector<784x1x128xf32>
    tpu.vector_store %arg4[%swap3A_245, %swap3A_246, %swap3A_247], %swap3A_250 {strides = array<i32>} : memref<784x16x128xf32, #tpu.memory_space<vmem>>, vector<784x1x128xf32>,
    %slice3A_251 = vector.extract_strided_slice %rsqrt3A_25 {offsets = [0, 72], sizes = [784, 8], strides = [1, 1]} : vector<784x128xf32> to vector<784x8xf32>
    %get3A_252 = arith.constant 0 : index
    %get3A_253 = arith.constant 0 : index
    %get3A_254 = vector.load %arg3[%get3A_252, %get3A_253] : memref<8x128xf32, #tpu.memory_space<vmem>>, vector<8x128xf32>
    %dot_general3A_255 = arith.constant dense<0.000000e+00> : vector<784x128xf32>
    %dot_general3A_256 = tpu.matmul %slice3A_251, %get3A_254, %dot_general3A_255 {dimension_numbers = #tpu.dot_dimension_numbers<[1], [0], [0], [1], [0, 0, 1, 1], [], []>, precision = #tpu.contract_precision<fp32>, transpose_lhs_hint = false} : vector<784x8xf32>, vector<8x128xf32>, vector<784x128xf32> -> vector<784x128xf32>
    %swap3A_257 = arith.constant 0 : index
    %swap3A_258 = arith.constant 9 : index
    %swap3A_259 = arith.constant 0 : index
    %swap3A_260 = vector.load %arg5[%swap3A_257, %swap3A_258, %swap3A_259] : memref<784x16x128xf32, #tpu.memory_space<vmem>>, vector<784x1x128xf32>
    %swap3A_261 = vector.shape_cast %swap3A_260 : vector<784x1x128xf32> to vector<784x128xf32>
    %swap3A_262 = vector.shape_cast %dot_general3A_256 : vector<784x128xf32> to vector<784x1x128xf32>
    tpu.vector_store %arg5[%swap3A_257, %swap3A_258, %swap3A_259], %swap3A_262 {strides = array<i32>} : memref<784x16x128xf32, #tpu.memory_space<vmem>>, vector<784x1x128xf32>,
    %slice3A_263 = vector.extract_strided_slice %rsqrt3A {offsets = [0, 80], sizes = [784, 8], strides = [1, 1]} : vector<784x128xf32> to vector<784x8xf32>
    %get3A_264 = arith.constant 0 : index
    %get3A_265 = arith.constant 0 : index
    %get3A_266 = vector.load %arg3[%get3A_264, %get3A_265] : memref<8x128xf32, #tpu.memory_space<vmem>>, vector<8x128xf32>
    %dot_general3A_267 = arith.constant dense<0.000000e+00> : vector<784x128xf32>
    %dot_general3A_268 = tpu.matmul %slice3A_263, %get3A_266, %dot_general3A_267 {dimension_numbers = #tpu.dot_dimension_numbers<[1], [0], [0], [1], [0, 0, 1, 1], [], []>, precision = #tpu.contract_precision<fp32>, transpose_lhs_hint = false} : vector<784x8xf32>, vector<8x128xf32>, vector<784x128xf32> -> vector<784x128xf32>
    %swap3A_269 = arith.constant 0 : index
    %swap3A_270 = arith.constant 10 : index
    %swap3A_271 = arith.constant 0 : index
    %swap3A_272 = vector.load %arg4[%swap3A_269, %swap3A_270, %swap3A_271] : memref<784x16x128xf32, #tpu.memory_space<vmem>>, vector<784x1x128xf32>
    %swap3A_273 = vector.shape_cast %swap3A_272 : vector<784x1x128xf32> to vector<784x128xf32>
    %swap3A_274 = vector.shape_cast %dot_general3A_268 : vector<784x128xf32> to vector<784x1x128xf32>
    tpu.vector_store %arg4[%swap3A_269, %swap3A_270, %swap3A_271], %swap3A_274 {strides = array<i32>} : memref<784x16x128xf32, #tpu.memory_space<vmem>>, vector<784x1x128xf32>,
    %slice3A_275 = vector.extract_strided_slice %rsqrt3A_25 {offsets = [0, 80], sizes = [784, 8], strides = [1, 1]} : vector<784x128xf32> to vector<784x8xf32>
    %get3A_276 = arith.constant 0 : index
    %get3A_277 = arith.constant 0 : index
    %get3A_278 = vector.load %arg3[%get3A_276, %get3A_277] : memref<8x128xf32, #tpu.memory_space<vmem>>, vector<8x128xf32>
    %dot_general3A_279 = arith.constant dense<0.000000e+00> : vector<784x128xf32>
    %dot_general3A_280 = tpu.matmul %slice3A_275, %get3A_278, %dot_general3A_279 {dimension_numbers = #tpu.dot_dimension_numbers<[1], [0], [0], [1], [0, 0, 1, 1], [], []>, precision = #tpu.contract_precision<fp32>, transpose_lhs_hint = false} : vector<784x8xf32>, vector<8x128xf32>, vector<784x128xf32> -> vector<784x128xf32>
    %swap3A_281 = arith.constant 0 : index
    %swap3A_282 = arith.constant 10 : index
    %swap3A_283 = arith.constant 0 : index
    %swap3A_284 = vector.load %arg5[%swap3A_281, %swap3A_282, %swap3A_283] : memref<784x16x128xf32, #tpu.memory_space<vmem>>, vector<784x1x128xf32>
    %swap3A_285 = vector.shape_cast %swap3A_284 : vector<784x1x128xf32> to vector<784x128xf32>
    %swap3A_286 = vector.shape_cast %dot_general3A_280 : vector<784x128xf32> to vector<784x1x128xf32>
    tpu.vector_store %arg5[%swap3A_281, %swap3A_282, %swap3A_283], %swap3A_286 {strides = array<i32>} : memref<784x16x128xf32, #tpu.memory_space<vmem>>, vector<784x1x128xf32>,
    %slice3A_287 = vector.extract_strided_slice %rsqrt3A {offsets = [0, 88], sizes = [784, 8], strides = [1, 1]} : vector<784x128xf32> to vector<784x8xf32>
    %get3A_288 = arith.constant 0 : index
    %get3A_289 = arith.constant 0 : index
    %get3A_290 = vector.load %arg3[%get3A_288, %get3A_289] : memref<8x128xf32, #tpu.memory_space<vmem>>, vector<8x128xf32>
    %dot_general3A_291 = arith.constant dense<0.000000e+00> : vector<784x128xf32>
    %dot_general3A_292 = tpu.matmul %slice3A_287, %get3A_290, %dot_general3A_291 {dimension_numbers = #tpu.dot_dimension_numbers<[1], [0], [0], [1], [0, 0, 1, 1], [], []>, precision = #tpu.contract_precision<fp32>, transpose_lhs_hint = false} : vector<784x8xf32>, vector<8x128xf32>, vector<784x128xf32> -> vector<784x128xf32>
    %swap3A_293 = arith.constant 0 : index
    %swap3A_294 = arith.constant 11 : index
    %swap3A_295 = arith.constant 0 : index
    %swap3A_296 = vector.load %arg4[%swap3A_293, %swap3A_294, %swap3A_295] : memref<784x16x128xf32, #tpu.memory_space<vmem>>, vector<784x1x128xf32>
    %swap3A_297 = vector.shape_cast %swap3A_296 : vector<784x1x128xf32> to vector<784x128xf32>
    %swap3A_298 = vector.shape_cast %dot_general3A_292 : vector<784x128xf32> to vector<784x1x128xf32>
    tpu.vector_store %arg4[%swap3A_293, %swap3A_294, %swap3A_295], %swap3A_298 {strides = array<i32>} : memref<784x16x128xf32, #tpu.memory_space<vmem>>, vector<784x1x128xf32>,
    %slice3A_299 = vector.extract_strided_slice %rsqrt3A_25 {offsets = [0, 88], sizes = [784, 8], strides = [1, 1]} : vector<784x128xf32> to vector<784x8xf32>
    %get3A_300 = arith.constant 0 : index
    %get3A_301 = arith.constant 0 : index
    %get3A_302 = vector.load %arg3[%get3A_300, %get3A_301] : memref<8x128xf32, #tpu.memory_space<vmem>>, vector<8x128xf32>
    %dot_general3A_303 = arith.constant dense<0.000000e+00> : vector<784x128xf32>
    %dot_general3A_304 = tpu.matmul %slice3A_299, %get3A_302, %dot_general3A_303 {dimension_numbers = #tpu.dot_dimension_numbers<[1], [0], [0], [1], [0, 0, 1, 1], [], []>, precision = #tpu.contract_precision<fp32>, transpose_lhs_hint = false} : vector<784x8xf32>, vector<8x128xf32>, vector<784x128xf32> -> vector<784x128xf32>
    %swap3A_305 = arith.constant 0 : index
    %swap3A_306 = arith.constant 11 : index
    %swap3A_307 = arith.constant 0 : index
    %swap3A_308 = vector.load %arg5[%swap3A_305, %swap3A_306, %swap3A_307] : memref<784x16x128xf32, #tpu.memory_space<vmem>>, vector<784x1x128xf32>
    %swap3A_309 = vector.shape_cast %swap3A_308 : vector<784x1x128xf32> to vector<784x128xf32>
    %swap3A_310 = vector.shape_cast %dot_general3A_304 : vector<784x128xf32> to vector<784x1x128xf32>
    tpu.vector_store %arg5[%swap3A_305, %swap3A_306, %swap3A_307], %swap3A_310 {strides = array<i32>} : memref<784x16x128xf32, #tpu.memory_space<vmem>>, vector<784x1x128xf32>,
    %slice3A_311 = vector.extract_strided_slice %rsqrt3A {offsets = [0, 96], sizes = [784, 8], strides = [1, 1]} : vector<784x128xf32> to vector<784x8xf32>
    %get3A_312 = arith.constant 0 : index
    %get3A_313 = arith.constant 0 : index
    %get3A_314 = vector.load %arg3[%get3A_312, %get3A_313] : memref<8x128xf32, #tpu.memory_space<vmem>>, vector<8x128xf32>
    %dot_general3A_315 = arith.constant dense<0.000000e+00> : vector<784x128xf32>
    %dot_general3A_316 = tpu.matmul %slice3A_311, %get3A_314, %dot_general3A_315 {dimension_numbers = #tpu.dot_dimension_numbers<[1], [0], [0], [1], [0, 0, 1, 1], [], []>, precision = #tpu.contract_precision<fp32>, transpose_lhs_hint = false} : vector<784x8xf32>, vector<8x128xf32>, vector<784x128xf32> -> vector<784x128xf32>
    %swap3A_317 = arith.constant 0 : index
    %swap3A_318 = arith.constant 12 : index
    %swap3A_319 = arith.constant 0 : index
    %swap3A_320 = vector.load %arg4[%swap3A_317, %swap3A_318, %swap3A_319] : memref<784x16x128xf32, #tpu.memory_space<vmem>>, vector<784x1x128xf32>
    %swap3A_321 = vector.shape_cast %swap3A_320 : vector<784x1x128xf32> to vector<784x128xf32>
    %swap3A_322 = vector.shape_cast %dot_general3A_316 : vector<784x128xf32> to vector<784x1x128xf32>
    tpu.vector_store %arg4[%swap3A_317, %swap3A_318, %swap3A_319], %swap3A_322 {strides = array<i32>} : memref<784x16x128xf32, #tpu.memory_space<vmem>>, vector<784x1x128xf32>,
    %slice3A_323 = vector.extract_strided_slice %rsqrt3A_25 {offsets = [0, 96], sizes = [784, 8], strides = [1, 1]} : vector<784x128xf32> to vector<784x8xf32>
    %get3A_324 = arith.constant 0 : index
    %get3A_325 = arith.constant 0 : index
    %get3A_326 = vector.load %arg3[%get3A_324, %get3A_325] : memref<8x128xf32, #tpu.memory_space<vmem>>, vector<8x128xf32>
    %dot_general3A_327 = arith.constant dense<0.000000e+00> : vector<784x128xf32>
    %dot_general3A_328 = tpu.matmul %slice3A_323, %get3A_326, %dot_general3A_327 {dimension_numbers = #tpu.dot_dimension_numbers<[1], [0], [0], [1], [0, 0, 1, 1], [], []>, precision = #tpu.contract_precision<fp32>, transpose_lhs_hint = false} : vector<784x8xf32>, vector<8x128xf32>, vector<784x128xf32> -> vector<784x128xf32>
    %swap3A_329 = arith.constant 0 : index
    %swap3A_330 = arith.constant 12 : index
    %swap3A_331 = arith.constant 0 : index
    %swap3A_332 = vector.load %arg5[%swap3A_329, %swap3A_330, %swap3A_331] : memref<784x16x128xf32, #tpu.memory_space<vmem>>, vector<784x1x128xf32>
    %swap3A_333 = vector.shape_cast %swap3A_332 : vector<784x1x128xf32> to vector<784x128xf32>
    %swap3A_334 = vector.shape_cast %dot_general3A_328 : vector<784x128xf32> to vector<784x1x128xf32>
    tpu.vector_store %arg5[%swap3A_329, %swap3A_330, %swap3A_331], %swap3A_334 {strides = array<i32>} : memref<784x16x128xf32, #tpu.memory_space<vmem>>, vector<784x1x128xf32>,
    %slice3A_335 = vector.extract_strided_slice %rsqrt3A {offsets = [0, 104], sizes = [784, 8], strides = [1, 1]} : vector<784x128xf32> to vector<784x8xf32>
    %get3A_336 = arith.constant 0 : index
    %get3A_337 = arith.constant 0 : index
    %get3A_338 = vector.load %arg3[%get3A_336, %get3A_337] : memref<8x128xf32, #tpu.memory_space<vmem>>, vector<8x128xf32>
    %dot_general3A_339 = arith.constant dense<0.000000e+00> : vector<784x128xf32>
    %dot_general3A_340 = tpu.matmul %slice3A_335, %get3A_338, %dot_general3A_339 {dimension_numbers = #tpu.dot_dimension_numbers<[1], [0], [0], [1], [0, 0, 1, 1], [], []>, precision = #tpu.contract_precision<fp32>, transpose_lhs_hint = false} : vector<784x8xf32>, vector<8x128xf32>, vector<784x128xf32> -> vector<784x128xf32>
    %swap3A_341 = arith.constant 0 : index
    %swap3A_342 = arith.constant 13 : index
    %swap3A_343 = arith.constant 0 : index
    %swap3A_344 = vector.load %arg4[%swap3A_341, %swap3A_342, %swap3A_343] : memref<784x16x128xf32, #tpu.memory_space<vmem>>, vector<784x1x128xf32>
    %swap3A_345 = vector.shape_cast %swap3A_344 : vector<784x1x128xf32> to vector<784x128xf32>
    %swap3A_346 = vector.shape_cast %dot_general3A_340 : vector<784x128xf32> to vector<784x1x128xf32>
    tpu.vector_store %arg4[%swap3A_341, %swap3A_342, %swap3A_343], %swap3A_346 {strides = array<i32>} : memref<784x16x128xf32, #tpu.memory_space<vmem>>, vector<784x1x128xf32>,
    %slice3A_347 = vector.extract_strided_slice %rsqrt3A_25 {offsets = [0, 104], sizes = [784, 8], strides = [1, 1]} : vector<784x128xf32> to vector<784x8xf32>
    %get3A_348 = arith.constant 0 : index
    %get3A_349 = arith.constant 0 : index
    %get3A_350 = vector.load %arg3[%get3A_348, %get3A_349] : memref<8x128xf32, #tpu.memory_space<vmem>>, vector<8x128xf32>
    %dot_general3A_351 = arith.constant dense<0.000000e+00> : vector<784x128xf32>
    %dot_general3A_352 = tpu.matmul %slice3A_347, %get3A_350, %dot_general3A_351 {dimension_numbers = #tpu.dot_dimension_numbers<[1], [0], [0], [1], [0, 0, 1, 1], [], []>, precision = #tpu.contract_precision<fp32>, transpose_lhs_hint = false} : vector<784x8xf32>, vector<8x128xf32>, vector<784x128xf32> -> vector<784x128xf32>
    %swap3A_353 = arith.constant 0 : index
    %swap3A_354 = arith.constant 13 : index
    %swap3A_355 = arith.constant 0 : index
    %swap3A_356 = vector.load %arg5[%swap3A_353, %swap3A_354, %swap3A_355] : memref<784x16x128xf32, #tpu.memory_space<vmem>>, vector<784x1x128xf32>
    %swap3A_357 = vector.shape_cast %swap3A_356 : vector<784x1x128xf32> to vector<784x128xf32>
    %swap3A_358 = vector.shape_cast %dot_general3A_352 : vector<784x128xf32> to vector<784x1x128xf32>
    tpu.vector_store %arg5[%swap3A_353, %swap3A_354, %swap3A_355], %swap3A_358 {strides = array<i32>} : memref<784x16x128xf32, #tpu.memory_space<vmem>>, vector<784x1x128xf32>,
    %slice3A_359 = vector.extract_strided_slice %rsqrt3A {offsets = [0, 112], sizes = [784, 8], strides = [1, 1]} : vector<784x128xf32> to vector<784x8xf32>
    %get3A_360 = arith.constant 0 : index
    %get3A_361 = arith.constant 0 : index
    %get3A_362 = vector.load %arg3[%get3A_360, %get3A_361] : memref<8x128xf32, #tpu.memory_space<vmem>>, vector<8x128xf32>
    %dot_general3A_363 = arith.constant dense<0.000000e+00> : vector<784x128xf32>
    %dot_general3A_364 = tpu.matmul %slice3A_359, %get3A_362, %dot_general3A_363 {dimension_numbers = #tpu.dot_dimension_numbers<[1], [0], [0], [1], [0, 0, 1, 1], [], []>, precision = #tpu.contract_precision<fp32>, transpose_lhs_hint = false} : vector<784x8xf32>, vector<8x128xf32>, vector<784x128xf32> -> vector<784x128xf32>
    %swap3A_365 = arith.constant 0 : index
    %swap3A_366 = arith.constant 14 : index
    %swap3A_367 = arith.constant 0 : index
    %swap3A_368 = vector.load %arg4[%swap3A_365, %swap3A_366, %swap3A_367] : memref<784x16x128xf32, #tpu.memory_space<vmem>>, vector<784x1x128xf32>
    %swap3A_369 = vector.shape_cast %swap3A_368 : vector<784x1x128xf32> to vector<784x128xf32>
    %swap3A_370 = vector.shape_cast %dot_general3A_364 : vector<784x128xf32> to vector<784x1x128xf32>
    tpu.vector_store %arg4[%swap3A_365, %swap3A_366, %swap3A_367], %swap3A_370 {strides = array<i32>} : memref<784x16x128xf32, #tpu.memory_space<vmem>>, vector<784x1x128xf32>,
    %slice3A_371 = vector.extract_strided_slice %rsqrt3A_25 {offsets = [0, 112], sizes = [784, 8], strides = [1, 1]} : vector<784x128xf32> to vector<784x8xf32>
    %get3A_372 = arith.constant 0 : index
    %get3A_373 = arith.constant 0 : index
    %get3A_374 = vector.load %arg3[%get3A_372, %get3A_373] : memref<8x128xf32, #tpu.memory_space<vmem>>, vector<8x128xf32>
    %dot_general3A_375 = arith.constant dense<0.000000e+00> : vector<784x128xf32>
    %dot_general3A_376 = tpu.matmul %slice3A_371, %get3A_374, %dot_general3A_375 {dimension_numbers = #tpu.dot_dimension_numbers<[1], [0], [0], [1], [0, 0, 1, 1], [], []>, precision = #tpu.contract_precision<fp32>, transpose_lhs_hint = false} : vector<784x8xf32>, vector<8x128xf32>, vector<784x128xf32> -> vector<784x128xf32>
    %swap3A_377 = arith.constant 0 : index
    %swap3A_378 = arith.constant 14 : index
    %swap3A_379 = arith.constant 0 : index
    %swap3A_380 = vector.load %arg5[%swap3A_377, %swap3A_378, %swap3A_379] : memref<784x16x128xf32, #tpu.memory_space<vmem>>, vector<784x1x128xf32>
    %swap3A_381 = vector.shape_cast %swap3A_380 : vector<784x1x128xf32> to vector<784x128xf32>
    %swap3A_382 = vector.shape_cast %dot_general3A_376 : vector<784x128xf32> to vector<784x1x128xf32>
    tpu.vector_store %arg5[%swap3A_377, %swap3A_378, %swap3A_379], %swap3A_382 {strides = array<i32>} : memref<784x16x128xf32, #tpu.memory_space<vmem>>, vector<784x1x128xf32>,
    %slice3A_383 = vector.extract_strided_slice %rsqrt3A {offsets = [0, 120], sizes = [784, 8], strides = [1, 1]} : vector<784x128xf32> to vector<784x8xf32>
    %get3A_384 = arith.constant 0 : index
    %get3A_385 = arith.constant 0 : index
    %get3A_386 = vector.load %arg3[%get3A_384, %get3A_385] : memref<8x128xf32, #tpu.memory_space<vmem>>, vector<8x128xf32>
    %dot_general3A_387 = arith.constant dense<0.000000e+00> : vector<784x128xf32>
    %dot_general3A_388 = tpu.matmul %slice3A_383, %get3A_386, %dot_general3A_387 {dimension_numbers = #tpu.dot_dimension_numbers<[1], [0], [0], [1], [0, 0, 1, 1], [], []>, precision = #tpu.contract_precision<fp32>, transpose_lhs_hint = false} : vector<784x8xf32>, vector<8x128xf32>, vector<784x128xf32> -> vector<784x128xf32>
    %swap3A_389 = arith.constant 0 : index
    %swap3A_390 = arith.constant 15 : index
    %swap3A_391 = arith.constant 0 : index
    %swap3A_392 = vector.load %arg4[%swap3A_389, %swap3A_390, %swap3A_391] : memref<784x16x128xf32, #tpu.memory_space<vmem>>, vector<784x1x128xf32>
    %swap3A_393 = vector.shape_cast %swap3A_392 : vector<784x1x128xf32> to vector<784x128xf32>
    %swap3A_394 = vector.shape_cast %dot_general3A_388 : vector<784x128xf32> to vector<784x1x128xf32>
    tpu.vector_store %arg4[%swap3A_389, %swap3A_390, %swap3A_391], %swap3A_394 {strides = array<i32>} : memref<784x16x128xf32, #tpu.memory_space<vmem>>, vector<784x1x128xf32>,
    %slice3A_395 = vector.extract_strided_slice %rsqrt3A_25 {offsets = [0, 120], sizes = [784, 8], strides = [1, 1]} : vector<784x128xf32> to vector<784x8xf32>
    %get3A_396 = arith.constant 0 : index
    %get3A_397 = arith.constant 0 : index
    %get3A_398 = vector.load %arg3[%get3A_396, %get3A_397] : memref<8x128xf32, #tpu.memory_space<vmem>>, vector<8x128xf32>
    %dot_general3A_399 = arith.constant dense<0.000000e+00> : vector<784x128xf32>
    %dot_general3A_400 = tpu.matmul %slice3A_395, %get3A_398, %dot_general3A_399 {dimension_numbers = #tpu.dot_dimension_numbers<[1], [0], [0], [1], [0, 0, 1, 1], [], []>, precision = #tpu.contract_precision<fp32>, transpose_lhs_hint = false} : vector<784x8xf32>, vector<8x128xf32>, vector<784x128xf32> -> vector<784x128xf32>
    %swap3A_401 = arith.constant 0 : index
    %swap3A_402 = arith.constant 15 : index
    %swap3A_403 = arith.constant 0 : index
    %swap3A_404 = vector.load %arg5[%swap3A_401, %swap3A_402, %swap3A_403] : memref<784x16x128xf32, #tpu.memory_space<vmem>>, vector<784x1x128xf32>
    %swap3A_405 = vector.shape_cast %swap3A_404 : vector<784x1x128xf32> to vector<784x128xf32>
    %swap3A_406 = vector.shape_cast %dot_general3A_400 : vector<784x128xf32> to vector<784x1x128xf32>
    tpu.vector_store %arg5[%swap3A_401, %swap3A_402, %swap3A_403], %swap3A_406 {strides = array<i32>} : memref<784x16x128xf32, #tpu.memory_space<vmem>>, vector<784x1x128xf32>,
    return
  }
  func.func @transform_0(%arg0: i32) -> (i32, i32, i32) {
    %c0_i32 = arith.constant 0 : i32
    %c0_i32_0 = arith.constant 0 : i32
    %c0_i32_1 = arith.constant 0 : i32
    %c0_i32_2 = arith.constant 0 : i32
    return %c0_i32, %c0_i32_0, %c0_i32_1 : i32, i32, i32
  }
  func.func @transform_1(%arg0: i32) -> (i32, i32, i32) {
    %c0_i32 = arith.constant 0 : i32
    %c0_i32_0 = arith.constant 0 : i32
    %c0_i32_1 = arith.constant 0 : i32
    %c0_i32_2 = arith.constant 0 : i32
    return %c0_i32, %c0_i32_0, %c0_i32_1 : i32, i32, i32
  }
  func.func @transform_2(%arg0: i32) -> (i32, i32) {
    %c0_i32 = arith.constant 0 : i32
    %c0_i32_0 = arith.constant 0 : i32
    %c0_i32_1 = arith.constant 0 : i32
    return %c0_i32, %c0_i32_0 : i32, i32
  }
  func.func @transform_3(%arg0: i32) -> (i32, i32, i32) {
    %c0_i32 = arith.constant 0 : i32
    %c0_i32_0 = arith.constant 0 : i32
    %c0_i32_1 = arith.constant 0 : i32
    %c0_i32_2 = arith.constant 0 : i32
    return %c0_i32, %c0_i32_0, %c0_i32_1 : i32, i32, i32
  }
  func.func @transform_4(%arg0: i32) -> (i32, i32, i32) {
    %c0_i32 = arith.constant 0 : i32
    %c0_i32_0 = arith.constant 0 : i32
    %c0_i32_1 = arith.constant 0 : i32
    %c0_i32_2 = arith.constant 0 : i32
    return %c0_i32, %c0_i32_0, %c0_i32_1 : i32, i32, i32
  }
}

module attributes {stable_mosaic.version = 14 : i64} {
  func.func @_prep_body(%arg0: i32, %arg1: memref<784x128xf32, #tpu.memory_space<vmem>>, %arg2: memref<784x128xf32, #tpu.memory_space<vmem>>, %arg3: memref<784x128xf32, #tpu.memory_space<vmem>>) attributes {dimension_semantics = [#tpu.dimension_semantics<arbitrary>], iteration_bounds = array<i64: 16>, scalar_prefetch = 0 : i64, scratch_operands = 0 : i64, tpu.core_type = #tpu.core_type<tc>, window_params = [{transform_indices = @transform_0, window_bounds = array<i64: 784, 128>}, {transform_indices = @transform_1, window_bounds = array<i64: 784, 128>}, {transform_indices = @transform_2, window_bounds = array<i64: 784, 128>}]} {
    %get3A = arith.constant 0 : index
    %get3A_0 = arith.constant 0 : index
    %get3A_1 = vector.load %arg1[%get3A, %get3A_0] : memref<784x128xf32, #tpu.memory_space<vmem>>, vector<784x128xf32>
    %get3A_2 = arith.constant 0 : index
    %get3A_3 = arith.constant 0 : index
    %get3A_4 = vector.load %arg2[%get3A_2, %get3A_3] : memref<784x128xf32, #tpu.memory_space<vmem>>, vector<784x128xf32>
    %mul3A = arith.mulf %get3A_1, %get3A_4 : vector<784x128xf32>
    %swap3A = arith.constant 0 : index
    %swap3A_5 = arith.constant 0 : index
    %swap3A_6 = vector.load %arg3[%swap3A, %swap3A_5] : memref<784x128xf32, #tpu.memory_space<vmem>>, vector<784x128xf32>
    tpu.vector_store %arg3[%swap3A, %swap3A_5], %mul3A {strides = array<i32>} : memref<784x128xf32, #tpu.memory_space<vmem>>, vector<784x128xf32>,
    return
  }
  func.func @transform_0(%arg0: i32) -> (i32, i32) {
    %c0_i32 = arith.constant 0 : i32
    %c0_i32_0 = arith.constant 0 : i32
    return %arg0, %c0_i32 : i32, i32
  }
  func.func @transform_1(%arg0: i32) -> (i32, i32) {
    %c0_i32 = arith.constant 0 : i32
    %c0_i32_0 = arith.constant 0 : i32
    return %arg0, %c0_i32 : i32, i32
  }
  func.func @transform_2(%arg0: i32) -> (i32, i32) {
    %c0_i32 = arith.constant 0 : i32
    %c0_i32_0 = arith.constant 0 : i32
    return %arg0, %c0_i32 : i32, i32
  }
}

module attributes {stable_mosaic.version = 14 : i64} {
  func.func @_mid_body(%arg0: i32, %arg1: memref<2x784x128xf32, #tpu.memory_space<vmem>>, %arg2: memref<784x128xf32, #tpu.memory_space<vmem>>, %arg3: memref<784x128xf32, #tpu.memory_space<vmem>>, %arg4: memref<128x128xbf16, #tpu.memory_space<vmem>>, %arg5: memref<1x128xf32, #tpu.memory_space<vmem>>, %arg6: memref<784x128xf32, #tpu.memory_space<vmem>>) attributes {dimension_semantics = [#tpu.dimension_semantics<arbitrary>], iteration_bounds = array<i64: 16>, scalar_prefetch = 0 : i64, scratch_operands = 0 : i64, tpu.core_type = #tpu.core_type<tc>, window_params = [{transform_indices = @transform_0, window_bounds = array<i64: 2, 784, 128>}, {transform_indices = @transform_1, window_bounds = array<i64: 784, 128>}, {transform_indices = @transform_2, window_bounds = array<i64: 784, 128>}, {pipeline_mode = #tpu.pipeline_mode<synchronous>, transform_indices = @transform_3, window_bounds = array<i64: 128, 128>}, {pipeline_mode = #tpu.pipeline_mode<synchronous>, transform_indices = @transform_4, window_bounds = array<i64: 1, 128>}, {transform_indices = @transform_5, window_bounds = array<i64: 784, 128>}]} {
    %get3A = arith.constant 0 : index
    %get3A_0 = arith.constant 0 : index
    %get3A_1 = arith.constant 0 : index
    %get3A_2 = vector.load %arg1[%get3A, %get3A_0, %get3A_1] : memref<2x784x128xf32, #tpu.memory_space<vmem>>, vector<1x784x128xf32>
    %get3A_3 = vector.shape_cast %get3A_2 : vector<1x784x128xf32> to vector<784x128xf32>
    %get3A_4 = arith.constant 1 : index
    %get3A_5 = arith.constant 0 : index
    %get3A_6 = arith.constant 0 : index
    %get3A_7 = vector.load %arg1[%get3A_4, %get3A_5, %get3A_6] : memref<2x784x128xf32, #tpu.memory_space<vmem>>, vector<1x784x128xf32>
    %get3A_8 = vector.shape_cast %get3A_7 : vector<1x784x128xf32> to vector<784x128xf32>
    %add3A = arith.addf %get3A_3, %get3A_8 : vector<784x128xf32>
    %get3A_9 = arith.constant 0 : index
    %get3A_10 = arith.constant 0 : index
    %get3A_11 = vector.load %arg2[%get3A_9, %get3A_10] : memref<784x128xf32, #tpu.memory_space<vmem>>, vector<784x128xf32>
    %mul3A = arith.mulf %add3A, %get3A_11 : vector<784x128xf32>
    %get3A_12 = arith.constant 0 : index
    %get3A_13 = arith.constant 0 : index
    %get3A_14 = vector.load %arg4[%get3A_12, %get3A_13] : memref<128x128xbf16, #tpu.memory_space<vmem>>, vector<128x128xbf16>
    %convert_element_type3A = arith.truncf %mul3A : vector<784x128xf32> to vector<784x128xbf16>
    %dot_general3A = arith.constant dense<0.000000e+00> : vector<784x128xf32>
    %dot_general3A_15 = tpu.matmul %convert_element_type3A, %get3A_14, %dot_general3A {dimension_numbers = #tpu.dot_dimension_numbers<[1], [0], [0], [1], [0, 0, 1, 1], [], []>, transpose_lhs_hint = false} : vector<784x128xbf16>, vector<128x128xbf16>, vector<784x128xf32> -> vector<784x128xf32>
    %get3A_16 = arith.constant 0 : index
    %get3A_17 = arith.constant 0 : index
    %get3A_18 = vector.load %arg5[%get3A_16, %get3A_17] : memref<1x128xf32, #tpu.memory_space<vmem>>, vector<1x128xf32>
    %add3A_19 = vector.broadcast %get3A_18 : vector<1x128xf32> to vector<784x128xf32>
    %add3A_20 = arith.addf %dot_general3A_15, %add3A_19 : vector<784x128xf32>
    %max3A = arith.constant 0.000000e+00 : f32
    %max3A_21 = vector.broadcast %max3A : f32 to vector<784x128xf32>
    %max3A_22 = arith.maximumf %add3A_20, %max3A_21 : vector<784x128xf32>
    %get3A_23 = arith.constant 0 : index
    %get3A_24 = arith.constant 0 : index
    %get3A_25 = vector.load %arg3[%get3A_23, %get3A_24] : memref<784x128xf32, #tpu.memory_space<vmem>>, vector<784x128xf32>
    %mul3A_26 = arith.mulf %max3A_22, %get3A_25 : vector<784x128xf32>
    %swap3A = arith.constant 0 : index
    %swap3A_27 = arith.constant 0 : index
    %swap3A_28 = vector.load %arg6[%swap3A, %swap3A_27] : memref<784x128xf32, #tpu.memory_space<vmem>>, vector<784x128xf32>
    tpu.vector_store %arg6[%swap3A, %swap3A_27], %mul3A_26 {strides = array<i32>} : memref<784x128xf32, #tpu.memory_space<vmem>>, vector<784x128xf32>,
    return
  }
  func.func @transform_0(%arg0: i32) -> (i32, i32, i32) {
    %c0_i32 = arith.constant 0 : i32
    %c0_i32_0 = arith.constant 0 : i32
    %c0_i32_1 = arith.constant 0 : i32
    return %c0_i32, %arg0, %c0_i32_0 : i32, i32, i32
  }
  func.func @transform_1(%arg0: i32) -> (i32, i32) {
    %c0_i32 = arith.constant 0 : i32
    %c0_i32_0 = arith.constant 0 : i32
    return %arg0, %c0_i32 : i32, i32
  }
  func.func @transform_2(%arg0: i32) -> (i32, i32) {
    %c0_i32 = arith.constant 0 : i32
    %c0_i32_0 = arith.constant 0 : i32
    return %arg0, %c0_i32 : i32, i32
  }
  func.func @transform_3(%arg0: i32) -> (i32, i32) {
    %c0_i32 = arith.constant 0 : i32
    %c0_i32_0 = arith.constant 0 : i32
    %c0_i32_1 = arith.constant 0 : i32
    return %c0_i32, %c0_i32_0 : i32, i32
  }
  func.func @transform_4(%arg0: i32) -> (i32, i32) {
    %c0_i32 = arith.constant 0 : i32
    %c0_i32_0 = arith.constant 0 : i32
    %c0_i32_1 = arith.constant 0 : i32
    return %c0_i32, %c0_i32_0 : i32, i32
  }
  func.func @transform_5(%arg0: i32) -> (i32, i32) {
    %c0_i32 = arith.constant 0 : i32
    %c0_i32_0 = arith.constant 0 : i32
    return %arg0, %c0_i32 : i32, i32
  }
}

module attributes {stable_mosaic.version = 14 : i64} {
  func.func @_fin_body(%arg0: i32, %arg1: memref<2x784x128xf32, #tpu.memory_space<vmem>>, %arg2: memref<784x128xf32, #tpu.memory_space<vmem>>, %arg3: memref<128x128xbf16, #tpu.memory_space<vmem>>, %arg4: memref<1x128xf32, #tpu.memory_space<vmem>>, %arg5: memref<128x128xbf16, #tpu.memory_space<vmem>>, %arg6: memref<128x128xbf16, #tpu.memory_space<vmem>>, %arg7: memref<128x128xbf16, #tpu.memory_space<vmem>>, %arg8: memref<1x128xf32, #tpu.memory_space<vmem>>, %arg9: memref<1x128xf32, #tpu.memory_space<vmem>>, %arg10: memref<1x128xf32, #tpu.memory_space<vmem>>, %arg11: memref<1x128xf32, #tpu.memory_space<vmem>>, %arg12: memref<128x128xbf16, #tpu.memory_space<vmem>>, %arg13: memref<1x128xf32, #tpu.memory_space<vmem>>, %arg14: memref<784x128xf32, #tpu.memory_space<vmem>>) attributes {dimension_semantics = [#tpu.dimension_semantics<arbitrary>], iteration_bounds = array<i64: 16>, scalar_prefetch = 0 : i64, scratch_operands = 0 : i64, tpu.core_type = #tpu.core_type<tc>, window_params = [{transform_indices = @transform_0, window_bounds = array<i64: 2, 784, 128>}, {transform_indices = @transform_1, window_bounds = array<i64: 784, 128>}, {pipeline_mode = #tpu.pipeline_mode<synchronous>, transform_indices = @transform_2, window_bounds = array<i64: 128, 128>}, {pipeline_mode = #tpu.pipeline_mode<synchronous>, transform_indices = @transform_3, window_bounds = array<i64: 1, 128>}, {pipeline_mode = #tpu.pipeline_mode<synchronous>, transform_indices = @transform_4, window_bounds = array<i64: 128, 128>}, {pipeline_mode = #tpu.pipeline_mode<synchronous>, transform_indices = @transform_5, window_bounds = array<i64: 128, 128>}, {pipeline_mode = #tpu.pipeline_mode<synchronous>, transform_indices = @transform_6, window_bounds = array<i64: 128, 128>}, {pipeline_mode = #tpu.pipeline_mode<synchronous>, transform_indices = @transform_7, window_bounds = array<i64: 1, 128>}, {pipeline_mode = #tpu.pipeline_mode<synchronous>, transform_indices = @transform_8, window_bounds = array<i64: 1, 128>}, {pipeline_mode = #tpu.pipeline_mode<synchronous>, transform_indices = @transform_9, window_bounds = array<i64: 1, 128>}, {pipeline_mode = #tpu.pipeline_mode<synchronous>, transform_indices = @transform_10, window_bounds = array<i64: 1, 128>}, {pipeline_mode = #tpu.pipeline_mode<synchronous>, transform_indices = @transform_11, window_bounds = array<i64: 128, 128>}, {pipeline_mode = #tpu.pipeline_mode<synchronous>, transform_indices = @transform_12, window_bounds = array<i64: 1, 128>}, {transform_indices = @transform_13, window_bounds = array<i64: 784, 128>}]} {
    %get3A = arith.constant 0 : index
    %get3A_0 = arith.constant 0 : index
    %get3A_1 = arith.constant 0 : index
    %get3A_2 = vector.load %arg1[%get3A, %get3A_0, %get3A_1] : memref<2x784x128xf32, #tpu.memory_space<vmem>>, vector<1x784x128xf32>
    %get3A_3 = vector.shape_cast %get3A_2 : vector<1x784x128xf32> to vector<784x128xf32>
    %get3A_4 = arith.constant 1 : index
    %get3A_5 = arith.constant 0 : index
    %get3A_6 = arith.constant 0 : index
    %get3A_7 = vector.load %arg1[%get3A_4, %get3A_5, %get3A_6] : memref<2x784x128xf32, #tpu.memory_space<vmem>>, vector<1x784x128xf32>
    %get3A_8 = vector.shape_cast %get3A_7 : vector<1x784x128xf32> to vector<784x128xf32>
    %add3A = arith.addf %get3A_3, %get3A_8 : vector<784x128xf32>
    %get3A_9 = arith.constant 0 : index
    %get3A_10 = arith.constant 0 : index
    %get3A_11 = vector.load %arg2[%get3A_9, %get3A_10] : memref<784x128xf32, #tpu.memory_space<vmem>>, vector<784x128xf32>
    %mul3A = arith.mulf %add3A, %get3A_11 : vector<784x128xf32>
    %get3A_12 = arith.constant 0 : index
    %get3A_13 = arith.constant 0 : index
    %get3A_14 = vector.load %arg3[%get3A_12, %get3A_13] : memref<128x128xbf16, #tpu.memory_space<vmem>>, vector<128x128xbf16>
    %convert_element_type3A = arith.truncf %mul3A : vector<784x128xf32> to vector<784x128xbf16>
    %dot_general3A = arith.constant dense<0.000000e+00> : vector<784x128xf32>
    %dot_general3A_15 = tpu.matmul %convert_element_type3A, %get3A_14, %dot_general3A {dimension_numbers = #tpu.dot_dimension_numbers<[1], [0], [0], [1], [0, 0, 1, 1], [], []>, transpose_lhs_hint = false} : vector<784x128xbf16>, vector<128x128xbf16>, vector<784x128xf32> -> vector<784x128xf32>
    %get3A_16 = arith.constant 0 : index
    %get3A_17 = arith.constant 0 : index
    %get3A_18 = vector.load %arg4[%get3A_16, %get3A_17] : memref<1x128xf32, #tpu.memory_space<vmem>>, vector<1x128xf32>
    %add3A_19 = vector.broadcast %get3A_18 : vector<1x128xf32> to vector<784x128xf32>
    %add3A_20 = arith.addf %dot_general3A_15, %add3A_19 : vector<784x128xf32>
    %max3A = arith.constant 0.000000e+00 : f32
    %max3A_21 = vector.broadcast %max3A : f32 to vector<784x128xf32>
    %max3A_22 = arith.maximumf %add3A_20, %max3A_21 : vector<784x128xf32>
    %convert_element_type3A_23 = arith.truncf %max3A_22 : vector<784x128xf32> to vector<784x128xbf16>
    %get3A_24 = arith.constant 0 : index
    %get3A_25 = arith.constant 0 : index
    %get3A_26 = vector.load %arg5[%get3A_24, %get3A_25] : memref<128x128xbf16, #tpu.memory_space<vmem>>, vector<128x128xbf16>
    %dot_general3A_27 = arith.constant dense<0.000000e+00> : vector<784x128xf32>
    %dot_general3A_28 = tpu.matmul %convert_element_type3A_23, %get3A_26, %dot_general3A_27 {dimension_numbers = #tpu.dot_dimension_numbers<[1], [0], [0], [1], [0, 0, 1, 1], [], []>, transpose_lhs_hint = false} : vector<784x128xbf16>, vector<128x128xbf16>, vector<784x128xf32> -> vector<784x128xf32>
    %get3A_29 = arith.constant 0 : index
    %get3A_30 = arith.constant 0 : index
    %get3A_31 = vector.load %arg8[%get3A_29, %get3A_30] : memref<1x128xf32, #tpu.memory_space<vmem>>, vector<1x128xf32>
    %add3A_32 = vector.broadcast %get3A_31 : vector<1x128xf32> to vector<784x128xf32>
    %add3A_33 = arith.addf %dot_general3A_28, %add3A_32 : vector<784x128xf32>
    %logistic3A = arith.negf %add3A_33 : vector<784x128xf32>
    %logistic3A_34 = math.exp %logistic3A : vector<784x128xf32>
    %logistic3A_35 = arith.constant 1.000000e+00 : f32
    %logistic3A_36 = vector.broadcast %logistic3A_35 : f32 to vector<784x128xf32>
    %logistic3A_37 = arith.addf %logistic3A_36, %logistic3A_34 : vector<784x128xf32>
    %logistic3A_38 = arith.divf %logistic3A_36, %logistic3A_37 : vector<784x128xf32>
    %get3A_39 = arith.constant 0 : index
    %get3A_40 = arith.constant 0 : index
    %get3A_41 = vector.load %arg6[%get3A_39, %get3A_40] : memref<128x128xbf16, #tpu.memory_space<vmem>>, vector<128x128xbf16>
    %dot_general3A_42 = arith.constant dense<0.000000e+00> : vector<784x128xf32>
    %dot_general3A_43 = tpu.matmul %convert_element_type3A_23, %get3A_41, %dot_general3A_42 {dimension_numbers = #tpu.dot_dimension_numbers<[1], [0], [0], [1], [0, 0, 1, 1], [], []>, transpose_lhs_hint = false} : vector<784x128xbf16>, vector<128x128xbf16>, vector<784x128xf32> -> vector<784x128xf32>
    %get3A_44 = arith.constant 0 : index
    %get3A_45 = arith.constant 0 : index
    %get3A_46 = vector.load %arg9[%get3A_44, %get3A_45] : memref<1x128xf32, #tpu.memory_space<vmem>>, vector<1x128xf32>
    %add3A_47 = vector.broadcast %get3A_46 : vector<1x128xf32> to vector<784x128xf32>
    %add3A_48 = arith.addf %dot_general3A_43, %add3A_47 : vector<784x128xf32>
    %logistic3A_49 = arith.negf %add3A_48 : vector<784x128xf32>
    %logistic3A_50 = math.exp %logistic3A_49 : vector<784x128xf32>
    %logistic3A_51 = arith.constant 1.000000e+00 : f32
    %logistic3A_52 = vector.broadcast %logistic3A_51 : f32 to vector<784x128xf32>
    %logistic3A_53 = arith.addf %logistic3A_52, %logistic3A_50 : vector<784x128xf32>
    %logistic3A_54 = arith.divf %logistic3A_52, %logistic3A_53 : vector<784x128xf32>
    %get3A_55 = arith.constant 0 : index
    %get3A_56 = arith.constant 0 : index
    %get3A_57 = vector.load %arg7[%get3A_55, %get3A_56] : memref<128x128xbf16, #tpu.memory_space<vmem>>, vector<128x128xbf16>
    %dot_general3A_58 = arith.constant dense<0.000000e+00> : vector<784x128xf32>
    %dot_general3A_59 = tpu.matmul %convert_element_type3A_23, %get3A_57, %dot_general3A_58 {dimension_numbers = #tpu.dot_dimension_numbers<[1], [0], [0], [1], [0, 0, 1, 1], [], []>, transpose_lhs_hint = false} : vector<784x128xbf16>, vector<128x128xbf16>, vector<784x128xf32> -> vector<784x128xf32>
    %get3A_60 = arith.constant 0 : index
    %get3A_61 = arith.constant 0 : index
    %get3A_62 = vector.load %arg10[%get3A_60, %get3A_61] : memref<1x128xf32, #tpu.memory_space<vmem>>, vector<1x128xf32>
    %add3A_63 = vector.broadcast %get3A_62 : vector<1x128xf32> to vector<784x128xf32>
    %add3A_64 = arith.addf %dot_general3A_59, %add3A_63 : vector<784x128xf32>
    %get3A_65 = arith.constant 0 : index
    %get3A_66 = arith.constant 0 : index
    %get3A_67 = vector.load %arg11[%get3A_65, %get3A_66] : memref<1x128xf32, #tpu.memory_space<vmem>>, vector<1x128xf32>
    %mul3A_68 = vector.broadcast %get3A_67 : vector<1x128xf32> to vector<784x128xf32>
    %mul3A_69 = arith.mulf %logistic3A_38, %mul3A_68 : vector<784x128xf32>
    %add3A_70 = arith.addf %add3A_64, %mul3A_69 : vector<784x128xf32>
    %tanh3A = math.tanh %add3A_70 : vector<784x128xf32>
    %sub3A = arith.constant 1.000000e+00 : f32
    %sub3A_71 = vector.broadcast %sub3A : f32 to vector<784x128xf32>
    %sub3A_72 = arith.subf %sub3A_71, %logistic3A_54 : vector<784x128xf32>
    %mul3A_73 = arith.mulf %sub3A_72, %tanh3A : vector<784x128xf32>
    %get3A_74 = arith.constant 0 : index
    %get3A_75 = arith.constant 0 : index
    %get3A_76 = vector.load %arg12[%get3A_74, %get3A_75] : memref<128x128xbf16, #tpu.memory_space<vmem>>, vector<128x128xbf16>
    %convert_element_type3A_77 = arith.truncf %mul3A_73 : vector<784x128xf32> to vector<784x128xbf16>
    %dot_general3A_78 = arith.constant dense<0.000000e+00> : vector<784x128xf32>
    %dot_general3A_79 = tpu.matmul %convert_element_type3A_77, %get3A_76, %dot_general3A_78 {dimension_numbers = #tpu.dot_dimension_numbers<[1], [0], [0], [1], [0, 0, 1, 1], [], []>, transpose_lhs_hint = false} : vector<784x128xbf16>, vector<128x128xbf16>, vector<784x128xf32> -> vector<784x128xf32>
    %get3A_80 = arith.constant 0 : index
    %get3A_81 = arith.constant 0 : index
    %get3A_82 = vector.load %arg13[%get3A_80, %get3A_81] : memref<1x128xf32, #tpu.memory_space<vmem>>, vector<1x128xf32>
    %add3A_83 = vector.broadcast %get3A_82 : vector<1x128xf32> to vector<784x128xf32>
    %add3A_84 = arith.addf %dot_general3A_79, %add3A_83 : vector<784x128xf32>
    %swap3A = arith.constant 0 : index
    %swap3A_85 = arith.constant 0 : index
    %swap3A_86 = vector.load %arg14[%swap3A, %swap3A_85] : memref<784x128xf32, #tpu.memory_space<vmem>>, vector<784x128xf32>
    tpu.vector_store %arg14[%swap3A, %swap3A_85], %add3A_84 {strides = array<i32>} : memref<784x128xf32, #tpu.memory_space<vmem>>, vector<784x128xf32>,
    return
  }
  func.func @transform_0(%arg0: i32) -> (i32, i32, i32) {
    %c0_i32 = arith.constant 0 : i32
    %c0_i32_0 = arith.constant 0 : i32
    %c0_i32_1 = arith.constant 0 : i32
    return %c0_i32, %arg0, %c0_i32_0 : i32, i32, i32
  }
  func.func @transform_1(%arg0: i32) -> (i32, i32) {
    %c0_i32 = arith.constant 0 : i32
    %c0_i32_0 = arith.constant 0 : i32
    return %arg0, %c0_i32 : i32, i32
  }
  func.func @transform_2(%arg0: i32) -> (i32, i32) {
    %c0_i32 = arith.constant 0 : i32
    %c0_i32_0 = arith.constant 0 : i32
    %c0_i32_1 = arith.constant 0 : i32
    return %c0_i32, %c0_i32_0 : i32, i32
  }
  func.func @transform_3(%arg0: i32) -> (i32, i32) {
    %c0_i32 = arith.constant 0 : i32
    %c0_i32_0 = arith.constant 0 : i32
    %c0_i32_1 = arith.constant 0 : i32
    return %c0_i32, %c0_i32_0 : i32, i32
  }
  func.func @transform_4(%arg0: i32) -> (i32, i32) {
    %c0_i32 = arith.constant 0 : i32
    %c0_i32_0 = arith.constant 0 : i32
    %c0_i32_1 = arith.constant 0 : i32
    return %c0_i32, %c0_i32_0 : i32, i32
  }
  func.func @transform_5(%arg0: i32) -> (i32, i32) {
    %c0_i32 = arith.constant 0 : i32
    %c0_i32_0 = arith.constant 0 : i32
    %c0_i32_1 = arith.constant 0 : i32
    return %c0_i32, %c0_i32_0 : i32, i32
  }
  func.func @transform_6(%arg0: i32) -> (i32, i32) {
    %c0_i32 = arith.constant 0 : i32
    %c0_i32_0 = arith.constant 0 : i32
    %c0_i32_1 = arith.constant 0 : i32
    return %c0_i32, %c0_i32_0 : i32, i32
  }
  func.func @transform_7(%arg0: i32) -> (i32, i32) {
    %c0_i32 = arith.constant 0 : i32
    %c0_i32_0 = arith.constant 0 : i32
    %c0_i32_1 = arith.constant 0 : i32
    return %c0_i32, %c0_i32_0 : i32, i32
  }
  func.func @transform_8(%arg0: i32) -> (i32, i32) {
    %c0_i32 = arith.constant 0 : i32
    %c0_i32_0 = arith.constant 0 : i32
    %c0_i32_1 = arith.constant 0 : i32
    return %c0_i32, %c0_i32_0 : i32, i32
  }
  func.func @transform_9(%arg0: i32) -> (i32, i32) {
    %c0_i32 = arith.constant 0 : i32
    %c0_i32_0 = arith.constant 0 : i32
    %c0_i32_1 = arith.constant 0 : i32
    return %c0_i32, %c0_i32_0 : i32, i32
  }
  func.func @transform_10(%arg0: i32) -> (i32, i32) {
    %c0_i32 = arith.constant 0 : i32
    %c0_i32_0 = arith.constant 0 : i32
    %c0_i32_1 = arith.constant 0 : i32
    return %c0_i32, %c0_i32_0 : i32, i32
  }
  func.func @transform_11(%arg0: i32) -> (i32, i32) {
    %c0_i32 = arith.constant 0 : i32
    %c0_i32_0 = arith.constant 0 : i32
    %c0_i32_1 = arith.constant 0 : i32
    return %c0_i32, %c0_i32_0 : i32, i32
  }
  func.func @transform_12(%arg0: i32) -> (i32, i32) {
    %c0_i32 = arith.constant 0 : i32
    %c0_i32_0 = arith.constant 0 : i32
    %c0_i32_1 = arith.constant 0 : i32
    return %c0_i32, %c0_i32_0 : i32, i32
  }
  func.func @transform_13(%arg0: i32) -> (i32, i32) {
    %c0_i32 = arith.constant 0 : i32
    %c0_i32_0 = arith.constant 0 : i32
    return %arg0, %c0_i32 : i32, i32
  }
}

</mosaic_0001>

<sc_bundles>
// kernel: kernel.12.cloned.1.call-start
scs
__scs_entry_jumppad:
0x0: {  	(pc) =	sbr.rel $0x88, $3  }
0x1: {  	(tag) =	ssettag $0x0;
	lr =	simm.s32 $0x1  }
0x2: {  	[smem:$0x3F96] =	sst lr;
	_ =	strace $0xD0000000  }
0x3: {  	_ = 	snop  }
0x4: {  	_ = 	snop  }
0x5: {  	_ = 	snop  }
0x6: {  	_ = 	snop  }
0x7: {  	_ = 	snop  }
__scs_overlays_trampoline_lowered:
0x8: {  	[smem:$0x3FA5] =	sst s0  }
0x9: {  	[smem:$0x3FA6] =	sst s1  }
0xa: {  	[smem:$0x3FA7] =	sst s2  }
0xb: {  	[smem:$0x3FA8] =	sst s3  }
0xc: {  	[smem:$0x3FA9] =	sst s4  }
0xd: {  	[smem:$0x3FAA] =	sst s5  }
0xe: {  	[smem:$0x3FAB] =	sst s6  }
0xf: {  	[smem:$0x3FAC] =	sst s7  }
0x10: {  	[smem:$0x3FAD] =	sst s8  }
0x11: {  	[smem:$0x3FAE] =	sst s9;
	s0 =	simm.s32 @!p0 $0x0  }
0x12: {  	s1 =	sld [smem:$0x3F94];
	s0 =	simm.s32 @p0 $0x1  }
0x13: {  	[smem:$0x3FAF] =	sst s0;
	s0 =	simm.s32 @!p1 $0x0  }
0x14: {  	s2 =	sld [smem:$0x3F93];
	s0 =	simm.s32 @p1 $0x1  }
0x15: {  	[smem:$0x3FB0] =	sst s0;
	s0 =	simm.s32 @!p2 $0x0  }
0x16: {  	s3 =	sld [smem:$0x3FDB];
	s0 =	simm.s32 @p2 $0x1  }
0x17: {  	s4 =	simm.s32 $0x1BF5;
	[smem:$0x3FB2] =	sst s0  }
0x18: {  	s0 =	sld [smem:$0x3F95];
	_ =	swait.ge [sflag:s4], $0x0  }
0x19: {  	s7 =	sld [smem:$0x3F96]  }
0x1a: {  	s8 =	sadd.s32 $0xFFFFE003, lr  }
0x1b: {  	s9 =	sadd.s32 $0xFFFFFEF7, lr;
	s5 =	simm.s32 $0xFFFFFFFF;
	p2 =	slt.u32 s8, $0xFFFFF086  }
0x1c: {  	p1 =	slt.u32 s9, $0xF7A;
	s5 =	simm.s32 @!p2 $0x0  }
0x1d: {  	s5 =	simm.s32 @p1 $0x1;
	p0 =	seq.s32 s7, s2  }
0x1e: {  	s7 =	smul.u32 @!p0 $0xF7A, s2;
	p2 =	seq.s32 @!p0 s5, $0x0  }
0x1f: {  	s9 =	smul.u32 $0xF7A, s1;
	s8 =	simm.s32 @!p0 $0x1BF5;
	p2 =	por !p2, p0  }
0x20: {  	[sflag:s8] =	ssyncset.s32 @!p0 $0xFFFFF086;
	s6 =	sadd.s32 @!p0 s3, s7;
	s7 =	simm.s32 @!p0 $0x108  }
0x21: {  	s3 =	sadd.s32 s3, s9;
	s6 =	sadd.s32 @!p0 $0x88, s6;
	s7 =	simm.s32 @p2 $0x1082  }
0x22: {  	[simem:s7], [sflag:s8] =	dma.local @!p0 [hbm:s6], $0xF7A  }
0x23: {  	s9 =	sor.u32 $0xD0000000, s2;
	s6 =	simm.s32 $0x108;
	_ =	swait.ge @!p0 [sflag:s8], $0x0  }
0x24: {  	s3 =	sadd.s32 $0x88, s3;
	s6 =	simm.s32 @!p1 $0x1082;
	[sflag:s4] =	ssyncset.s32 $0xFFFFF086  }
0x25: {  	[simem:s6], [sflag:s4] =	dma.local [hbm:s3], $0xF7A  }
0x26: {  	[smem:$0x3F96] =	sst s1;
	(tag) =	ssettag s2;
	_ =	strace s9  }
0x27: {  	s1 =	sld [smem:$0x3FA6]  }
0x28: {  	s2 =	sld [smem:$0x3FA7]  }
0x29: {  	s4 =	sld [smem:$0x3FA9]  }
0x2a: {  	p0 =	seq.s32 s5, $0x0;
	s5 =	sld [smem:$0x3FAA]  }
0x2b: {  	s6 =	sld [smem:$0x3FAB]  }
0x2c: {  	s7 =	sld [smem:$0x3FAC]  }
0x2d: {  	s3 =	simm.s32 $0x108;
	s8 =	sld [smem:$0x3FAD]  }
0x2e: {  	s3 =	simm.s32 @!p0 $0x1082;
	s9 =	sld [smem:$0x3FAE]  }
0x2f: {  	lr =	sadd.s32 s0, s3;
	s0 =	sld [smem:$0x3FA5]  }
0x30: {  	s3 =	sld [smem:$0x3FA8]  }
0x31: {  	[smem:$0x3FB1] =	sst s10  }
0x32: {  	s10 =	sld [smem:$0x3FAF];
	_ =	sdelay $0x3  }
0x33: {  	p0 =	seq.s32 s10, $0x1;
	s10 =	sld [smem:$0x3FB1];
	_ =	sdelay $0x3  }
0x34: {  	[smem:$0x3FB1] =	sst s10  }
0x35: {  	s10 =	sld [smem:$0x3FB0];
	_ =	sdelay $0x3  }
0x36: {  	p1 =	seq.s32 s10, $0x1;
	s10 =	sld [smem:$0x3FB1];
	_ =	sdelay $0x3  }
0x37: {  	[smem:$0x3FB1] =	sst s10  }
0x38: {  	s10 =	sld [smem:$0x3FB2]  }
0x39: {  	_ = 	snop;
	(pc) =	sbr.ind lr, $3  }
0x3a: {  	_ = 	snop  }
0x3b: {  	_ = 	snop  }
0x3c: {  	p2 =	seq.s32 s10, $0x1;
	s10 =	sld [smem:$0x3FB1]  }
0x3d: {  	_ =	shalt  }
0x3e: {  	_ =	shalt  }
0x3f: {  	_ =	shalt  }
0x40: {  	_ =	shalt  }
0x41: {  	_ =	shalt  }
0x42: {  	_ =	shalt  }
0x43: {  	_ =	shalt  }
0x44: {  	_ =	shalt  }
0x45: {  	_ =	shalt  }
0x46: {  	_ =	shalt  }
0x47: {  	_ =	shalt  }
0x48: {  	_ =	shalt  }
0x49: {  	_ =	shalt  }
0x4a: {  	_ =	shalt  }
0x4b: {  	_ =	shalt  }
0x4c: {  	_ =	shalt  }
0x4d: {  	_ =	shalt  }
0x4e: {  	_ =	shalt  }
0x4f: {  	_ =	shalt  }
0x50: {  	_ =	shalt  }
0x51: {  	_ =	shalt  }
0x52: {  	_ =	shalt  }
0x53: {  	_ =	shalt  }
0x54: {  	_ =	shalt  }
0x55: {  	_ =	shalt  }
0x56: {  	_ =	shalt  }
0x57: {  	_ =	shalt  }
0x58: {  	_ =	shalt  }
0x59: {  	_ =	shalt  }
0x5a: {  	_ =	shalt  }
0x5b: {  	_ =	shalt  }
0x5c: {  	_ =	shalt  }
0x5d: {  	_ =	shalt  }
0x5e: {  	_ =	shalt  }
0x5f: {  	_ =	shalt  }
0x60: {  	_ =	shalt  }
0x61: {  	_ =	shalt  }
0x62: {  	_ =	shalt  }
0x63: {  	_ =	shalt  }
0x64: {  	_ =	shalt  }
0x65: {  	_ =	shalt  }
0x66: {  	_ =	shalt  }
0x67: {  	_ =	shalt  }
0x68: {  	_ =	shalt  }
0x69: {  	_ =	shalt  }
0x6a: {  	_ =	shalt  }
0x6b: {  	_ =	shalt  }
0x6c: {  	_ =	shalt  }
0x6d: {  	_ =	shalt  }
0x6e: {  	_ =	shalt  }
0x6f: {  	_ =	shalt  }
0x70: {  	_ =	shalt  }
0x71: {  	_ =	shalt  }
0x72: {  	_ =	shalt  }
0x73: {  	_ =	shalt  }
0x74: {  	_ =	shalt  }
0x75: {  	_ =	shalt  }
0x76: {  	_ =	shalt  }
0x77: {  	_ =	shalt  }
0x78: {  	_ =	shalt  }
0x79: {  	_ =	shalt  }
0x7a: {  	_ =	shalt  }
0x7b: {  	_ =	shalt  }
0x7c: {  	_ =	shalt  }
0x7d: {  	_ =	shalt  }
0x7e: {  	_ =	shalt  }
0x7f: {  	_ =	shalt  }
0x80: {  	_ =	shalt  }
0x81: {  	_ =	shalt  }
0x82: {  	_ =	shalt  }
0x83: {  	_ =	shalt  }
0x84: {  	_ =	shalt  }
0x85: {  	_ =	shalt  }
0x86: {  	_ =	shalt  }
0x87: {  	_ =	shalt  }
.Lfunc_end0:
.L_simem_size_0:
called_computation.1_lowered:
.L_overlay_start_0:
0x88: {  	s2 =	sld [smem:$0x3FD9]  }
0x89: {  	s3 =	sld [smem:$0x3FFE];
	_ =	sdelay $0x1  }
0x8a: {  	s1 =	srdreg.scid  }
0x8b: {  	s0 =	sand.u32 $0x1, s1  }
0x8c: {  	s16 =	sshll.u32 s0, $0xA;
	s2 =	sadd.s32 s3, s2  }
0x8d: {  	s2 =	sadd.s32 s2, s16  }
0x8e: {  	[smem:$0x3FBD] =	sst s2  }
0x8f: {  	_ = 	snop  }
0x90: {  	(tm) =	ssettm $0x1  }
0x91: {  	s17 =	sld [smem:$0x3FFB];
	_ =	sdelay $0x3  }
0x92: {  	_ =	strace s17  }
0x93: {  	s2 =	sld [smem:$0x3FFC];
	_ =	sdelay $0x3  }
0x94: {  	_ =	strace s2  }
0x95: {  	s2 =	sld [smem:$0x3FFD];
	_ =	sdelay $0x3  }
0x96: {  	_ =	strace s2  }
0x97: {  	_ =	strace $0x8FFFFFFF  }
0x98: {  	s18 =	sld [smem:$0x3FDB];
	_ =	sdelay $0x1  }
0x99: {  	s19 =	simm.s32 $_scs_section_size  }
0x9a: {  	s4 =	simm.s32 $_size__tile_overlayer_lowered;
	s5 =	simm.s32 $_tile_overlayer_lowered  }
0x9b: {  	s22 =	simm.s32 $0x1BFF;
	s21 =	sshll.u32 s5, $0x1;
	s2 =	sadd.s32 s19, s18  }
0x9c: {  	s6 =	simm.s32 $0x0;
	s20 =	sshll.u32 s4, $0x1;
	s4 =	sadd.s32 s21, s2  }
0x9d: {  	[timem:s6], [sflag:s22] =	dma.local [hbm:s4], s20  }
0x9e: {  	_ =	swait.ge [sflag:s22], s20  }
0x9f: {  	s3 =	ssub.s32 $0x0, s20;
	[sflag:s22] =	ssyncset.done $0x0  }
0xa0: {  	[sflag:s22] =	ssyncadd.s32 s3;
	_ =	sdelay $0x1  }
0xa1: {  	s23 =	simm.s32 $0x1B8B  }
0xa2: {  	_ =	swait.ge [sflag:s23], $0x1  }
0xa3: {  	[sflag:s23] =	ssyncset.done $0x0  }
0xa4: {  	s25 =	simm.s32 $0x1B8E;
	s24 =	sld [smem:$0x3FFE];
	[sflag:s23] =	ssyncadd.s32 $0xFFFFFFFF  }
0xa5: {  	s26 =	simm.s32 $execute0_lowered;
	[smem:$0x3FD2] =	sst s25  }
0xa6: {  	s4 =	sshll.u32 s26, $0x1;
	_ =	strace $0x80000049;
	[dreg:$0x1] =	wrdreg $0xFFFFFFFF  }
0xa7: {  	s28 =	simm.s32 $_size_execute0_lowered;
	s2 =	sadd.s32 s2, s4;
	[dreg:$0x0] =	wrdreg $0x0  }
0xa8: {  	s4 =	sshll.u32 s28, $0x1;
	[dreg:$0x2] =	wrdreg s2  }
0xa9: {  	[dreg:$0x3] =	wrdreg s4  }
0xaa: {  	[dreg:$0x4] =	wrdreg $0xC0  }
0xab: {  	_ =	task [dreg:s6], $0x5FFFF  }
0xac: {  	[dreg:$0x1] =	wrdreg $0xFFFFFFFF  }
0xad: {  	[dreg:$0x0] =	wrdreg $0x60  }
0xae: {  	[dreg:$0x2] =	wrdreg s24  }
0xaf: {  	[dreg:$0x3] =	wrdreg $0x78000  }
0xb0: {  	[dreg:$0x4] =	wrdreg $0x9  }
0xb1: {  	_ =	task.clear_ibuf [dreg:s6], $0x5FFFF;
	_ =	strace $0x90000049  }
0xb2: {  	s29 =	simm.s32 $0x9;
	_ =	strace $0x8000004B  }
0xb3: {  	_ =	swait.ge [sflag:s29], $0x1  }
0xb4: {  	[sflag:s29] =	ssyncadd.s32 $0xFFFFFFFF  }
0xb5: {  	_ =	strace $0x9000004B  }
0xb6: {  	_ =	sfence  }
0xb7: {  	s30 =	sld [smem:$0x0];
	_ =	sdelay $0x2  }
0xb8: {  	s31 =	sshll.u32 s1, $0xD;
	s1 =	sshrl.u32 s1, $0x2  }
0xb9: {  	s3 =	sand.u32 $0x4000, s31;
	s1 =	sadd.s32 s1, s30  }
0xba: {  	s0 =	sor.u32 s3, s0;
	s1 =	sshll.u32 s1, $0x11  }
0xbb: {  	s0 =	sor.u32 s1, s0  }
0xbc: {  	s0 =	sadd.s32 $0x8F2B, s0  }
0xbd: {  	[sflag:s0] =	ssyncadd.remote.s32 $0x1  }
0xbe: {  	_ =	sfence.sel $0xFFFF  }
0xbf: {  	[dreg:$0x0] =	wrdreg $0xFFFFFFFF;
	(pc) =	sbr.abs _section_cstart, $3  }
0xc0: {  	[dreg:$0x1] =	wrdreg $0xFFFFFFFF  }
0xc1: {  	_ =	task.clear_ibuf [dreg:s6], $0x2FFFF;
	_ =	strace $0x9FFFFFFF  }
0xc2: {  	(tm) =	ssettm $0x7FFFFFFF  }
0xc3: {  	_ =	shalt  }
tec
execute0_lowered:
.L_overlay_start_1:
0x0: {  	(tag) =	ssettag $0x1  }
0x1: {  	s0 =	rddreg [dreg:$0x0]  }
0x2: {  	s1 =	srdreg.scid;
	s2 =	rddreg [dreg:$0x1]  }
0x3: {  	s3 =	stileid.u32;
	s15 =	simm.s32 $0x0;
	s28 =	simm.s32 $0x3800  }
0x4: {  	s30 =	simm.s32 $0x4000;
	s31 =	simm.s32 $0x200;
	s8 =	smul.u32 $0x18800, s3  }
0x5: {  	s1 =	sand.u32 $0x1, s1;
	[smem:$0x7FF] =	sst s15;
	s9 =	smul.u32 $0x62000, s3  }
0x6: {  	s6 =	sadd.s32 $0x36800, s0;
	s4 =	smul.u32 $0x188000, s1;
	s10 =	ssub.s32 $0x2, s1  }
0x7: {  	_ =	strace $0x8000004A;
	s14 =	sshrl.u32 s9, $0x2;
	s16 =	sshrl.u32 s10, $0x1  }
0x8: {  	s5 =	sadd.s32 s8, s4;
	s4 =	sadd.s32 $0x13BA00, s0;
	s10 =	ssub.s32 s10, s16  }
0x9: {  	s7 =	sshrl.u32 s5, $0x3;
	s5 =	sadd.s32 $0xD7A00, s0;
	s19 =	smax.u32 s10, $0x1  }
0xa: {  	s0 =	sadd.s32 s7, s0;
	s7 =	sadd.s32 s14, s2;
	[dreg:$0x7] =	wrdreg s19  }
0xb: {  	s11 =	simm.s32 $0x6800;
	s17 =	sadd.s32 $0x16800, s7;
	[dreg:$0x4] =	wrdreg s7  }
0xc: {  	s12 =	simm.s32 $0x7000;
	s0 =	sadd.s32 $0x67800, s0;
	[dreg:$0x5] =	wrdreg s17  }
0xd: {  	s13 =	simm.s32 $0x1;
	s20 =	sadd.s32 $0x2800, s7;
	[dreg:$0x6] =	wrdreg s0  }
0xe: {  	s1 =	sshll.u32 s1, $0x4;
	s21 =	sadd.s32 $0x5000, s7;
	[dreg:$0x8] =	wrdreg s20  }
0xf: {  	s1 =	sor.u32 s3, s1;
	s22 =	sadd.s32 $0x7800, s7;
	[dreg:$0x9] =	wrdreg s21  }
0x10: {  	s18 =	sadd.s32 s8, s2;
	s23 =	sadd.s32 $0xA000, s7;
	[dreg:$0xa] =	wrdreg s22  }
0x11: {  	s9 =	smul.u32 $0x320, s1;
	s24 =	sadd.s32 $0xC800, s7;
	[dreg:$0xb] =	wrdreg s23  }
0x12: {  	s1 =	simm.s32 $0x5000;
	s25 =	sadd.s32 $0xF000, s7;
	[dreg:$0xc] =	wrdreg s24  }
0x13: {  	s8 =	simm.s32 $0x5800;
	s26 =	sadd.s32 $0x11800, s7;
	[dreg:$0xd] =	wrdreg s25  }
0x14: {  	s10 =	simm.s32 $0x6000;
	s29 =	sadd.s32 $0x14000, s7;
	[dreg:$0xe] =	wrdreg s26  }
0x15: {  	s14 =	simm.s32 $0x2;
	[dreg:$0xf] =	wrdreg s29;
	s20 =	simm.s32 $0x2800  }
0x16: {  	s21 =	simm.s32 $0x3;
	s23 =	simm.s32 $0x80;
	s0 =	sshrl.u32 s18, $0x3  }
0x17: {  	v0 =	vimm.f32 $0.0e+00;
	s24 =	simm.s32 $0x3000;
	[dreg:$0x10] =	wrdreg s0;
	s0 =	simm.s32 $0x4800  }
.LBB2_1:
0x18: {  	[dreg:$0x3] =	wrdreg s15;
	s15 =	simm.s32 $0x40;
	s16 =	simm.s32 $0x0  }
.LBB2_2:
0x19: {  	p0 =	sne.s32 s15, $0x9FC0;
	[tilespmem:s16+$0x2800] =	vst v0;
	s16 =	smov.u32 s15;
	s15 =	sadd.s32 $0x40, s15  }
.Ltmp0:
0x1a: {  	(pc) =	sbr.rel @p0 .LBB2_2-.Ltmp0, $2  }
0x1b: {  	_ =	sdelay $0x2  }
0x1c: {  	s16 =	sshra.s32 s16, $0x2  }
0x1d: {  	[tilespmem:s16+$0x2800] =	vst v0;
	s3 =	rddreg [dreg:$0x4]  }
0x1e: {  	[spmem:s3] =	stream.linear.scatter [tilespmem:s20], [sflag:$0x3], $0x2800, $0x38;
	v63 =	vld [tilespmem:$0x0]  }
0x1f: {  	_ =	swait.ge [sflag:s21], $0x2800  }
0x20: {  	[sflag:s21] =	ssyncset.done $0x0  }
0x21: {  	s15 =	rddreg [dreg:$0x8];
	[sflag:s21] =	ssyncadd.s32 $0xFFFFD800  }
0x22: {  	[spmem:s15] =	stream.linear.scatter [tilespmem:s20], [sflag:$0x3], $0x2800, $0x38;
	v63 =	vld [tilespmem:$0x0]  }
0x23: {  	_ =	swait.ge [sflag:s21], $0x2800  }
0x24: {  	[sflag:s21] =	ssyncset.done $0x0  }
0x25: {  	s16 =	rddreg [dreg:$0x9];
	[sflag:s21] =	ssyncadd.s32 $0xFFFFD800  }
0x26: {  	[spmem:s16] =	stream.linear.scatter [tilespmem:s20], [sflag:$0x3], $0x2800, $0x38;
	v63 =	vld [tilespmem:$0x0]  }
0x27: {  	_ =	swait.ge [sflag:s21], $0x2800  }
0x28: {  	[sflag:s21] =	ssyncset.done $0x0  }
0x29: {  	s17 =	rddreg [dreg:$0xa];
	[sflag:s21] =	ssyncadd.s32 $0xFFFFD800  }
0x2a: {  	[spmem:s17] =	stream.linear.scatter [tilespmem:s20], [sflag:$0x3], $0x2800, $0x38;
	v63 =	vld [tilespmem:$0x0]  }
0x2b: {  	_ =	swait.ge [sflag:s21], $0x2800  }
0x2c: {  	[sflag:s21] =	ssyncset.done $0x0  }
0x2d: {  	s18 =	rddreg [dreg:$0xb];
	[sflag:s21] =	ssyncadd.s32 $0xFFFFD800  }
0x2e: {  	[spmem:s18] =	stream.linear.scatter [tilespmem:s20], [sflag:$0x3], $0x2800, $0x38;
	v63 =	vld [tilespmem:$0x0]  }
0x2f: {  	_ =	swait.ge [sflag:s21], $0x2800  }
0x30: {  	[sflag:s21] =	ssyncset.done $0x0  }
0x31: {  	s19 =	rddreg [dreg:$0xc];
	[sflag:s21] =	ssyncadd.s32 $0xFFFFD800  }
0x32: {  	[spmem:s19] =	stream.linear.scatter [tilespmem:s20], [sflag:$0x3], $0x2800, $0x38;
	v63 =	vld [tilespmem:$0x0]  }
0x33: {  	_ =	swait.ge [sflag:s21], $0x2800  }
0x34: {  	[sflag:s21] =	ssyncset.done $0x0  }
0x35: {  	s22 =	rddreg [dreg:$0xd];
	[sflag:s21] =	ssyncadd.s32 $0xFFFFD800  }
0x36: {  	[spmem:s22] =	stream.linear.scatter [tilespmem:s20], [sflag:$0x3], $0x2800, $0x38;
	v63 =	vld [tilespmem:$0x0]  }
0x37: {  	_ =	swait.ge [sflag:s21], $0x2800  }
0x38: {  	[sflag:s21] =	ssyncset.done $0x0  }
0x39: {  	s25 =	rddreg [dreg:$0xe];
	[sflag:s21] =	ssyncadd.s32 $0xFFFFD800  }
0x3a: {  	[spmem:s25] =	stream.linear.scatter [tilespmem:s20], [sflag:$0x3], $0x2800, $0x38;
	v63 =	vld [tilespmem:$0x0]  }
0x3b: {  	_ =	swait.ge [sflag:s21], $0x2800  }
0x3c: {  	[sflag:s21] =	ssyncset.done $0x0  }
0x3d: {  	s26 =	rddreg [dreg:$0xf];
	[sflag:s21] =	ssyncadd.s32 $0xFFFFD800  }
0x3e: {  	[spmem:s26] =	stream.linear.scatter [tilespmem:s20], [sflag:$0x3], $0x2800, $0x38;
	v63 =	vld [tilespmem:$0x0]  }
0x3f: {  	_ =	swait.ge [sflag:s21], $0x2800  }
0x40: {  	[sflag:s21] =	ssyncset.done $0x0  }
0x41: {  	s29 =	rddreg [dreg:$0x5];
	[sflag:s21] =	ssyncadd.s32 $0xFFFFD800  }
0x42: {  	[spmem:s29] =	stream.linear.scatter [tilespmem:s20], [sflag:$0x3], $0x2000, $0x38;
	v63 =	vld [tilespmem:$0x0]  }
0x43: {  	_ =	swait.ge [sflag:s21], $0x2000  }
0x44: {  	[sflag:s21] =	ssyncset.done $0x0  }
0x45: {  	[sflag:s21] =	ssyncadd.s32 $0xFFFFE000  }
0x46: {  	s15 =	simm.s32 $0x0;
	s16 =	simm.s32 $0x0;
	[bflag:$0x0] =	sbarrier.arrive $0xFFFF  }
.LBB2_4:
0x47: {  	s17 =	smul.u32 $0x28, s16;
	_ =	sdelay $0x1  }
0x48: {  	s17 =	sadd.s32 s9, s17  }
0x49: {  	s17 =	sshll.u32 s17, $0x4  }
0x4a: {  	s18 =	sadd.s32 s4, s17  }
0x4b: {  	[tilespmem:s15], [sflag:$0x3] =	stream.linear.gather [hbm4b:s18+s15], $0x1400, $0x38;
	v63 =	vld [tilespmem:$0x0]  }
0x4c: {  	_ =	swait.ge [sflag:s21], $0x1400  }
0x4d: {  	[sflag:s21] =	ssyncset.done $0x0  }
0x4e: {  	s3 =	simm.s32 $0x1400;
	s17 =	sadd.s32 s5, s17;
	[sflag:s21] =	ssyncadd.s32 $0xFFFFEC00  }
0x4f: {  	[tilespmem:s3], [sflag:$0x3] =	stream.linear.gather [hbm4b:s17+s15], $0x1400, $0x38;
	v63 =	vld [tilespmem:$0x0]  }
0x50: {  	_ =	swait.ge [sflag:s21], $0x1400  }
0x51: {  	[sflag:s21] =	ssyncset.done $0x0  }
0x52: {  	[sflag:s21] =	ssyncadd.s32 $0xFFFFEC00  }
0x53: {  	[tilespmem:s20], [sflag:$0x1] =	stream.indirect.gather [hbm4b:s6+s23], $0x10, s15, s23, $0xb8;
	v63 =	vld [tilespmem:$0x0]  }
0x54: {  	_ = 	snop  }
0x55: {  	[tilespmem:s24], [sflag:$0x1] =	stream.indirect.gather [hbm4b:s6+s23], $0x10, s23, s23, $0xb8;
	v63 =	vld [tilespmem:$0x0]  }
0x56: {  	s26 =	simm.s32 $0x100  }
0x57: {  	[tilespmem:s28], [sflag:$0x1] =	stream.indirect.gather [hbm4b:s6+s23], $0x10, s26, s23, $0xb8;
	v63 =	vld [tilespmem:$0x0]  }
0x58: {  	s29 =	simm.s32 $0x180  }
0x59: {  	[tilespmem:s30], [sflag:$0x1] =	stream.indirect.gather [hbm4b:s6+s23], $0x10, s29, s23, $0xb8;
	v63 =	vld [tilespmem:$0x0]  }
0x5a: {  	_ = 	snop  }
0x5b: {  	[tilespmem:s0], [sflag:$0x1] =	stream.indirect.gather [hbm4b:s6+s23], $0x10, s31, s23, $0xb8;
	v63 =	vld [tilespmem:$0x0]  }
0x5c: {  	s7 =	simm.s32 $0x280  }
0x5d: {  	[tilespmem:s1], [sflag:$0x2] =	stream.indirect.gather [hbm4b:s6+s23], $0x10, s7, s23, $0xb8;
	v63 =	vld [tilespmem:$0x0]  }
0x5e: {  	s18 =	simm.s32 $0x300  }
0x5f: {  	[tilespmem:s8], [sflag:$0x2] =	stream.indirect.gather [hbm4b:s6+s23], $0x10, s18, s23, $0xb8;
	v63 =	vld [tilespmem:$0x0]  }
0x60: {  	s19 =	simm.s32 $0x380  }
0x61: {  	[tilespmem:s10], [sflag:$0x2] =	stream.indirect.gather [hbm4b:s6+s23], $0x10, s19, s23, $0xb8;
	v63 =	vld [tilespmem:$0x0]  }
0x62: {  	s22 =	simm.s32 $0x400  }
0x63: {  	[tilespmem:s11], [sflag:$0x2] =	stream.indirect.gather [hbm4b:s6+s23], $0x10, s22, s23, $0xb8;
	v63 =	vld [tilespmem:$0x0]  }
0x64: {  	s25 =	simm.s32 $0x480  }
0x65: {  	[tilespmem:s12], [sflag:$0x2] =	stream.indirect.gather [hbm4b:s6+s23], $0x10, s25, s23, $0xb8;
	v63 =	vld [tilespmem:$0x0]  }
0x66: {  	_ =	swait.ge [sflag:s13], $0x800  }
0x67: {  	[sflag:s13] =	ssyncset.done $0x0  }
0x68: {  	[sflag:s13] =	ssyncadd.s32 $0xFFFFF800  }
0x69: {  	_ =	swait.ge [sflag:s13], $0x800  }
0x6a: {  	[sflag:s13] =	ssyncset.done $0x0  }
0x6b: {  	[sflag:s13] =	ssyncadd.s32 $0xFFFFF800  }
0x6c: {  	_ =	swait.ge [sflag:s13], $0x800  }
0x6d: {  	[sflag:s13] =	ssyncset.done $0x0  }
0x6e: {  	[sflag:s13] =	ssyncadd.s32 $0xFFFFF800  }
0x6f: {  	_ =	swait.ge [sflag:s13], $0x800  }
0x70: {  	[sflag:s13] =	ssyncset.done $0x0  }
0x71: {  	[sflag:s13] =	ssyncadd.s32 $0xFFFFF800  }
0x72: {  	_ =	swait.ge [sflag:s13], $0x800  }
0x73: {  	[sflag:s13] =	ssyncset.done $0x0  }
0x74: {  	s26 =	simm.s32 $0x1400;
	[sflag:s13] =	ssyncadd.s32 $0xFFFFF800  }
0x75: {  	[spmem:s2] =	stream.indirect.scatter.add.f32 [tilespmem:s20], [sflag:$0x3], $0x10, s26, s23, $0xb8;
	v63 =	vld [tilespmem:$0x0]  }
0x76: {  	_ =	swait.ge [sflag:s21], $0x800  }
0x77: {  	[sflag:s21] =	ssyncset.done $0x0  }
0x78: {  	s29 =	simm.s32 $0x1480;
	[sflag:s21] =	ssyncadd.s32 $0xFFFFF800  }
0x79: {  	[spmem:s2] =	stream.indirect.scatter.add.f32 [tilespmem:s24], [sflag:$0x3], $0x10, s29, s23, $0xb8;
	v63 =	vld [tilespmem:$0x0]  }
0x7a: {  	_ =	swait.ge [sflag:s21], $0x800  }
0x7b: {  	[sflag:s21] =	ssyncset.done $0x0  }
0x7c: {  	s3 =	simm.s32 $0x1500;
	[sflag:s21] =	ssyncadd.s32 $0xFFFFF800  }
0x7d: {  	[spmem:s2] =	stream.indirect.scatter.add.f32 [tilespmem:s28], [sflag:$0x3], $0x10, s3, s23, $0xb8;
	v63 =	vld [tilespmem:$0x0]  }
0x7e: {  	_ =	swait.ge [sflag:s21], $0x800  }
0x7f: {  	[sflag:s21] =	ssyncset.done $0x0  }
0x80: {  	s7 =	simm.s32 $0x1580;
	[sflag:s21] =	ssyncadd.s32 $0xFFFFF800  }
0x81: {  	[spmem:s2] =	stream.indirect.scatter.add.f32 [tilespmem:s30], [sflag:$0x3], $0x10, s7, s23, $0xb8;
	v63 =	vld [tilespmem:$0x0]  }
0x82: {  	_ =	swait.ge [sflag:s21], $0x800  }
0x83: {  	[sflag:s21] =	ssyncset.done $0x0  }
0x84: {  	s18 =	simm.s32 $0x1600;
	[sflag:s21] =	ssyncadd.s32 $0xFFFFF800  }
0x85: {  	[spmem:s2] =	stream.indirect.scatter.add.f32 [tilespmem:s0], [sflag:$0x3], $0x10, s18, s23, $0xb8;
	v63 =	vld [tilespmem:$0x0]  }
0x86: {  	p0 =	por $0x0, $0x0;
	_ =	swait.ge [sflag:s21], $0x800  }
0x87: {  	s17 =	simm.s32 @!p0 $0x2800;
	[sflag:s21] =	ssyncset.done $0x0  }
0x88: {  	s19 =	simm.s32 @!p0 $0x80;
	s18 =	simm.s32 @!p0 $0x500;
	[sflag:s21] =	ssyncadd.s32 $0xFFFFF800  }
0x89: {  	[tilespmem:s17], [sflag:$0x1] =	stream.indirect.gather @!p0 [hbm4b:s6+s19], $0x10, s18, s19, $0xb8;
	v63 =	vld [tilespmem:$0x0]  }
0x8a: {  	s17 =	simm.s32 @!p0 $0x580;
	s18 =	simm.s32 @!p0 $0x3000  }
0x8b: {  	[tilespmem:s18], [sflag:$0x1] =	stream.indirect.gather @!p0 [hbm4b:s6+s19], $0x10, s17, s19, $0xb8;
	v63 =	vld [tilespmem:$0x0]  }
0x8c: {  	s17 =	simm.s32 @!p0 $0x600;
	s18 =	simm.s32 @!p0 $0x3800  }
0x8d: {  	[tilespmem:s18], [sflag:$0x1] =	stream.indirect.gather @!p0 [hbm4b:s6+s19], $0x10, s17, s19, $0xb8;
	v63 =	vld [tilespmem:$0x0]  }
0x8e: {  	s17 =	simm.s32 @!p0 $0x680;
	s18 =	simm.s32 @!p0 $0x4000  }
0x8f: {  	[tilespmem:s18], [sflag:$0x1] =	stream.indirect.gather @!p0 [hbm4b:s6+s19], $0x10, s17, s19, $0xb8;
	v63 =	vld [tilespmem:$0x0]  }
0x90: {  	s17 =	simm.s32 @!p0 $0x700;
	s18 =	simm.s32 @!p0 $0x4800  }
0x91: {  	[tilespmem:s18], [sflag:$0x1] =	stream.indirect.gather @!p0 [hbm4b:s6+s19], $0x10, s17, s19, $0xb8;
	v63 =	vld [tilespmem:$0x0]  }
0x92: {  	_ =	swait.ge [sflag:s14], $0x800  }
0x93: {  	[sflag:s14] =	ssyncset.done $0x0  }
0x94: {  	[sflag:s14] =	ssyncadd.s32 $0xFFFFF800  }
0x95: {  	_ =	swait.ge [sflag:s14], $0x800  }
0x96: {  	[sflag:s14] =	ssyncset.done $0x0  }
0x97: {  	[sflag:s14] =	ssyncadd.s32 $0xFFFFF800  }
0x98: {  	_ =	swait.ge [sflag:s14], $0x800  }
0x99: {  	[sflag:s14] =	ssyncset.done $0x0  }
0x9a: {  	[sflag:s14] =	ssyncadd.s32 $0xFFFFF800  }
0x9b: {  	_ =	swait.ge [sflag:s14], $0x800  }
0x9c: {  	[sflag:s14] =	ssyncset.done $0x0  }
0x9d: {  	[sflag:s14] =	ssyncadd.s32 $0xFFFFF800  }
0x9e: {  	_ =	swait.ge [sflag:s14], $0x800  }
0x9f: {  	[sflag:s14] =	ssyncset.done $0x0  }
0xa0: {  	s19 =	simm.s32 $0x1680;
	[sflag:s14] =	ssyncadd.s32 $0xFFFFF800  }
0xa1: {  	[spmem:s2] =	stream.indirect.scatter.add.f32 [tilespmem:s1], [sflag:$0x3], $0x10, s19, s23, $0xb8;
	v63 =	vld [tilespmem:$0x0]  }
0xa2: {  	_ =	swait.ge [sflag:s21], $0x800  }
0xa3: {  	[sflag:s21] =	ssyncset.done $0x0  }
0xa4: {  	s22 =	simm.s32 $0x1700;
	[sflag:s21] =	ssyncadd.s32 $0xFFFFF800  }
0xa5: {  	[spmem:s2] =	stream.indirect.scatter.add.f32 [tilespmem:s8], [sflag:$0x3], $0x10, s22, s23, $0xb8;
	v63 =	vld [tilespmem:$0x0]  }
0xa6: {  	_ =	swait.ge [sflag:s21], $0x800  }
0xa7: {  	[sflag:s21] =	ssyncset.done $0x0  }
0xa8: {  	s25 =	simm.s32 $0x1780;
	[sflag:s21] =	ssyncadd.s32 $0xFFFFF800  }
0xa9: {  	[spmem:s2] =	stream.indirect.scatter.add.f32 [tilespmem:s10], [sflag:$0x3], $0x10, s25, s23, $0xb8;
	v63 =	vld [tilespmem:$0x0]  }
0xaa: {  	_ =	swait.ge [sflag:s21], $0x800  }
0xab: {  	[sflag:s21] =	ssyncset.done $0x0  }
0xac: {  	s26 =	simm.s32 $0x1800;
	[sflag:s21] =	ssyncadd.s32 $0xFFFFF800  }
0xad: {  	[spmem:s2] =	stream.indirect.scatter.add.f32 [tilespmem:s11], [sflag:$0x3], $0x10, s26, s23, $0xb8;
	v63 =	vld [tilespmem:$0x0]  }
0xae: {  	_ =	swait.ge [sflag:s21], $0x800  }
0xaf: {  	[sflag:s21] =	ssyncset.done $0x0  }
0xb0: {  	s29 =	simm.s32 $0x1880;
	[sflag:s21] =	ssyncadd.s32 $0xFFFFF800  }
0xb1: {  	[spmem:s2] =	stream.indirect.scatter.add.f32 [tilespmem:s12], [sflag:$0x3], $0x10, s29, s23, $0xb8;
	v63 =	vld [tilespmem:$0x0]  }
0xb2: {  	s18 =	simm.s32 $0x1400;
	_ =	swait.ge [sflag:s21], $0x800  }
0xb3: {  	s17 =	simm.s32 $0x500;
	s19 =	simm.s32 $0x2800;
	[sflag:s21] =	ssyncset.done $0x0  }
.LBB2_5:
0xb4: {  	s7 =	sadd.s32 $0x280, s17  }
0xb5: {  	[sflag:s21] =	ssyncadd.s32 $0xFFFFF800;
	s25 =	smov.u32 s19;
	s19 =	sadd.s32 $0x1400, s19  }
0xb6: {  	[tilespmem:s1], [sflag:$0x2] =	stream.indirect.gather [hbm4b:s6+s23], $0x10, s7, s23, $0xb8;
	v63 =	vld [tilespmem:$0x0]  }
0xb7: {  	p0 =	sne.s32 s19, $0x5000;
	s7 =	sadd.s32 $0x300, s17  }
0xb8: {  	[tilespmem:s8], [sflag:$0x2] =	stream.indirect.gather [hbm4b:s6+s23], $0x10, s7, s23, $0xb8;
	v63 =	vld [tilespmem:$0x0]  }
0xb9: {  	s7 =	sadd.s32 $0x380, s17  }
0xba: {  	[tilespmem:s10], [sflag:$0x2] =	stream.indirect.gather [hbm4b:s6+s23], $0x10, s7, s23, $0xb8;
	v63 =	vld [tilespmem:$0x0]  }
0xbb: {  	s7 =	sadd.s32 $0x400, s17  }
0xbc: {  	[tilespmem:s11], [sflag:$0x2] =	stream.indirect.gather [hbm4b:s6+s23], $0x10, s7, s23, $0xb8;
	v63 =	vld [tilespmem:$0x0]  }
0xbd: {  	s7 =	sadd.s32 $0x480, s17  }
0xbe: {  	[tilespmem:s12], [sflag:$0x2] =	stream.indirect.gather [hbm4b:s6+s23], $0x10, s7, s23, $0xb8;
	v63 =	vld [tilespmem:$0x0]  }
0xbf: {  	_ =	swait.ge [sflag:s13], $0x800  }
0xc0: {  	[sflag:s13] =	ssyncset.done $0x0  }
0xc1: {  	[sflag:s13] =	ssyncadd.s32 $0xFFFFF800  }
0xc2: {  	_ =	swait.ge [sflag:s13], $0x800  }
0xc3: {  	[sflag:s13] =	ssyncset.done $0x0  }
0xc4: {  	[sflag:s13] =	ssyncadd.s32 $0xFFFFF800  }
0xc5: {  	_ =	swait.ge [sflag:s13], $0x800  }
0xc6: {  	[sflag:s13] =	ssyncset.done $0x0  }
0xc7: {  	[sflag:s13] =	ssyncadd.s32 $0xFFFFF800  }
0xc8: {  	_ =	swait.ge [sflag:s13], $0x800  }
0xc9: {  	[sflag:s13] =	ssyncset.done $0x0  }
0xca: {  	[sflag:s13] =	ssyncadd.s32 $0xFFFFF800  }
0xcb: {  	_ =	swait.ge [sflag:s13], $0x800  }
0xcc: {  	[sflag:s13] =	ssyncset.done $0x0  }
0xcd: {  	s7 =	sadd.s32 $0x1400, s17;
	[sflag:s13] =	ssyncadd.s32 $0xFFFFF800  }
0xce: {  	[spmem:s2] =	stream.indirect.scatter.add.f32 [tilespmem:s20], [sflag:$0x3], $0x10, s7, s23, $0xb8;
	v63 =	vld [tilespmem:$0x0]  }
0xcf: {  	_ =	swait.ge [sflag:s21], $0x800  }
0xd0: {  	[sflag:s21] =	ssyncset.done $0x0  }
0xd1: {  	s7 =	sadd.s32 $0x1480, s17;
	[sflag:s21] =	ssyncadd.s32 $0xFFFFF800  }
0xd2: {  	[spmem:s2] =	stream.indirect.scatter.add.f32 [tilespmem:s24], [sflag:$0x3], $0x10, s7, s23, $0xb8;
	v63 =	vld [tilespmem:$0x0]  }
0xd3: {  	_ =	swait.ge [sflag:s21], $0x800  }
0xd4: {  	[sflag:s21] =	ssyncset.done $0x0  }
0xd5: {  	s7 =	sadd.s32 $0x1500, s17;
	[sflag:s21] =	ssyncadd.s32 $0xFFFFF800  }
0xd6: {  	[spmem:s2] =	stream.indirect.scatter.add.f32 [tilespmem:s28], [sflag:$0x3], $0x10, s7, s23, $0xb8;
	v63 =	vld [tilespmem:$0x0]  }
0xd7: {  	_ =	swait.ge [sflag:s21], $0x800  }
0xd8: {  	[sflag:s21] =	ssyncset.done $0x0  }
0xd9: {  	s7 =	sadd.s32 $0x1580, s17;
	[sflag:s21] =	ssyncadd.s32 $0xFFFFF800  }
0xda: {  	[spmem:s2] =	stream.indirect.scatter.add.f32 [tilespmem:s30], [sflag:$0x3], $0x10, s7, s23, $0xb8;
	v63 =	vld [tilespmem:$0x0]  }
0xdb: {  	_ =	swait.ge [sflag:s21], $0x800  }
0xdc: {  	[sflag:s21] =	ssyncset.done $0x0  }
0xdd: {  	s7 =	sadd.s32 $0x1600, s17;
	[sflag:s21] =	ssyncadd.s32 $0xFFFFF800  }
0xde: {  	[spmem:s2] =	stream.indirect.scatter.add.f32 [tilespmem:s0], [sflag:$0x3], $0x10, s7, s23, $0xb8;
	v63 =	vld [tilespmem:$0x0]  }
0xdf: {  	p1 =	seq.s32 s18, $0x3C00;
	_ =	swait.ge [sflag:s21], $0x800  }
0xe0: {  	s7 =	sshra.s32 @!p1 s18, $0x2;
	s18 =	simm.s32 @!p1 $0x2800;
	[sflag:s21] =	ssyncset.done $0x0  }
0xe1: {  	s22 =	simm.s32 @!p1 $0x80;
	s3 =	sadd.s32 @!p1 $0x500, s7;
	[sflag:s21] =	ssyncadd.s32 $0xFFFFF800  }
0xe2: {  	[tilespmem:s18], [sflag:$0x1] =	stream.indirect.gather @!p1 [hbm4b:s6+s22], $0x10, s3, s22, $0xb8;
	v63 =	vld [tilespmem:$0x0]  }
0xe3: {  	s26 =	sadd.s32 @!p1 $0x600, s7;
	s3 =	sadd.s32 @!p1 $0x580, s7;
	s18 =	simm.s32 @!p1 $0x3000  }
0xe4: {  	[tilespmem:s18], [sflag:$0x1] =	stream.indirect.gather @!p1 [hbm4b:s6+s22], $0x10, s3, s22, $0xb8;
	v63 =	vld [tilespmem:$0x0]  }
0xe5: {  	s29 =	sadd.s32 @!p1 $0x680, s7;
	s7 =	sadd.s32 @!p1 $0x700, s7;
	s3 =	simm.s32 @!p1 $0x3800  }
0xe6: {  	[tilespmem:s3], [sflag:$0x1] =	stream.indirect.gather @!p1 [hbm4b:s6+s22], $0x10, s26, s22, $0xb8;
	v63 =	vld [tilespmem:$0x0]  }
0xe7: {  	s18 =	smov.u32 s25;
	s3 =	simm.s32 @!p1 $0x4000  }
0xe8: {  	[tilespmem:s3], [sflag:$0x1] =	stream.indirect.gather @!p1 [hbm4b:s6+s22], $0x10, s29, s22, $0xb8;
	v63 =	vld [tilespmem:$0x0]  }
0xe9: {  	s3 =	simm.s32 @!p1 $0x4800  }
0xea: {  	[tilespmem:s3], [sflag:$0x1] =	stream.indirect.gather @!p1 [hbm4b:s6+s22], $0x10, s7, s22, $0xb8;
	v63 =	vld [tilespmem:$0x0]  }
0xeb: {  	_ =	swait.ge [sflag:s14], $0x800  }
0xec: {  	[sflag:s14] =	ssyncset.done $0x0  }
0xed: {  	[sflag:s14] =	ssyncadd.s32 $0xFFFFF800  }
0xee: {  	_ =	swait.ge [sflag:s14], $0x800  }
0xef: {  	[sflag:s14] =	ssyncset.done $0x0  }
0xf0: {  	[sflag:s14] =	ssyncadd.s32 $0xFFFFF800  }
0xf1: {  	_ =	swait.ge [sflag:s14], $0x800  }
0xf2: {  	[sflag:s14] =	ssyncset.done $0x0  }
0xf3: {  	[sflag:s14] =	ssyncadd.s32 $0xFFFFF800  }
0xf4: {  	_ =	swait.ge [sflag:s14], $0x800  }
0xf5: {  	[sflag:s14] =	ssyncset.done $0x0  }
0xf6: {  	[sflag:s14] =	ssyncadd.s32 $0xFFFFF800  }
0xf7: {  	_ =	swait.ge [sflag:s14], $0x800  }
0xf8: {  	[sflag:s14] =	ssyncset.done $0x0  }
0xf9: {  	s3 =	sadd.s32 $0x1680, s17;
	[sflag:s14] =	ssyncadd.s32 $0xFFFFF800  }
0xfa: {  	[spmem:s2] =	stream.indirect.scatter.add.f32 [tilespmem:s1], [sflag:$0x3], $0x10, s3, s23, $0xb8;
	v63 =	vld [tilespmem:$0x0]  }
0xfb: {  	_ =	swait.ge [sflag:s21], $0x800  }
0xfc: {  	[sflag:s21] =	ssyncset.done $0x0  }
0xfd: {  	s3 =	sadd.s32 $0x1700, s17;
	[sflag:s21] =	ssyncadd.s32 $0xFFFFF800  }
0xfe: {  	[spmem:s2] =	stream.indirect.scatter.add.f32 [tilespmem:s8], [sflag:$0x3], $0x10, s3, s23, $0xb8;
	v63 =	vld [tilespmem:$0x0]  }
0xff: {  	_ =	swait.ge [sflag:s21], $0x800  }
0x100: {  	[sflag:s21] =	ssyncset.done $0x0  }
0x101: {  	s3 =	sadd.s32 $0x1780, s17;
	[sflag:s21] =	ssyncadd.s32 $0xFFFFF800  }
0x102: {  	[spmem:s2] =	stream.indirect.scatter.add.f32 [tilespmem:s10], [sflag:$0x3], $0x10, s3, s23, $0xb8;
	v63 =	vld [tilespmem:$0x0]  }
0x103: {  	_ =	swait.ge [sflag:s21], $0x800  }
0x104: {  	[sflag:s21] =	ssyncset.done $0x0  }
0x105: {  	s3 =	sadd.s32 $0x1800, s17;
	[sflag:s21] =	ssyncadd.s32 $0xFFFFF800  }
0x106: {  	[spmem:s2] =	stream.indirect.scatter.add.f32 [tilespmem:s11], [sflag:$0x3], $0x10, s3, s23, $0xb8;
	v63 =	vld [tilespmem:$0x0]  }
0x107: {  	_ =	swait.ge [sflag:s21], $0x800  }
.Ltmp1:
0x108: {  	[sflag:s21] =	ssyncset.done $0x0;
	(pc) =	sbr.rel @p0 .LBB2_5-.Ltmp1, $4  }
0x109: {  	s3 =	sadd.s32 $0x1880, s17;
	[sflag:s21] =	ssyncadd.s32 $0xFFFFF800  }
0x10a: {  	[spmem:s2] =	stream.indirect.scatter.add.f32 [tilespmem:s12], [sflag:$0x3], $0x10, s3, s23, $0xb8;
	v63 =	vld [tilespmem:$0x0]  }
0x10b: {  	_ =	swait.ge [sflag:s21], $0x800  }
0x10c: {  	s17 =	sshra.s32 s18, $0x2;
	[sflag:s21] =	ssyncset.done $0x0  }
0x10d: {  	s3 =	sadd.s32 $0x280, s17;
	[sflag:s21] =	ssyncadd.s32 $0xFFFFF800  }
0x10e: {  	[tilespmem:s1], [sflag:$0x2] =	stream.indirect.gather [hbm4b:s6+s23], $0x10, s3, s23, $0xb8;
	v63 =	vld [tilespmem:$0x0]  }
0x10f: {  	s26 =	sadd.s32 $0x300, s17  }
0x110: {  	[tilespmem:s8], [sflag:$0x2] =	stream.indirect.gather [hbm4b:s6+s23], $0x10, s26, s23, $0xb8;
	v63 =	vld [tilespmem:$0x0]  }
0x111: {  	s29 =	sadd.s32 $0x380, s17  }
0x112: {  	[tilespmem:s10], [sflag:$0x2] =	stream.indirect.gather [hbm4b:s6+s23], $0x10, s29, s23, $0xb8;
	v63 =	vld [tilespmem:$0x0]  }
0x113: {  	s7 =	sadd.s32 $0x400, s17  }
0x114: {  	[tilespmem:s11], [sflag:$0x2] =	stream.indirect.gather [hbm4b:s6+s23], $0x10, s7, s23, $0xb8;
	v63 =	vld [tilespmem:$0x0]  }
0x115: {  	s19 =	sadd.s32 $0x480, s17  }
0x116: {  	[tilespmem:s12], [sflag:$0x2] =	stream.indirect.gather [hbm4b:s6+s23], $0x10, s19, s23, $0xb8;
	v63 =	vld [tilespmem:$0x0]  }
0x117: {  	_ =	swait.ge [sflag:s13], $0x800  }
0x118: {  	[sflag:s13] =	ssyncset.done $0x0  }
0x119: {  	[sflag:s13] =	ssyncadd.s32 $0xFFFFF800  }
0x11a: {  	_ =	swait.ge [sflag:s13], $0x800  }
0x11b: {  	[sflag:s13] =	ssyncset.done $0x0  }
0x11c: {  	[sflag:s13] =	ssyncadd.s32 $0xFFFFF800  }
0x11d: {  	_ =	swait.ge [sflag:s13], $0x800  }
0x11e: {  	[sflag:s13] =	ssyncset.done $0x0  }
0x11f: {  	[sflag:s13] =	ssyncadd.s32 $0xFFFFF800  }
0x120: {  	_ =	swait.ge [sflag:s13], $0x800  }
0x121: {  	[sflag:s13] =	ssyncset.done $0x0  }
0x122: {  	[sflag:s13] =	ssyncadd.s32 $0xFFFFF800  }
0x123: {  	_ =	swait.ge [sflag:s13], $0x800  }
0x124: {  	[sflag:s13] =	ssyncset.done $0x0  }
0x125: {  	s22 =	sadd.s32 $0x1400, s17;
	[sflag:s13] =	ssyncadd.s32 $0xFFFFF800  }
0x126: {  	[spmem:s2] =	stream.indirect.scatter.add.f32 [tilespmem:s20], [sflag:$0x3], $0x10, s22, s23, $0xb8;
	v63 =	vld [tilespmem:$0x0]  }
0x127: {  	_ =	swait.ge [sflag:s21], $0x800  }
0x128: {  	[sflag:s21] =	ssyncset.done $0x0  }
0x129: {  	s25 =	sadd.s32 $0x1480, s17;
	[sflag:s21] =	ssyncadd.s32 $0xFFFFF800  }
0x12a: {  	[spmem:s2] =	stream.indirect.scatter.add.f32 [tilespmem:s24], [sflag:$0x3], $0x10, s25, s23, $0xb8;
	v63 =	vld [tilespmem:$0x0]  }
0x12b: {  	_ =	swait.ge [sflag:s21], $0x800  }
0x12c: {  	[sflag:s21] =	ssyncset.done $0x0  }
0x12d: {  	s26 =	sadd.s32 $0x1500, s17;
	[sflag:s21] =	ssyncadd.s32 $0xFFFFF800  }
0x12e: {  	[spmem:s2] =	stream.indirect.scatter.add.f32 [tilespmem:s28], [sflag:$0x3], $0x10, s26, s23, $0xb8;
	v63 =	vld [tilespmem:$0x0]  }
0x12f: {  	_ =	swait.ge [sflag:s21], $0x800  }
0x130: {  	[sflag:s21] =	ssyncset.done $0x0  }
0x131: {  	s29 =	sadd.s32 $0x1580, s17;
	[sflag:s21] =	ssyncadd.s32 $0xFFFFF800  }
0x132: {  	[spmem:s2] =	stream.indirect.scatter.add.f32 [tilespmem:s30], [sflag:$0x3], $0x10, s29, s23, $0xb8;
	v63 =	vld [tilespmem:$0x0]  }
0x133: {  	_ =	swait.ge [sflag:s21], $0x800  }
0x134: {  	[sflag:s21] =	ssyncset.done $0x0  }
0x135: {  	p0 =	seq.s32 s18, $0x3C00;
	s7 =	sadd.s32 $0x1600, s17;
	[sflag:s21] =	ssyncadd.s32 $0xFFFFF800  }
0x136: {  	[spmem:s2] =	stream.indirect.scatter.add.f32 [tilespmem:s0], [sflag:$0x3], $0x10, s7, s23, $0xb8;
	v63 =	vld [tilespmem:$0x0]  }
0x137: {  	s3 =	sshra.s32 @!p0 s18, $0x2;
	_ =	swait.ge [sflag:s21], $0x800  }
0x138: {  	s18 =	sadd.s32 @!p0 $0x500, s3;
	[sflag:s21] =	ssyncset.done $0x0  }
0x139: {  	s19 =	simm.s32 @!p0 $0x80;
	s7 =	simm.s32 @!p0 $0x2800;
	[sflag:s21] =	ssyncadd.s32 $0xFFFFF800  }
0x13a: {  	[tilespmem:s7], [sflag:$0x1] =	stream.indirect.gather @!p0 [hbm4b:s6+s19], $0x10, s18, s19, $0xb8;
	v63 =	vld [tilespmem:$0x0]  }
0x13b: {  	s7 =	sadd.s32 @!p0 $0x580, s3;
	s18 =	simm.s32 @!p0 $0x3000  }
0x13c: {  	[tilespmem:s18], [sflag:$0x1] =	stream.indirect.gather @!p0 [hbm4b:s6+s19], $0x10, s7, s19, $0xb8;
	v63 =	vld [tilespmem:$0x0]  }
0x13d: {  	s7 =	sadd.s32 @!p0 $0x600, s3;
	s18 =	simm.s32 @!p0 $0x3800  }
0x13e: {  	[tilespmem:s18], [sflag:$0x1] =	stream.indirect.gather @!p0 [hbm4b:s6+s19], $0x10, s7, s19, $0xb8;
	v63 =	vld [tilespmem:$0x0]  }
0x13f: {  	s7 =	sadd.s32 @!p0 $0x680, s3;
	s18 =	simm.s32 @!p0 $0x4000  }
0x140: {  	[tilespmem:s18], [sflag:$0x1] =	stream.indirect.gather @!p0 [hbm4b:s6+s19], $0x10, s7, s19, $0xb8;
	v63 =	vld [tilespmem:$0x0]  }
0x141: {  	s3 =	sadd.s32 @!p0 $0x700, s3;
	s7 =	simm.s32 @!p0 $0x4800  }
0x142: {  	[tilespmem:s7], [sflag:$0x1] =	stream.indirect.gather @!p0 [hbm4b:s6+s19], $0x10, s3, s19, $0xb8;
	v63 =	vld [tilespmem:$0x0]  }
0x143: {  	_ =	swait.ge [sflag:s14], $0x800  }
0x144: {  	[sflag:s14] =	ssyncset.done $0x0  }
0x145: {  	[sflag:s14] =	ssyncadd.s32 $0xFFFFF800  }
0x146: {  	_ =	swait.ge [sflag:s14], $0x800  }
0x147: {  	[sflag:s14] =	ssyncset.done $0x0  }
0x148: {  	[sflag:s14] =	ssyncadd.s32 $0xFFFFF800  }
0x149: {  	_ =	swait.ge [sflag:s14], $0x800  }
0x14a: {  	[sflag:s14] =	ssyncset.done $0x0  }
0x14b: {  	[sflag:s14] =	ssyncadd.s32 $0xFFFFF800  }
0x14c: {  	_ =	swait.ge [sflag:s14], $0x800  }
0x14d: {  	[sflag:s14] =	ssyncset.done $0x0  }
0x14e: {  	[sflag:s14] =	ssyncadd.s32 $0xFFFFF800  }
0x14f: {  	_ =	swait.ge [sflag:s14], $0x800  }
0x150: {  	[sflag:s14] =	ssyncset.done $0x0  }
0x151: {  	s19 =	sadd.s32 $0x1680, s17;
	[sflag:s14] =	ssyncadd.s32 $0xFFFFF800  }
0x152: {  	[spmem:s2] =	stream.indirect.scatter.add.f32 [tilespmem:s1], [sflag:$0x3], $0x10, s19, s23, $0xb8;
	v63 =	vld [tilespmem:$0x0]  }
0x153: {  	_ =	swait.ge [sflag:s21], $0x800  }
0x154: {  	[sflag:s21] =	ssyncset.done $0x0  }
0x155: {  	s22 =	sadd.s32 $0x1700, s17;
	[sflag:s21] =	ssyncadd.s32 $0xFFFFF800  }
0x156: {  	[spmem:s2] =	stream.indirect.scatter.add.f32 [tilespmem:s8], [sflag:$0x3], $0x10, s22, s23, $0xb8;
	v63 =	vld [tilespmem:$0x0]  }
0x157: {  	_ =	swait.ge [sflag:s21], $0x800  }
0x158: {  	[sflag:s21] =	ssyncset.done $0x0  }
0x159: {  	s25 =	sadd.s32 $0x1780, s17;
	[sflag:s21] =	ssyncadd.s32 $0xFFFFF800  }
0x15a: {  	[spmem:s2] =	stream.indirect.scatter.add.f32 [tilespmem:s10], [sflag:$0x3], $0x10, s25, s23, $0xb8;
	v63 =	vld [tilespmem:$0x0]  }
0x15b: {  	_ =	swait.ge [sflag:s21], $0x800  }
0x15c: {  	[sflag:s21] =	ssyncset.done $0x0  }
0x15d: {  	s26 =	sadd.s32 $0x1800, s17;
	[sflag:s21] =	ssyncadd.s32 $0xFFFFF800  }
0x15e: {  	[spmem:s2] =	stream.indirect.scatter.add.f32 [tilespmem:s11], [sflag:$0x3], $0x10, s26, s23, $0xb8;
	v63 =	vld [tilespmem:$0x0]  }
0x15f: {  	s16 =	sadd.s32 $0x1, s16;
	_ =	swait.ge [sflag:s21], $0x800  }
0x160: {  	p0 =	sne.s32 s16, $0x14;
	[sflag:s21] =	ssyncset.done $0x0  }
.Ltmp2:
0x161: {  	s29 =	sadd.s32 $0x1880, s17;
	[sflag:s21] =	ssyncadd.s32 $0xFFFFF800;
	(pc) =	sbr.rel @p0 .LBB2_4-.Ltmp2, $4  }
0x162: {  	[spmem:s2] =	stream.indirect.scatter.add.f32 [tilespmem:s12], [sflag:$0x3], $0x10, s29, s23, $0xb8;
	v63 =	vld [tilespmem:$0x0]  }
0x163: {  	_ =	swait.ge [sflag:s21], $0x800  }
0x164: {  	[sflag:s21] =	ssyncset.done $0x0  }
0x165: {  	[sflag:s21] =	ssyncadd.s32 $0xFFFFF800  }
0x166: {  	s3 =	stileid.u32;
	[bflag:$0x0] =	sbarrier.arrive $0xFFFF  }
0x167: {  	s3 =	sshll.u32 s3, $0x6;
	s7 =	rddreg [dreg:$0x6]  }
0x168: {  	s15 =	rddreg [dreg:$0x10];
	s3 =	sor.u32 $0x1C03, s3  }
0x169: {  	[hbm:s7], [sflag:s3] =	dma.local [spmem:s15], $0x3100  }
0x16a: {  	_ =	swait.ge [sflag:s21], $0x3100  }
0x16b: {  	s26 =	rddreg [dreg:$0x3]  }
0x16c: {  	s29 =	rddreg [dreg:$0x7];
	s15 =	sadd.s32 $0x1, s26  }
0x16d: {  	p0 =	sne.s32 s15, s29  }
.Ltmp3:
0x16e: {  	_ = 	snop;
	(pc) =	sbr.rel @p0 .LBB2_1-.Ltmp3, $3  }
0x16f: {  	_ =	sdelay $0x1  }
0x170: {  	[sflag:s21] =	ssyncset.done $0x0  }
0x171: {  	[sflag:s21] =	ssyncadd.s32 $0xFFFFCF00  }
0x172: {  	_ =	sfence.sel $0x180000  }
0x173: {  	[bflag:$0x0] =	sbarrier.arrive $0xFFFF  }
0x174: {  	_ =	strace $0x9000004A  }
0x175: {  	s0 =	stileid.u32;
	[bflag:$0x2] =	sbarrier.arrive $0xFFFF  }
0x176: {  	p0 =	sne.s32 s0, $0x0;
	s0 =	rddreg [dreg:$0x2]  }
0x177: {  	s0 =	sadd.s32 @!p0 $0x100000, s0  }
0x178: {  	[sflag:s0] =	ssyncadd.tile.s32 @!p0 $0x1;
	_ =	shalt  }
.Lfunc_end2:
_tile_overlayer_lowered:
.L_overlay_start_2:
0x179: {  	(tag) =	ssettag $0x2  }
0x17a: {  	s0 =	rddreg [dreg:$0x0];
	s2 =	stileid.u32  }
0x17b: {  	s1 =	rddreg [dreg:$0x1];
	p0 =	sne.s32 s2, $0x0  }
0x17c: {  	s3 =	rddreg [dreg:$0x2];
	[bflag:$0x3] =	sbarrier.arrive $0xFFFF;
	s2 =	simm.s32 @!p0 $0x1C03  }
0x17d: {  	[timem:s3], [sflag:s2] =	dma.local @!p0 [hbm:s0], s1  }
0x17e: {  	s0 =	simm.s32 @!p0 $0x3  }
0x17f: {  	_ =	swait.ge @!p0 [sflag:s0], s1  }
0x180: {  	s1 =	ssub.s32 @!p0 $0x0, s1;
	[sflag:s0] =	ssyncset.done @!p0 $0x0  }
0x181: {  	[sflag:s0] =	ssyncadd.s32 @!p0 s1  }
0x182: {  	[bflag:$0x3] =	sbarrier.arrive $0xFFFF  }
0x183: {  	_ =	shalt  }

// kernel: kernel.15.cloned.1.call-start
scs
__scs_entry_jumppad:
0x0: {  	(pc) =	sbr.rel $0x88, $3  }
0x1: {  	(tag) =	ssettag $0x0;
	lr =	simm.s32 $0x1  }
0x2: {  	[smem:$0x3F96] =	sst lr;
	_ =	strace $0xD0000000  }
0x3: {  	_ = 	snop  }
0x4: {  	_ = 	snop  }
0x5: {  	_ = 	snop  }
0x6: {  	_ = 	snop  }
0x7: {  	_ = 	snop  }
__scs_overlays_trampoline_lowered:
0x8: {  	[smem:$0x3FA5] =	sst s0  }
0x9: {  	[smem:$0x3FA6] =	sst s1  }
0xa: {  	[smem:$0x3FA7] =	sst s2  }
0xb: {  	[smem:$0x3FA8] =	sst s3  }
0xc: {  	[smem:$0x3FA9] =	sst s4  }
0xd: {  	[smem:$0x3FAA] =	sst s5  }
0xe: {  	[smem:$0x3FAB] =	sst s6  }
0xf: {  	[smem:$0x3FAC] =	sst s7  }
0x10: {  	[smem:$0x3FAD] =	sst s8  }
0x11: {  	[smem:$0x3FAE] =	sst s9;
	s0 =	simm.s32 @!p0 $0x0  }
0x12: {  	s1 =	sld [smem:$0x3F94];
	s0 =	simm.s32 @p0 $0x1  }
0x13: {  	[smem:$0x3FAF] =	sst s0;
	s0 =	simm.s32 @!p1 $0x0  }
0x14: {  	s2 =	sld [smem:$0x3F93];
	s0 =	simm.s32 @p1 $0x1  }
0x15: {  	[smem:$0x3FB0] =	sst s0;
	s0 =	simm.s32 @!p2 $0x0  }
0x16: {  	s3 =	sld [smem:$0x3FDB];
	s0 =	simm.s32 @p2 $0x1  }
0x17: {  	s4 =	simm.s32 $0x1BF5;
	[smem:$0x3FB2] =	sst s0  }
0x18: {  	s0 =	sld [smem:$0x3F95];
	_ =	swait.ge [sflag:s4], $0x0  }
0x19: {  	s7 =	sld [smem:$0x3F96]  }
0x1a: {  	s8 =	sadd.s32 $0xFFFFE003, lr  }
0x1b: {  	s9 =	sadd.s32 $0xFFFFFEF7, lr;
	s5 =	simm.s32 $0xFFFFFFFF;
	p2 =	slt.u32 s8, $0xFFFFF086  }
0x1c: {  	p1 =	slt.u32 s9, $0xF7A;
	s5 =	simm.s32 @!p2 $0x0  }
0x1d: {  	s5 =	simm.s32 @p1 $0x1;
	p0 =	seq.s32 s7, s2  }
0x1e: {  	s7 =	smul.u32 @!p0 $0xF7A, s2;
	p2 =	seq.s32 @!p0 s5, $0x0  }
0x1f: {  	s9 =	smul.u32 $0xF7A, s1;
	s8 =	simm.s32 @!p0 $0x1BF5;
	p2 =	por !p2, p0  }
0x20: {  	[sflag:s8] =	ssyncset.s32 @!p0 $0xFFFFF086;
	s6 =	sadd.s32 @!p0 s3, s7;
	s7 =	simm.s32 @!p0 $0x108  }
0x21: {  	s3 =	sadd.s32 s3, s9;
	s6 =	sadd.s32 @!p0 $0x88, s6;
	s7 =	simm.s32 @p2 $0x1082  }
0x22: {  	[simem:s7], [sflag:s8] =	dma.local @!p0 [hbm:s6], $0xF7A  }
0x23: {  	s9 =	sor.u32 $0xD0000000, s2;
	s6 =	simm.s32 $0x108;
	_ =	swait.ge @!p0 [sflag:s8], $0x0  }
0x24: {  	s3 =	sadd.s32 $0x88, s3;
	s6 =	simm.s32 @!p1 $0x1082;
	[sflag:s4] =	ssyncset.s32 $0xFFFFF086  }
0x25: {  	[simem:s6], [sflag:s4] =	dma.local [hbm:s3], $0xF7A  }
0x26: {  	[smem:$0x3F96] =	sst s1;
	(tag) =	ssettag s2;
	_ =	strace s9  }
0x27: {  	s1 =	sld [smem:$0x3FA6]  }
0x28: {  	s2 =	sld [smem:$0x3FA7]  }
0x29: {  	s4 =	sld [smem:$0x3FA9]  }
0x2a: {  	p0 =	seq.s32 s5, $0x0;
	s5 =	sld [smem:$0x3FAA]  }
0x2b: {  	s6 =	sld [smem:$0x3FAB]  }
0x2c: {  	s7 =	sld [smem:$0x3FAC]  }
0x2d: {  	s3 =	simm.s32 $0x108;
	s8 =	sld [smem:$0x3FAD]  }
0x2e: {  	s3 =	simm.s32 @!p0 $0x1082;
	s9 =	sld [smem:$0x3FAE]  }
0x2f: {  	lr =	sadd.s32 s0, s3;
	s0 =	sld [smem:$0x3FA5]  }
0x30: {  	s3 =	sld [smem:$0x3FA8]  }
0x31: {  	[smem:$0x3FB1] =	sst s10  }
0x32: {  	s10 =	sld [smem:$0x3FAF];
	_ =	sdelay $0x3  }
0x33: {  	p0 =	seq.s32 s10, $0x1;
	s10 =	sld [smem:$0x3FB1];
	_ =	sdelay $0x3  }
0x34: {  	[smem:$0x3FB1] =	sst s10  }
0x35: {  	s10 =	sld [smem:$0x3FB0];
	_ =	sdelay $0x3  }
0x36: {  	p1 =	seq.s32 s10, $0x1;
	s10 =	sld [smem:$0x3FB1];
	_ =	sdelay $0x3  }
0x37: {  	[smem:$0x3FB1] =	sst s10  }
0x38: {  	s10 =	sld [smem:$0x3FB2]  }
0x39: {  	_ = 	snop;
	(pc) =	sbr.ind lr, $3  }
0x3a: {  	_ = 	snop  }
0x3b: {  	_ = 	snop  }
0x3c: {  	p2 =	seq.s32 s10, $0x1;
	s10 =	sld [smem:$0x3FB1]  }
0x3d: {  	_ =	shalt  }
0x3e: {  	_ =	shalt  }
0x3f: {  	_ =	shalt  }
0x40: {  	_ =	shalt  }
0x41: {  	_ =	shalt  }
0x42: {  	_ =	shalt  }
0x43: {  	_ =	shalt  }
0x44: {  	_ =	shalt  }
0x45: {  	_ =	shalt  }
0x46: {  	_ =	shalt  }
0x47: {  	_ =	shalt  }
0x48: {  	_ =	shalt  }
0x49: {  	_ =	shalt  }
0x4a: {  	_ =	shalt  }
0x4b: {  	_ =	shalt  }
0x4c: {  	_ =	shalt  }
0x4d: {  	_ =	shalt  }
0x4e: {  	_ =	shalt  }
0x4f: {  	_ =	shalt  }
0x50: {  	_ =	shalt  }
0x51: {  	_ =	shalt  }
0x52: {  	_ =	shalt  }
0x53: {  	_ =	shalt  }
0x54: {  	_ =	shalt  }
0x55: {  	_ =	shalt  }
0x56: {  	_ =	shalt  }
0x57: {  	_ =	shalt  }
0x58: {  	_ =	shalt  }
0x59: {  	_ =	shalt  }
0x5a: {  	_ =	shalt  }
0x5b: {  	_ =	shalt  }
0x5c: {  	_ =	shalt  }
0x5d: {  	_ =	shalt  }
0x5e: {  	_ =	shalt  }
0x5f: {  	_ =	shalt  }
0x60: {  	_ =	shalt  }
0x61: {  	_ =	shalt  }
0x62: {  	_ =	shalt  }
0x63: {  	_ =	shalt  }
0x64: {  	_ =	shalt  }
0x65: {  	_ =	shalt  }
0x66: {  	_ =	shalt  }
0x67: {  	_ =	shalt  }
0x68: {  	_ =	shalt  }
0x69: {  	_ =	shalt  }
0x6a: {  	_ =	shalt  }
0x6b: {  	_ =	shalt  }
0x6c: {  	_ =	shalt  }
0x6d: {  	_ =	shalt  }
0x6e: {  	_ =	shalt  }
0x6f: {  	_ =	shalt  }
0x70: {  	_ =	shalt  }
0x71: {  	_ =	shalt  }
0x72: {  	_ =	shalt  }
0x73: {  	_ =	shalt  }
0x74: {  	_ =	shalt  }
0x75: {  	_ =	shalt  }
0x76: {  	_ =	shalt  }
0x77: {  	_ =	shalt  }
0x78: {  	_ =	shalt  }
0x79: {  	_ =	shalt  }
0x7a: {  	_ =	shalt  }
0x7b: {  	_ =	shalt  }
0x7c: {  	_ =	shalt  }
0x7d: {  	_ =	shalt  }
0x7e: {  	_ =	shalt  }
0x7f: {  	_ =	shalt  }
0x80: {  	_ =	shalt  }
0x81: {  	_ =	shalt  }
0x82: {  	_ =	shalt  }
0x83: {  	_ =	shalt  }
0x84: {  	_ =	shalt  }
0x85: {  	_ =	shalt  }
0x86: {  	_ =	shalt  }
0x87: {  	_ =	shalt  }
.Lfunc_end0:
.L_simem_size_0:
called_computation.2_lowered:
.L_overlay_start_0:
0x88: {  	s2 =	sld [smem:$0x3FD9]  }
0x89: {  	s3 =	sld [smem:$0x3FFE];
	_ =	sdelay $0x1  }
0x8a: {  	s1 =	srdreg.scid  }
0x8b: {  	s0 =	sand.u32 $0x1, s1  }
0x8c: {  	s16 =	sshll.u32 s0, $0xA;
	s2 =	sadd.s32 s3, s2  }
0x8d: {  	s2 =	sadd.s32 s2, s16  }
0x8e: {  	[smem:$0x3FBD] =	sst s2  }
0x8f: {  	_ = 	snop  }
0x90: {  	(tm) =	ssettm $0x1  }
0x91: {  	s17 =	sld [smem:$0x3FFB];
	_ =	sdelay $0x3  }
0x92: {  	_ =	strace s17  }
0x93: {  	s2 =	sld [smem:$0x3FFC];
	_ =	sdelay $0x3  }
0x94: {  	_ =	strace s2  }
0x95: {  	s2 =	sld [smem:$0x3FFD];
	_ =	sdelay $0x3  }
0x96: {  	_ =	strace s2  }
0x97: {  	_ =	strace $0x8FFFFFFF  }
0x98: {  	s18 =	sld [smem:$0x3FDB];
	_ =	sdelay $0x1  }
0x99: {  	s19 =	simm.s32 $_scs_section_size  }
0x9a: {  	s4 =	simm.s32 $_size__tile_overlayer_lowered;
	s5 =	simm.s32 $_tile_overlayer_lowered  }
0x9b: {  	s22 =	simm.s32 $0x1BFF;
	s21 =	sshll.u32 s5, $0x1;
	s2 =	sadd.s32 s19, s18  }
0x9c: {  	s6 =	simm.s32 $0x0;
	s20 =	sshll.u32 s4, $0x1;
	s4 =	sadd.s32 s21, s2  }
0x9d: {  	[timem:s6], [sflag:s22] =	dma.local [hbm:s4], s20  }
0x9e: {  	_ =	swait.ge [sflag:s22], s20  }
0x9f: {  	s3 =	ssub.s32 $0x0, s20;
	[sflag:s22] =	ssyncset.done $0x0  }
0xa0: {  	[sflag:s22] =	ssyncadd.s32 s3;
	_ =	sdelay $0x1  }
0xa1: {  	s23 =	simm.s32 $0x1B8B  }
0xa2: {  	_ =	swait.ge [sflag:s23], $0x1  }
0xa3: {  	[sflag:s23] =	ssyncset.done $0x0  }
0xa4: {  	s25 =	simm.s32 $0x1B8E;
	s24 =	sld [smem:$0x3FFE];
	[sflag:s23] =	ssyncadd.s32 $0xFFFFFFFF  }
0xa5: {  	s26 =	simm.s32 $execute0_lowered;
	[smem:$0x3FD2] =	sst s25  }
0xa6: {  	s4 =	sshll.u32 s26, $0x1;
	_ =	strace $0x8000004C;
	[dreg:$0x1] =	wrdreg $0xFFFFFFFF  }
0xa7: {  	s28 =	simm.s32 $_size_execute0_lowered;
	s2 =	sadd.s32 s2, s4;
	[dreg:$0x0] =	wrdreg $0x0  }
0xa8: {  	s4 =	sshll.u32 s28, $0x1;
	[dreg:$0x2] =	wrdreg s2  }
0xa9: {  	[dreg:$0x3] =	wrdreg s4  }
0xaa: {  	[dreg:$0x4] =	wrdreg $0xC0  }
0xab: {  	_ =	task [dreg:s6], $0x5FFFF  }
0xac: {  	[dreg:$0x1] =	wrdreg $0xFFFFFFFF  }
0xad: {  	[dreg:$0x0] =	wrdreg $0x60  }
0xae: {  	[dreg:$0x2] =	wrdreg s24  }
0xaf: {  	[dreg:$0x3] =	wrdreg $0x78000  }
0xb0: {  	[dreg:$0x4] =	wrdreg $0x9  }
0xb1: {  	_ =	task.clear_ibuf [dreg:s6], $0x5FFFF;
	_ =	strace $0x9000004C  }
0xb2: {  	s29 =	simm.s32 $0x9;
	_ =	strace $0x8000004E  }
0xb3: {  	_ =	swait.ge [sflag:s29], $0x1  }
0xb4: {  	[sflag:s29] =	ssyncadd.s32 $0xFFFFFFFF  }
0xb5: {  	_ =	strace $0x9000004E  }
0xb6: {  	_ =	sfence  }
0xb7: {  	s30 =	sld [smem:$0x0];
	_ =	sdelay $0x2  }
0xb8: {  	s31 =	sshll.u32 s1, $0xD;
	s1 =	sshrl.u32 s1, $0x2  }
0xb9: {  	s3 =	sand.u32 $0x4000, s31;
	s1 =	sadd.s32 s1, s30  }
0xba: {  	s0 =	sor.u32 s3, s0;
	s1 =	sshll.u32 s1, $0x11  }
0xbb: {  	s0 =	sor.u32 s1, s0  }
0xbc: {  	s0 =	sadd.s32 $0x8F2B, s0  }
0xbd: {  	[sflag:s0] =	ssyncadd.remote.s32 $0x1  }
0xbe: {  	_ =	sfence.sel $0xFFFF  }
0xbf: {  	[dreg:$0x0] =	wrdreg $0xFFFFFFFF;
	(pc) =	sbr.abs _section_cstart, $3  }
0xc0: {  	[dreg:$0x1] =	wrdreg $0xFFFFFFFF  }
0xc1: {  	_ =	task.clear_ibuf [dreg:s6], $0x2FFFF;
	_ =	strace $0x9FFFFFFF  }
0xc2: {  	(tm) =	ssettm $0x7FFFFFFF  }
0xc3: {  	_ =	shalt  }
tec
execute0_lowered:
.L_overlay_start_1:
0x0: {  	(tag) =	ssettag $0x1  }
0x1: {  	s0 =	rddreg [dreg:$0x0]  }
0x2: {  	s1 =	srdreg.scid;
	s2 =	rddreg [dreg:$0x1]  }
0x3: {  	s3 =	stileid.u32;
	s15 =	simm.s32 $0x0;
	s28 =	simm.s32 $0x3800  }
0x4: {  	s30 =	simm.s32 $0x4000;
	s31 =	simm.s32 $0x200;
	s8 =	smul.u32 $0x18800, s3  }
0x5: {  	s1 =	sand.u32 $0x1, s1;
	[smem:$0x7FF] =	sst s15;
	s9 =	smul.u32 $0x62000, s3  }
0x6: {  	s6 =	sadd.s32 $0x36800, s0;
	s4 =	smul.u32 $0x188000, s1;
	s10 =	ssub.s32 $0x2, s1  }
0x7: {  	_ =	strace $0x8000004D;
	s14 =	sshrl.u32 s9, $0x2;
	s16 =	sshrl.u32 s10, $0x1  }
0x8: {  	s5 =	sadd.s32 s8, s4;
	s4 =	sadd.s32 $0x13BA00, s0;
	s10 =	ssub.s32 s10, s16  }
0x9: {  	s7 =	sshrl.u32 s5, $0x3;
	s5 =	sadd.s32 $0xD7A00, s0;
	s19 =	smax.u32 s10, $0x1  }
0xa: {  	s0 =	sadd.s32 s7, s0;
	s7 =	sadd.s32 s14, s2;
	[dreg:$0x7] =	wrdreg s19  }
0xb: {  	s11 =	simm.s32 $0x6800;
	s17 =	sadd.s32 $0x16800, s7;
	[dreg:$0x4] =	wrdreg s7  }
0xc: {  	s12 =	simm.s32 $0x7000;
	s0 =	sadd.s32 $0x67800, s0;
	[dreg:$0x5] =	wrdreg s17  }
0xd: {  	s13 =	simm.s32 $0x1;
	s20 =	sadd.s32 $0x2800, s7;
	[dreg:$0x6] =	wrdreg s0  }
0xe: {  	s1 =	sshll.u32 s1, $0x4;
	s21 =	sadd.s32 $0x5000, s7;
	[dreg:$0x8] =	wrdreg s20  }
0xf: {  	s1 =	sor.u32 s3, s1;
	s22 =	sadd.s32 $0x7800, s7;
	[dreg:$0x9] =	wrdreg s21  }
0x10: {  	s18 =	sadd.s32 s8, s2;
	s23 =	sadd.s32 $0xA000, s7;
	[dreg:$0xa] =	wrdreg s22  }
0x11: {  	s9 =	smul.u32 $0x320, s1;
	s24 =	sadd.s32 $0xC800, s7;
	[dreg:$0xb] =	wrdreg s23  }
0x12: {  	s1 =	simm.s32 $0x5000;
	s25 =	sadd.s32 $0xF000, s7;
	[dreg:$0xc] =	wrdreg s24  }
0x13: {  	s8 =	simm.s32 $0x5800;
	s26 =	sadd.s32 $0x11800, s7;
	[dreg:$0xd] =	wrdreg s25  }
0x14: {  	s10 =	simm.s32 $0x6000;
	s29 =	sadd.s32 $0x14000, s7;
	[dreg:$0xe] =	wrdreg s26  }
0x15: {  	s14 =	simm.s32 $0x2;
	[dreg:$0xf] =	wrdreg s29;
	s20 =	simm.s32 $0x2800  }
0x16: {  	s21 =	simm.s32 $0x3;
	s23 =	simm.s32 $0x80;
	s0 =	sshrl.u32 s18, $0x3  }
0x17: {  	v0 =	vimm.f32 $0.0e+00;
	s24 =	simm.s32 $0x3000;
	[dreg:$0x10] =	wrdreg s0;
	s0 =	simm.s32 $0x4800  }
.LBB2_1:
0x18: {  	[dreg:$0x3] =	wrdreg s15;
	s15 =	simm.s32 $0x40;
	s16 =	simm.s32 $0x0  }
.LBB2_2:
0x19: {  	p0 =	sne.s32 s15, $0x9FC0;
	[tilespmem:s16+$0x2800] =	vst v0;
	s16 =	smov.u32 s15;
	s15 =	sadd.s32 $0x40, s15  }
.Ltmp0:
0x1a: {  	(pc) =	sbr.rel @p0 .LBB2_2-.Ltmp0, $2  }
0x1b: {  	_ =	sdelay $0x2  }
0x1c: {  	s16 =	sshra.s32 s16, $0x2  }
0x1d: {  	[tilespmem:s16+$0x2800] =	vst v0;
	s3 =	rddreg [dreg:$0x4]  }
0x1e: {  	[spmem:s3] =	stream.linear.scatter [tilespmem:s20], [sflag:$0x3], $0x2800, $0x38;
	v63 =	vld [tilespmem:$0x0]  }
0x1f: {  	_ =	swait.ge [sflag:s21], $0x2800  }
0x20: {  	[sflag:s21] =	ssyncset.done $0x0  }
0x21: {  	s15 =	rddreg [dreg:$0x8];
	[sflag:s21] =	ssyncadd.s32 $0xFFFFD800  }
0x22: {  	[spmem:s15] =	stream.linear.scatter [tilespmem:s20], [sflag:$0x3], $0x2800, $0x38;
	v63 =	vld [tilespmem:$0x0]  }
0x23: {  	_ =	swait.ge [sflag:s21], $0x2800  }
0x24: {  	[sflag:s21] =	ssyncset.done $0x0  }
0x25: {  	s16 =	rddreg [dreg:$0x9];
	[sflag:s21] =	ssyncadd.s32 $0xFFFFD800  }
0x26: {  	[spmem:s16] =	stream.linear.scatter [tilespmem:s20], [sflag:$0x3], $0x2800, $0x38;
	v63 =	vld [tilespmem:$0x0]  }
0x27: {  	_ =	swait.ge [sflag:s21], $0x2800  }
0x28: {  	[sflag:s21] =	ssyncset.done $0x0  }
0x29: {  	s17 =	rddreg [dreg:$0xa];
	[sflag:s21] =	ssyncadd.s32 $0xFFFFD800  }
0x2a: {  	[spmem:s17] =	stream.linear.scatter [tilespmem:s20], [sflag:$0x3], $0x2800, $0x38;
	v63 =	vld [tilespmem:$0x0]  }
0x2b: {  	_ =	swait.ge [sflag:s21], $0x2800  }
0x2c: {  	[sflag:s21] =	ssyncset.done $0x0  }
0x2d: {  	s18 =	rddreg [dreg:$0xb];
	[sflag:s21] =	ssyncadd.s32 $0xFFFFD800  }
0x2e: {  	[spmem:s18] =	stream.linear.scatter [tilespmem:s20], [sflag:$0x3], $0x2800, $0x38;
	v63 =	vld [tilespmem:$0x0]  }
0x2f: {  	_ =	swait.ge [sflag:s21], $0x2800  }
0x30: {  	[sflag:s21] =	ssyncset.done $0x0  }
0x31: {  	s19 =	rddreg [dreg:$0xc];
	[sflag:s21] =	ssyncadd.s32 $0xFFFFD800  }
0x32: {  	[spmem:s19] =	stream.linear.scatter [tilespmem:s20], [sflag:$0x3], $0x2800, $0x38;
	v63 =	vld [tilespmem:$0x0]  }
0x33: {  	_ =	swait.ge [sflag:s21], $0x2800  }
0x34: {  	[sflag:s21] =	ssyncset.done $0x0  }
0x35: {  	s22 =	rddreg [dreg:$0xd];
	[sflag:s21] =	ssyncadd.s32 $0xFFFFD800  }
0x36: {  	[spmem:s22] =	stream.linear.scatter [tilespmem:s20], [sflag:$0x3], $0x2800, $0x38;
	v63 =	vld [tilespmem:$0x0]  }
0x37: {  	_ =	swait.ge [sflag:s21], $0x2800  }
0x38: {  	[sflag:s21] =	ssyncset.done $0x0  }
0x39: {  	s25 =	rddreg [dreg:$0xe];
	[sflag:s21] =	ssyncadd.s32 $0xFFFFD800  }
0x3a: {  	[spmem:s25] =	stream.linear.scatter [tilespmem:s20], [sflag:$0x3], $0x2800, $0x38;
	v63 =	vld [tilespmem:$0x0]  }
0x3b: {  	_ =	swait.ge [sflag:s21], $0x2800  }
0x3c: {  	[sflag:s21] =	ssyncset.done $0x0  }
0x3d: {  	s26 =	rddreg [dreg:$0xf];
	[sflag:s21] =	ssyncadd.s32 $0xFFFFD800  }
0x3e: {  	[spmem:s26] =	stream.linear.scatter [tilespmem:s20], [sflag:$0x3], $0x2800, $0x38;
	v63 =	vld [tilespmem:$0x0]  }
0x3f: {  	_ =	swait.ge [sflag:s21], $0x2800  }
0x40: {  	[sflag:s21] =	ssyncset.done $0x0  }
0x41: {  	s29 =	rddreg [dreg:$0x5];
	[sflag:s21] =	ssyncadd.s32 $0xFFFFD800  }
0x42: {  	[spmem:s29] =	stream.linear.scatter [tilespmem:s20], [sflag:$0x3], $0x2000, $0x38;
	v63 =	vld [tilespmem:$0x0]  }
0x43: {  	_ =	swait.ge [sflag:s21], $0x2000  }
0x44: {  	[sflag:s21] =	ssyncset.done $0x0  }
0x45: {  	[sflag:s21] =	ssyncadd.s32 $0xFFFFE000  }
0x46: {  	s15 =	simm.s32 $0x0;
	s16 =	simm.s32 $0x0;
	[bflag:$0x0] =	sbarrier.arrive $0xFFFF  }
.LBB2_4:
0x47: {  	s17 =	smul.u32 $0x28, s16;
	_ =	sdelay $0x1  }
0x48: {  	s17 =	sadd.s32 s9, s17  }
0x49: {  	s17 =	sshll.u32 s17, $0x4  }
0x4a: {  	s18 =	sadd.s32 s4, s17  }
0x4b: {  	[tilespmem:s15], [sflag:$0x3] =	stream.linear.gather [hbm4b:s18+s15], $0x1400, $0x38;
	v63 =	vld [tilespmem:$0x0]  }
0x4c: {  	_ =	swait.ge [sflag:s21], $0x1400  }
0x4d: {  	[sflag:s21] =	ssyncset.done $0x0  }
0x4e: {  	s3 =	simm.s32 $0x1400;
	s17 =	sadd.s32 s5, s17;
	[sflag:s21] =	ssyncadd.s32 $0xFFFFEC00  }
0x4f: {  	[tilespmem:s3], [sflag:$0x3] =	stream.linear.gather [hbm4b:s17+s15], $0x1400, $0x38;
	v63 =	vld [tilespmem:$0x0]  }
0x50: {  	_ =	swait.ge [sflag:s21], $0x1400  }
0x51: {  	[sflag:s21] =	ssyncset.done $0x0  }
0x52: {  	[sflag:s21] =	ssyncadd.s32 $0xFFFFEC00  }
0x53: {  	[tilespmem:s20], [sflag:$0x1] =	stream.indirect.gather [hbm4b:s6+s23], $0x10, s15, s23, $0xb8;
	v63 =	vld [tilespmem:$0x0]  }
0x54: {  	_ = 	snop  }
0x55: {  	[tilespmem:s24], [sflag:$0x1] =	stream.indirect.gather [hbm4b:s6+s23], $0x10, s23, s23, $0xb8;
	v63 =	vld [tilespmem:$0x0]  }
0x56: {  	s26 =	simm.s32 $0x100  }
0x57: {  	[tilespmem:s28], [sflag:$0x1] =	stream.indirect.gather [hbm4b:s6+s23], $0x10, s26, s23, $0xb8;
	v63 =	vld [tilespmem:$0x0]  }
0x58: {  	s29 =	simm.s32 $0x180  }
0x59: {  	[tilespmem:s30], [sflag:$0x1] =	stream.indirect.gather [hbm4b:s6+s23], $0x10, s29, s23, $0xb8;
	v63 =	vld [tilespmem:$0x0]  }
0x5a: {  	_ = 	snop  }
0x5b: {  	[tilespmem:s0], [sflag:$0x1] =	stream.indirect.gather [hbm4b:s6+s23], $0x10, s31, s23, $0xb8;
	v63 =	vld [tilespmem:$0x0]  }
0x5c: {  	s7 =	simm.s32 $0x280  }
0x5d: {  	[tilespmem:s1], [sflag:$0x2] =	stream.indirect.gather [hbm4b:s6+s23], $0x10, s7, s23, $0xb8;
	v63 =	vld [tilespmem:$0x0]  }
0x5e: {  	s18 =	simm.s32 $0x300  }
0x5f: {  	[tilespmem:s8], [sflag:$0x2] =	stream.indirect.gather [hbm4b:s6+s23], $0x10, s18, s23, $0xb8;
	v63 =	vld [tilespmem:$0x0]  }
0x60: {  	s19 =	simm.s32 $0x380  }
0x61: {  	[tilespmem:s10], [sflag:$0x2] =	stream.indirect.gather [hbm4b:s6+s23], $0x10, s19, s23, $0xb8;
	v63 =	vld [tilespmem:$0x0]  }
0x62: {  	s22 =	simm.s32 $0x400  }
0x63: {  	[tilespmem:s11], [sflag:$0x2] =	stream.indirect.gather [hbm4b:s6+s23], $0x10, s22, s23, $0xb8;
	v63 =	vld [tilespmem:$0x0]  }
0x64: {  	s25 =	simm.s32 $0x480  }
0x65: {  	[tilespmem:s12], [sflag:$0x2] =	stream.indirect.gather [hbm4b:s6+s23], $0x10, s25, s23, $0xb8;
	v63 =	vld [tilespmem:$0x0]  }
0x66: {  	_ =	swait.ge [sflag:s13], $0x800  }
0x67: {  	[sflag:s13] =	ssyncset.done $0x0  }
0x68: {  	[sflag:s13] =	ssyncadd.s32 $0xFFFFF800  }
0x69: {  	_ =	swait.ge [sflag:s13], $0x800  }
0x6a: {  	[sflag:s13] =	ssyncset.done $0x0  }
0x6b: {  	[sflag:s13] =	ssyncadd.s32 $0xFFFFF800  }
0x6c: {  	_ =	swait.ge [sflag:s13], $0x800  }
0x6d: {  	[sflag:s13] =	ssyncset.done $0x0  }
0x6e: {  	[sflag:s13] =	ssyncadd.s32 $0xFFFFF800  }
0x6f: {  	_ =	swait.ge [sflag:s13], $0x800  }
0x70: {  	[sflag:s13] =	ssyncset.done $0x0  }
0x71: {  	[sflag:s13] =	ssyncadd.s32 $0xFFFFF800  }
0x72: {  	_ =	swait.ge [sflag:s13], $0x800  }
0x73: {  	[sflag:s13] =	ssyncset.done $0x0  }
0x74: {  	s26 =	simm.s32 $0x1400;
	[sflag:s13] =	ssyncadd.s32 $0xFFFFF800  }
0x75: {  	[spmem:s2] =	stream.indirect.scatter.add.f32 [tilespmem:s20], [sflag:$0x3], $0x10, s26, s23, $0xb8;
	v63 =	vld [tilespmem:$0x0]  }
0x76: {  	_ =	swait.ge [sflag:s21], $0x800  }
0x77: {  	[sflag:s21] =	ssyncset.done $0x0  }
0x78: {  	s29 =	simm.s32 $0x1480;
	[sflag:s21] =	ssyncadd.s32 $0xFFFFF800  }
0x79: {  	[spmem:s2] =	stream.indirect.scatter.add.f32 [tilespmem:s24], [sflag:$0x3], $0x10, s29, s23, $0xb8;
	v63 =	vld [tilespmem:$0x0]  }
0x7a: {  	_ =	swait.ge [sflag:s21], $0x800  }
0x7b: {  	[sflag:s21] =	ssyncset.done $0x0  }
0x7c: {  	s3 =	simm.s32 $0x1500;
	[sflag:s21] =	ssyncadd.s32 $0xFFFFF800  }
0x7d: {  	[spmem:s2] =	stream.indirect.scatter.add.f32 [tilespmem:s28], [sflag:$0x3], $0x10, s3, s23, $0xb8;
	v63 =	vld [tilespmem:$0x0]  }
0x7e: {  	_ =	swait.ge [sflag:s21], $0x800  }
0x7f: {  	[sflag:s21] =	ssyncset.done $0x0  }
0x80: {  	s7 =	simm.s32 $0x1580;
	[sflag:s21] =	ssyncadd.s32 $0xFFFFF800  }
0x81: {  	[spmem:s2] =	stream.indirect.scatter.add.f32 [tilespmem:s30], [sflag:$0x3], $0x10, s7, s23, $0xb8;
	v63 =	vld [tilespmem:$0x0]  }
0x82: {  	_ =	swait.ge [sflag:s21], $0x800  }
0x83: {  	[sflag:s21] =	ssyncset.done $0x0  }
0x84: {  	s18 =	simm.s32 $0x1600;
	[sflag:s21] =	ssyncadd.s32 $0xFFFFF800  }
0x85: {  	[spmem:s2] =	stream.indirect.scatter.add.f32 [tilespmem:s0], [sflag:$0x3], $0x10, s18, s23, $0xb8;
	v63 =	vld [tilespmem:$0x0]  }
0x86: {  	p0 =	por $0x0, $0x0;
	_ =	swait.ge [sflag:s21], $0x800  }
0x87: {  	s17 =	simm.s32 @!p0 $0x2800;
	[sflag:s21] =	ssyncset.done $0x0  }
0x88: {  	s19 =	simm.s32 @!p0 $0x80;
	s18 =	simm.s32 @!p0 $0x500;
	[sflag:s21] =	ssyncadd.s32 $0xFFFFF800  }
0x89: {  	[tilespmem:s17], [sflag:$0x1] =	stream.indirect.gather @!p0 [hbm4b:s6+s19], $0x10, s18, s19, $0xb8;
	v63 =	vld [tilespmem:$0x0]  }
0x8a: {  	s17 =	simm.s32 @!p0 $0x580;
	s18 =	simm.s32 @!p0 $0x3000  }
0x8b: {  	[tilespmem:s18], [sflag:$0x1] =	stream.indirect.gather @!p0 [hbm4b:s6+s19], $0x10, s17, s19, $0xb8;
	v63 =	vld [tilespmem:$0x0]  }
0x8c: {  	s17 =	simm.s32 @!p0 $0x600;
	s18 =	simm.s32 @!p0 $0x3800  }
0x8d: {  	[tilespmem:s18], [sflag:$0x1] =	stream.indirect.gather @!p0 [hbm4b:s6+s19], $0x10, s17, s19, $0xb8;
	v63 =	vld [tilespmem:$0x0]  }
0x8e: {  	s17 =	simm.s32 @!p0 $0x680;
	s18 =	simm.s32 @!p0 $0x4000  }
0x8f: {  	[tilespmem:s18], [sflag:$0x1] =	stream.indirect.gather @!p0 [hbm4b:s6+s19], $0x10, s17, s19, $0xb8;
	v63 =	vld [tilespmem:$0x0]  }
0x90: {  	s17 =	simm.s32 @!p0 $0x700;
	s18 =	simm.s32 @!p0 $0x4800  }
0x91: {  	[tilespmem:s18], [sflag:$0x1] =	stream.indirect.gather @!p0 [hbm4b:s6+s19], $0x10, s17, s19, $0xb8;
	v63 =	vld [tilespmem:$0x0]  }
0x92: {  	_ =	swait.ge [sflag:s14], $0x800  }
0x93: {  	[sflag:s14] =	ssyncset.done $0x0  }
0x94: {  	[sflag:s14] =	ssyncadd.s32 $0xFFFFF800  }
0x95: {  	_ =	swait.ge [sflag:s14], $0x800  }
0x96: {  	[sflag:s14] =	ssyncset.done $0x0  }
0x97: {  	[sflag:s14] =	ssyncadd.s32 $0xFFFFF800  }
0x98: {  	_ =	swait.ge [sflag:s14], $0x800  }
0x99: {  	[sflag:s14] =	ssyncset.done $0x0  }
0x9a: {  	[sflag:s14] =	ssyncadd.s32 $0xFFFFF800  }
0x9b: {  	_ =	swait.ge [sflag:s14], $0x800  }
0x9c: {  	[sflag:s14] =	ssyncset.done $0x0  }
0x9d: {  	[sflag:s14] =	ssyncadd.s32 $0xFFFFF800  }
0x9e: {  	_ =	swait.ge [sflag:s14], $0x800  }
0x9f: {  	[sflag:s14] =	ssyncset.done $0x0  }
0xa0: {  	s19 =	simm.s32 $0x1680;
	[sflag:s14] =	ssyncadd.s32 $0xFFFFF800  }
0xa1: {  	[spmem:s2] =	stream.indirect.scatter.add.f32 [tilespmem:s1], [sflag:$0x3], $0x10, s19, s23, $0xb8;
	v63 =	vld [tilespmem:$0x0]  }
0xa2: {  	_ =	swait.ge [sflag:s21], $0x800  }
0xa3: {  	[sflag:s21] =	ssyncset.done $0x0  }
0xa4: {  	s22 =	simm.s32 $0x1700;
	[sflag:s21] =	ssyncadd.s32 $0xFFFFF800  }
0xa5: {  	[spmem:s2] =	stream.indirect.scatter.add.f32 [tilespmem:s8], [sflag:$0x3], $0x10, s22, s23, $0xb8;
	v63 =	vld [tilespmem:$0x0]  }
0xa6: {  	_ =	swait.ge [sflag:s21], $0x800  }
0xa7: {  	[sflag:s21] =	ssyncset.done $0x0  }
0xa8: {  	s25 =	simm.s32 $0x1780;
	[sflag:s21] =	ssyncadd.s32 $0xFFFFF800  }
0xa9: {  	[spmem:s2] =	stream.indirect.scatter.add.f32 [tilespmem:s10], [sflag:$0x3], $0x10, s25, s23, $0xb8;
	v63 =	vld [tilespmem:$0x0]  }
0xaa: {  	_ =	swait.ge [sflag:s21], $0x800  }
0xab: {  	[sflag:s21] =	ssyncset.done $0x0  }
0xac: {  	s26 =	simm.s32 $0x1800;
	[sflag:s21] =	ssyncadd.s32 $0xFFFFF800  }
0xad: {  	[spmem:s2] =	stream.indirect.scatter.add.f32 [tilespmem:s11], [sflag:$0x3], $0x10, s26, s23, $0xb8;
	v63 =	vld [tilespmem:$0x0]  }
0xae: {  	_ =	swait.ge [sflag:s21], $0x800  }
0xaf: {  	[sflag:s21] =	ssyncset.done $0x0  }
0xb0: {  	s29 =	simm.s32 $0x1880;
	[sflag:s21] =	ssyncadd.s32 $0xFFFFF800  }
0xb1: {  	[spmem:s2] =	stream.indirect.scatter.add.f32 [tilespmem:s12], [sflag:$0x3], $0x10, s29, s23, $0xb8;
	v63 =	vld [tilespmem:$0x0]  }
0xb2: {  	s18 =	simm.s32 $0x1400;
	_ =	swait.ge [sflag:s21], $0x800  }
0xb3: {  	s17 =	simm.s32 $0x500;
	s19 =	simm.s32 $0x2800;
	[sflag:s21] =	ssyncset.done $0x0  }
.LBB2_5:
0xb4: {  	s7 =	sadd.s32 $0x280, s17  }
0xb5: {  	[sflag:s21] =	ssyncadd.s32 $0xFFFFF800;
	s25 =	smov.u32 s19;
	s19 =	sadd.s32 $0x1400, s19  }
0xb6: {  	[tilespmem:s1], [sflag:$0x2] =	stream.indirect.gather [hbm4b:s6+s23], $0x10, s7, s23, $0xb8;
	v63 =	vld [tilespmem:$0x0]  }
0xb7: {  	p0 =	sne.s32 s19, $0x5000;
	s7 =	sadd.s32 $0x300, s17  }
0xb8: {  	[tilespmem:s8], [sflag:$0x2] =	stream.indirect.gather [hbm4b:s6+s23], $0x10, s7, s23, $0xb8;
	v63 =	vld [tilespmem:$0x0]  }
0xb9: {  	s7 =	sadd.s32 $0x380, s17  }
0xba: {  	[tilespmem:s10], [sflag:$0x2] =	stream.indirect.gather [hbm4b:s6+s23], $0x10, s7, s23, $0xb8;
	v63 =	vld [tilespmem:$0x0]  }
0xbb: {  	s7 =	sadd.s32 $0x400, s17  }
0xbc: {  	[tilespmem:s11], [sflag:$0x2] =	stream.indirect.gather [hbm4b:s6+s23], $0x10, s7, s23, $0xb8;
	v63 =	vld [tilespmem:$0x0]  }
0xbd: {  	s7 =	sadd.s32 $0x480, s17  }
0xbe: {  	[tilespmem:s12], [sflag:$0x2] =	stream.indirect.gather [hbm4b:s6+s23], $0x10, s7, s23, $0xb8;
	v63 =	vld [tilespmem:$0x0]  }
0xbf: {  	_ =	swait.ge [sflag:s13], $0x800  }
0xc0: {  	[sflag:s13] =	ssyncset.done $0x0  }
0xc1: {  	[sflag:s13] =	ssyncadd.s32 $0xFFFFF800  }
0xc2: {  	_ =	swait.ge [sflag:s13], $0x800  }
0xc3: {  	[sflag:s13] =	ssyncset.done $0x0  }
0xc4: {  	[sflag:s13] =	ssyncadd.s32 $0xFFFFF800  }
0xc5: {  	_ =	swait.ge [sflag:s13], $0x800  }
0xc6: {  	[sflag:s13] =	ssyncset.done $0x0  }
0xc7: {  	[sflag:s13] =	ssyncadd.s32 $0xFFFFF800  }
0xc8: {  	_ =	swait.ge [sflag:s13], $0x800  }
0xc9: {  	[sflag:s13] =	ssyncset.done $0x0  }
0xca: {  	[sflag:s13] =	ssyncadd.s32 $0xFFFFF800  }
0xcb: {  	_ =	swait.ge [sflag:s13], $0x800  }
0xcc: {  	[sflag:s13] =	ssyncset.done $0x0  }
0xcd: {  	s7 =	sadd.s32 $0x1400, s17;
	[sflag:s13] =	ssyncadd.s32 $0xFFFFF800  }
0xce: {  	[spmem:s2] =	stream.indirect.scatter.add.f32 [tilespmem:s20], [sflag:$0x3], $0x10, s7, s23, $0xb8;
	v63 =	vld [tilespmem:$0x0]  }
0xcf: {  	_ =	swait.ge [sflag:s21], $0x800  }
0xd0: {  	[sflag:s21] =	ssyncset.done $0x0  }
0xd1: {  	s7 =	sadd.s32 $0x1480, s17;
	[sflag:s21] =	ssyncadd.s32 $0xFFFFF800  }
0xd2: {  	[spmem:s2] =	stream.indirect.scatter.add.f32 [tilespmem:s24], [sflag:$0x3], $0x10, s7, s23, $0xb8;
	v63 =	vld [tilespmem:$0x0]  }
0xd3: {  	_ =	swait.ge [sflag:s21], $0x800  }
0xd4: {  	[sflag:s21] =	ssyncset.done $0x0  }
0xd5: {  	s7 =	sadd.s32 $0x1500, s17;
	[sflag:s21] =	ssyncadd.s32 $0xFFFFF800  }
0xd6: {  	[spmem:s2] =	stream.indirect.scatter.add.f32 [tilespmem:s28], [sflag:$0x3], $0x10, s7, s23, $0xb8;
	v63 =	vld [tilespmem:$0x0]  }
0xd7: {  	_ =	swait.ge [sflag:s21], $0x800  }
0xd8: {  	[sflag:s21] =	ssyncset.done $0x0  }
0xd9: {  	s7 =	sadd.s32 $0x1580, s17;
	[sflag:s21] =	ssyncadd.s32 $0xFFFFF800  }
0xda: {  	[spmem:s2] =	stream.indirect.scatter.add.f32 [tilespmem:s30], [sflag:$0x3], $0x10, s7, s23, $0xb8;
	v63 =	vld [tilespmem:$0x0]  }
0xdb: {  	_ =	swait.ge [sflag:s21], $0x800  }
0xdc: {  	[sflag:s21] =	ssyncset.done $0x0  }
0xdd: {  	s7 =	sadd.s32 $0x1600, s17;
	[sflag:s21] =	ssyncadd.s32 $0xFFFFF800  }
0xde: {  	[spmem:s2] =	stream.indirect.scatter.add.f32 [tilespmem:s0], [sflag:$0x3], $0x10, s7, s23, $0xb8;
	v63 =	vld [tilespmem:$0x0]  }
0xdf: {  	p1 =	seq.s32 s18, $0x3C00;
	_ =	swait.ge [sflag:s21], $0x800  }
0xe0: {  	s7 =	sshra.s32 @!p1 s18, $0x2;
	s18 =	simm.s32 @!p1 $0x2800;
	[sflag:s21] =	ssyncset.done $0x0  }
0xe1: {  	s22 =	simm.s32 @!p1 $0x80;
	s3 =	sadd.s32 @!p1 $0x500, s7;
	[sflag:s21] =	ssyncadd.s32 $0xFFFFF800  }
0xe2: {  	[tilespmem:s18], [sflag:$0x1] =	stream.indirect.gather @!p1 [hbm4b:s6+s22], $0x10, s3, s22, $0xb8;
	v63 =	vld [tilespmem:$0x0]  }
0xe3: {  	s26 =	sadd.s32 @!p1 $0x600, s7;
	s3 =	sadd.s32 @!p1 $0x580, s7;
	s18 =	simm.s32 @!p1 $0x3000  }
0xe4: {  	[tilespmem:s18], [sflag:$0x1] =	stream.indirect.gather @!p1 [hbm4b:s6+s22], $0x10, s3, s22, $0xb8;
	v63 =	vld [tilespmem:$0x0]  }
0xe5: {  	s29 =	sadd.s32 @!p1 $0x680, s7;
	s7 =	sadd.s32 @!p1 $0x700, s7;
	s3 =	simm.s32 @!p1 $0x3800  }
0xe6: {  	[tilespmem:s3], [sflag:$0x1] =	stream.indirect.gather @!p1 [hbm4b:s6+s22], $0x10, s26, s22, $0xb8;
	v63 =	vld [tilespmem:$0x0]  }
0xe7: {  	s18 =	smov.u32 s25;
	s3 =	simm.s32 @!p1 $0x4000  }
0xe8: {  	[tilespmem:s3], [sflag:$0x1] =	stream.indirect.gather @!p1 [hbm4b:s6+s22], $0x10, s29, s22, $0xb8;
	v63 =	vld [tilespmem:$0x0]  }
0xe9: {  	s3 =	simm.s32 @!p1 $0x4800  }
0xea: {  	[tilespmem:s3], [sflag:$0x1] =	stream.indirect.gather @!p1 [hbm4b:s6+s22], $0x10, s7, s22, $0xb8;
	v63 =	vld [tilespmem:$0x0]  }
0xeb: {  	_ =	swait.ge [sflag:s14], $0x800  }
0xec: {  	[sflag:s14] =	ssyncset.done $0x0  }
0xed: {  	[sflag:s14] =	ssyncadd.s32 $0xFFFFF800  }
0xee: {  	_ =	swait.ge [sflag:s14], $0x800  }
0xef: {  	[sflag:s14] =	ssyncset.done $0x0  }
0xf0: {  	[sflag:s14] =	ssyncadd.s32 $0xFFFFF800  }
0xf1: {  	_ =	swait.ge [sflag:s14], $0x800  }
0xf2: {  	[sflag:s14] =	ssyncset.done $0x0  }
0xf3: {  	[sflag:s14] =	ssyncadd.s32 $0xFFFFF800  }
0xf4: {  	_ =	swait.ge [sflag:s14], $0x800  }
0xf5: {  	[sflag:s14] =	ssyncset.done $0x0  }
0xf6: {  	[sflag:s14] =	ssyncadd.s32 $0xFFFFF800  }
0xf7: {  	_ =	swait.ge [sflag:s14], $0x800  }
0xf8: {  	[sflag:s14] =	ssyncset.done $0x0  }
0xf9: {  	s3 =	sadd.s32 $0x1680, s17;
	[sflag:s14] =	ssyncadd.s32 $0xFFFFF800  }
0xfa: {  	[spmem:s2] =	stream.indirect.scatter.add.f32 [tilespmem:s1], [sflag:$0x3], $0x10, s3, s23, $0xb8;
	v63 =	vld [tilespmem:$0x0]  }
0xfb: {  	_ =	swait.ge [sflag:s21], $0x800  }
0xfc: {  	[sflag:s21] =	ssyncset.done $0x0  }
0xfd: {  	s3 =	sadd.s32 $0x1700, s17;
	[sflag:s21] =	ssyncadd.s32 $0xFFFFF800  }
0xfe: {  	[spmem:s2] =	stream.indirect.scatter.add.f32 [tilespmem:s8], [sflag:$0x3], $0x10, s3, s23, $0xb8;
	v63 =	vld [tilespmem:$0x0]  }
0xff: {  	_ =	swait.ge [sflag:s21], $0x800  }
0x100: {  	[sflag:s21] =	ssyncset.done $0x0  }
0x101: {  	s3 =	sadd.s32 $0x1780, s17;
	[sflag:s21] =	ssyncadd.s32 $0xFFFFF800  }
0x102: {  	[spmem:s2] =	stream.indirect.scatter.add.f32 [tilespmem:s10], [sflag:$0x3], $0x10, s3, s23, $0xb8;
	v63 =	vld [tilespmem:$0x0]  }
0x103: {  	_ =	swait.ge [sflag:s21], $0x800  }
0x104: {  	[sflag:s21] =	ssyncset.done $0x0  }
0x105: {  	s3 =	sadd.s32 $0x1800, s17;
	[sflag:s21] =	ssyncadd.s32 $0xFFFFF800  }
0x106: {  	[spmem:s2] =	stream.indirect.scatter.add.f32 [tilespmem:s11], [sflag:$0x3], $0x10, s3, s23, $0xb8;
	v63 =	vld [tilespmem:$0x0]  }
0x107: {  	_ =	swait.ge [sflag:s21], $0x800  }
.Ltmp1:
0x108: {  	[sflag:s21] =	ssyncset.done $0x0;
	(pc) =	sbr.rel @p0 .LBB2_5-.Ltmp1, $4  }
0x109: {  	s3 =	sadd.s32 $0x1880, s17;
	[sflag:s21] =	ssyncadd.s32 $0xFFFFF800  }
0x10a: {  	[spmem:s2] =	stream.indirect.scatter.add.f32 [tilespmem:s12], [sflag:$0x3], $0x10, s3, s23, $0xb8;
	v63 =	vld [tilespmem:$0x0]  }
0x10b: {  	_ =	swait.ge [sflag:s21], $0x800  }
0x10c: {  	s17 =	sshra.s32 s18, $0x2;
	[sflag:s21] =	ssyncset.done $0x0  }
0x10d: {  	s3 =	sadd.s32 $0x280, s17;
	[sflag:s21] =	ssyncadd.s32 $0xFFFFF800  }
0x10e: {  	[tilespmem:s1], [sflag:$0x2] =	stream.indirect.gather [hbm4b:s6+s23], $0x10, s3, s23, $0xb8;
	v63 =	vld [tilespmem:$0x0]  }
0x10f: {  	s26 =	sadd.s32 $0x300, s17  }
0x110: {  	[tilespmem:s8], [sflag:$0x2] =	stream.indirect.gather [hbm4b:s6+s23], $0x10, s26, s23, $0xb8;
	v63 =	vld [tilespmem:$0x0]  }
0x111: {  	s29 =	sadd.s32 $0x380, s17  }
0x112: {  	[tilespmem:s10], [sflag:$0x2] =	stream.indirect.gather [hbm4b:s6+s23], $0x10, s29, s23, $0xb8;
	v63 =	vld [tilespmem:$0x0]  }
0x113: {  	s7 =	sadd.s32 $0x400, s17  }
0x114: {  	[tilespmem:s11], [sflag:$0x2] =	stream.indirect.gather [hbm4b:s6+s23], $0x10, s7, s23, $0xb8;
	v63 =	vld [tilespmem:$0x0]  }
0x115: {  	s19 =	sadd.s32 $0x480, s17  }
0x116: {  	[tilespmem:s12], [sflag:$0x2] =	stream.indirect.gather [hbm4b:s6+s23], $0x10, s19, s23, $0xb8;
	v63 =	vld [tilespmem:$0x0]  }
0x117: {  	_ =	swait.ge [sflag:s13], $0x800  }
0x118: {  	[sflag:s13] =	ssyncset.done $0x0  }
0x119: {  	[sflag:s13] =	ssyncadd.s32 $0xFFFFF800  }
0x11a: {  	_ =	swait.ge [sflag:s13], $0x800  }
0x11b: {  	[sflag:s13] =	ssyncset.done $0x0  }
0x11c: {  	[sflag:s13] =	ssyncadd.s32 $0xFFFFF800  }
0x11d: {  	_ =	swait.ge [sflag:s13], $0x800  }
0x11e: {  	[sflag:s13] =	ssyncset.done $0x0  }
0x11f: {  	[sflag:s13] =	ssyncadd.s32 $0xFFFFF800  }
0x120: {  	_ =	swait.ge [sflag:s13], $0x800  }
0x121: {  	[sflag:s13] =	ssyncset.done $0x0  }
0x122: {  	[sflag:s13] =	ssyncadd.s32 $0xFFFFF800  }
0x123: {  	_ =	swait.ge [sflag:s13], $0x800  }
0x124: {  	[sflag:s13] =	ssyncset.done $0x0  }
0x125: {  	s22 =	sadd.s32 $0x1400, s17;
	[sflag:s13] =	ssyncadd.s32 $0xFFFFF800  }
0x126: {  	[spmem:s2] =	stream.indirect.scatter.add.f32 [tilespmem:s20], [sflag:$0x3], $0x10, s22, s23, $0xb8;
	v63 =	vld [tilespmem:$0x0]  }
0x127: {  	_ =	swait.ge [sflag:s21], $0x800  }
0x128: {  	[sflag:s21] =	ssyncset.done $0x0  }
0x129: {  	s25 =	sadd.s32 $0x1480, s17;
	[sflag:s21] =	ssyncadd.s32 $0xFFFFF800  }
0x12a: {  	[spmem:s2] =	stream.indirect.scatter.add.f32 [tilespmem:s24], [sflag:$0x3], $0x10, s25, s23, $0xb8;
	v63 =	vld [tilespmem:$0x0]  }
0x12b: {  	_ =	swait.ge [sflag:s21], $0x800  }
0x12c: {  	[sflag:s21] =	ssyncset.done $0x0  }
0x12d: {  	s26 =	sadd.s32 $0x1500, s17;
	[sflag:s21] =	ssyncadd.s32 $0xFFFFF800  }
0x12e: {  	[spmem:s2] =	stream.indirect.scatter.add.f32 [tilespmem:s28], [sflag:$0x3], $0x10, s26, s23, $0xb8;
	v63 =	vld [tilespmem:$0x0]  }
0x12f: {  	_ =	swait.ge [sflag:s21], $0x800  }
0x130: {  	[sflag:s21] =	ssyncset.done $0x0  }
0x131: {  	s29 =	sadd.s32 $0x1580, s17;
	[sflag:s21] =	ssyncadd.s32 $0xFFFFF800  }
0x132: {  	[spmem:s2] =	stream.indirect.scatter.add.f32 [tilespmem:s30], [sflag:$0x3], $0x10, s29, s23, $0xb8;
	v63 =	vld [tilespmem:$0x0]  }
0x133: {  	_ =	swait.ge [sflag:s21], $0x800  }
0x134: {  	[sflag:s21] =	ssyncset.done $0x0  }
0x135: {  	p0 =	seq.s32 s18, $0x3C00;
	s7 =	sadd.s32 $0x1600, s17;
	[sflag:s21] =	ssyncadd.s32 $0xFFFFF800  }
0x136: {  	[spmem:s2] =	stream.indirect.scatter.add.f32 [tilespmem:s0], [sflag:$0x3], $0x10, s7, s23, $0xb8;
	v63 =	vld [tilespmem:$0x0]  }
0x137: {  	s3 =	sshra.s32 @!p0 s18, $0x2;
	_ =	swait.ge [sflag:s21], $0x800  }
0x138: {  	s18 =	sadd.s32 @!p0 $0x500, s3;
	[sflag:s21] =	ssyncset.done $0x0  }
0x139: {  	s19 =	simm.s32 @!p0 $0x80;
	s7 =	simm.s32 @!p0 $0x2800;
	[sflag:s21] =	ssyncadd.s32 $0xFFFFF800  }
0x13a: {  	[tilespmem:s7], [sflag:$0x1] =	stream.indirect.gather @!p0 [hbm4b:s6+s19], $0x10, s18, s19, $0xb8;
	v63 =	vld [tilespmem:$0x0]  }
0x13b: {  	s7 =	sadd.s32 @!p0 $0x580, s3;
	s18 =	simm.s32 @!p0 $0x3000  }
0x13c: {  	[tilespmem:s18], [sflag:$0x1] =	stream.indirect.gather @!p0 [hbm4b:s6+s19], $0x10, s7, s19, $0xb8;
	v63 =	vld [tilespmem:$0x0]  }
0x13d: {  	s7 =	sadd.s32 @!p0 $0x600, s3;
	s18 =	simm.s32 @!p0 $0x3800  }
0x13e: {  	[tilespmem:s18], [sflag:$0x1] =	stream.indirect.gather @!p0 [hbm4b:s6+s19], $0x10, s7, s19, $0xb8;
	v63 =	vld [tilespmem:$0x0]  }
0x13f: {  	s7 =	sadd.s32 @!p0 $0x680, s3;
	s18 =	simm.s32 @!p0 $0x4000  }
0x140: {  	[tilespmem:s18], [sflag:$0x1] =	stream.indirect.gather @!p0 [hbm4b:s6+s19], $0x10, s7, s19, $0xb8;
	v63 =	vld [tilespmem:$0x0]  }
0x141: {  	s3 =	sadd.s32 @!p0 $0x700, s3;
	s7 =	simm.s32 @!p0 $0x4800  }
0x142: {  	[tilespmem:s7], [sflag:$0x1] =	stream.indirect.gather @!p0 [hbm4b:s6+s19], $0x10, s3, s19, $0xb8;
	v63 =	vld [tilespmem:$0x0]  }
0x143: {  	_ =	swait.ge [sflag:s14], $0x800  }
0x144: {  	[sflag:s14] =	ssyncset.done $0x0  }
0x145: {  	[sflag:s14] =	ssyncadd.s32 $0xFFFFF800  }
0x146: {  	_ =	swait.ge [sflag:s14], $0x800  }
0x147: {  	[sflag:s14] =	ssyncset.done $0x0  }
0x148: {  	[sflag:s14] =	ssyncadd.s32 $0xFFFFF800  }
0x149: {  	_ =	swait.ge [sflag:s14], $0x800  }
0x14a: {  	[sflag:s14] =	ssyncset.done $0x0  }
0x14b: {  	[sflag:s14] =	ssyncadd.s32 $0xFFFFF800  }
0x14c: {  	_ =	swait.ge [sflag:s14], $0x800  }
0x14d: {  	[sflag:s14] =	ssyncset.done $0x0  }
0x14e: {  	[sflag:s14] =	ssyncadd.s32 $0xFFFFF800  }
0x14f: {  	_ =	swait.ge [sflag:s14], $0x800  }
0x150: {  	[sflag:s14] =	ssyncset.done $0x0  }
0x151: {  	s19 =	sadd.s32 $0x1680, s17;
	[sflag:s14] =	ssyncadd.s32 $0xFFFFF800  }
0x152: {  	[spmem:s2] =	stream.indirect.scatter.add.f32 [tilespmem:s1], [sflag:$0x3], $0x10, s19, s23, $0xb8;
	v63 =	vld [tilespmem:$0x0]  }
0x153: {  	_ =	swait.ge [sflag:s21], $0x800  }
0x154: {  	[sflag:s21] =	ssyncset.done $0x0  }
0x155: {  	s22 =	sadd.s32 $0x1700, s17;
	[sflag:s21] =	ssyncadd.s32 $0xFFFFF800  }
0x156: {  	[spmem:s2] =	stream.indirect.scatter.add.f32 [tilespmem:s8], [sflag:$0x3], $0x10, s22, s23, $0xb8;
	v63 =	vld [tilespmem:$0x0]  }
0x157: {  	_ =	swait.ge [sflag:s21], $0x800  }
0x158: {  	[sflag:s21] =	ssyncset.done $0x0  }
0x159: {  	s25 =	sadd.s32 $0x1780, s17;
	[sflag:s21] =	ssyncadd.s32 $0xFFFFF800  }
0x15a: {  	[spmem:s2] =	stream.indirect.scatter.add.f32 [tilespmem:s10], [sflag:$0x3], $0x10, s25, s23, $0xb8;
	v63 =	vld [tilespmem:$0x0]  }
0x15b: {  	_ =	swait.ge [sflag:s21], $0x800  }
0x15c: {  	[sflag:s21] =	ssyncset.done $0x0  }
0x15d: {  	s26 =	sadd.s32 $0x1800, s17;
	[sflag:s21] =	ssyncadd.s32 $0xFFFFF800  }
0x15e: {  	[spmem:s2] =	stream.indirect.scatter.add.f32 [tilespmem:s11], [sflag:$0x3], $0x10, s26, s23, $0xb8;
	v63 =	vld [tilespmem:$0x0]  }
0x15f: {  	s16 =	sadd.s32 $0x1, s16;
	_ =	swait.ge [sflag:s21], $0x800  }
0x160: {  	p0 =	sne.s32 s16, $0x14;
	[sflag:s21] =	ssyncset.done $0x0  }
.Ltmp2:
0x161: {  	s29 =	sadd.s32 $0x1880, s17;
	[sflag:s21] =	ssyncadd.s32 $0xFFFFF800;
	(pc) =	sbr.rel @p0 .LBB2_4-.Ltmp2, $4  }
0x162: {  	[spmem:s2] =	stream.indirect.scatter.add.f32 [tilespmem:s12], [sflag:$0x3], $0x10, s29, s23, $0xb8;
	v63 =	vld [tilespmem:$0x0]  }
0x163: {  	_ =	swait.ge [sflag:s21], $0x800  }
0x164: {  	[sflag:s21] =	ssyncset.done $0x0  }
0x165: {  	[sflag:s21] =	ssyncadd.s32 $0xFFFFF800  }
0x166: {  	s3 =	stileid.u32;
	[bflag:$0x0] =	sbarrier.arrive $0xFFFF  }
0x167: {  	s3 =	sshll.u32 s3, $0x6;
	s7 =	rddreg [dreg:$0x6]  }
0x168: {  	s15 =	rddreg [dreg:$0x10];
	s3 =	sor.u32 $0x1C03, s3  }
0x169: {  	[hbm:s7], [sflag:s3] =	dma.local [spmem:s15], $0x3100  }
0x16a: {  	_ =	swait.ge [sflag:s21], $0x3100  }
0x16b: {  	s26 =	rddreg [dreg:$0x3]  }
0x16c: {  	s29 =	rddreg [dreg:$0x7];
	s15 =	sadd.s32 $0x1, s26  }
0x16d: {  	p0 =	sne.s32 s15, s29  }
.Ltmp3:
0x16e: {  	_ = 	snop;
	(pc) =	sbr.rel @p0 .LBB2_1-.Ltmp3, $3  }
0x16f: {  	_ =	sdelay $0x1  }
0x170: {  	[sflag:s21] =	ssyncset.done $0x0  }
0x171: {  	[sflag:s21] =	ssyncadd.s32 $0xFFFFCF00  }
0x172: {  	_ =	sfence.sel $0x180000  }
0x173: {  	[bflag:$0x0] =	sbarrier.arrive $0xFFFF  }
0x174: {  	_ =	strace $0x9000004D  }
0x175: {  	s0 =	stileid.u32;
	[bflag:$0x2] =	sbarrier.arrive $0xFFFF  }
0x176: {  	p0 =	sne.s32 s0, $0x0;
	s0 =	rddreg [dreg:$0x2]  }
0x177: {  	s0 =	sadd.s32 @!p0 $0x100000, s0  }
0x178: {  	[sflag:s0] =	ssyncadd.tile.s32 @!p0 $0x1;
	_ =	shalt  }
.Lfunc_end2:
_tile_overlayer_lowered:
.L_overlay_start_2:
0x179: {  	(tag) =	ssettag $0x2  }
0x17a: {  	s0 =	rddreg [dreg:$0x0];
	s2 =	stileid.u32  }
0x17b: {  	s1 =	rddreg [dreg:$0x1];
	p0 =	sne.s32 s2, $0x0  }
0x17c: {  	s3 =	rddreg [dreg:$0x2];
	[bflag:$0x3] =	sbarrier.arrive $0xFFFF;
	s2 =	simm.s32 @!p0 $0x1C03  }
0x17d: {  	[timem:s3], [sflag:s2] =	dma.local @!p0 [hbm:s0], s1  }
0x17e: {  	s0 =	simm.s32 @!p0 $0x3  }
0x17f: {  	_ =	swait.ge @!p0 [sflag:s0], s1  }
0x180: {  	s1 =	ssub.s32 @!p0 $0x0, s1;
	[sflag:s0] =	ssyncset.done @!p0 $0x0  }
0x181: {  	[sflag:s0] =	ssyncadd.s32 @!p0 s1  }
0x182: {  	[bflag:$0x3] =	sbarrier.arrive $0xFFFF  }
0x183: {  	_ =	shalt  }

// kernel: kernel.9.cloned.1.call-start
scs
__scs_entry_jumppad:
0x0: {  	(pc) =	sbr.rel $0x88, $3  }
0x1: {  	(tag) =	ssettag $0x0;
	lr =	simm.s32 $0x1  }
0x2: {  	[smem:$0x3F96] =	sst lr;
	_ =	strace $0xD0000000  }
0x3: {  	_ = 	snop  }
0x4: {  	_ = 	snop  }
0x5: {  	_ = 	snop  }
0x6: {  	_ = 	snop  }
0x7: {  	_ = 	snop  }
__scs_overlays_trampoline_lowered:
0x8: {  	[smem:$0x3FA5] =	sst s0  }
0x9: {  	[smem:$0x3FA6] =	sst s1  }
0xa: {  	[smem:$0x3FA7] =	sst s2  }
0xb: {  	[smem:$0x3FA8] =	sst s3  }
0xc: {  	[smem:$0x3FA9] =	sst s4  }
0xd: {  	[smem:$0x3FAA] =	sst s5  }
0xe: {  	[smem:$0x3FAB] =	sst s6  }
0xf: {  	[smem:$0x3FAC] =	sst s7  }
0x10: {  	[smem:$0x3FAD] =	sst s8  }
0x11: {  	[smem:$0x3FAE] =	sst s9;
	s0 =	simm.s32 @!p0 $0x0  }
0x12: {  	s1 =	sld [smem:$0x3F94];
	s0 =	simm.s32 @p0 $0x1  }
0x13: {  	[smem:$0x3FAF] =	sst s0;
	s0 =	simm.s32 @!p1 $0x0  }
0x14: {  	s2 =	sld [smem:$0x3F93];
	s0 =	simm.s32 @p1 $0x1  }
0x15: {  	[smem:$0x3FB0] =	sst s0;
	s0 =	simm.s32 @!p2 $0x0  }
0x16: {  	s3 =	sld [smem:$0x3FDB];
	s0 =	simm.s32 @p2 $0x1  }
0x17: {  	s4 =	simm.s32 $0x1BF5;
	[smem:$0x3FB2] =	sst s0  }
0x18: {  	s0 =	sld [smem:$0x3F95];
	_ =	swait.ge [sflag:s4], $0x0  }
0x19: {  	s7 =	sld [smem:$0x3F96]  }
0x1a: {  	s8 =	sadd.s32 $0xFFFFE003, lr  }
0x1b: {  	s9 =	sadd.s32 $0xFFFFFEF7, lr;
	s5 =	simm.s32 $0xFFFFFFFF;
	p2 =	slt.u32 s8, $0xFFFFF086  }
0x1c: {  	p1 =	slt.u32 s9, $0xF7A;
	s5 =	simm.s32 @!p2 $0x0  }
0x1d: {  	s5 =	simm.s32 @p1 $0x1;
	p0 =	seq.s32 s7, s2  }
0x1e: {  	s7 =	smul.u32 @!p0 $0xF7A, s2;
	p2 =	seq.s32 @!p0 s5, $0x0  }
0x1f: {  	s9 =	smul.u32 $0xF7A, s1;
	s8 =	simm.s32 @!p0 $0x1BF5;
	p2 =	por !p2, p0  }
0x20: {  	[sflag:s8] =	ssyncset.s32 @!p0 $0xFFFFF086;
	s6 =	sadd.s32 @!p0 s3, s7;
	s7 =	simm.s32 @!p0 $0x108  }
0x21: {  	s3 =	sadd.s32 s3, s9;
	s6 =	sadd.s32 @!p0 $0x88, s6;
	s7 =	simm.s32 @p2 $0x1082  }
0x22: {  	[simem:s7], [sflag:s8] =	dma.local @!p0 [hbm:s6], $0xF7A  }
0x23: {  	s9 =	sor.u32 $0xD0000000, s2;
	s6 =	simm.s32 $0x108;
	_ =	swait.ge @!p0 [sflag:s8], $0x0  }
0x24: {  	s3 =	sadd.s32 $0x88, s3;
	s6 =	simm.s32 @!p1 $0x1082;
	[sflag:s4] =	ssyncset.s32 $0xFFFFF086  }
0x25: {  	[simem:s6], [sflag:s4] =	dma.local [hbm:s3], $0xF7A  }
0x26: {  	[smem:$0x3F96] =	sst s1;
	(tag) =	ssettag s2;
	_ =	strace s9  }
0x27: {  	s1 =	sld [smem:$0x3FA6]  }
0x28: {  	s2 =	sld [smem:$0x3FA7]  }
0x29: {  	s4 =	sld [smem:$0x3FA9]  }
0x2a: {  	p0 =	seq.s32 s5, $0x0;
	s5 =	sld [smem:$0x3FAA]  }
0x2b: {  	s6 =	sld [smem:$0x3FAB]  }
0x2c: {  	s7 =	sld [smem:$0x3FAC]  }
0x2d: {  	s3 =	simm.s32 $0x108;
	s8 =	sld [smem:$0x3FAD]  }
0x2e: {  	s3 =	simm.s32 @!p0 $0x1082;
	s9 =	sld [smem:$0x3FAE]  }
0x2f: {  	lr =	sadd.s32 s0, s3;
	s0 =	sld [smem:$0x3FA5]  }
0x30: {  	s3 =	sld [smem:$0x3FA8]  }
0x31: {  	[smem:$0x3FB1] =	sst s10  }
0x32: {  	s10 =	sld [smem:$0x3FAF];
	_ =	sdelay $0x3  }
0x33: {  	p0 =	seq.s32 s10, $0x1;
	s10 =	sld [smem:$0x3FB1];
	_ =	sdelay $0x3  }
0x34: {  	[smem:$0x3FB1] =	sst s10  }
0x35: {  	s10 =	sld [smem:$0x3FB0];
	_ =	sdelay $0x3  }
0x36: {  	p1 =	seq.s32 s10, $0x1;
	s10 =	sld [smem:$0x3FB1];
	_ =	sdelay $0x3  }
0x37: {  	[smem:$0x3FB1] =	sst s10  }
0x38: {  	s10 =	sld [smem:$0x3FB2]  }
0x39: {  	_ = 	snop;
	(pc) =	sbr.ind lr, $3  }
0x3a: {  	_ = 	snop  }
0x3b: {  	_ = 	snop  }
0x3c: {  	p2 =	seq.s32 s10, $0x1;
	s10 =	sld [smem:$0x3FB1]  }
0x3d: {  	_ =	shalt  }
0x3e: {  	_ =	shalt  }
0x3f: {  	_ =	shalt  }
0x40: {  	_ =	shalt  }
0x41: {  	_ =	shalt  }
0x42: {  	_ =	shalt  }
0x43: {  	_ =	shalt  }
0x44: {  	_ =	shalt  }
0x45: {  	_ =	shalt  }
0x46: {  	_ =	shalt  }
0x47: {  	_ =	shalt  }
0x48: {  	_ =	shalt  }
0x49: {  	_ =	shalt  }
0x4a: {  	_ =	shalt  }
0x4b: {  	_ =	shalt  }
0x4c: {  	_ =	shalt  }
0x4d: {  	_ =	shalt  }
0x4e: {  	_ =	shalt  }
0x4f: {  	_ =	shalt  }
0x50: {  	_ =	shalt  }
0x51: {  	_ =	shalt  }
0x52: {  	_ =	shalt  }
0x53: {  	_ =	shalt  }
0x54: {  	_ =	shalt  }
0x55: {  	_ =	shalt  }
0x56: {  	_ =	shalt  }
0x57: {  	_ =	shalt  }
0x58: {  	_ =	shalt  }
0x59: {  	_ =	shalt  }
0x5a: {  	_ =	shalt  }
0x5b: {  	_ =	shalt  }
0x5c: {  	_ =	shalt  }
0x5d: {  	_ =	shalt  }
0x5e: {  	_ =	shalt  }
0x5f: {  	_ =	shalt  }
0x60: {  	_ =	shalt  }
0x61: {  	_ =	shalt  }
0x62: {  	_ =	shalt  }
0x63: {  	_ =	shalt  }
0x64: {  	_ =	shalt  }
0x65: {  	_ =	shalt  }
0x66: {  	_ =	shalt  }
0x67: {  	_ =	shalt  }
0x68: {  	_ =	shalt  }
0x69: {  	_ =	shalt  }
0x6a: {  	_ =	shalt  }
0x6b: {  	_ =	shalt  }
0x6c: {  	_ =	shalt  }
0x6d: {  	_ =	shalt  }
0x6e: {  	_ =	shalt  }
0x6f: {  	_ =	shalt  }
0x70: {  	_ =	shalt  }
0x71: {  	_ =	shalt  }
0x72: {  	_ =	shalt  }
0x73: {  	_ =	shalt  }
0x74: {  	_ =	shalt  }
0x75: {  	_ =	shalt  }
0x76: {  	_ =	shalt  }
0x77: {  	_ =	shalt  }
0x78: {  	_ =	shalt  }
0x79: {  	_ =	shalt  }
0x7a: {  	_ =	shalt  }
0x7b: {  	_ =	shalt  }
0x7c: {  	_ =	shalt  }
0x7d: {  	_ =	shalt  }
0x7e: {  	_ =	shalt  }
0x7f: {  	_ =	shalt  }
0x80: {  	_ =	shalt  }
0x81: {  	_ =	shalt  }
0x82: {  	_ =	shalt  }
0x83: {  	_ =	shalt  }
0x84: {  	_ =	shalt  }
0x85: {  	_ =	shalt  }
0x86: {  	_ =	shalt  }
0x87: {  	_ =	shalt  }
.Lfunc_end0:
.L_simem_size_0:
called_computation_lowered:
.L_overlay_start_0:
0x88: {  	s2 =	sld [smem:$0x3FD9]  }
0x89: {  	s3 =	sld [smem:$0x3FFE];
	_ =	sdelay $0x1  }
0x8a: {  	s1 =	srdreg.scid  }
0x8b: {  	s0 =	sand.u32 $0x1, s1  }
0x8c: {  	s17 =	sshll.u32 s0, $0xA;
	s2 =	sadd.s32 s3, s2  }
0x8d: {  	s2 =	sadd.s32 s2, s17  }
0x8e: {  	[smem:$0x3FBD] =	sst s2  }
0x8f: {  	_ = 	snop  }
0x90: {  	s2 =	sld [smem:$0x3FD0];
	(tm) =	ssettm $0x1  }
0x91: {  	s18 =	sld [smem:$0x3FFB];
	_ =	sdelay $0x3  }
0x92: {  	_ =	strace s18  }
0x93: {  	s3 =	sld [smem:$0x3FFC];
	_ =	sdelay $0x3  }
0x94: {  	_ =	strace s3  }
0x95: {  	s3 =	sld [smem:$0x3FFD];
	_ =	sdelay $0x3  }
0x96: {  	_ =	strace s3  }
0x97: {  	_ =	strace $0x8FFFFFFF  }
0x98: {  	s19 =	sld [smem:$0x3FDB];
	_ =	sdelay $0x1  }
0x99: {  	s4 =	simm.s32 $_scs_section_size  }
0x9a: {  	s5 =	simm.s32 $_size__tile_overlayer_lowered;
	s6 =	simm.s32 $_tile_overlayer_lowered  }
0x9b: {  	s22 =	simm.s32 $0x1BFF;
	s21 =	sshll.u32 s6, $0x1;
	s3 =	sadd.s32 s4, s19  }
0x9c: {  	s7 =	simm.s32 $0x0;
	s20 =	sshll.u32 s5, $0x1;
	s5 =	sadd.s32 s21, s3  }
0x9d: {  	[timem:s7], [sflag:s22] =	dma.local [hbm:s5], s20  }
0x9e: {  	_ =	swait.ge [sflag:s22], s20  }
0x9f: {  	s4 =	ssub.s32 $0x0, s20;
	[sflag:s22] =	ssyncset.done $0x0  }
0xa0: {  	[sflag:s22] =	ssyncadd.s32 s4;
	_ =	sdelay $0x1  }
0xa1: {  	s23 =	simm.s32 $0x1B8B  }
0xa2: {  	_ =	swait.ge [sflag:s23], $0x1  }
0xa3: {  	[sflag:s23] =	ssyncset.done $0x0  }
0xa4: {  	s25 =	simm.s32 $0x1B8E;
	s24 =	sld [smem:$0x3FFE];
	[sflag:s23] =	ssyncadd.s32 $0xFFFFFFFF  }
0xa5: {  	s26 =	simm.s32 $execute0_lowered;
	[smem:$0x3FD2] =	sst s25  }
0xa6: {  	s5 =	sshll.u32 s26, $0x1;
	_ =	strace $0x80000046;
	[dreg:$0x1] =	wrdreg $0xFFFFFFFF  }
0xa7: {  	s28 =	simm.s32 $_size_execute0_lowered;
	s3 =	sadd.s32 s3, s5;
	[dreg:$0x0] =	wrdreg $0x0  }
0xa8: {  	s5 =	sshll.u32 s28, $0x1;
	[dreg:$0x2] =	wrdreg s3  }
0xa9: {  	[dreg:$0x3] =	wrdreg s5  }
0xaa: {  	[dreg:$0x4] =	wrdreg $0xC0  }
0xab: {  	_ =	task [dreg:s7], $0x5FFFF  }
0xac: {  	[dreg:$0x1] =	wrdreg $0xFFFFFFFF  }
0xad: {  	[dreg:$0x0] =	wrdreg $0x60  }
0xae: {  	[dreg:$0x2] =	wrdreg s24  }
0xaf: {  	[dreg:$0x3] =	wrdreg s2  }
0xb0: {  	[dreg:$0x4] =	wrdreg $0x41000  }
0xb1: {  	[dreg:$0x5] =	wrdreg $0x59800  }
0xb2: {  	[dreg:$0x6] =	wrdreg $0x9  }
0xb3: {  	_ =	task.clear_ibuf [dreg:s7], $0x7FFFF;
	_ =	strace $0x90000046  }
0xb4: {  	s29 =	simm.s32 $0x9;
	_ =	strace $0x80000048  }
0xb5: {  	_ =	swait.ge [sflag:s29], $0x1  }
0xb6: {  	[sflag:s29] =	ssyncadd.s32 $0xFFFFFFFF  }
0xb7: {  	_ =	strace $0x90000048  }
0xb8: {  	_ =	sfence  }
0xb9: {  	s30 =	sld [smem:$0x0];
	_ =	sdelay $0x2  }
0xba: {  	s31 =	sshll.u32 s1, $0xD;
	s1 =	sshrl.u32 s1, $0x2  }
0xbb: {  	s3 =	sand.u32 $0x4000, s31;
	s1 =	sadd.s32 s1, s30  }
0xbc: {  	s0 =	sor.u32 s3, s0;
	s1 =	sshll.u32 s1, $0x11  }
0xbd: {  	s0 =	sor.u32 s1, s0  }
0xbe: {  	s0 =	sadd.s32 $0x8F2B, s0  }
0xbf: {  	[sflag:s0] =	ssyncadd.remote.s32 $0x1  }
0xc0: {  	_ =	sfence.sel $0xFFFF  }
0xc1: {  	[dreg:$0x0] =	wrdreg $0xFFFFFFFF;
	(pc) =	sbr.abs _section_cstart, $3  }
0xc2: {  	[dreg:$0x1] =	wrdreg $0xFFFFFFFF  }
0xc3: {  	_ =	task.clear_ibuf [dreg:s7], $0x2FFFF;
	_ =	strace $0x9FFFFFFF  }
0xc4: {  	(tm) =	ssettm $0x7FFFFFFF  }
0xc5: {  	_ =	shalt  }
tec
execute0_lowered:
.L_overlay_start_1:
0x0: {  	(tag) =	ssettag $0x1  }
0x1: {  	s9 =	rddreg [dreg:$0x0]  }
0x2: {  	s1 =	rddreg [dreg:$0x1]  }
0x3: {  	s3 =	rddreg [dreg:$0x2]  }
0x4: {  	s4 =	rddreg [dreg:$0x3]  }
0x5: {  	s0 =	rddreg [dreg:$0x4];
	s6 =	srdreg.scid  }
0x6: {  	s2 =	stileid.u32;
	s5 =	simm.s32 $0x0;
	s16 =	simm.s32 $0x2  }
0x7: {  	s17 =	simm.s32 $0x1400;
	s18 =	simm.s32 $0x80;
	s19 =	simm.s32 $0x2800  }
0x8: {  	s20 =	simm.s32 $0x1;
	s10 =	sand.u32 $0x1, s6;
	s11 =	smul.u32 $0x1880, s2  }
0x9: {  	[smem:$0x7FF] =	sst s5;
	s6 =	sadd.s32 $0x69A00, s9;
	s7 =	sadd.s32 $0x7E00, s9  }
0xa: {  	s8 =	sadd.s32 $0x5800, s9;
	s12 =	smul.u32 $0x18800, s10;
	s13 =	ssub.s32 $0x2, s10  }
0xb: {  	_ =	strace $0x80000047;
	s10 =	sshll.u32 s10, $0x4;
	s14 =	sshrl.u32 s13, $0x1  }
0xc: {  	s31 =	sor.u32 s2, s10;
	s12 =	sadd.s32 s11, s12;
	s14 =	ssub.s32 s13, s14  }
0xd: {  	s10 =	sadd.s32 s11, s4;
	s12 =	sshrl.u32 s12, $0x3;
	s14 =	smax.u32 s14, $0x1  }
0xe: {  	s15 =	sadd.s32 s12, s9;
	s9 =	sadd.s32 s11, s3;
	s11 =	smul.u32 $0x14, s31  }
0xf: {  	v0 =	vimm.f32 $1.000000000e+00;
	v1 =	vimm.f32 $0.0e+00;
	s12 =	sadd.s32 $0xCB600, s15;
	s13 =	sadd.s32 $0xD1800, s15;
	s15 =	simm.s32 $0x2880  }
.LBB2_1:
0x10: {  	[tilespmem:$0x2800] =	vst v0  }
0x11: {  	[tilespmem:$0x2810] =	vst v0  }
0x12: {  	[tilespmem:$0x2820] =	vst v0  }
0x13: {  	[tilespmem:$0x2830] =	vst v0  }
0x14: {  	[tilespmem:$0x2840] =	vst v0  }
0x15: {  	[tilespmem:$0x2850] =	vst v0  }
0x16: {  	[tilespmem:$0x2860] =	vst v0  }
0x17: {  	[tilespmem:$0x2870] =	vst v0;
	s21 =	simm.s32 $0x40;
	s22 =	simm.s32 $0x0  }
.LBB2_2:
0x18: {  	p0 =	sne.s32 s21, $0x61C0;
	[tilespmem:s22+$0x2880] =	vst v1;
	s22 =	smov.u32 s21;
	s21 =	sadd.s32 $0x40, s21  }
.Ltmp0:
0x19: {  	(pc) =	sbr.rel @p0 .LBB2_2-.Ltmp0, $2  }
0x1a: {  	_ =	sdelay $0x2  }
0x1b: {  	s22 =	sshra.s32 s22, $0x2  }
0x1c: {  	[tilespmem:s22+$0x2880] =	vst v1  }
0x1d: {  	[spmem:s9] =	stream.linear.scatter [tilespmem:s15], [sflag:$0x2], $0x1880, $0x38;
	[tilespmem:$0x7200] =	vst v63  }
0x1e: {  	_ =	swait.ge [sflag:s16], $0x1880  }
0x1f: {  	[sflag:s16] =	ssyncset.done $0x0  }
0x20: {  	[sflag:s16] =	ssyncadd.s32 $0xFFFFE780  }
0x21: {  	[spmem:s10] =	stream.linear.scatter [tilespmem:s15], [sflag:$0x2], $0x1880, $0x38;
	[tilespmem:$0x7200] =	vst v63  }
0x22: {  	_ =	swait.ge [sflag:s16], $0x1880  }
0x23: {  	[sflag:s16] =	ssyncset.done $0x0  }
0x24: {  	[sflag:s16] =	ssyncadd.s32 $0xFFFFE780  }
0x25: {  	s21 =	simm.s32 $0x0;
	s22 =	simm.s32 $0x0;
	[bflag:$0x0] =	sbarrier.arrive $0xFFFF  }
.LBB2_4:
0x26: {  	s23 =	sadd.s32 s11, s22  }
0x27: {  	p0 =	sgt.u32 s23, $0x270  }
0x28: {  	s24 =	smul.u32 @p0 $0x1400, s23;
	_ =	sdelay $0x1  }
0x29: {  	s24 =	sadd.s32 @p0 $0xFFCF2C00, s24  }
0x2a: {  	s24 =	sshrl.u32 @p0 s24, $0x3  }
0x2b: {  	s26 =	simm.s32 @p0 $0x0;
	s25 =	sadd.s32 @p0 s1, s24  }
0x2c: {  	[tilespmem:s26], [sflag:$0x2] =	stream.linear.gather @p0 [hbm4b:s25+s26], $0x1400, $0x38;
	[tilespmem:$0x7200] =	vst v63  }
0x2d: {  	s25 =	simm.s32 @p0 $0x2  }
0x2e: {  	s23 =	smul.u32 @!p0 $0x280, s23;
	_ =	swait.ge @p0 [sflag:s25], $0x1400  }
0x2f: {  	[sflag:s25] =	ssyncset.done @p0 $0x0  }
0x30: {  	s26 =	simm.s32 @!p0 $0x0;
	[sflag:s25] =	ssyncadd.s32 @p0 $0xFFFFEC00;
	s25 =	sadd.s32 @!p0 s6, s23  }
0x31: {  	[tilespmem:s26], [sflag:$0x2] =	stream.linear.gather @!p0 [hbm4b:s25+s26], $0x1400, $0x38;
	[tilespmem:$0x7200] =	vst v63  }
0x32: {  	s25 =	simm.s32 @!p0 $0x2  }
0x33: {  	_ =	swait.ge @!p0 [sflag:s25], $0x1400  }
0x34: {  	s24 =	sadd.s32 @p0 s8, s24;
	s23 =	sadd.s32 @!p0 s7, s23;
	[sflag:s25] =	ssyncset.done @!p0 $0x0  }
0x35: {  	s23 =	smov.u32 @p0 s24;
	[sflag:s25] =	ssyncadd.s32 @!p0 $0xFFFFEC00  }
0x36: {  	[tilespmem:s17], [sflag:$0x2] =	stream.linear.gather [hbm4b:s23+s21], $0x1400, $0x38;
	[tilespmem:$0x7200] =	vst v63  }
0x37: {  	_ =	swait.ge [sflag:s16], $0x1400  }
0x38: {  	[sflag:s16] =	ssyncset.done $0x0  }
0x39: {  	s30 =	simm.s32 $0x0;
	[sflag:s16] =	ssyncadd.s32 $0xFFFFEC00  }
0x3a: {  	[spmem:s3] =	stream.indirect.scatter.add.f32 [tilespmem:s19], [sflag:$0x1], $0x1, s30, s18, $0xb8;
	[tilespmem:$0x7200] =	vst v63  }
0x3b: {  	s31 =	simm.s32 $0x1400  }
0x3c: {  	[spmem:s4] =	stream.indirect.scatter.add.f32 [tilespmem:s19], [sflag:$0x1], $0x1, s31, s18, $0xb8;
	[tilespmem:$0x7200] =	vst v63  }
0x3d: {  	s24 =	simm.s32 $0x80  }
0x3e: {  	[spmem:s3] =	stream.indirect.scatter.add.f32 [tilespmem:s19], [sflag:$0x1], $0x1, s24, s18, $0xb8;
	[tilespmem:$0x7200] =	vst v63  }
0x3f: {  	s25 =	simm.s32 $0x1480  }
0x40: {  	[spmem:s4] =	stream.indirect.scatter.add.f32 [tilespmem:s19], [sflag:$0x1], $0x1, s25, s18, $0xb8;
	[tilespmem:$0x7200] =	vst v63  }
0x41: {  	s26 =	simm.s32 $0x100  }
0x42: {  	[spmem:s3] =	stream.indirect.scatter.add.f32 [tilespmem:s19], [sflag:$0x1], $0x1, s26, s18, $0xb8;
	[tilespmem:$0x7200] =	vst v63  }
0x43: {  	s28 =	simm.s32 $0x1500  }
0x44: {  	[spmem:s4] =	stream.indirect.scatter.add.f32 [tilespmem:s19], [sflag:$0x1], $0x1, s28, s18, $0xb8;
	[tilespmem:$0x7200] =	vst v63  }
0x45: {  	s29 =	simm.s32 $0x180  }
0x46: {  	[spmem:s3] =	stream.indirect.scatter.add.f32 [tilespmem:s19], [sflag:$0x1], $0x1, s29, s18, $0xb8;
	[tilespmem:$0x7200] =	vst v63  }
0x47: {  	s30 =	simm.s32 $0x1580  }
0x48: {  	[spmem:s4] =	stream.indirect.scatter.add.f32 [tilespmem:s19], [sflag:$0x1], $0x1, s30, s18, $0xb8;
	[tilespmem:$0x7200] =	vst v63  }
0x49: {  	s31 =	simm.s32 $0x200  }
0x4a: {  	[spmem:s3] =	stream.indirect.scatter.add.f32 [tilespmem:s19], [sflag:$0x1], $0x1, s31, s18, $0xb8;
	[tilespmem:$0x7200] =	vst v63  }
0x4b: {  	s24 =	simm.s32 $0x1600  }
0x4c: {  	[spmem:s4] =	stream.indirect.scatter.add.f32 [tilespmem:s19], [sflag:$0x1], $0x1, s24, s18, $0xb8;
	[tilespmem:$0x7200] =	vst v63  }
0x4d: {  	s25 =	simm.s32 $0x280  }
0x4e: {  	[spmem:s3] =	stream.indirect.scatter.add.f32 [tilespmem:s19], [sflag:$0x1], $0x1, s25, s18, $0xb8;
	[tilespmem:$0x7200] =	vst v63  }
0x4f: {  	s26 =	simm.s32 $0x1680  }
0x50: {  	[spmem:s4] =	stream.indirect.scatter.add.f32 [tilespmem:s19], [sflag:$0x1], $0x1, s26, s18, $0xb8;
	[tilespmem:$0x7200] =	vst v63  }
0x51: {  	s28 =	simm.s32 $0x300  }
0x52: {  	[spmem:s3] =	stream.indirect.scatter.add.f32 [tilespmem:s19], [sflag:$0x1], $0x1, s28, s18, $0xb8;
	[tilespmem:$0x7200] =	vst v63  }
0x53: {  	s29 =	simm.s32 $0x1700  }
0x54: {  	[spmem:s4] =	stream.indirect.scatter.add.f32 [tilespmem:s19], [sflag:$0x1], $0x1, s29, s18, $0xb8;
	[tilespmem:$0x7200] =	vst v63  }
0x55: {  	s30 =	simm.s32 $0x380  }
0x56: {  	[spmem:s3] =	stream.indirect.scatter.add.f32 [tilespmem:s19], [sflag:$0x1], $0x1, s30, s18, $0xb8;
	[tilespmem:$0x7200] =	vst v63  }
0x57: {  	s31 =	simm.s32 $0x1780  }
0x58: {  	[spmem:s4] =	stream.indirect.scatter.add.f32 [tilespmem:s19], [sflag:$0x1], $0x1, s31, s18, $0xb8;
	[tilespmem:$0x7200] =	vst v63  }
0x59: {  	_ =	swait.ge [sflag:s20], $0x80  }
0x5a: {  	[sflag:s20] =	ssyncset.done $0x0  }
0x5b: {  	[sflag:s20] =	ssyncadd.s32 $0xFFFFFF80  }
0x5c: {  	_ =	swait.ge [sflag:s20], $0x80  }
0x5d: {  	[sflag:s20] =	ssyncset.done $0x0  }
0x5e: {  	[sflag:s20] =	ssyncadd.s32 $0xFFFFFF80  }
0x5f: {  	_ =	swait.ge [sflag:s20], $0x80  }
0x60: {  	[sflag:s20] =	ssyncset.done $0x0  }
0x61: {  	[sflag:s20] =	ssyncadd.s32 $0xFFFFFF80  }
0x62: {  	_ =	swait.ge [sflag:s20], $0x80  }
0x63: {  	[sflag:s20] =	ssyncset.done $0x0  }
0x64: {  	[sflag:s20] =	ssyncadd.s32 $0xFFFFFF80  }
0x65: {  	_ =	swait.ge [sflag:s20], $0x80  }
0x66: {  	[sflag:s20] =	ssyncset.done $0x0  }
0x67: {  	[sflag:s20] =	ssyncadd.s32 $0xFFFFFF80  }
0x68: {  	_ =	swait.ge [sflag:s20], $0x80  }
0x69: {  	[sflag:s20] =	ssyncset.done $0x0  }
0x6a: {  	[sflag:s20] =	ssyncadd.s32 $0xFFFFFF80  }
0x6b: {  	_ =	swait.ge [sflag:s20], $0x80  }
0x6c: {  	[sflag:s20] =	ssyncset.done $0x0  }
0x6d: {  	[sflag:s20] =	ssyncadd.s32 $0xFFFFFF80  }
0x6e: {  	_ =	swait.ge [sflag:s20], $0x80  }
0x6f: {  	[sflag:s20] =	ssyncset.done $0x0  }
0x70: {  	[sflag:s20] =	ssyncadd.s32 $0xFFFFFF80  }
0x71: {  	_ =	swait.ge [sflag:s20], $0x80  }
0x72: {  	[sflag:s20] =	ssyncset.done $0x0  }
0x73: {  	[sflag:s20] =	ssyncadd.s32 $0xFFFFFF80  }
0x74: {  	_ =	swait.ge [sflag:s20], $0x80  }
0x75: {  	[sflag:s20] =	ssyncset.done $0x0  }
0x76: {  	[sflag:s20] =	ssyncadd.s32 $0xFFFFFF80  }
0x77: {  	_ =	swait.ge [sflag:s20], $0x80  }
0x78: {  	[sflag:s20] =	ssyncset.done $0x0  }
0x79: {  	[sflag:s20] =	ssyncadd.s32 $0xFFFFFF80  }
0x7a: {  	_ =	swait.ge [sflag:s20], $0x80  }
0x7b: {  	[sflag:s20] =	ssyncset.done $0x0  }
0x7c: {  	[sflag:s20] =	ssyncadd.s32 $0xFFFFFF80  }
0x7d: {  	_ =	swait.ge [sflag:s20], $0x80  }
0x7e: {  	[sflag:s20] =	ssyncset.done $0x0  }
0x7f: {  	[sflag:s20] =	ssyncadd.s32 $0xFFFFFF80  }
0x80: {  	_ =	swait.ge [sflag:s20], $0x80  }
0x81: {  	[sflag:s20] =	ssyncset.done $0x0  }
0x82: {  	[sflag:s20] =	ssyncadd.s32 $0xFFFFFF80  }
0x83: {  	_ =	swait.ge [sflag:s20], $0x80  }
0x84: {  	[sflag:s20] =	ssyncset.done $0x0  }
0x85: {  	[sflag:s20] =	ssyncadd.s32 $0xFFFFFF80  }
0x86: {  	_ =	swait.ge [sflag:s20], $0x80  }
0x87: {  	s23 =	simm.s32 $0x1000;
	s26 =	simm.s32 $0x2000;
	[sflag:s20] =	ssyncset.done $0x0  }
.LBB2_5:
0x88: {  	s25 =	sshra.s32 s23, $0x2  }
0x89: {  	[sflag:s20] =	ssyncadd.s32 $0xFFFFFF80;
	s23 =	smov.u32 s26;
	s24 =	sadd.s32 $0x1000, s26  }
0x8a: {  	[spmem:s3] =	stream.indirect.scatter.add.f32 [tilespmem:s19], [sflag:$0x1], $0x1, s25, s18, $0xb8;
	[tilespmem:$0x7200] =	vst v63  }
0x8b: {  	p0 =	sne.s32 s26, $0x4000;
	s26 =	sadd.s32 $0x1400, s25  }
0x8c: {  	[spmem:s4] =	stream.indirect.scatter.add.f32 [tilespmem:s19], [sflag:$0x1], $0x1, s26, s18, $0xb8;
	[tilespmem:$0x7200] =	vst v63  }
0x8d: {  	s26 =	sadd.s32 $0x80, s25  }
0x8e: {  	[spmem:s3] =	stream.indirect.scatter.add.f32 [tilespmem:s19], [sflag:$0x1], $0x1, s26, s18, $0xb8;
	[tilespmem:$0x7200] =	vst v63  }
0x8f: {  	s26 =	sadd.s32 $0x1480, s25  }
0x90: {  	[spmem:s4] =	stream.indirect.scatter.add.f32 [tilespmem:s19], [sflag:$0x1], $0x1, s26, s18, $0xb8;
	[tilespmem:$0x7200] =	vst v63  }
0x91: {  	s26 =	sadd.s32 $0x100, s25  }
0x92: {  	[spmem:s3] =	stream.indirect.scatter.add.f32 [tilespmem:s19], [sflag:$0x1], $0x1, s26, s18, $0xb8;
	[tilespmem:$0x7200] =	vst v63  }
0x93: {  	s26 =	sadd.s32 $0x1500, s25  }
0x94: {  	[spmem:s4] =	stream.indirect.scatter.add.f32 [tilespmem:s19], [sflag:$0x1], $0x1, s26, s18, $0xb8;
	[tilespmem:$0x7200] =	vst v63  }
0x95: {  	s26 =	sadd.s32 $0x180, s25  }
0x96: {  	[spmem:s3] =	stream.indirect.scatter.add.f32 [tilespmem:s19], [sflag:$0x1], $0x1, s26, s18, $0xb8;
	[tilespmem:$0x7200] =	vst v63  }
0x97: {  	s26 =	sadd.s32 $0x1580, s25  }
0x98: {  	[spmem:s4] =	stream.indirect.scatter.add.f32 [tilespmem:s19], [sflag:$0x1], $0x1, s26, s18, $0xb8;
	[tilespmem:$0x7200] =	vst v63  }
0x99: {  	s26 =	sadd.s32 $0x200, s25  }
0x9a: {  	[spmem:s3] =	stream.indirect.scatter.add.f32 [tilespmem:s19], [sflag:$0x1], $0x1, s26, s18, $0xb8;
	[tilespmem:$0x7200] =	vst v63  }
0x9b: {  	s26 =	sadd.s32 $0x1600, s25  }
0x9c: {  	[spmem:s4] =	stream.indirect.scatter.add.f32 [tilespmem:s19], [sflag:$0x1], $0x1, s26, s18, $0xb8;
	[tilespmem:$0x7200] =	vst v63  }
0x9d: {  	s26 =	sadd.s32 $0x280, s25  }
0x9e: {  	[spmem:s3] =	stream.indirect.scatter.add.f32 [tilespmem:s19], [sflag:$0x1], $0x1, s26, s18, $0xb8;
	[tilespmem:$0x7200] =	vst v63  }
0x9f: {  	s26 =	sadd.s32 $0x1680, s25  }
0xa0: {  	[spmem:s4] =	stream.indirect.scatter.add.f32 [tilespmem:s19], [sflag:$0x1], $0x1, s26, s18, $0xb8;
	[tilespmem:$0x7200] =	vst v63  }
0xa1: {  	s26 =	sadd.s32 $0x300, s25  }
0xa2: {  	[spmem:s3] =	stream.indirect.scatter.add.f32 [tilespmem:s19], [sflag:$0x1], $0x1, s26, s18, $0xb8;
	[tilespmem:$0x7200] =	vst v63  }
0xa3: {  	s26 =	sadd.s32 $0x1700, s25  }
0xa4: {  	[spmem:s4] =	stream.indirect.scatter.add.f32 [tilespmem:s19], [sflag:$0x1], $0x1, s26, s18, $0xb8;
	[tilespmem:$0x7200] =	vst v63  }
0xa5: {  	s26 =	sadd.s32 $0x380, s25  }
0xa6: {  	[spmem:s3] =	stream.indirect.scatter.add.f32 [tilespmem:s19], [sflag:$0x1], $0x1, s26, s18, $0xb8;
	[tilespmem:$0x7200] =	vst v63  }
0xa7: {  	s25 =	sadd.s32 $0x1780, s25  }
0xa8: {  	[spmem:s4] =	stream.indirect.scatter.add.f32 [tilespmem:s19], [sflag:$0x1], $0x1, s25, s18, $0xb8;
	[tilespmem:$0x7200] =	vst v63  }
0xa9: {  	_ =	swait.ge [sflag:s20], $0x80  }
0xaa: {  	[sflag:s20] =	ssyncset.done $0x0  }
0xab: {  	[sflag:s20] =	ssyncadd.s32 $0xFFFFFF80  }
0xac: {  	_ =	swait.ge [sflag:s20], $0x80  }
0xad: {  	[sflag:s20] =	ssyncset.done $0x0  }
0xae: {  	[sflag:s20] =	ssyncadd.s32 $0xFFFFFF80  }
0xaf: {  	_ =	swait.ge [sflag:s20], $0x80  }
0xb0: {  	[sflag:s20] =	ssyncset.done $0x0  }
0xb1: {  	[sflag:s20] =	ssyncadd.s32 $0xFFFFFF80  }
0xb2: {  	_ =	swait.ge [sflag:s20], $0x80  }
0xb3: {  	[sflag:s20] =	ssyncset.done $0x0  }
0xb4: {  	[sflag:s20] =	ssyncadd.s32 $0xFFFFFF80  }
0xb5: {  	_ =	swait.ge [sflag:s20], $0x80  }
0xb6: {  	[sflag:s20] =	ssyncset.done $0x0  }
0xb7: {  	[sflag:s20] =	ssyncadd.s32 $0xFFFFFF80  }
0xb8: {  	_ =	swait.ge [sflag:s20], $0x80  }
0xb9: {  	[sflag:s20] =	ssyncset.done $0x0  }
0xba: {  	[sflag:s20] =	ssyncadd.s32 $0xFFFFFF80  }
0xbb: {  	_ =	swait.ge [sflag:s20], $0x80  }
0xbc: {  	[sflag:s20] =	ssyncset.done $0x0  }
0xbd: {  	[sflag:s20] =	ssyncadd.s32 $0xFFFFFF80  }
0xbe: {  	_ =	swait.ge [sflag:s20], $0x80  }
0xbf: {  	[sflag:s20] =	ssyncset.done $0x0  }
0xc0: {  	[sflag:s20] =	ssyncadd.s32 $0xFFFFFF80  }
0xc1: {  	_ =	swait.ge [sflag:s20], $0x80  }
0xc2: {  	[sflag:s20] =	ssyncset.done $0x0  }
0xc3: {  	[sflag:s20] =	ssyncadd.s32 $0xFFFFFF80  }
0xc4: {  	_ =	swait.ge [sflag:s20], $0x80  }
0xc5: {  	[sflag:s20] =	ssyncset.done $0x0  }
0xc6: {  	[sflag:s20] =	ssyncadd.s32 $0xFFFFFF80  }
0xc7: {  	_ =	swait.ge [sflag:s20], $0x80  }
0xc8: {  	[sflag:s20] =	ssyncset.done $0x0  }
0xc9: {  	[sflag:s20] =	ssyncadd.s32 $0xFFFFFF80  }
0xca: {  	_ =	swait.ge [sflag:s20], $0x80  }
0xcb: {  	[sflag:s20] =	ssyncset.done $0x0  }
0xcc: {  	[sflag:s20] =	ssyncadd.s32 $0xFFFFFF80  }
0xcd: {  	_ =	swait.ge [sflag:s20], $0x80  }
0xce: {  	[sflag:s20] =	ssyncset.done $0x0  }
0xcf: {  	[sflag:s20] =	ssyncadd.s32 $0xFFFFFF80  }
0xd0: {  	_ =	swait.ge [sflag:s20], $0x80  }
0xd1: {  	[sflag:s20] =	ssyncset.done $0x0  }
0xd2: {  	[sflag:s20] =	ssyncadd.s32 $0xFFFFFF80  }
.Ltmp1:
0xd3: {  	_ =	swait.ge [sflag:s20], $0x80;
	(pc) =	sbr.rel @p0 .LBB2_5-.Ltmp1, $4  }
0xd4: {  	[sflag:s20] =	ssyncset.done $0x0  }
0xd5: {  	[sflag:s20] =	ssyncadd.s32 $0xFFFFFF80  }
0xd6: {  	_ =	swait.ge [sflag:s20], $0x80  }
0xd7: {  	s26 =	smov.u32 s24;
	[sflag:s20] =	ssyncset.done $0x0  }
0xd8: {  	s23 =	sshra.s32 s23, $0x2;
	[sflag:s20] =	ssyncadd.s32 $0xFFFFFF80  }
0xd9: {  	[spmem:s3] =	stream.indirect.scatter.add.f32 [tilespmem:s19], [sflag:$0x1], $0x1, s23, s18, $0xb8;
	[tilespmem:$0x7200] =	vst v63  }
0xda: {  	s24 =	sadd.s32 $0x1400, s23  }
0xdb: {  	[spmem:s4] =	stream.indirect.scatter.add.f32 [tilespmem:s19], [sflag:$0x1], $0x1, s24, s18, $0xb8;
	[tilespmem:$0x7200] =	vst v63  }
0xdc: {  	s31 =	sadd.s32 $0x80, s23  }
0xdd: {  	[spmem:s3] =	stream.indirect.scatter.add.f32 [tilespmem:s19], [sflag:$0x1], $0x1, s31, s18, $0xb8;
	[tilespmem:$0x7200] =	vst v63  }
0xde: {  	s25 =	sadd.s32 $0x1480, s23  }
0xdf: {  	[spmem:s4] =	stream.indirect.scatter.add.f32 [tilespmem:s19], [sflag:$0x1], $0x1, s25, s18, $0xb8;
	[tilespmem:$0x7200] =	vst v63  }
0xe0: {  	s26 =	sadd.s32 $0x100, s23  }
0xe1: {  	[spmem:s3] =	stream.indirect.scatter.add.f32 [tilespmem:s19], [sflag:$0x1], $0x1, s26, s18, $0xb8;
	[tilespmem:$0x7200] =	vst v63  }
0xe2: {  	s28 =	sadd.s32 $0x1500, s23  }
0xe3: {  	[spmem:s4] =	stream.indirect.scatter.add.f32 [tilespmem:s19], [sflag:$0x1], $0x1, s28, s18, $0xb8;
	[tilespmem:$0x7200] =	vst v63  }
0xe4: {  	s29 =	sadd.s32 $0x180, s23  }
0xe5: {  	[spmem:s3] =	stream.indirect.scatter.add.f32 [tilespmem:s19], [sflag:$0x1], $0x1, s29, s18, $0xb8;
	[tilespmem:$0x7200] =	vst v63  }
0xe6: {  	s30 =	sadd.s32 $0x1580, s23  }
0xe7: {  	[spmem:s4] =	stream.indirect.scatter.add.f32 [tilespmem:s19], [sflag:$0x1], $0x1, s30, s18, $0xb8;
	[tilespmem:$0x7200] =	vst v63  }
0xe8: {  	s31 =	sadd.s32 $0x200, s23  }
0xe9: {  	[spmem:s3] =	stream.indirect.scatter.add.f32 [tilespmem:s19], [sflag:$0x1], $0x1, s31, s18, $0xb8;
	[tilespmem:$0x7200] =	vst v63  }
0xea: {  	s25 =	sadd.s32 $0x1600, s23  }
0xeb: {  	[spmem:s4] =	stream.indirect.scatter.add.f32 [tilespmem:s19], [sflag:$0x1], $0x1, s25, s18, $0xb8;
	[tilespmem:$0x7200] =	vst v63  }
0xec: {  	s26 =	sadd.s32 $0x280, s23  }
0xed: {  	[spmem:s3] =	stream.indirect.scatter.add.f32 [tilespmem:s19], [sflag:$0x1], $0x1, s26, s18, $0xb8;
	[tilespmem:$0x7200] =	vst v63  }
0xee: {  	s28 =	sadd.s32 $0x1680, s23  }
0xef: {  	[spmem:s4] =	stream.indirect.scatter.add.f32 [tilespmem:s19], [sflag:$0x1], $0x1, s28, s18, $0xb8;
	[tilespmem:$0x7200] =	vst v63  }
0xf0: {  	s29 =	sadd.s32 $0x300, s23  }
0xf1: {  	[spmem:s3] =	stream.indirect.scatter.add.f32 [tilespmem:s19], [sflag:$0x1], $0x1, s29, s18, $0xb8;
	[tilespmem:$0x7200] =	vst v63  }
0xf2: {  	s30 =	sadd.s32 $0x1700, s23  }
0xf3: {  	[spmem:s4] =	stream.indirect.scatter.add.f32 [tilespmem:s19], [sflag:$0x1], $0x1, s30, s18, $0xb8;
	[tilespmem:$0x7200] =	vst v63  }
0xf4: {  	s31 =	sadd.s32 $0x380, s23  }
0xf5: {  	[spmem:s3] =	stream.indirect.scatter.add.f32 [tilespmem:s19], [sflag:$0x1], $0x1, s31, s18, $0xb8;
	[tilespmem:$0x7200] =	vst v63  }
0xf6: {  	s23 =	sadd.s32 $0x1780, s23  }
0xf7: {  	[spmem:s4] =	stream.indirect.scatter.add.f32 [tilespmem:s19], [sflag:$0x1], $0x1, s23, s18, $0xb8;
	[tilespmem:$0x7200] =	vst v63  }
0xf8: {  	_ =	swait.ge [sflag:s20], $0x80  }
0xf9: {  	[sflag:s20] =	ssyncset.done $0x0  }
0xfa: {  	[sflag:s20] =	ssyncadd.s32 $0xFFFFFF80  }
0xfb: {  	_ =	swait.ge [sflag:s20], $0x80  }
0xfc: {  	[sflag:s20] =	ssyncset.done $0x0  }
0xfd: {  	[sflag:s20] =	ssyncadd.s32 $0xFFFFFF80  }
0xfe: {  	_ =	swait.ge [sflag:s20], $0x80  }
0xff: {  	[sflag:s20] =	ssyncset.done $0x0  }
0x100: {  	[sflag:s20] =	ssyncadd.s32 $0xFFFFFF80  }
0x101: {  	_ =	swait.ge [sflag:s20], $0x80  }
0x102: {  	[sflag:s20] =	ssyncset.done $0x0  }
0x103: {  	[sflag:s20] =	ssyncadd.s32 $0xFFFFFF80  }
0x104: {  	_ =	swait.ge [sflag:s20], $0x80  }
0x105: {  	[sflag:s20] =	ssyncset.done $0x0  }
0x106: {  	[sflag:s20] =	ssyncadd.s32 $0xFFFFFF80  }
0x107: {  	_ =	swait.ge [sflag:s20], $0x80  }
0x108: {  	[sflag:s20] =	ssyncset.done $0x0  }
0x109: {  	[sflag:s20] =	ssyncadd.s32 $0xFFFFFF80  }
0x10a: {  	_ =	swait.ge [sflag:s20], $0x80  }
0x10b: {  	[sflag:s20] =	ssyncset.done $0x0  }
0x10c: {  	[sflag:s20] =	ssyncadd.s32 $0xFFFFFF80  }
0x10d: {  	_ =	swait.ge [sflag:s20], $0x80  }
0x10e: {  	[sflag:s20] =	ssyncset.done $0x0  }
0x10f: {  	[sflag:s20] =	ssyncadd.s32 $0xFFFFFF80  }
0x110: {  	_ =	swait.ge [sflag:s20], $0x80  }
0x111: {  	[sflag:s20] =	ssyncset.done $0x0  }
0x112: {  	[sflag:s20] =	ssyncadd.s32 $0xFFFFFF80  }
0x113: {  	_ =	swait.ge [sflag:s20], $0x80  }
0x114: {  	[sflag:s20] =	ssyncset.done $0x0  }
0x115: {  	[sflag:s20] =	ssyncadd.s32 $0xFFFFFF80  }
0x116: {  	_ =	swait.ge [sflag:s20], $0x80  }
0x117: {  	[sflag:s20] =	ssyncset.done $0x0  }
0x118: {  	[sflag:s20] =	ssyncadd.s32 $0xFFFFFF80  }
0x119: {  	_ =	swait.ge [sflag:s20], $0x80  }
0x11a: {  	[sflag:s20] =	ssyncset.done $0x0  }
0x11b: {  	[sflag:s20] =	ssyncadd.s32 $0xFFFFFF80  }
0x11c: {  	_ =	swait.ge [sflag:s20], $0x80  }
0x11d: {  	[sflag:s20] =	ssyncset.done $0x0  }
0x11e: {  	[sflag:s20] =	ssyncadd.s32 $0xFFFFFF80  }
0x11f: {  	_ =	swait.ge [sflag:s20], $0x80  }
0x120: {  	[sflag:s20] =	ssyncset.done $0x0  }
0x121: {  	s22 =	sadd.s32 $0x1, s22;
	[sflag:s20] =	ssyncadd.s32 $0xFFFFFF80  }
0x122: {  	p0 =	sne.s32 s22, $0x14;
	_ =	swait.ge [sflag:s20], $0x80  }
.Ltmp2:
0x123: {  	[sflag:s20] =	ssyncset.done $0x0;
	(pc) =	sbr.rel @p0 .LBB2_4-.Ltmp2, $4  }
0x124: {  	[sflag:s20] =	ssyncadd.s32 $0xFFFFFF80  }
0x125: {  	_ =	swait.ge [sflag:s20], $0x80  }
0x126: {  	[sflag:s20] =	ssyncset.done $0x0  }
0x127: {  	[sflag:s20] =	ssyncadd.s32 $0xFFFFFF80  }
0x128: {  	s21 =	sshll.u32 s2, $0x6  }
0x129: {  	[bflag:$0x0] =	sbarrier.arrive $0xFFFF;
	s22 =	sshrl.u32 s9, $0x3;
	s21 =	sor.u32 $0x1C02, s21  }
0x12a: {  	[hbm:s12], [sflag:s21] =	dma.local [spmem:s22], $0x310  }
0x12b: {  	s5 =	sadd.s32 $0x1, s5;
	_ =	swait.ge [sflag:s16], $0x310  }
0x12c: {  	p0 =	sne.s32 s5, s14;
	[sflag:s16] =	ssyncset.done $0x0  }
.Ltmp3:
0x12d: {  	s31 =	sshrl.u32 s10, $0x3;
	[sflag:s16] =	ssyncadd.s32 $0xFFFFFCF0;
	(pc) =	sbr.rel @p0 .LBB2_1-.Ltmp3, $4  }
0x12e: {  	[hbm:s13], [sflag:s21] =	dma.local [spmem:s31], $0x310  }
0x12f: {  	_ =	swait.ge [sflag:s16], $0x310  }
0x130: {  	[sflag:s16] =	ssyncset.done $0x0  }
0x131: {  	[sflag:s16] =	ssyncadd.s32 $0xFFFFFCF0  }
0x132: {  	_ =	sfence.sel $0x180000  }
0x133: {  	[bflag:$0x0] =	sbarrier.arrive $0xFFFF  }
0x134: {  	p0 =	sne.s32 s2, $0x0;
	_ =	strace $0x90000047  }
0x135: {  	s0 =	sadd.s32 @!p0 $0x100000, s0;
	[bflag:$0x2] =	sbarrier.arrive $0xFFFF  }
0x136: {  	[sflag:s0] =	ssyncadd.tile.s32 @!p0 $0x1;
	_ =	shalt  }
.Lfunc_end2:
_tile_overlayer_lowered:
.L_overlay_start_2:
0x137: {  	(tag) =	ssettag $0x2  }
0x138: {  	s0 =	rddreg [dreg:$0x0];
	s2 =	stileid.u32  }
0x139: {  	s1 =	rddreg [dreg:$0x1];
	p0 =	sne.s32 s2, $0x0  }
0x13a: {  	s3 =	rddreg [dreg:$0x2];
	[bflag:$0x3] =	sbarrier.arrive $0xFFFF;
	s2 =	simm.s32 @!p0 $0x1C02  }
0x13b: {  	[timem:s3], [sflag:s2] =	dma.local @!p0 [hbm:s0], s1  }
0x13c: {  	s0 =	simm.s32 @!p0 $0x2  }
0x13d: {  	_ =	swait.ge @!p0 [sflag:s0], s1  }
0x13e: {  	s1 =	ssub.s32 @!p0 $0x0, s1;
	[sflag:s0] =	ssyncset.done @!p0 $0x0  }
0x13f: {  	[sflag:s0] =	ssyncadd.s32 @!p0 s1  }
0x140: {  	[bflag:$0x3] =	sbarrier.arrive $0xFFFF  }
0x141: {  	_ =	shalt  }

</sc_bundles>
